<compile_context>
chip_gen: v7x
topology: tpu7x:2x2x1
jax: 0.10.2.dev20260603
libtpu: 0.0.44.dev20260713+nightly
codegen_flags: <defaults>
</compile_context>

<pallas_src>
import functools

import jax
import jax.numpy as jnp
import numpy as np
from jax import lax
from jax.experimental import pallas as pl
from jax.experimental.pallas import tpu as pltpu
from jax.experimental.pallas import tpu_sc as plsc

DIM = 256
HEADS = 8
HD = DIM // HEADS
WIN = 8
NE = 8
SCALE = HD ** -0.5
RHID = 128

NTOK = 2 * 64 * 64
TBLK = 512
NTB = NTOK // TBLK


def _rope_tables():
    d = HD // 2
    half = d // 2
    inv = 1.0 / (10000.0 ** (np.arange(half, dtype=np.float64) / half))
    hpos = np.repeat(np.arange(WIN), WIN).astype(np.float64)
    wpos = np.tile(np.arange(WIN), WIN).astype(np.float64)
    ah = hpos[:, None] * inv[None, :]
    aw = wpos[:, None] * inv[None, :]
    cos = np.concatenate([np.cos(ah), np.cos(ah), np.cos(aw), np.cos(aw)],
                         axis=-1).astype(np.float32)
    sin = np.concatenate([np.sin(ah), np.sin(ah), np.sin(aw), np.sin(aw)],
                         axis=-1).astype(np.float32)
    cosp = np.tile(cos, (1, HEADS)).reshape(WIN, WIN, DIM)
    sinp = np.tile(sin, (1, HEADS)).reshape(WIN, WIN, DIM)
    return cosp, sinp


_COSP, _SINP = _rope_tables()


def _router_body(x_ref, wr1_ref, wr2_ref, br1_ref, br2_ref, routes_ref,
                 prob_ref):
    x = x_ref[...]
    hdn = jnp.maximum(jnp.dot(x, wr1_ref[...],
                              preferred_element_type=jnp.float32)
                      + br1_ref[0, 0], 0.0)
    logits = jnp.dot(hdn, wr2_ref[...],
                     preferred_element_type=jnp.float32) + br2_ref[0, 0]
    m = jnp.max(logits, axis=-1, keepdims=True)
    s = jnp.sum(jnp.exp(logits - m), axis=-1, keepdims=True)
    prob = 1.0 / s
    idx = lax.broadcasted_iota(jnp.int32, logits.shape, 1)
    routes = jnp.min(jnp.where(logits == m, idx, NE), axis=-1, keepdims=True)
    routes_ref[...] = routes
    prob_ref[...] = prob


def _run_router(xf, Wr1, Wr2, br1, br2):
    return pl.pallas_call(
        _router_body,
        grid=(NTB,),
        in_specs=[
            pl.BlockSpec((TBLK, DIM), lambda t: (t, 0)),
            pl.BlockSpec((DIM, RHID), lambda t: (0, 0)),
            pl.BlockSpec((RHID, NE), lambda t: (0, 0)),
            pl.BlockSpec((1, 1, RHID), lambda t: (0, 0, 0)),
            pl.BlockSpec((1, 1, NE), lambda t: (0, 0, 0)),
        ],
        out_specs=[
            pl.BlockSpec((TBLK, 1), lambda t: (t, 0)),
            pl.BlockSpec((TBLK, 1), lambda t: (t, 0)),
        ],
        out_shape=[
            jax.ShapeDtypeStruct((NTOK, 1), jnp.int32),
            jax.ShapeDtypeStruct((NTOK, 1), jnp.float32),
        ],
    )(xf, Wr1, Wr2, br1.reshape(1, 1, RHID), br2.reshape(1, 1, NE))


def _moe_dense_body(x_ref, w_ref, b_ref, routes_ref, o_ref):
    e = pl.program_id(1)
    x = x_ref[...]
    contrib = jnp.dot(x, w_ref[0], preferred_element_type=jnp.float32)
    contrib = contrib + b_ref[0]
    mask = (routes_ref[...] == e)
    masked = jnp.where(mask, contrib, 0.0)

    @pl.when(e == 0)
    def _():
        o_ref[...] = masked

    @pl.when(e != 0)
    def _():
        o_ref[...] = o_ref[...] + masked


def _run_moe_dense(xf, W, b, routes, dout):
    return pl.pallas_call(
        _moe_dense_body,
        grid=(NTB, NE),
        in_specs=[
            pl.BlockSpec((TBLK, DIM), lambda t, e: (t, 0)),
            pl.BlockSpec((1, DIM, dout), lambda t, e: (e, 0, 0)),
            pl.BlockSpec((1, 1, dout), lambda t, e: (e, 0, 0)),
            pl.BlockSpec((TBLK, 1), lambda t, e: (t, 0)),
        ],
        out_specs=pl.BlockSpec((TBLK, dout), lambda t, e: (t, 0)),
        out_shape=jax.ShapeDtypeStruct((NTOK, dout), jnp.float32),
    )(xf, W, b.reshape(NE, 1, dout), routes)


N64 = WIN * WIN
NH64 = HEADS * N64


def _attn_consts():
    R = np.zeros((DIM, DIM), np.float32)
    for h in range(HEADS):
        b = h * HD
        for kk in range(HD // 4):
            R[b + 8 + kk, b + kk] = -1.0
            R[b + kk, b + 8 + kk] = 1.0
            R[b + 24 + kk, b + 16 + kk] = -1.0
            R[b + 16 + kk, b + 24 + kk] = 1.0
    G2 = np.tile(np.eye(N64, dtype=np.float32), (HEADS, 1))
    MV = np.zeros((NH64, DIM), np.float32)
    for h in range(HEADS):
        MV[h * N64:(h + 1) * N64, h * HD:(h + 1) * HD] = 1.0
    G = G2.T.copy()
    return R, G2, G, MV


_R, _G2, _G, _MV = _attn_consts()


WB = 8


def _attn_one(qkv, cos, sin, pr, rmat, g2, g, mv):
    q = qkv[:, 0:DIM]
    k = qkv[:, DIM:2 * DIM]
    v = qkv[:, 2 * DIM:3 * DIM]
    qr = (q * cos + jnp.dot(q, rmat, preferred_element_type=jnp.float32)
          * sin) * SCALE
    kr = k * cos + jnp.dot(k, rmat, preferred_element_type=jnp.float32) * sin
    qh = jnp.dot(g2, qr, preferred_element_type=jnp.float32) * mv
    s = lax.dot_general(qh, kr, (((1,), (1,)), ((), ())),
                        preferred_element_type=jnp.float32)
    p = jnp.exp(s)
    p = p / jnp.sum(p, axis=-1, keepdims=True)
    of = jnp.dot(p, v, preferred_element_type=jnp.float32) * mv
    out = jnp.dot(g, of, preferred_element_type=jnp.float32)
    return out * pr


def _attn_body(qkv_ref, cos_ref, sin_ref, prob_ref, r_ref, g2_ref, g_ref,
               mv_ref, o_ref):
    cos = cos_ref[...].reshape(N64, DIM)
    sin = sin_ref[...].reshape(N64, DIM)
    rmat = r_ref[...]
    g2 = g2_ref[...]
    g = g_ref[...]
    mv = mv_ref[...]
    blk = qkv_ref[0]
    prb = prob_ref[0]
    for w in range(WB):
        qkv = blk[:, w * WIN:(w + 1) * WIN, :].reshape(N64, 3 * DIM)
        pr = prb[:, w * WIN:(w + 1) * WIN, :].reshape(N64, 1)
        out = _attn_one(qkv, cos, sin, pr, rmat, g2, g, mv)
        o_ref[0, :, w * WIN:(w + 1) * WIN, :] = out.reshape(WIN, WIN, DIM)


def _run_attention(qkv, prob, Bs, H, W):
    qkv4 = qkv.reshape(Bs, H, W, 3 * DIM)
    prob4 = prob.reshape(Bs, H, W, 1)
    return pl.pallas_call(
        _attn_body,
        grid=(Bs, H // WIN, W // (WB * WIN)),
        in_specs=[
            pl.BlockSpec((1, WIN, WB * WIN, 3 * DIM),
                         lambda b, i, j: (b, i, j, 0)),
            pl.BlockSpec((WIN, WIN, DIM), lambda b, i, j: (0, 0, 0)),
            pl.BlockSpec((WIN, WIN, DIM), lambda b, i, j: (0, 0, 0)),
            pl.BlockSpec((1, WIN, WB * WIN, 1), lambda b, i, j: (b, i, j, 0)),
            pl.BlockSpec((DIM, DIM), lambda b, i, j: (0, 0)),
            pl.BlockSpec((NH64, N64), lambda b, i, j: (0, 0)),
            pl.BlockSpec((N64, NH64), lambda b, i, j: (0, 0)),
            pl.BlockSpec((NH64, DIM), lambda b, i, j: (0, 0)),
        ],
        out_specs=pl.BlockSpec((1, WIN, WB * WIN, DIM),
                               lambda b, i, j: (b, i, j, 0)),
        out_shape=jax.ShapeDtypeStruct((Bs, H, W, DIM), jnp.float32),
    )(qkv4, _COSP, _SINP, prob4, _R, _G2, _G, _MV)


BLK = 512
PAD = NTOK + NE * BLK
NB = PAD // BLK

_TU128 = np.triu(np.ones((128, 128), np.float32), 1)
_TL64 = np.tril(np.ones((64, 64), np.float32), -1)


def _dispatch_body(routes_ref, tu_ref, tl_ref, pos_ref, blkexp_ref):
    routes = routes_ref[...]
    tu = tu_ref[...]
    tl = tl_ref[...]
    pos = jnp.zeros(routes.shape, jnp.float32)
    blkexp = jnp.zeros((1, 128), jnp.float32)
    biota = (lax.broadcasted_iota(jnp.int32, (1, 128), 1) * BLK
             ).astype(jnp.float32)
    pad_off = jnp.float32(0.0)
    for e in range(NE):
        m = (routes == e).astype(jnp.float32)
        prefix = jnp.dot(m, tu, preferred_element_type=jnp.float32)
        tot = jnp.sum(m, axis=1, keepdims=True)
        rowcum = jnp.dot(tl, tot, preferred_element_type=jnp.float32)
        cnt = jnp.sum(tot)
        padded = jnp.ceil(cnt / BLK) * BLK
        pos = pos + m * (pad_off + rowcum + prefix)
        pad_off = pad_off + padded
        blkexp = blkexp + (biota >= pad_off).astype(jnp.float32)
    pos_ref[...] = pos.astype(jnp.int32)
    blkexp_ref[...] = jnp.minimum(blkexp, NE - 1).astype(jnp.int32)


def _run_dispatch(routes2d):
    return pl.pallas_call(
        _dispatch_body,
        out_shape=[
            jax.ShapeDtypeStruct((NTOK // 128, 128), jnp.int32),
            jax.ShapeDtypeStruct((1, 128), jnp.int32),
        ],
    )(routes2d, _TU128, _TL64)


def _sc_permute_rows(src, idx, nrows_out, d, gather):
    info = plsc.get_sparse_core_info()
    nc, ns = info.num_cores, info.num_subcores
    nw = nc * ns
    rows_per = NTOK // nw
    ch = 128 if d <= 256 else 64
    nch = rows_per // ch
    mesh = plsc.VectorSubcoreMesh(core_axis_name="c", subcore_axis_name="s")

    @functools.partial(
        pl.kernel, mesh=mesh,
        out_type=jax.ShapeDtypeStruct((nrows_out, d), jnp.float32),
        scratch_types=[
            pltpu.VMEM((nch, ch), jnp.int32),
            pltpu.VMEM((2, ch, d), jnp.float32),
            pltpu.SemaphoreType.DMA,
            pltpu.SemaphoreType.DMA,
        ],
    )
    def k(src_hbm, idx_hbm, out_hbm, idx_v, rows_v, sem_a, sem_b):
        wid = lax.axis_index("s") * nc + lax.axis_index("c")
        base = wid * rows_per
        sems = [sem_a, sem_b]
        cp = [None] * nch
        for c in range(nch):
            pltpu.sync_copy(idx_hbm.at[pl.ds(base + c * ch, ch)], idx_v.at[c])
        if gather:
            cp[0] = pltpu.async_copy(src_hbm.at[idx_v.at[0]], rows_v.at[0],
                                     sem_a)
            if nch > 1:
                cp[1] = pltpu.async_copy(src_hbm.at[idx_v.at[1]],
                                         rows_v.at[1], sem_b)
            for c in range(nch):
                cp[c].wait()
                pltpu.sync_copy(rows_v.at[c % 2],
                                out_hbm.at[pl.ds(base + c * ch, ch)])
                if c + 2 < nch:
                    cp[c + 2] = pltpu.async_copy(
                        src_hbm.at[idx_v.at[c + 2]], rows_v.at[c % 2],
                        sems[c % 2])
        else:
            for c in range(nch):
                if c >= 2:
                    cp[c - 2].wait()
                pltpu.sync_copy(src_hbm.at[pl.ds(base + c * ch, ch)],
                                rows_v.at[c % 2])
                cp[c] = pltpu.async_copy(rows_v.at[c % 2],
                                         out_hbm.at[idx_v.at[c]],
                                         sems[c % 2])
            for c in range(max(0, nch - 2), nch):
                cp[c].wait()

    return k(src, idx)


def _sc_scatter_rows(src, idx, nrows_out):
    return _sc_permute_rows(src, idx, nrows_out, src.shape[1], gather=False)


def _sc_gather_rows(src, idx):
    return _sc_permute_rows(src, idx, NTOK, src.shape[1], gather=True)


def _grouped_body(blkexp_sref, x_ref, w_ref, b_ref, o_ref):
    o_ref[...] = (jnp.dot(x_ref[...], w_ref[0],
                          preferred_element_type=jnp.float32) + b_ref[0])


def _run_grouped(xs, W, b, blkexp, dout):
    spec = pltpu.PrefetchScalarGridSpec(
        num_scalar_prefetch=1,
        grid=(NB,),
        in_specs=[
            pl.BlockSpec((BLK, DIM), lambda i, bref: (i, 0)),
            pl.BlockSpec((1, DIM, dout), lambda i, bref: (bref[i], 0, 0)),
            pl.BlockSpec((1, 1, dout), lambda i, bref: (bref[i], 0, 0)),
        ],
        out_specs=pl.BlockSpec((BLK, dout), lambda i, bref: (i, 0)),
    )
    return pl.pallas_call(
        _grouped_body,
        grid_spec=spec,
        out_shape=jax.ShapeDtypeStruct((PAD, dout), jnp.float32),
    )(blkexp, xs, W, b.reshape(NE, 1, dout))


def kernel(x, Wqkv, bqkv, Wproj, bproj, Wr1, br1, Wr2, br2):
    Bs, H, W, C = x.shape
    xf = x.reshape(NTOK, C)
    routes, prob = _run_router(xf, Wr1, Wr2, br1, br2)
    pos2d, blkexp2d = _run_dispatch(routes.reshape(NTOK // 128, 128))
    pos = pos2d.reshape(NTOK)
    blkexp = blkexp2d.reshape(128)
    xs = _sc_scatter_rows(xf, pos, PAD)
    qkvs = _run_grouped(xs, Wqkv, bqkv, blkexp, 3 * DIM)
    qkvt = _sc_gather_rows(qkvs, pos)
    attn = _run_attention(qkvt, prob, Bs, H, W)
    attnf = attn.reshape(NTOK, DIM)
    asrt = _sc_scatter_rows(attnf, pos, PAD)
    ps = _run_grouped(asrt, Wproj, bproj, blkexp, DIM)
    proj = _sc_gather_rows(ps, pos)
    return proj.reshape(Bs, H, W, C)


def _kernel_v1(x, Wqkv, bqkv, Wproj, bproj, Wr1, br1, Wr2, br2):
    Bs, H, W, C = x.shape
    xf = x.reshape(NTOK, C)
    routes, prob = _run_router(xf, Wr1, Wr2, br1, br2)
    qkv = _run_moe_dense(xf, Wqkv, bqkv, routes, 3 * DIM)
    attn = _run_attention(qkv, prob, Bs, H, W)
    attnf = attn.reshape(NTOK, DIM)
    proj = _run_moe_dense(attnf, Wproj, bproj, routes, DIM)
    return proj.reshape(Bs, H, W, C)

# --- scband reference (transcript-rebuilt; emitter-appended) ---
"""Pipeline reference for scband-sd-attn-withmoe-16131897164215 (READ-ONLY COPY).

The authoritative reference and input builder live on the scoring server;
editing this copy changes nothing except your own understanding.
"""

import jax, jax.numpy as jnp
import numpy as np

DIM = 256
HEADS = 8
HD = DIM // HEADS
WIN = 8
E = 8
SCALE = HD ** -0.5
RHID = 128


def _make_rope2(Wh, Ww, hd):
    d = hd // 2
    half = d // 2
    inv = 1.0 / (10000.0 ** (np.arange(half, dtype=np.float64) / half))
    hpos = np.repeat(np.arange(Wh), Ww).astype(np.float64)
    wpos = np.tile(np.arange(Ww), Wh).astype(np.float64)
    ah = hpos[:, None] * inv[None, :]
    aw = wpos[:, None] * inv[None, :]
    cos = np.concatenate([np.cos(ah), np.cos(ah), np.cos(aw), np.cos(aw)], axis=-1).astype(np.float32)
    sin = np.concatenate([np.sin(ah), np.sin(ah), np.sin(aw), np.sin(aw)], axis=-1).astype(np.float32)
    return jnp.asarray(cos), jnp.asarray(sin)

_COS, _SIN = _make_rope2(WIN, WIN, HD)


def _rot_half(x):
    d = HD // 2
    half = d // 2
    x1 = x[..., :half]
    x2 = x[..., half:d]
    x3 = x[..., d:d + half]
    x4 = x[..., d + half:]
    return jnp.concatenate([-x2, x1, -x4, x3], axis=-1)


def _rope(x):
    return x * _COS + _rot_half(x) * _SIN


def _win_part(x, Wh, Ww):
    B, H, W, C = x.shape
    x = x.reshape(B, H // Wh, Wh, W // Ww, Ww, C)
    return jnp.transpose(x, (0, 1, 3, 2, 4, 5)).reshape(-1, Wh * Ww, C)


def _win_rev(w, Wh, Ww, B, H, W):
    C = w.shape[-1]
    x = w.reshape(B, H // Wh, W // Ww, Wh, Ww, C)
    return jnp.transpose(x, (0, 1, 3, 2, 4, 5)).reshape(B, H, W, C)


def _forward(x, Wqkv, bqkv, Wproj, bproj, Wr1, br1, Wr2, br2):
    Bs, H, W, C = x.shape
    xf = x.reshape(-1, C)
    # Top1Router (eval mode: no jitter noise)
    hdn = jax.nn.relu(xf @ Wr1 + br1)
    logits = hdn @ Wr2 + br2
    probs = jax.nn.softmax(logits, axis=-1)
    route_prob_max = jnp.max(probs, axis=-1)
    routes = jnp.argmax(probs, axis=-1)
    onehot = jax.nn.one_hot(routes, E, dtype=xf.dtype)
    # MoE qkv: equivalent to gather/scatter expert dispatch (eval: no token drop)
    qkv = jnp.zeros((xf.shape[0], 3 * C), dtype=xf.dtype)
    for e in range(E):
        qkv = qkv + onehot[:, e:e + 1] * (xf @ Wqkv[e] + bqkv[e])
    # shift_size = 0, dilated_size = [1,1] -> plain window partition
    qkvw = _win_part(qkv.reshape(Bs, H, W, 3 * C), WIN, WIN)
    B_, N, _ = qkvw.shape
    qkvw = jnp.transpose(qkvw.reshape(B_, N, 3, HEADS, HD), (2, 0, 3, 1, 4))
    q = _rope(qkvw[0])
    k = _rope(qkvw[1])
    v = qkvw[2]
    attn = (q * SCALE) @ jnp.transpose(k, (0, 1, 3, 2))
    # moe_mask is all zeros in eval (no dropped tokens); attn mask None (no shift)
    attn = jax.nn.softmax(attn, axis=-1)
    out = jnp.transpose(attn @ v, (0, 2, 1, 3)).reshape(B_, N, C)
    out = _win_rev(out, WIN, WIN, Bs, H, W).reshape(-1, C)
    # MoE output projection
    proj = jnp.zeros_like(out)
    for e in range(E):
        proj = proj + onehot[:, e:e + 1] * (out @ Wproj[e] + bproj[e])
    # is_scale_prob=True: scale output by top-1 routing probability
    proj = proj * route_prob_max[:, None]
    return proj.reshape(Bs, H, W, C)


def setup_inputs(seed: int = 0) -> dict:
    key = jax.random.key(seed)
    ks = jax.random.split(key, 10)
    x = jax.random.normal(ks[0], (2, 64, 64, DIM), dtype=jnp.float32)
    Wqkv = jax.random.normal(ks[1], (E, DIM, 3 * DIM), dtype=jnp.float32) * 0.02
    bqkv = jnp.zeros((E, 3 * DIM), dtype=jnp.float32)
    Wproj = jax.random.normal(ks[2], (E, DIM, DIM), dtype=jnp.float32) * 0.02
    bproj = jnp.zeros((E, DIM), dtype=jnp.float32)
    Wr1 = jax.random.normal(ks[3], (DIM, RHID), dtype=jnp.float32) * 0.02
    br1 = jnp.zeros((RHID,), dtype=jnp.float32)
    Wr2 = jax.random.normal(ks[4], (RHID, E), dtype=jnp.float32) * 0.02
    br2 = jnp.zeros((E,), dtype=jnp.float32)
    return {"x": x, "Wqkv": Wqkv, "bqkv": bqkv, "Wproj": Wproj, "bproj": bproj, "Wr1": Wr1, "br1": br1, "Wr2": Wr2, "br2": br2}


def reference(x, Wqkv, bqkv, Wproj, bproj, Wr1, br1, Wr2, br2):
    return _forward(x, Wqkv, bqkv, Wproj, bproj, Wr1, br1, Wr2, br2)

if __name__ == "__main__":
    import jax
    _d = setup_inputs()
    print(jax.jit(kernel)(*tuple(_d.values())))

</pallas_src>

<mosaic_0001>
#map = affine_map<(d0, d1) -> (0, 0)>
#map1 = affine_map<(d0, d1) -> (0)>
module attributes {stable_mosaic.version = 14 : i64} {
  func.func @k(%arg0: i32, %arg1: i32, %arg2: memref<12288x256xf32, #tpu.memory_space<hbm>>, %arg3: memref<8192xi32, #tpu.memory_space<hbm>>, %arg4: memref<8192x256xf32, #tpu.memory_space<hbm>>, %arg5: memref<2x128xi32, #tpu.memory_space<vmem>>, %arg6: memref<2x128x256xf32, #tpu.memory_space<vmem>>, %arg7: memref<!tpu.dma_semaphore, #tpu.memory_space<semaphore_mem>>, %arg8: memref<!tpu.dma_semaphore, #tpu.memory_space<semaphore_mem>>) attributes {dimension_semantics = [#tpu.dimension_semantics<core_parallel>, #tpu.dimension_semantics<subcore_parallel>], iteration_bounds = array<i64: 2, 16>, scalar_prefetch = 0 : i64, scratch_operands = 4 : i64, tpu.core_type = #tpu.core_type<sc_vector_subcore>, window_params = [{transform_indices = #map}, {transform_indices = #map1}, {transform_indices = #map}]} {
    %mul3A = arith.constant 2 : i32
    %mul3A_0 = arith.muli %arg1, %mul3A : i32
    %add3A = arith.addi %mul3A_0, %arg0 : i32
    %mul3A_1 = arith.constant 256 : i32
    %mul3A_2 = arith.muli %add3A, %mul3A_1 : i32
    %add3A_3 = arith.constant 0 : i32
    %add3A_4 = arith.addi %mul3A_2, %add3A_3 : i32
    %run_scoped3A = arith.constant 0 : i32
    "tpu.region"() ({
      %run_scoped3A_60 = tpu.sem_alloc : memref<!tpu.dma_semaphore, #tpu.memory_space<semaphore_mem>>
      %dma_start3A_61 = arith.constant 0 : i32
      %dma_start3A_62 = tpu.memref_slice %arg5[%run_scoped3A, %dma_start3A_61] : memref<2x128xi32, #tpu.memory_space<vmem>> -> memref<1x128xi32, #tpu.memory_space<vmem>>
      %dma_start3A_63 = tpu.memref_squeeze %dma_start3A_62 : memref<1x128xi32, #tpu.memory_space<vmem>> -> memref<128xi32, #tpu.memory_space<vmem>>
      %dma_start3A_64 = tpu.memref_slice %arg3[%add3A_4] : memref<8192xi32, #tpu.memory_space<hbm>> -> memref<128xi32, #tpu.memory_space<hbm>>
      %dma_start3A_65 = arith.constant 0 : i32
      %dma_start3A_66 = tpu.memref_slice %arg5[%run_scoped3A, %dma_start3A_65] : memref<2x128xi32, #tpu.memory_space<vmem>> -> memref<1x128xi32, #tpu.memory_space<vmem>>
      %dma_start3A_67 = tpu.memref_squeeze %dma_start3A_66 : memref<1x128xi32, #tpu.memory_space<vmem>> -> memref<128xi32, #tpu.memory_space<vmem>>
      %dma_start3A_68 = tpu.memref_slice %arg3[%add3A_4] : memref<8192xi32, #tpu.memory_space<hbm>> -> memref<128xi32, #tpu.memory_space<hbm>>
      tpu.enqueue_dma source(%dma_start3A_68 : memref<128xi32, #tpu.memory_space<hbm>>) target(%dma_start3A_67 : memref<128xi32, #tpu.memory_space<vmem>>) target_semaphore(%run_scoped3A_60 : memref<!tpu.dma_semaphore, #tpu.memory_space<semaphore_mem>>)
      %dma_wait3A_69 = arith.constant 0 : i32
      %dma_wait3A_70 = tpu.memref_slice %arg5[%run_scoped3A, %dma_wait3A_69] : memref<2x128xi32, #tpu.memory_space<vmem>> -> memref<1x128xi32, #tpu.memory_space<vmem>>
      %dma_wait3A_71 = tpu.memref_squeeze %dma_wait3A_70 : memref<1x128xi32, #tpu.memory_space<vmem>> -> memref<128xi32, #tpu.memory_space<vmem>>
      %dma_wait3A_72 = tpu.memref_slice %arg3[%add3A_4] : memref<8192xi32, #tpu.memory_space<hbm>> -> memref<128xi32, #tpu.memory_space<hbm>>
      %dma_wait3A_73 = arith.constant 0 : i32
      %dma_wait3A_74 = tpu.memref_slice %arg5[%run_scoped3A, %dma_wait3A_73] : memref<2x128xi32, #tpu.memory_space<vmem>> -> memref<1x128xi32, #tpu.memory_space<vmem>>
      %dma_wait3A_75 = tpu.memref_squeeze %dma_wait3A_74 : memref<1x128xi32, #tpu.memory_space<vmem>> -> memref<128xi32, #tpu.memory_space<vmem>>
      %dma_wait3A_76 = tpu.memref_slice %arg3[%add3A_4] : memref<8192xi32, #tpu.memory_space<hbm>> -> memref<128xi32, #tpu.memory_space<hbm>>
      tpu.wait_dma2 semaphore(%run_scoped3A_60 : memref<!tpu.dma_semaphore, #tpu.memory_space<semaphore_mem>>) src(%dma_wait3A_76 : memref<128xi32, #tpu.memory_space<hbm>>) dst(%dma_wait3A_75 : memref<128xi32, #tpu.memory_space<vmem>>)
      tpu.yield
    }) : () -> ()
    %add3A_5 = arith.constant 128 : i32
    %add3A_6 = arith.addi %mul3A_2, %add3A_5 : i32
    %run_scoped3A_7 = arith.constant 1 : i32
    "tpu.region"() ({
      %run_scoped3A_60 = tpu.sem_alloc : memref<!tpu.dma_semaphore, #tpu.memory_space<semaphore_mem>>
      %dma_start3A_61 = arith.constant 0 : i32
      %dma_start3A_62 = tpu.memref_slice %arg5[%run_scoped3A_7, %dma_start3A_61] : memref<2x128xi32, #tpu.memory_space<vmem>> -> memref<1x128xi32, #tpu.memory_space<vmem>>
      %dma_start3A_63 = tpu.memref_squeeze %dma_start3A_62 : memref<1x128xi32, #tpu.memory_space<vmem>> -> memref<128xi32, #tpu.memory_space<vmem>>
      %dma_start3A_64 = tpu.memref_slice %arg3[%add3A_6] : memref<8192xi32, #tpu.memory_space<hbm>> -> memref<128xi32, #tpu.memory_space<hbm>>
      %dma_start3A_65 = arith.constant 0 : i32
      %dma_start3A_66 = tpu.memref_slice %arg5[%run_scoped3A_7, %dma_start3A_65] : memref<2x128xi32, #tpu.memory_space<vmem>> -> memref<1x128xi32, #tpu.memory_space<vmem>>
      %dma_start3A_67 = tpu.memref_squeeze %dma_start3A_66 : memref<1x128xi32, #tpu.memory_space<vmem>> -> memref<128xi32, #tpu.memory_space<vmem>>
      %dma_start3A_68 = tpu.memref_slice %arg3[%add3A_6] : memref<8192xi32, #tpu.memory_space<hbm>> -> memref<128xi32, #tpu.memory_space<hbm>>
      tpu.enqueue_dma source(%dma_start3A_68 : memref<128xi32, #tpu.memory_space<hbm>>) target(%dma_start3A_67 : memref<128xi32, #tpu.memory_space<vmem>>) target_semaphore(%run_scoped3A_60 : memref<!tpu.dma_semaphore, #tpu.memory_space<semaphore_mem>>)
      %dma_wait3A_69 = arith.constant 0 : i32
      %dma_wait3A_70 = tpu.memref_slice %arg5[%run_scoped3A_7, %dma_wait3A_69] : memref<2x128xi32, #tpu.memory_space<vmem>> -> memref<1x128xi32, #tpu.memory_space<vmem>>
      %dma_wait3A_71 = tpu.memref_squeeze %dma_wait3A_70 : memref<1x128xi32, #tpu.memory_space<vmem>> -> memref<128xi32, #tpu.memory_space<vmem>>
      %dma_wait3A_72 = tpu.memref_slice %arg3[%add3A_6] : memref<8192xi32, #tpu.memory_space<hbm>> -> memref<128xi32, #tpu.memory_space<hbm>>
      %dma_wait3A_73 = arith.constant 0 : i32
      %dma_wait3A_74 = tpu.memref_slice %arg5[%run_scoped3A_7, %dma_wait3A_73] : memref<2x128xi32, #tpu.memory_space<vmem>> -> memref<1x128xi32, #tpu.memory_space<vmem>>
      %dma_wait3A_75 = tpu.memref_squeeze %dma_wait3A_74 : memref<1x128xi32, #tpu.memory_space<vmem>> -> memref<128xi32, #tpu.memory_space<vmem>>
      %dma_wait3A_76 = tpu.memref_slice %arg3[%add3A_6] : memref<8192xi32, #tpu.memory_space<hbm>> -> memref<128xi32, #tpu.memory_space<hbm>>
      tpu.wait_dma2 semaphore(%run_scoped3A_60 : memref<!tpu.dma_semaphore, #tpu.memory_space<semaphore_mem>>) src(%dma_wait3A_76 : memref<128xi32, #tpu.memory_space<hbm>>) dst(%dma_wait3A_75 : memref<128xi32, #tpu.memory_space<vmem>>)
      tpu.yield
    }) : () -> ()
    %dma_start3A = arith.constant 0 : i32
    %dma_start3A_8 = arith.constant 0 : i32
    %dma_start3A_9 = arith.constant 0 : i32
    %dma_start3A_10 = arith.constant 0 : i32
    %dma_start3A_11 = tpu.memref_slice %arg6[%dma_start3A_8, %dma_start3A_9, %dma_start3A_10] : memref<2x128x256xf32, #tpu.memory_space<vmem>> -> memref<1x128x256xf32, #tpu.memory_space<vmem>>
    %dma_start3A_12 = tpu.memref_squeeze %dma_start3A_11 : memref<1x128x256xf32, #tpu.memory_space<vmem>> -> memref<128x256xf32, #tpu.memory_space<vmem>>
    %dma_start3A_13 = arith.constant 0 : i32
    %dma_start3A_14 = tpu.memref_slice %arg5[%dma_start3A, %dma_start3A_13] : memref<2x128xi32, #tpu.memory_space<vmem>> -> memref<1x128xi32, #tpu.memory_space<vmem>>
    %dma_start3A_15 = tpu.memref_squeeze %dma_start3A_14 : memref<1x128xi32, #tpu.memory_space<vmem>> -> memref<128xi32, #tpu.memory_space<vmem>>
    %dma_start3A_16 = arith.constant 0 : i32
    %dma_start3A_17 = arith.constant 0 : i32
    %dma_start3A_18 = tpu.memref_slice %arg2[%dma_start3A_16, %dma_start3A_17] : memref<12288x256xf32, #tpu.memory_space<hbm>> -> memref<12288x256xf32, #tpu.memory_space<hbm>>
    tpu.enqueue_indirect_dma source(%dma_start3A_18 : memref<12288x256xf32, #tpu.memory_space<hbm>>) target(%dma_start3A_12 : memref<128x256xf32, #tpu.memory_space<vmem>>) offsets(%dma_start3A_15 : memref<128xi32, #tpu.memory_space<vmem>>) semaphore(%arg7 : memref<!tpu.dma_semaphore, #tpu.memory_space<semaphore_mem>>)
    %dma_start3A_19 = arith.constant 1 : i32
    %dma_start3A_20 = arith.constant 1 : i32
    %dma_start3A_21 = arith.constant 0 : i32
    %dma_start3A_22 = arith.constant 0 : i32
    %dma_start3A_23 = tpu.memref_slice %arg6[%dma_start3A_20, %dma_start3A_21, %dma_start3A_22] : memref<2x128x256xf32, #tpu.memory_space<vmem>> -> memref<1x128x256xf32, #tpu.memory_space<vmem>>
    %dma_start3A_24 = tpu.memref_squeeze %dma_start3A_23 : memref<1x128x256xf32, #tpu.memory_space<vmem>> -> memref<128x256xf32, #tpu.memory_space<vmem>>
    %dma_start3A_25 = arith.constant 0 : i32
    %dma_start3A_26 = tpu.memref_slice %arg5[%dma_start3A_19, %dma_start3A_25] : memref<2x128xi32, #tpu.memory_space<vmem>> -> memref<1x128xi32, #tpu.memory_space<vmem>>
    %dma_start3A_27 = tpu.memref_squeeze %dma_start3A_26 : memref<1x128xi32, #tpu.memory_space<vmem>> -> memref<128xi32, #tpu.memory_space<vmem>>
    %dma_start3A_28 = arith.constant 0 : i32
    %dma_start3A_29 = arith.constant 0 : i32
    %dma_start3A_30 = tpu.memref_slice %arg2[%dma_start3A_28, %dma_start3A_29] : memref<12288x256xf32, #tpu.memory_space<hbm>> -> memref<12288x256xf32, #tpu.memory_space<hbm>>
    tpu.enqueue_indirect_dma source(%dma_start3A_30 : memref<12288x256xf32, #tpu.memory_space<hbm>>) target(%dma_start3A_24 : memref<128x256xf32, #tpu.memory_space<vmem>>) offsets(%dma_start3A_27 : memref<128xi32, #tpu.memory_space<vmem>>) semaphore(%arg8 : memref<!tpu.dma_semaphore, #tpu.memory_space<semaphore_mem>>)
    %dma_wait3A = arith.constant 0 : i32
    %dma_wait3A_31 = arith.constant 0 : i32
    %dma_wait3A_32 = arith.constant 0 : i32
    %dma_wait3A_33 = arith.constant 0 : i32
    %dma_wait3A_34 = tpu.memref_slice %arg6[%dma_wait3A_31, %dma_wait3A_32, %dma_wait3A_33] : memref<2x128x256xf32, #tpu.memory_space<vmem>> -> memref<1x128x256xf32, #tpu.memory_space<vmem>>
    %dma_wait3A_35 = tpu.memref_squeeze %dma_wait3A_34 : memref<1x128x256xf32, #tpu.memory_space<vmem>> -> memref<128x256xf32, #tpu.memory_space<vmem>>
    %dma_wait3A_36 = arith.constant 0 : i32
    %dma_wait3A_37 = tpu.memref_slice %arg5[%dma_wait3A, %dma_wait3A_36] : memref<2x128xi32, #tpu.memory_space<vmem>> -> memref<1x128xi32, #tpu.memory_space<vmem>>
    %dma_wait3A_38 = tpu.memref_squeeze %dma_wait3A_37 : memref<1x128xi32, #tpu.memory_space<vmem>> -> memref<128xi32, #tpu.memory_space<vmem>>
    %dma_wait3A_39 = arith.constant 0 : i32
    %dma_wait3A_40 = arith.constant 0 : i32
    %dma_wait3A_41 = tpu.memref_slice %arg2[%dma_wait3A_39, %dma_wait3A_40] : memref<12288x256xf32, #tpu.memory_space<hbm>> -> memref<12288x256xf32, #tpu.memory_space<hbm>>
    tpu.wait_indirect_dma semaphore(%arg7 : memref<!tpu.dma_semaphore, #tpu.memory_space<semaphore_mem>>) src(%dma_wait3A_41 : memref<12288x256xf32, #tpu.memory_space<hbm>>) dst(%dma_wait3A_35 : memref<128x256xf32, #tpu.memory_space<vmem>>)
    %add3A_42 = arith.constant 0 : i32
    %add3A_43 = arith.addi %mul3A_2, %add3A_42 : i32
    %run_scoped3A_44 = arith.constant 0 : i32
    "tpu.region"() ({
      %run_scoped3A_60 = tpu.sem_alloc : memref<!tpu.dma_semaphore, #tpu.memory_space<semaphore_mem>>
      %dma_start3A_61 = arith.constant 0 : i32
      %dma_start3A_62 = arith.constant 0 : i32
      %dma_start3A_63 = tpu.memref_slice %arg6[%run_scoped3A_44, %dma_start3A_61, %dma_start3A_62] : memref<2x128x256xf32, #tpu.memory_space<vmem>> -> memref<1x128x256xf32, #tpu.memory_space<vmem>>
      %dma_start3A_64 = tpu.memref_squeeze %dma_start3A_63 : memref<1x128x256xf32, #tpu.memory_space<vmem>> -> memref<128x256xf32, #tpu.memory_space<vmem>>
      %dma_start3A_65 = arith.constant 0 : i32
      %dma_start3A_66 = tpu.memref_slice %arg4[%add3A_43, %dma_start3A_65] : memref<8192x256xf32, #tpu.memory_space<hbm>> -> memref<128x256xf32, #tpu.memory_space<hbm>>
      %dma_start3A_67 = arith.constant 0 : i32
      %dma_start3A_68 = tpu.memref_slice %arg4[%add3A_43, %dma_start3A_67] : memref<8192x256xf32, #tpu.memory_space<hbm>> -> memref<128x256xf32, #tpu.memory_space<hbm>>
      %dma_start3A_69 = arith.constant 0 : i32
      %dma_start3A_70 = arith.constant 0 : i32
      %dma_start3A_71 = tpu.memref_slice %arg6[%run_scoped3A_44, %dma_start3A_69, %dma_start3A_70] : memref<2x128x256xf32, #tpu.memory_space<vmem>> -> memref<1x128x256xf32, #tpu.memory_space<vmem>>
      %dma_start3A_72 = tpu.memref_squeeze %dma_start3A_71 : memref<1x128x256xf32, #tpu.memory_space<vmem>> -> memref<128x256xf32, #tpu.memory_space<vmem>>
      tpu.enqueue_dma source(%dma_start3A_72 : memref<128x256xf32, #tpu.memory_space<vmem>>) target(%dma_start3A_68 : memref<128x256xf32, #tpu.memory_space<hbm>>) target_semaphore(%run_scoped3A_60 : memref<!tpu.dma_semaphore, #tpu.memory_space<semaphore_mem>>)
      %dma_wait3A_73 = arith.constant 0 : i32
      %dma_wait3A_74 = arith.constant 0 : i32
      %dma_wait3A_75 = tpu.memref_slice %arg6[%run_scoped3A_44, %dma_wait3A_73, %dma_wait3A_74] : memref<2x128x256xf32, #tpu.memory_space<vmem>> -> memref<1x128x256xf32, #tpu.memory_space<vmem>>
      %dma_wait3A_76 = tpu.memref_squeeze %dma_wait3A_75 : memref<1x128x256xf32, #tpu.memory_space<vmem>> -> memref<128x256xf32, #tpu.memory_space<vmem>>
      %dma_wait3A_77 = arith.constant 0 : i32
      %dma_wait3A_78 = tpu.memref_slice %arg4[%add3A_43, %dma_wait3A_77] : memref<8192x256xf32, #tpu.memory_space<hbm>> -> memref<128x256xf32, #tpu.memory_space<hbm>>
      %dma_wait3A_79 = arith.constant 0 : i32
      %dma_wait3A_80 = tpu.memref_slice %arg4[%add3A_43, %dma_wait3A_79] : memref<8192x256xf32, #tpu.memory_space<hbm>> -> memref<128x256xf32, #tpu.memory_space<hbm>>
      %dma_wait3A_81 = arith.constant 0 : i32
      %dma_wait3A_82 = arith.constant 0 : i32
      %dma_wait3A_83 = tpu.memref_slice %arg6[%run_scoped3A_44, %dma_wait3A_81, %dma_wait3A_82] : memref<2x128x256xf32, #tpu.memory_space<vmem>> -> memref<1x128x256xf32, #tpu.memory_space<vmem>>
      %dma_wait3A_84 = tpu.memref_squeeze %dma_wait3A_83 : memref<1x128x256xf32, #tpu.memory_space<vmem>> -> memref<128x256xf32, #tpu.memory_space<vmem>>
      tpu.wait_dma2 semaphore(%run_scoped3A_60 : memref<!tpu.dma_semaphore, #tpu.memory_space<semaphore_mem>>) src(%dma_wait3A_84 : memref<128x256xf32, #tpu.memory_space<vmem>>) dst(%dma_wait3A_80 : memref<128x256xf32, #tpu.memory_space<hbm>>)
      tpu.yield
    }) : () -> ()
    %dma_wait3A_45 = arith.constant 1 : i32
    %dma_wait3A_46 = arith.constant 1 : i32
    %dma_wait3A_47 = arith.constant 0 : i32
    %dma_wait3A_48 = arith.constant 0 : i32
    %dma_wait3A_49 = tpu.memref_slice %arg6[%dma_wait3A_46, %dma_wait3A_47, %dma_wait3A_48] : memref<2x128x256xf32, #tpu.memory_space<vmem>> -> memref<1x128x256xf32, #tpu.memory_space<vmem>>
    %dma_wait3A_50 = tpu.memref_squeeze %dma_wait3A_49 : memref<1x128x256xf32, #tpu.memory_space<vmem>> -> memref<128x256xf32, #tpu.memory_space<vmem>>
    %dma_wait3A_51 = arith.constant 0 : i32
    %dma_wait3A_52 = tpu.memref_slice %arg5[%dma_wait3A_45, %dma_wait3A_51] : memref<2x128xi32, #tpu.memory_space<vmem>> -> memref<1x128xi32, #tpu.memory_space<vmem>>
    %dma_wait3A_53 = tpu.memref_squeeze %dma_wait3A_52 : memref<1x128xi32, #tpu.memory_space<vmem>> -> memref<128xi32, #tpu.memory_space<vmem>>
    %dma_wait3A_54 = arith.constant 0 : i32
    %dma_wait3A_55 = arith.constant 0 : i32
    %dma_wait3A_56 = tpu.memref_slice %arg2[%dma_wait3A_54, %dma_wait3A_55] : memref<12288x256xf32, #tpu.memory_space<hbm>> -> memref<12288x256xf32, #tpu.memory_space<hbm>>
    tpu.wait_indirect_dma semaphore(%arg8 : memref<!tpu.dma_semaphore, #tpu.memory_space<semaphore_mem>>) src(%dma_wait3A_56 : memref<12288x256xf32, #tpu.memory_space<hbm>>) dst(%dma_wait3A_50 : memref<128x256xf32, #tpu.memory_space<vmem>>)
    %add3A_57 = arith.constant 128 : i32
    %add3A_58 = arith.addi %mul3A_2, %add3A_57 : i32
    %run_scoped3A_59 = arith.constant 1 : i32
    "tpu.region"() ({
      %run_scoped3A_60 = tpu.sem_alloc : memref<!tpu.dma_semaphore, #tpu.memory_space<semaphore_mem>>
      %dma_start3A_61 = arith.constant 0 : i32
      %dma_start3A_62 = arith.constant 0 : i32
      %dma_start3A_63 = tpu.memref_slice %arg6[%run_scoped3A_59, %dma_start3A_61, %dma_start3A_62] : memref<2x128x256xf32, #tpu.memory_space<vmem>> -> memref<1x128x256xf32, #tpu.memory_space<vmem>>
      %dma_start3A_64 = tpu.memref_squeeze %dma_start3A_63 : memref<1x128x256xf32, #tpu.memory_space<vmem>> -> memref<128x256xf32, #tpu.memory_space<vmem>>
      %dma_start3A_65 = arith.constant 0 : i32
      %dma_start3A_66 = tpu.memref_slice %arg4[%add3A_58, %dma_start3A_65] : memref<8192x256xf32, #tpu.memory_space<hbm>> -> memref<128x256xf32, #tpu.memory_space<hbm>>
      %dma_start3A_67 = arith.constant 0 : i32
      %dma_start3A_68 = tpu.memref_slice %arg4[%add3A_58, %dma_start3A_67] : memref<8192x256xf32, #tpu.memory_space<hbm>> -> memref<128x256xf32, #tpu.memory_space<hbm>>
      %dma_start3A_69 = arith.constant 0 : i32
      %dma_start3A_70 = arith.constant 0 : i32
      %dma_start3A_71 = tpu.memref_slice %arg6[%run_scoped3A_59, %dma_start3A_69, %dma_start3A_70] : memref<2x128x256xf32, #tpu.memory_space<vmem>> -> memref<1x128x256xf32, #tpu.memory_space<vmem>>
      %dma_start3A_72 = tpu.memref_squeeze %dma_start3A_71 : memref<1x128x256xf32, #tpu.memory_space<vmem>> -> memref<128x256xf32, #tpu.memory_space<vmem>>
      tpu.enqueue_dma source(%dma_start3A_72 : memref<128x256xf32, #tpu.memory_space<vmem>>) target(%dma_start3A_68 : memref<128x256xf32, #tpu.memory_space<hbm>>) target_semaphore(%run_scoped3A_60 : memref<!tpu.dma_semaphore, #tpu.memory_space<semaphore_mem>>)
      %dma_wait3A_73 = arith.constant 0 : i32
      %dma_wait3A_74 = arith.constant 0 : i32
      %dma_wait3A_75 = tpu.memref_slice %arg6[%run_scoped3A_59, %dma_wait3A_73, %dma_wait3A_74] : memref<2x128x256xf32, #tpu.memory_space<vmem>> -> memref<1x128x256xf32, #tpu.memory_space<vmem>>
      %dma_wait3A_76 = tpu.memref_squeeze %dma_wait3A_75 : memref<1x128x256xf32, #tpu.memory_space<vmem>> -> memref<128x256xf32, #tpu.memory_space<vmem>>
      %dma_wait3A_77 = arith.constant 0 : i32
      %dma_wait3A_78 = tpu.memref_slice %arg4[%add3A_58, %dma_wait3A_77] : memref<8192x256xf32, #tpu.memory_space<hbm>> -> memref<128x256xf32, #tpu.memory_space<hbm>>
      %dma_wait3A_79 = arith.constant 0 : i32
      %dma_wait3A_80 = tpu.memref_slice %arg4[%add3A_58, %dma_wait3A_79] : memref<8192x256xf32, #tpu.memory_space<hbm>> -> memref<128x256xf32, #tpu.memory_space<hbm>>
      %dma_wait3A_81 = arith.constant 0 : i32
      %dma_wait3A_82 = arith.constant 0 : i32
      %dma_wait3A_83 = tpu.memref_slice %arg6[%run_scoped3A_59, %dma_wait3A_81, %dma_wait3A_82] : memref<2x128x256xf32, #tpu.memory_space<vmem>> -> memref<1x128x256xf32, #tpu.memory_space<vmem>>
      %dma_wait3A_84 = tpu.memref_squeeze %dma_wait3A_83 : memref<1x128x256xf32, #tpu.memory_space<vmem>> -> memref<128x256xf32, #tpu.memory_space<vmem>>
      tpu.wait_dma2 semaphore(%run_scoped3A_60 : memref<!tpu.dma_semaphore, #tpu.memory_space<semaphore_mem>>) src(%dma_wait3A_84 : memref<128x256xf32, #tpu.memory_space<vmem>>) dst(%dma_wait3A_80 : memref<128x256xf32, #tpu.memory_space<hbm>>)
      tpu.yield
    }) : () -> ()
    return
  }
}

#map = affine_map<(d0, d1) -> (0, 0)>
#map1 = affine_map<(d0, d1) -> (0)>
module attributes {stable_mosaic.version = 14 : i64} {
  func.func @k(%arg0: i32, %arg1: i32, %arg2: memref<12288x768xf32, #tpu.memory_space<hbm>>, %arg3: memref<8192xi32, #tpu.memory_space<hbm>>, %arg4: memref<8192x768xf32, #tpu.memory_space<hbm>>, %arg5: memref<4x64xi32, #tpu.memory_space<vmem>>, %arg6: memref<2x64x768xf32, #tpu.memory_space<vmem>>, %arg7: memref<!tpu.dma_semaphore, #tpu.memory_space<semaphore_mem>>, %arg8: memref<!tpu.dma_semaphore, #tpu.memory_space<semaphore_mem>>) attributes {dimension_semantics = [#tpu.dimension_semantics<core_parallel>, #tpu.dimension_semantics<subcore_parallel>], iteration_bounds = array<i64: 2, 16>, scalar_prefetch = 0 : i64, scratch_operands = 4 : i64, tpu.core_type = #tpu.core_type<sc_vector_subcore>, window_params = [{transform_indices = #map}, {transform_indices = #map1}, {transform_indices = #map}]} {
    %mul3A = arith.constant 2 : i32
    %mul3A_0 = arith.muli %arg1, %mul3A : i32
    %add3A = arith.addi %mul3A_0, %arg0 : i32
    %mul3A_1 = arith.constant 256 : i32
    %mul3A_2 = arith.muli %add3A, %mul3A_1 : i32
    %add3A_3 = arith.constant 0 : i32
    %add3A_4 = arith.addi %mul3A_2, %add3A_3 : i32
    %run_scoped3A = arith.constant 0 : i32
    "tpu.region"() ({
      %run_scoped3A_120 = tpu.sem_alloc : memref<!tpu.dma_semaphore, #tpu.memory_space<semaphore_mem>>
      %dma_start3A_121 = arith.constant 0 : i32
      %dma_start3A_122 = tpu.memref_slice %arg5[%run_scoped3A, %dma_start3A_121] : memref<4x64xi32, #tpu.memory_space<vmem>> -> memref<1x64xi32, #tpu.memory_space<vmem>>
      %dma_start3A_123 = tpu.memref_squeeze %dma_start3A_122 : memref<1x64xi32, #tpu.memory_space<vmem>> -> memref<64xi32, #tpu.memory_space<vmem>>
      %dma_start3A_124 = tpu.memref_slice %arg3[%add3A_4] : memref<8192xi32, #tpu.memory_space<hbm>> -> memref<64xi32, #tpu.memory_space<hbm>>
      %dma_start3A_125 = arith.constant 0 : i32
      %dma_start3A_126 = tpu.memref_slice %arg5[%run_scoped3A, %dma_start3A_125] : memref<4x64xi32, #tpu.memory_space<vmem>> -> memref<1x64xi32, #tpu.memory_space<vmem>>
      %dma_start3A_127 = tpu.memref_squeeze %dma_start3A_126 : memref<1x64xi32, #tpu.memory_space<vmem>> -> memref<64xi32, #tpu.memory_space<vmem>>
      %dma_start3A_128 = tpu.memref_slice %arg3[%add3A_4] : memref<8192xi32, #tpu.memory_space<hbm>> -> memref<64xi32, #tpu.memory_space<hbm>>
      tpu.enqueue_dma source(%dma_start3A_128 : memref<64xi32, #tpu.memory_space<hbm>>) target(%dma_start3A_127 : memref<64xi32, #tpu.memory_space<vmem>>) target_semaphore(%run_scoped3A_120 : memref<!tpu.dma_semaphore, #tpu.memory_space<semaphore_mem>>)
      %dma_wait3A_129 = arith.constant 0 : i32
      %dma_wait3A_130 = tpu.memref_slice %arg5[%run_scoped3A, %dma_wait3A_129] : memref<4x64xi32, #tpu.memory_space<vmem>> -> memref<1x64xi32, #tpu.memory_space<vmem>>
      %dma_wait3A_131 = tpu.memref_squeeze %dma_wait3A_130 : memref<1x64xi32, #tpu.memory_space<vmem>> -> memref<64xi32, #tpu.memory_space<vmem>>
      %dma_wait3A_132 = tpu.memref_slice %arg3[%add3A_4] : memref<8192xi32, #tpu.memory_space<hbm>> -> memref<64xi32, #tpu.memory_space<hbm>>
      %dma_wait3A_133 = arith.constant 0 : i32
      %dma_wait3A_134 = tpu.memref_slice %arg5[%run_scoped3A, %dma_wait3A_133] : memref<4x64xi32, #tpu.memory_space<vmem>> -> memref<1x64xi32, #tpu.memory_space<vmem>>
      %dma_wait3A_135 = tpu.memref_squeeze %dma_wait3A_134 : memref<1x64xi32, #tpu.memory_space<vmem>> -> memref<64xi32, #tpu.memory_space<vmem>>
      %dma_wait3A_136 = tpu.memref_slice %arg3[%add3A_4] : memref<8192xi32, #tpu.memory_space<hbm>> -> memref<64xi32, #tpu.memory_space<hbm>>
      tpu.wait_dma2 semaphore(%run_scoped3A_120 : memref<!tpu.dma_semaphore, #tpu.memory_space<semaphore_mem>>) src(%dma_wait3A_136 : memref<64xi32, #tpu.memory_space<hbm>>) dst(%dma_wait3A_135 : memref<64xi32, #tpu.memory_space<vmem>>)
      tpu.yield
    }) : () -> ()
    %add3A_5 = arith.constant 64 : i32
    %add3A_6 = arith.addi %mul3A_2, %add3A_5 : i32
    %run_scoped3A_7 = arith.constant 1 : i32
    "tpu.region"() ({
      %run_scoped3A_120 = tpu.sem_alloc : memref<!tpu.dma_semaphore, #tpu.memory_space<semaphore_mem>>
      %dma_start3A_121 = arith.constant 0 : i32
      %dma_start3A_122 = tpu.memref_slice %arg5[%run_scoped3A_7, %dma_start3A_121] : memref<4x64xi32, #tpu.memory_space<vmem>> -> memref<1x64xi32, #tpu.memory_space<vmem>>
      %dma_start3A_123 = tpu.memref_squeeze %dma_start3A_122 : memref<1x64xi32, #tpu.memory_space<vmem>> -> memref<64xi32, #tpu.memory_space<vmem>>
      %dma_start3A_124 = tpu.memref_slice %arg3[%add3A_6] : memref<8192xi32, #tpu.memory_space<hbm>> -> memref<64xi32, #tpu.memory_space<hbm>>
      %dma_start3A_125 = arith.constant 0 : i32
      %dma_start3A_126 = tpu.memref_slice %arg5[%run_scoped3A_7, %dma_start3A_125] : memref<4x64xi32, #tpu.memory_space<vmem>> -> memref<1x64xi32, #tpu.memory_space<vmem>>
      %dma_start3A_127 = tpu.memref_squeeze %dma_start3A_126 : memref<1x64xi32, #tpu.memory_space<vmem>> -> memref<64xi32, #tpu.memory_space<vmem>>
      %dma_start3A_128 = tpu.memref_slice %arg3[%add3A_6] : memref<8192xi32, #tpu.memory_space<hbm>> -> memref<64xi32, #tpu.memory_space<hbm>>
      tpu.enqueue_dma source(%dma_start3A_128 : memref<64xi32, #tpu.memory_space<hbm>>) target(%dma_start3A_127 : memref<64xi32, #tpu.memory_space<vmem>>) target_semaphore(%run_scoped3A_120 : memref<!tpu.dma_semaphore, #tpu.memory_space<semaphore_mem>>)
      %dma_wait3A_129 = arith.constant 0 : i32
      %dma_wait3A_130 = tpu.memref_slice %arg5[%run_scoped3A_7, %dma_wait3A_129] : memref<4x64xi32, #tpu.memory_space<vmem>> -> memref<1x64xi32, #tpu.memory_space<vmem>>
      %dma_wait3A_131 = tpu.memref_squeeze %dma_wait3A_130 : memref<1x64xi32, #tpu.memory_space<vmem>> -> memref<64xi32, #tpu.memory_space<vmem>>
      %dma_wait3A_132 = tpu.memref_slice %arg3[%add3A_6] : memref<8192xi32, #tpu.memory_space<hbm>> -> memref<64xi32, #tpu.memory_space<hbm>>
      %dma_wait3A_133 = arith.constant 0 : i32
      %dma_wait3A_134 = tpu.memref_slice %arg5[%run_scoped3A_7, %dma_wait3A_133] : memref<4x64xi32, #tpu.memory_space<vmem>> -> memref<1x64xi32, #tpu.memory_space<vmem>>
      %dma_wait3A_135 = tpu.memref_squeeze %dma_wait3A_134 : memref<1x64xi32, #tpu.memory_space<vmem>> -> memref<64xi32, #tpu.memory_space<vmem>>
      %dma_wait3A_136 = tpu.memref_slice %arg3[%add3A_6] : memref<8192xi32, #tpu.memory_space<hbm>> -> memref<64xi32, #tpu.memory_space<hbm>>
      tpu.wait_dma2 semaphore(%run_scoped3A_120 : memref<!tpu.dma_semaphore, #tpu.memory_space<semaphore_mem>>) src(%dma_wait3A_136 : memref<64xi32, #tpu.memory_space<hbm>>) dst(%dma_wait3A_135 : memref<64xi32, #tpu.memory_space<vmem>>)
      tpu.yield
    }) : () -> ()
    %add3A_8 = arith.constant 128 : i32
    %add3A_9 = arith.addi %mul3A_2, %add3A_8 : i32
    %run_scoped3A_10 = arith.constant 2 : i32
    "tpu.region"() ({
      %run_scoped3A_120 = tpu.sem_alloc : memref<!tpu.dma_semaphore, #tpu.memory_space<semaphore_mem>>
      %dma_start3A_121 = arith.constant 0 : i32
      %dma_start3A_122 = tpu.memref_slice %arg5[%run_scoped3A_10, %dma_start3A_121] : memref<4x64xi32, #tpu.memory_space<vmem>> -> memref<1x64xi32, #tpu.memory_space<vmem>>
      %dma_start3A_123 = tpu.memref_squeeze %dma_start3A_122 : memref<1x64xi32, #tpu.memory_space<vmem>> -> memref<64xi32, #tpu.memory_space<vmem>>
      %dma_start3A_124 = tpu.memref_slice %arg3[%add3A_9] : memref<8192xi32, #tpu.memory_space<hbm>> -> memref<64xi32, #tpu.memory_space<hbm>>
      %dma_start3A_125 = arith.constant 0 : i32
      %dma_start3A_126 = tpu.memref_slice %arg5[%run_scoped3A_10, %dma_start3A_125] : memref<4x64xi32, #tpu.memory_space<vmem>> -> memref<1x64xi32, #tpu.memory_space<vmem>>
      %dma_start3A_127 = tpu.memref_squeeze %dma_start3A_126 : memref<1x64xi32, #tpu.memory_space<vmem>> -> memref<64xi32, #tpu.memory_space<vmem>>
      %dma_start3A_128 = tpu.memref_slice %arg3[%add3A_9] : memref<8192xi32, #tpu.memory_space<hbm>> -> memref<64xi32, #tpu.memory_space<hbm>>
      tpu.enqueue_dma source(%dma_start3A_128 : memref<64xi32, #tpu.memory_space<hbm>>) target(%dma_start3A_127 : memref<64xi32, #tpu.memory_space<vmem>>) target_semaphore(%run_scoped3A_120 : memref<!tpu.dma_semaphore, #tpu.memory_space<semaphore_mem>>)
      %dma_wait3A_129 = arith.constant 0 : i32
      %dma_wait3A_130 = tpu.memref_slice %arg5[%run_scoped3A_10, %dma_wait3A_129] : memref<4x64xi32, #tpu.memory_space<vmem>> -> memref<1x64xi32, #tpu.memory_space<vmem>>
      %dma_wait3A_131 = tpu.memref_squeeze %dma_wait3A_130 : memref<1x64xi32, #tpu.memory_space<vmem>> -> memref<64xi32, #tpu.memory_space<vmem>>
      %dma_wait3A_132 = tpu.memref_slice %arg3[%add3A_9] : memref<8192xi32, #tpu.memory_space<hbm>> -> memref<64xi32, #tpu.memory_space<hbm>>
      %dma_wait3A_133 = arith.constant 0 : i32
      %dma_wait3A_134 = tpu.memref_slice %arg5[%run_scoped3A_10, %dma_wait3A_133] : memref<4x64xi32, #tpu.memory_space<vmem>> -> memref<1x64xi32, #tpu.memory_space<vmem>>
      %dma_wait3A_135 = tpu.memref_squeeze %dma_wait3A_134 : memref<1x64xi32, #tpu.memory_space<vmem>> -> memref<64xi32, #tpu.memory_space<vmem>>
      %dma_wait3A_136 = tpu.memref_slice %arg3[%add3A_9] : memref<8192xi32, #tpu.memory_space<hbm>> -> memref<64xi32, #tpu.memory_space<hbm>>
      tpu.wait_dma2 semaphore(%run_scoped3A_120 : memref<!tpu.dma_semaphore, #tpu.memory_space<semaphore_mem>>) src(%dma_wait3A_136 : memref<64xi32, #tpu.memory_space<hbm>>) dst(%dma_wait3A_135 : memref<64xi32, #tpu.memory_space<vmem>>)
      tpu.yield
    }) : () -> ()
    %add3A_11 = arith.constant 192 : i32
    %add3A_12 = arith.addi %mul3A_2, %add3A_11 : i32
    %run_scoped3A_13 = arith.constant 3 : i32
    "tpu.region"() ({
      %run_scoped3A_120 = tpu.sem_alloc : memref<!tpu.dma_semaphore, #tpu.memory_space<semaphore_mem>>
      %dma_start3A_121 = arith.constant 0 : i32
      %dma_start3A_122 = tpu.memref_slice %arg5[%run_scoped3A_13, %dma_start3A_121] : memref<4x64xi32, #tpu.memory_space<vmem>> -> memref<1x64xi32, #tpu.memory_space<vmem>>
      %dma_start3A_123 = tpu.memref_squeeze %dma_start3A_122 : memref<1x64xi32, #tpu.memory_space<vmem>> -> memref<64xi32, #tpu.memory_space<vmem>>
      %dma_start3A_124 = tpu.memref_slice %arg3[%add3A_12] : memref<8192xi32, #tpu.memory_space<hbm>> -> memref<64xi32, #tpu.memory_space<hbm>>
      %dma_start3A_125 = arith.constant 0 : i32
      %dma_start3A_126 = tpu.memref_slice %arg5[%run_scoped3A_13, %dma_start3A_125] : memref<4x64xi32, #tpu.memory_space<vmem>> -> memref<1x64xi32, #tpu.memory_space<vmem>>
      %dma_start3A_127 = tpu.memref_squeeze %dma_start3A_126 : memref<1x64xi32, #tpu.memory_space<vmem>> -> memref<64xi32, #tpu.memory_space<vmem>>
      %dma_start3A_128 = tpu.memref_slice %arg3[%add3A_12] : memref<8192xi32, #tpu.memory_space<hbm>> -> memref<64xi32, #tpu.memory_space<hbm>>
      tpu.enqueue_dma source(%dma_start3A_128 : memref<64xi32, #tpu.memory_space<hbm>>) target(%dma_start3A_127 : memref<64xi32, #tpu.memory_space<vmem>>) target_semaphore(%run_scoped3A_120 : memref<!tpu.dma_semaphore, #tpu.memory_space<semaphore_mem>>)
      %dma_wait3A_129 = arith.constant 0 : i32
      %dma_wait3A_130 = tpu.memref_slice %arg5[%run_scoped3A_13, %dma_wait3A_129] : memref<4x64xi32, #tpu.memory_space<vmem>> -> memref<1x64xi32, #tpu.memory_space<vmem>>
      %dma_wait3A_131 = tpu.memref_squeeze %dma_wait3A_130 : memref<1x64xi32, #tpu.memory_space<vmem>> -> memref<64xi32, #tpu.memory_space<vmem>>
      %dma_wait3A_132 = tpu.memref_slice %arg3[%add3A_12] : memref<8192xi32, #tpu.memory_space<hbm>> -> memref<64xi32, #tpu.memory_space<hbm>>
      %dma_wait3A_133 = arith.constant 0 : i32
      %dma_wait3A_134 = tpu.memref_slice %arg5[%run_scoped3A_13, %dma_wait3A_133] : memref<4x64xi32, #tpu.memory_space<vmem>> -> memref<1x64xi32, #tpu.memory_space<vmem>>
      %dma_wait3A_135 = tpu.memref_squeeze %dma_wait3A_134 : memref<1x64xi32, #tpu.memory_space<vmem>> -> memref<64xi32, #tpu.memory_space<vmem>>
      %dma_wait3A_136 = tpu.memref_slice %arg3[%add3A_12] : memref<8192xi32, #tpu.memory_space<hbm>> -> memref<64xi32, #tpu.memory_space<hbm>>
      tpu.wait_dma2 semaphore(%run_scoped3A_120 : memref<!tpu.dma_semaphore, #tpu.memory_space<semaphore_mem>>) src(%dma_wait3A_136 : memref<64xi32, #tpu.memory_space<hbm>>) dst(%dma_wait3A_135 : memref<64xi32, #tpu.memory_space<vmem>>)
      tpu.yield
    }) : () -> ()
    %dma_start3A = arith.constant 0 : i32
    %dma_start3A_14 = arith.constant 0 : i32
    %dma_start3A_15 = arith.constant 0 : i32
    %dma_start3A_16 = arith.constant 0 : i32
    %dma_start3A_17 = tpu.memref_slice %arg6[%dma_start3A_14, %dma_start3A_15, %dma_start3A_16] : memref<2x64x768xf32, #tpu.memory_space<vmem>> -> memref<1x64x768xf32, #tpu.memory_space<vmem>>
    %dma_start3A_18 = tpu.memref_squeeze %dma_start3A_17 : memref<1x64x768xf32, #tpu.memory_space<vmem>> -> memref<64x768xf32, #tpu.memory_space<vmem>>
    %dma_start3A_19 = arith.constant 0 : i32
    %dma_start3A_20 = tpu.memref_slice %arg5[%dma_start3A, %dma_start3A_19] : memref<4x64xi32, #tpu.memory_space<vmem>> -> memref<1x64xi32, #tpu.memory_space<vmem>>
    %dma_start3A_21 = tpu.memref_squeeze %dma_start3A_20 : memref<1x64xi32, #tpu.memory_space<vmem>> -> memref<64xi32, #tpu.memory_space<vmem>>
    %dma_start3A_22 = arith.constant 0 : i32
    %dma_start3A_23 = arith.constant 0 : i32
    %dma_start3A_24 = tpu.memref_slice %arg2[%dma_start3A_22, %dma_start3A_23] : memref<12288x768xf32, #tpu.memory_space<hbm>> -> memref<12288x768xf32, #tpu.memory_space<hbm>>
    tpu.enqueue_indirect_dma source(%dma_start3A_24 : memref<12288x768xf32, #tpu.memory_space<hbm>>) target(%dma_start3A_18 : memref<64x768xf32, #tpu.memory_space<vmem>>) offsets(%dma_start3A_21 : memref<64xi32, #tpu.memory_space<vmem>>) semaphore(%arg7 : memref<!tpu.dma_semaphore, #tpu.memory_space<semaphore_mem>>)
    %dma_start3A_25 = arith.constant 1 : i32
    %dma_start3A_26 = arith.constant 1 : i32
    %dma_start3A_27 = arith.constant 0 : i32
    %dma_start3A_28 = arith.constant 0 : i32
    %dma_start3A_29 = tpu.memref_slice %arg6[%dma_start3A_26, %dma_start3A_27, %dma_start3A_28] : memref<2x64x768xf32, #tpu.memory_space<vmem>> -> memref<1x64x768xf32, #tpu.memory_space<vmem>>
    %dma_start3A_30 = tpu.memref_squeeze %dma_start3A_29 : memref<1x64x768xf32, #tpu.memory_space<vmem>> -> memref<64x768xf32, #tpu.memory_space<vmem>>
    %dma_start3A_31 = arith.constant 0 : i32
    %dma_start3A_32 = tpu.memref_slice %arg5[%dma_start3A_25, %dma_start3A_31] : memref<4x64xi32, #tpu.memory_space<vmem>> -> memref<1x64xi32, #tpu.memory_space<vmem>>
    %dma_start3A_33 = tpu.memref_squeeze %dma_start3A_32 : memref<1x64xi32, #tpu.memory_space<vmem>> -> memref<64xi32, #tpu.memory_space<vmem>>
    %dma_start3A_34 = arith.constant 0 : i32
    %dma_start3A_35 = arith.constant 0 : i32
    %dma_start3A_36 = tpu.memref_slice %arg2[%dma_start3A_34, %dma_start3A_35] : memref<12288x768xf32, #tpu.memory_space<hbm>> -> memref<12288x768xf32, #tpu.memory_space<hbm>>
    tpu.enqueue_indirect_dma source(%dma_start3A_36 : memref<12288x768xf32, #tpu.memory_space<hbm>>) target(%dma_start3A_30 : memref<64x768xf32, #tpu.memory_space<vmem>>) offsets(%dma_start3A_33 : memref<64xi32, #tpu.memory_space<vmem>>) semaphore(%arg8 : memref<!tpu.dma_semaphore, #tpu.memory_space<semaphore_mem>>)
    %dma_wait3A = arith.constant 0 : i32
    %dma_wait3A_37 = arith.constant 0 : i32
    %dma_wait3A_38 = arith.constant 0 : i32
    %dma_wait3A_39 = arith.constant 0 : i32
    %dma_wait3A_40 = tpu.memref_slice %arg6[%dma_wait3A_37, %dma_wait3A_38, %dma_wait3A_39] : memref<2x64x768xf32, #tpu.memory_space<vmem>> -> memref<1x64x768xf32, #tpu.memory_space<vmem>>
    %dma_wait3A_41 = tpu.memref_squeeze %dma_wait3A_40 : memref<1x64x768xf32, #tpu.memory_space<vmem>> -> memref<64x768xf32, #tpu.memory_space<vmem>>
    %dma_wait3A_42 = arith.constant 0 : i32
    %dma_wait3A_43 = tpu.memref_slice %arg5[%dma_wait3A, %dma_wait3A_42] : memref<4x64xi32, #tpu.memory_space<vmem>> -> memref<1x64xi32, #tpu.memory_space<vmem>>
    %dma_wait3A_44 = tpu.memref_squeeze %dma_wait3A_43 : memref<1x64xi32, #tpu.memory_space<vmem>> -> memref<64xi32, #tpu.memory_space<vmem>>
    %dma_wait3A_45 = arith.constant 0 : i32
    %dma_wait3A_46 = arith.constant 0 : i32
    %dma_wait3A_47 = tpu.memref_slice %arg2[%dma_wait3A_45, %dma_wait3A_46] : memref<12288x768xf32, #tpu.memory_space<hbm>> -> memref<12288x768xf32, #tpu.memory_space<hbm>>
    tpu.wait_indirect_dma semaphore(%arg7 : memref<!tpu.dma_semaphore, #tpu.memory_space<semaphore_mem>>) src(%dma_wait3A_47 : memref<12288x768xf32, #tpu.memory_space<hbm>>) dst(%dma_wait3A_41 : memref<64x768xf32, #tpu.memory_space<vmem>>)
    %add3A_48 = arith.constant 0 : i32
    %add3A_49 = arith.addi %mul3A_2, %add3A_48 : i32
    %run_scoped3A_50 = arith.constant 0 : i32
    "tpu.region"() ({
      %run_scoped3A_120 = tpu.sem_alloc : memref<!tpu.dma_semaphore, #tpu.memory_space<semaphore_mem>>
      %dma_start3A_121 = arith.constant 0 : i32
      %dma_start3A_122 = arith.constant 0 : i32
      %dma_start3A_123 = tpu.memref_slice %arg6[%run_scoped3A_50, %dma_start3A_121, %dma_start3A_122] : memref<2x64x768xf32, #tpu.memory_space<vmem>> -> memref<1x64x768xf32, #tpu.memory_space<vmem>>
      %dma_start3A_124 = tpu.memref_squeeze %dma_start3A_123 : memref<1x64x768xf32, #tpu.memory_space<vmem>> -> memref<64x768xf32, #tpu.memory_space<vmem>>
      %dma_start3A_125 = arith.constant 0 : i32
      %dma_start3A_126 = tpu.memref_slice %arg4[%add3A_49, %dma_start3A_125] : memref<8192x768xf32, #tpu.memory_space<hbm>> -> memref<64x768xf32, #tpu.memory_space<hbm>>
      %dma_start3A_127 = arith.constant 0 : i32
      %dma_start3A_128 = tpu.memref_slice %arg4[%add3A_49, %dma_start3A_127] : memref<8192x768xf32, #tpu.memory_space<hbm>> -> memref<64x768xf32, #tpu.memory_space<hbm>>
      %dma_start3A_129 = arith.constant 0 : i32
      %dma_start3A_130 = arith.constant 0 : i32
      %dma_start3A_131 = tpu.memref_slice %arg6[%run_scoped3A_50, %dma_start3A_129, %dma_start3A_130] : memref<2x64x768xf32, #tpu.memory_space<vmem>> -> memref<1x64x768xf32, #tpu.memory_space<vmem>>
      %dma_start3A_132 = tpu.memref_squeeze %dma_start3A_131 : memref<1x64x768xf32, #tpu.memory_space<vmem>> -> memref<64x768xf32, #tpu.memory_space<vmem>>
      tpu.enqueue_dma source(%dma_start3A_132 : memref<64x768xf32, #tpu.memory_space<vmem>>) target(%dma_start3A_128 : memref<64x768xf32, #tpu.memory_space<hbm>>) target_semaphore(%run_scoped3A_120 : memref<!tpu.dma_semaphore, #tpu.memory_space<semaphore_mem>>)
      %dma_wait3A_133 = arith.constant 0 : i32
      %dma_wait3A_134 = arith.constant 0 : i32
      %dma_wait3A_135 = tpu.memref_slice %arg6[%run_scoped3A_50, %dma_wait3A_133, %dma_wait3A_134] : memref<2x64x768xf32, #tpu.memory_space<vmem>> -> memref<1x64x768xf32, #tpu.memory_space<vmem>>
      %dma_wait3A_136 = tpu.memref_squeeze %dma_wait3A_135 : memref<1x64x768xf32, #tpu.memory_space<vmem>> -> memref<64x768xf32, #tpu.memory_space<vmem>>
      %dma_wait3A_137 = arith.constant 0 : i32
      %dma_wait3A_138 = tpu.memref_slice %arg4[%add3A_49, %dma_wait3A_137] : memref<8192x768xf32, #tpu.memory_space<hbm>> -> memref<64x768xf32, #tpu.memory_space<hbm>>
      %dma_wait3A_139 = arith.constant 0 : i32
      %dma_wait3A_140 = tpu.memref_slice %arg4[%add3A_49, %dma_wait3A_139] : memref<8192x768xf32, #tpu.memory_space<hbm>> -> memref<64x768xf32, #tpu.memory_space<hbm>>
      %dma_wait3A_141 = arith.constant 0 : i32
      %dma_wait3A_142 = arith.constant 0 : i32
      %dma_wait3A_143 = tpu.memref_slice %arg6[%run_scoped3A_50, %dma_wait3A_141, %dma_wait3A_142] : memref<2x64x768xf32, #tpu.memory_space<vmem>> -> memref<1x64x768xf32, #tpu.memory_space<vmem>>
      %dma_wait3A_144 = tpu.memref_squeeze %dma_wait3A_143 : memref<1x64x768xf32, #tpu.memory_space<vmem>> -> memref<64x768xf32, #tpu.memory_space<vmem>>
      tpu.wait_dma2 semaphore(%run_scoped3A_120 : memref<!tpu.dma_semaphore, #tpu.memory_space<semaphore_mem>>) src(%dma_wait3A_144 : memref<64x768xf32, #tpu.memory_space<vmem>>) dst(%dma_wait3A_140 : memref<64x768xf32, #tpu.memory_space<hbm>>)
      tpu.yield
    }) : () -> ()
    %dma_start3A_51 = arith.constant 2 : i32
    %dma_start3A_52 = arith.constant 0 : i32
    %dma_start3A_53 = arith.constant 0 : i32
    %dma_start3A_54 = arith.constant 0 : i32
    %dma_start3A_55 = tpu.memref_slice %arg6[%dma_start3A_52, %dma_start3A_53, %dma_start3A_54] : memref<2x64x768xf32, #tpu.memory_space<vmem>> -> memref<1x64x768xf32, #tpu.memory_space<vmem>>
    %dma_start3A_56 = tpu.memref_squeeze %dma_start3A_55 : memref<1x64x768xf32, #tpu.memory_space<vmem>> -> memref<64x768xf32, #tpu.memory_space<vmem>>
    %dma_start3A_57 = arith.constant 0 : i32
    %dma_start3A_58 = tpu.memref_slice %arg5[%dma_start3A_51, %dma_start3A_57] : memref<4x64xi32, #tpu.memory_space<vmem>> -> memref<1x64xi32, #tpu.memory_space<vmem>>
    %dma_start3A_59 = tpu.memref_squeeze %dma_start3A_58 : memref<1x64xi32, #tpu.memory_space<vmem>> -> memref<64xi32, #tpu.memory_space<vmem>>
    %dma_start3A_60 = arith.constant 0 : i32
    %dma_start3A_61 = arith.constant 0 : i32
    %dma_start3A_62 = tpu.memref_slice %arg2[%dma_start3A_60, %dma_start3A_61] : memref<12288x768xf32, #tpu.memory_space<hbm>> -> memref<12288x768xf32, #tpu.memory_space<hbm>>
    tpu.enqueue_indirect_dma source(%dma_start3A_62 : memref<12288x768xf32, #tpu.memory_space<hbm>>) target(%dma_start3A_56 : memref<64x768xf32, #tpu.memory_space<vmem>>) offsets(%dma_start3A_59 : memref<64xi32, #tpu.memory_space<vmem>>) semaphore(%arg7 : memref<!tpu.dma_semaphore, #tpu.memory_space<semaphore_mem>>)
    %dma_wait3A_63 = arith.constant 1 : i32
    %dma_wait3A_64 = arith.constant 1 : i32
    %dma_wait3A_65 = arith.constant 0 : i32
    %dma_wait3A_66 = arith.constant 0 : i32
    %dma_wait3A_67 = tpu.memref_slice %arg6[%dma_wait3A_64, %dma_wait3A_65, %dma_wait3A_66] : memref<2x64x768xf32, #tpu.memory_space<vmem>> -> memref<1x64x768xf32, #tpu.memory_space<vmem>>
    %dma_wait3A_68 = tpu.memref_squeeze %dma_wait3A_67 : memref<1x64x768xf32, #tpu.memory_space<vmem>> -> memref<64x768xf32, #tpu.memory_space<vmem>>
    %dma_wait3A_69 = arith.constant 0 : i32
    %dma_wait3A_70 = tpu.memref_slice %arg5[%dma_wait3A_63, %dma_wait3A_69] : memref<4x64xi32, #tpu.memory_space<vmem>> -> memref<1x64xi32, #tpu.memory_space<vmem>>
    %dma_wait3A_71 = tpu.memref_squeeze %dma_wait3A_70 : memref<1x64xi32, #tpu.memory_space<vmem>> -> memref<64xi32, #tpu.memory_space<vmem>>
    %dma_wait3A_72 = arith.constant 0 : i32
    %dma_wait3A_73 = arith.constant 0 : i32
    %dma_wait3A_74 = tpu.memref_slice %arg2[%dma_wait3A_72, %dma_wait3A_73] : memref<12288x768xf32, #tpu.memory_space<hbm>> -> memref<12288x768xf32, #tpu.memory_space<hbm>>
    tpu.wait_indirect_dma semaphore(%arg8 : memref<!tpu.dma_semaphore, #tpu.memory_space<semaphore_mem>>) src(%dma_wait3A_74 : memref<12288x768xf32, #tpu.memory_space<hbm>>) dst(%dma_wait3A_68 : memref<64x768xf32, #tpu.memory_space<vmem>>)
    %add3A_75 = arith.constant 64 : i32
    %add3A_76 = arith.addi %mul3A_2, %add3A_75 : i32
    %run_scoped3A_77 = arith.constant 1 : i32
    "tpu.region"() ({
      %run_scoped3A_120 = tpu.sem_alloc : memref<!tpu.dma_semaphore, #tpu.memory_space<semaphore_mem>>
      %dma_start3A_121 = arith.constant 0 : i32
      %dma_start3A_122 = arith.constant 0 : i32
      %dma_start3A_123 = tpu.memref_slice %arg6[%run_scoped3A_77, %dma_start3A_121, %dma_start3A_122] : memref<2x64x768xf32, #tpu.memory_space<vmem>> -> memref<1x64x768xf32, #tpu.memory_space<vmem>>
      %dma_start3A_124 = tpu.memref_squeeze %dma_start3A_123 : memref<1x64x768xf32, #tpu.memory_space<vmem>> -> memref<64x768xf32, #tpu.memory_space<vmem>>
      %dma_start3A_125 = arith.constant 0 : i32
      %dma_start3A_126 = tpu.memref_slice %arg4[%add3A_76, %dma_start3A_125] : memref<8192x768xf32, #tpu.memory_space<hbm>> -> memref<64x768xf32, #tpu.memory_space<hbm>>
      %dma_start3A_127 = arith.constant 0 : i32
      %dma_start3A_128 = tpu.memref_slice %arg4[%add3A_76, %dma_start3A_127] : memref<8192x768xf32, #tpu.memory_space<hbm>> -> memref<64x768xf32, #tpu.memory_space<hbm>>
      %dma_start3A_129 = arith.constant 0 : i32
      %dma_start3A_130 = arith.constant 0 : i32
      %dma_start3A_131 = tpu.memref_slice %arg6[%run_scoped3A_77, %dma_start3A_129, %dma_start3A_130] : memref<2x64x768xf32, #tpu.memory_space<vmem>> -> memref<1x64x768xf32, #tpu.memory_space<vmem>>
      %dma_start3A_132 = tpu.memref_squeeze %dma_start3A_131 : memref<1x64x768xf32, #tpu.memory_space<vmem>> -> memref<64x768xf32, #tpu.memory_space<vmem>>
      tpu.enqueue_dma source(%dma_start3A_132 : memref<64x768xf32, #tpu.memory_space<vmem>>) target(%dma_start3A_128 : memref<64x768xf32, #tpu.memory_space<hbm>>) target_semaphore(%run_scoped3A_120 : memref<!tpu.dma_semaphore, #tpu.memory_space<semaphore_mem>>)
      %dma_wait3A_133 = arith.constant 0 : i32
      %dma_wait3A_134 = arith.constant 0 : i32
      %dma_wait3A_135 = tpu.memref_slice %arg6[%run_scoped3A_77, %dma_wait3A_133, %dma_wait3A_134] : memref<2x64x768xf32, #tpu.memory_space<vmem>> -> memref<1x64x768xf32, #tpu.memory_space<vmem>>
      %dma_wait3A_136 = tpu.memref_squeeze %dma_wait3A_135 : memref<1x64x768xf32, #tpu.memory_space<vmem>> -> memref<64x768xf32, #tpu.memory_space<vmem>>
      %dma_wait3A_137 = arith.constant 0 : i32
      %dma_wait3A_138 = tpu.memref_slice %arg4[%add3A_76, %dma_wait3A_137] : memref<8192x768xf32, #tpu.memory_space<hbm>> -> memref<64x768xf32, #tpu.memory_space<hbm>>
      %dma_wait3A_139 = arith.constant 0 : i32
      %dma_wait3A_140 = tpu.memref_slice %arg4[%add3A_76, %dma_wait3A_139] : memref<8192x768xf32, #tpu.memory_space<hbm>> -> memref<64x768xf32, #tpu.memory_space<hbm>>
      %dma_wait3A_141 = arith.constant 0 : i32
      %dma_wait3A_142 = arith.constant 0 : i32
      %dma_wait3A_143 = tpu.memref_slice %arg6[%run_scoped3A_77, %dma_wait3A_141, %dma_wait3A_142] : memref<2x64x768xf32, #tpu.memory_space<vmem>> -> memref<1x64x768xf32, #tpu.memory_space<vmem>>
      %dma_wait3A_144 = tpu.memref_squeeze %dma_wait3A_143 : memref<1x64x768xf32, #tpu.memory_space<vmem>> -> memref<64x768xf32, #tpu.memory_space<vmem>>
      tpu.wait_dma2 semaphore(%run_scoped3A_120 : memref<!tpu.dma_semaphore, #tpu.memory_space<semaphore_mem>>) src(%dma_wait3A_144 : memref<64x768xf32, #tpu.memory_space<vmem>>) dst(%dma_wait3A_140 : memref<64x768xf32, #tpu.memory_space<hbm>>)
      tpu.yield
    }) : () -> ()
    %dma_start3A_78 = arith.constant 3 : i32
    %dma_start3A_79 = arith.constant 1 : i32
    %dma_start3A_80 = arith.constant 0 : i32
    %dma_start3A_81 = arith.constant 0 : i32
    %dma_start3A_82 = tpu.memref_slice %arg6[%dma_start3A_79, %dma_start3A_80, %dma_start3A_81] : memref<2x64x768xf32, #tpu.memory_space<vmem>> -> memref<1x64x768xf32, #tpu.memory_space<vmem>>
    %dma_start3A_83 = tpu.memref_squeeze %dma_start3A_82 : memref<1x64x768xf32, #tpu.memory_space<vmem>> -> memref<64x768xf32, #tpu.memory_space<vmem>>
    %dma_start3A_84 = arith.constant 0 : i32
    %dma_start3A_85 = tpu.memref_slice %arg5[%dma_start3A_78, %dma_start3A_84] : memref<4x64xi32, #tpu.memory_space<vmem>> -> memref<1x64xi32, #tpu.memory_space<vmem>>
    %dma_start3A_86 = tpu.memref_squeeze %dma_start3A_85 : memref<1x64xi32, #tpu.memory_space<vmem>> -> memref<64xi32, #tpu.memory_space<vmem>>
    %dma_start3A_87 = arith.constant 0 : i32
    %dma_start3A_88 = arith.constant 0 : i32
    %dma_start3A_89 = tpu.memref_slice %arg2[%dma_start3A_87, %dma_start3A_88] : memref<12288x768xf32, #tpu.memory_space<hbm>> -> memref<12288x768xf32, #tpu.memory_space<hbm>>
    tpu.enqueue_indirect_dma source(%dma_start3A_89 : memref<12288x768xf32, #tpu.memory_space<hbm>>) target(%dma_start3A_83 : memref<64x768xf32, #tpu.memory_space<vmem>>) offsets(%dma_start3A_86 : memref<64xi32, #tpu.memory_space<vmem>>) semaphore(%arg8 : memref<!tpu.dma_semaphore, #tpu.memory_space<semaphore_mem>>)
    %dma_wait3A_90 = arith.constant 2 : i32
    %dma_wait3A_91 = arith.constant 0 : i32
    %dma_wait3A_92 = arith.constant 0 : i32
    %dma_wait3A_93 = arith.constant 0 : i32
    %dma_wait3A_94 = tpu.memref_slice %arg6[%dma_wait3A_91, %dma_wait3A_92, %dma_wait3A_93] : memref<2x64x768xf32, #tpu.memory_space<vmem>> -> memref<1x64x768xf32, #tpu.memory_space<vmem>>
    %dma_wait3A_95 = tpu.memref_squeeze %dma_wait3A_94 : memref<1x64x768xf32, #tpu.memory_space<vmem>> -> memref<64x768xf32, #tpu.memory_space<vmem>>
    %dma_wait3A_96 = arith.constant 0 : i32
    %dma_wait3A_97 = tpu.memref_slice %arg5[%dma_wait3A_90, %dma_wait3A_96] : memref<4x64xi32, #tpu.memory_space<vmem>> -> memref<1x64xi32, #tpu.memory_space<vmem>>
    %dma_wait3A_98 = tpu.memref_squeeze %dma_wait3A_97 : memref<1x64xi32, #tpu.memory_space<vmem>> -> memref<64xi32, #tpu.memory_space<vmem>>
    %dma_wait3A_99 = arith.constant 0 : i32
    %dma_wait3A_100 = arith.constant 0 : i32
    %dma_wait3A_101 = tpu.memref_slice %arg2[%dma_wait3A_99, %dma_wait3A_100] : memref<12288x768xf32, #tpu.memory_space<hbm>> -> memref<12288x768xf32, #tpu.memory_space<hbm>>
    tpu.wait_indirect_dma semaphore(%arg7 : memref<!tpu.dma_semaphore, #tpu.memory_space<semaphore_mem>>) src(%dma_wait3A_101 : memref<12288x768xf32, #tpu.memory_space<hbm>>) dst(%dma_wait3A_95 : memref<64x768xf32, #tpu.memory_space<vmem>>)
    %add3A_102 = arith.constant 128 : i32
    %add3A_103 = arith.addi %mul3A_2, %add3A_102 : i32
    %run_scoped3A_104 = arith.constant 0 : i32
    "tpu.region"() ({
      %run_scoped3A_120 = tpu.sem_alloc : memref<!tpu.dma_semaphore, #tpu.memory_space<semaphore_mem>>
      %dma_start3A_121 = arith.constant 0 : i32
      %dma_start3A_122 = arith.constant 0 : i32
      %dma_start3A_123 = tpu.memref_slice %arg6[%run_scoped3A_104, %dma_start3A_121, %dma_start3A_122] : memref<2x64x768xf32, #tpu.memory_space<vmem>> -> memref<1x64x768xf32, #tpu.memory_space<vmem>>
      %dma_start3A_124 = tpu.memref_squeeze %dma_start3A_123 : memref<1x64x768xf32, #tpu.memory_space<vmem>> -> memref<64x768xf32, #tpu.memory_space<vmem>>
      %dma_start3A_125 = arith.constant 0 : i32
      %dma_start3A_126 = tpu.memref_slice %arg4[%add3A_103, %dma_start3A_125] : memref<8192x768xf32, #tpu.memory_space<hbm>> -> memref<64x768xf32, #tpu.memory_space<hbm>>
      %dma_start3A_127 = arith.constant 0 : i32
      %dma_start3A_128 = tpu.memref_slice %arg4[%add3A_103, %dma_start3A_127] : memref<8192x768xf32, #tpu.memory_space<hbm>> -> memref<64x768xf32, #tpu.memory_space<hbm>>
      %dma_start3A_129 = arith.constant 0 : i32
      %dma_start3A_130 = arith.constant 0 : i32
      %dma_start3A_131 = tpu.memref_slice %arg6[%run_scoped3A_104, %dma_start3A_129, %dma_start3A_130] : memref<2x64x768xf32, #tpu.memory_space<vmem>> -> memref<1x64x768xf32, #tpu.memory_space<vmem>>
      %dma_start3A_132 = tpu.memref_squeeze %dma_start3A_131 : memref<1x64x768xf32, #tpu.memory_space<vmem>> -> memref<64x768xf32, #tpu.memory_space<vmem>>
      tpu.enqueue_dma source(%dma_start3A_132 : memref<64x768xf32, #tpu.memory_space<vmem>>) target(%dma_start3A_128 : memref<64x768xf32, #tpu.memory_space<hbm>>) target_semaphore(%run_scoped3A_120 : memref<!tpu.dma_semaphore, #tpu.memory_space<semaphore_mem>>)
      %dma_wait3A_133 = arith.constant 0 : i32
      %dma_wait3A_134 = arith.constant 0 : i32
      %dma_wait3A_135 = tpu.memref_slice %arg6[%run_scoped3A_104, %dma_wait3A_133, %dma_wait3A_134] : memref<2x64x768xf32, #tpu.memory_space<vmem>> -> memref<1x64x768xf32, #tpu.memory_space<vmem>>
      %dma_wait3A_136 = tpu.memref_squeeze %dma_wait3A_135 : memref<1x64x768xf32, #tpu.memory_space<vmem>> -> memref<64x768xf32, #tpu.memory_space<vmem>>
      %dma_wait3A_137 = arith.constant 0 : i32
      %dma_wait3A_138 = tpu.memref_slice %arg4[%add3A_103, %dma_wait3A_137] : memref<8192x768xf32, #tpu.memory_space<hbm>> -> memref<64x768xf32, #tpu.memory_space<hbm>>
      %dma_wait3A_139 = arith.constant 0 : i32
      %dma_wait3A_140 = tpu.memref_slice %arg4[%add3A_103, %dma_wait3A_139] : memref<8192x768xf32, #tpu.memory_space<hbm>> -> memref<64x768xf32, #tpu.memory_space<hbm>>
      %dma_wait3A_141 = arith.constant 0 : i32
      %dma_wait3A_142 = arith.constant 0 : i32
      %dma_wait3A_143 = tpu.memref_slice %arg6[%run_scoped3A_104, %dma_wait3A_141, %dma_wait3A_142] : memref<2x64x768xf32, #tpu.memory_space<vmem>> -> memref<1x64x768xf32, #tpu.memory_space<vmem>>
      %dma_wait3A_144 = tpu.memref_squeeze %dma_wait3A_143 : memref<1x64x768xf32, #tpu.memory_space<vmem>> -> memref<64x768xf32, #tpu.memory_space<vmem>>
      tpu.wait_dma2 semaphore(%run_scoped3A_120 : memref<!tpu.dma_semaphore, #tpu.memory_space<semaphore_mem>>) src(%dma_wait3A_144 : memref<64x768xf32, #tpu.memory_space<vmem>>) dst(%dma_wait3A_140 : memref<64x768xf32, #tpu.memory_space<hbm>>)
      tpu.yield
    }) : () -> ()
    %dma_wait3A_105 = arith.constant 3 : i32
    %dma_wait3A_106 = arith.constant 1 : i32
    %dma_wait3A_107 = arith.constant 0 : i32
    %dma_wait3A_108 = arith.constant 0 : i32
    %dma_wait3A_109 = tpu.memref_slice %arg6[%dma_wait3A_106, %dma_wait3A_107, %dma_wait3A_108] : memref<2x64x768xf32, #tpu.memory_space<vmem>> -> memref<1x64x768xf32, #tpu.memory_space<vmem>>
    %dma_wait3A_110 = tpu.memref_squeeze %dma_wait3A_109 : memref<1x64x768xf32, #tpu.memory_space<vmem>> -> memref<64x768xf32, #tpu.memory_space<vmem>>
    %dma_wait3A_111 = arith.constant 0 : i32
    %dma_wait3A_112 = tpu.memref_slice %arg5[%dma_wait3A_105, %dma_wait3A_111] : memref<4x64xi32, #tpu.memory_space<vmem>> -> memref<1x64xi32, #tpu.memory_space<vmem>>
    %dma_wait3A_113 = tpu.memref_squeeze %dma_wait3A_112 : memref<1x64xi32, #tpu.memory_space<vmem>> -> memref<64xi32, #tpu.memory_space<vmem>>
    %dma_wait3A_114 = arith.constant 0 : i32
    %dma_wait3A_115 = arith.constant 0 : i32
    %dma_wait3A_116 = tpu.memref_slice %arg2[%dma_wait3A_114, %dma_wait3A_115] : memref<12288x768xf32, #tpu.memory_space<hbm>> -> memref<12288x768xf32, #tpu.memory_space<hbm>>
    tpu.wait_indirect_dma semaphore(%arg8 : memref<!tpu.dma_semaphore, #tpu.memory_space<semaphore_mem>>) src(%dma_wait3A_116 : memref<12288x768xf32, #tpu.memory_space<hbm>>) dst(%dma_wait3A_110 : memref<64x768xf32, #tpu.memory_space<vmem>>)
    %add3A_117 = arith.constant 192 : i32
    %add3A_118 = arith.addi %mul3A_2, %add3A_117 : i32
    %run_scoped3A_119 = arith.constant 1 : i32
    "tpu.region"() ({
      %run_scoped3A_120 = tpu.sem_alloc : memref<!tpu.dma_semaphore, #tpu.memory_space<semaphore_mem>>
      %dma_start3A_121 = arith.constant 0 : i32
      %dma_start3A_122 = arith.constant 0 : i32
      %dma_start3A_123 = tpu.memref_slice %arg6[%run_scoped3A_119, %dma_start3A_121, %dma_start3A_122] : memref<2x64x768xf32, #tpu.memory_space<vmem>> -> memref<1x64x768xf32, #tpu.memory_space<vmem>>
      %dma_start3A_124 = tpu.memref_squeeze %dma_start3A_123 : memref<1x64x768xf32, #tpu.memory_space<vmem>> -> memref<64x768xf32, #tpu.memory_space<vmem>>
      %dma_start3A_125 = arith.constant 0 : i32
      %dma_start3A_126 = tpu.memref_slice %arg4[%add3A_118, %dma_start3A_125] : memref<8192x768xf32, #tpu.memory_space<hbm>> -> memref<64x768xf32, #tpu.memory_space<hbm>>
      %dma_start3A_127 = arith.constant 0 : i32
      %dma_start3A_128 = tpu.memref_slice %arg4[%add3A_118, %dma_start3A_127] : memref<8192x768xf32, #tpu.memory_space<hbm>> -> memref<64x768xf32, #tpu.memory_space<hbm>>
      %dma_start3A_129 = arith.constant 0 : i32
      %dma_start3A_130 = arith.constant 0 : i32
      %dma_start3A_131 = tpu.memref_slice %arg6[%run_scoped3A_119, %dma_start3A_129, %dma_start3A_130] : memref<2x64x768xf32, #tpu.memory_space<vmem>> -> memref<1x64x768xf32, #tpu.memory_space<vmem>>
      %dma_start3A_132 = tpu.memref_squeeze %dma_start3A_131 : memref<1x64x768xf32, #tpu.memory_space<vmem>> -> memref<64x768xf32, #tpu.memory_space<vmem>>
      tpu.enqueue_dma source(%dma_start3A_132 : memref<64x768xf32, #tpu.memory_space<vmem>>) target(%dma_start3A_128 : memref<64x768xf32, #tpu.memory_space<hbm>>) target_semaphore(%run_scoped3A_120 : memref<!tpu.dma_semaphore, #tpu.memory_space<semaphore_mem>>)
      %dma_wait3A_133 = arith.constant 0 : i32
      %dma_wait3A_134 = arith.constant 0 : i32
      %dma_wait3A_135 = tpu.memref_slice %arg6[%run_scoped3A_119, %dma_wait3A_133, %dma_wait3A_134] : memref<2x64x768xf32, #tpu.memory_space<vmem>> -> memref<1x64x768xf32, #tpu.memory_space<vmem>>
      %dma_wait3A_136 = tpu.memref_squeeze %dma_wait3A_135 : memref<1x64x768xf32, #tpu.memory_space<vmem>> -> memref<64x768xf32, #tpu.memory_space<vmem>>
      %dma_wait3A_137 = arith.constant 0 : i32
      %dma_wait3A_138 = tpu.memref_slice %arg4[%add3A_118, %dma_wait3A_137] : memref<8192x768xf32, #tpu.memory_space<hbm>> -> memref<64x768xf32, #tpu.memory_space<hbm>>
      %dma_wait3A_139 = arith.constant 0 : i32
      %dma_wait3A_140 = tpu.memref_slice %arg4[%add3A_118, %dma_wait3A_139] : memref<8192x768xf32, #tpu.memory_space<hbm>> -> memref<64x768xf32, #tpu.memory_space<hbm>>
      %dma_wait3A_141 = arith.constant 0 : i32
      %dma_wait3A_142 = arith.constant 0 : i32
      %dma_wait3A_143 = tpu.memref_slice %arg6[%run_scoped3A_119, %dma_wait3A_141, %dma_wait3A_142] : memref<2x64x768xf32, #tpu.memory_space<vmem>> -> memref<1x64x768xf32, #tpu.memory_space<vmem>>
      %dma_wait3A_144 = tpu.memref_squeeze %dma_wait3A_143 : memref<1x64x768xf32, #tpu.memory_space<vmem>> -> memref<64x768xf32, #tpu.memory_space<vmem>>
      tpu.wait_dma2 semaphore(%run_scoped3A_120 : memref<!tpu.dma_semaphore, #tpu.memory_space<semaphore_mem>>) src(%dma_wait3A_144 : memref<64x768xf32, #tpu.memory_space<vmem>>) dst(%dma_wait3A_140 : memref<64x768xf32, #tpu.memory_space<hbm>>)
      tpu.yield
    }) : () -> ()
    return
  }
}

#map = affine_map<(d0, d1) -> (0, 0)>
#map1 = affine_map<(d0, d1) -> (0)>
module attributes {stable_mosaic.version = 14 : i64} {
  func.func @k(%arg0: i32, %arg1: i32, %arg2: memref<8192x256xf32, #tpu.memory_space<hbm>>, %arg3: memref<8192xi32, #tpu.memory_space<hbm>>, %arg4: memref<12288x256xf32, #tpu.memory_space<hbm>>, %arg5: memref<2x128xi32, #tpu.memory_space<vmem>>, %arg6: memref<2x128x256xf32, #tpu.memory_space<vmem>>, %arg7: memref<!tpu.dma_semaphore, #tpu.memory_space<semaphore_mem>>, %arg8: memref<!tpu.dma_semaphore, #tpu.memory_space<semaphore_mem>>) attributes {dimension_semantics = [#tpu.dimension_semantics<core_parallel>, #tpu.dimension_semantics<subcore_parallel>], iteration_bounds = array<i64: 2, 16>, scalar_prefetch = 0 : i64, scratch_operands = 4 : i64, tpu.core_type = #tpu.core_type<sc_vector_subcore>, window_params = [{transform_indices = #map}, {transform_indices = #map1}, {transform_indices = #map}]} {
    %mul3A = arith.constant 2 : i32
    %mul3A_0 = arith.muli %arg1, %mul3A : i32
    %add3A = arith.addi %mul3A_0, %arg0 : i32
    %mul3A_1 = arith.constant 256 : i32
    %mul3A_2 = arith.muli %add3A, %mul3A_1 : i32
    %add3A_3 = arith.constant 0 : i32
    %add3A_4 = arith.addi %mul3A_2, %add3A_3 : i32
    %run_scoped3A = arith.constant 0 : i32
    "tpu.region"() ({
      %run_scoped3A_60 = tpu.sem_alloc : memref<!tpu.dma_semaphore, #tpu.memory_space<semaphore_mem>>
      %dma_start3A_61 = arith.constant 0 : i32
      %dma_start3A_62 = tpu.memref_slice %arg5[%run_scoped3A, %dma_start3A_61] : memref<2x128xi32, #tpu.memory_space<vmem>> -> memref<1x128xi32, #tpu.memory_space<vmem>>
      %dma_start3A_63 = tpu.memref_squeeze %dma_start3A_62 : memref<1x128xi32, #tpu.memory_space<vmem>> -> memref<128xi32, #tpu.memory_space<vmem>>
      %dma_start3A_64 = tpu.memref_slice %arg3[%add3A_4] : memref<8192xi32, #tpu.memory_space<hbm>> -> memref<128xi32, #tpu.memory_space<hbm>>
      %dma_start3A_65 = arith.constant 0 : i32
      %dma_start3A_66 = tpu.memref_slice %arg5[%run_scoped3A, %dma_start3A_65] : memref<2x128xi32, #tpu.memory_space<vmem>> -> memref<1x128xi32, #tpu.memory_space<vmem>>
      %dma_start3A_67 = tpu.memref_squeeze %dma_start3A_66 : memref<1x128xi32, #tpu.memory_space<vmem>> -> memref<128xi32, #tpu.memory_space<vmem>>
      %dma_start3A_68 = tpu.memref_slice %arg3[%add3A_4] : memref<8192xi32, #tpu.memory_space<hbm>> -> memref<128xi32, #tpu.memory_space<hbm>>
      tpu.enqueue_dma source(%dma_start3A_68 : memref<128xi32, #tpu.memory_space<hbm>>) target(%dma_start3A_67 : memref<128xi32, #tpu.memory_space<vmem>>) target_semaphore(%run_scoped3A_60 : memref<!tpu.dma_semaphore, #tpu.memory_space<semaphore_mem>>)
      %dma_wait3A_69 = arith.constant 0 : i32
      %dma_wait3A_70 = tpu.memref_slice %arg5[%run_scoped3A, %dma_wait3A_69] : memref<2x128xi32, #tpu.memory_space<vmem>> -> memref<1x128xi32, #tpu.memory_space<vmem>>
      %dma_wait3A_71 = tpu.memref_squeeze %dma_wait3A_70 : memref<1x128xi32, #tpu.memory_space<vmem>> -> memref<128xi32, #tpu.memory_space<vmem>>
      %dma_wait3A_72 = tpu.memref_slice %arg3[%add3A_4] : memref<8192xi32, #tpu.memory_space<hbm>> -> memref<128xi32, #tpu.memory_space<hbm>>
      %dma_wait3A_73 = arith.constant 0 : i32
      %dma_wait3A_74 = tpu.memref_slice %arg5[%run_scoped3A, %dma_wait3A_73] : memref<2x128xi32, #tpu.memory_space<vmem>> -> memref<1x128xi32, #tpu.memory_space<vmem>>
      %dma_wait3A_75 = tpu.memref_squeeze %dma_wait3A_74 : memref<1x128xi32, #tpu.memory_space<vmem>> -> memref<128xi32, #tpu.memory_space<vmem>>
      %dma_wait3A_76 = tpu.memref_slice %arg3[%add3A_4] : memref<8192xi32, #tpu.memory_space<hbm>> -> memref<128xi32, #tpu.memory_space<hbm>>
      tpu.wait_dma2 semaphore(%run_scoped3A_60 : memref<!tpu.dma_semaphore, #tpu.memory_space<semaphore_mem>>) src(%dma_wait3A_76 : memref<128xi32, #tpu.memory_space<hbm>>) dst(%dma_wait3A_75 : memref<128xi32, #tpu.memory_space<vmem>>)
      tpu.yield
    }) : () -> ()
    %add3A_5 = arith.constant 128 : i32
    %add3A_6 = arith.addi %mul3A_2, %add3A_5 : i32
    %run_scoped3A_7 = arith.constant 1 : i32
    "tpu.region"() ({
      %run_scoped3A_60 = tpu.sem_alloc : memref<!tpu.dma_semaphore, #tpu.memory_space<semaphore_mem>>
      %dma_start3A_61 = arith.constant 0 : i32
      %dma_start3A_62 = tpu.memref_slice %arg5[%run_scoped3A_7, %dma_start3A_61] : memref<2x128xi32, #tpu.memory_space<vmem>> -> memref<1x128xi32, #tpu.memory_space<vmem>>
      %dma_start3A_63 = tpu.memref_squeeze %dma_start3A_62 : memref<1x128xi32, #tpu.memory_space<vmem>> -> memref<128xi32, #tpu.memory_space<vmem>>
      %dma_start3A_64 = tpu.memref_slice %arg3[%add3A_6] : memref<8192xi32, #tpu.memory_space<hbm>> -> memref<128xi32, #tpu.memory_space<hbm>>
      %dma_start3A_65 = arith.constant 0 : i32
      %dma_start3A_66 = tpu.memref_slice %arg5[%run_scoped3A_7, %dma_start3A_65] : memref<2x128xi32, #tpu.memory_space<vmem>> -> memref<1x128xi32, #tpu.memory_space<vmem>>
      %dma_start3A_67 = tpu.memref_squeeze %dma_start3A_66 : memref<1x128xi32, #tpu.memory_space<vmem>> -> memref<128xi32, #tpu.memory_space<vmem>>
      %dma_start3A_68 = tpu.memref_slice %arg3[%add3A_6] : memref<8192xi32, #tpu.memory_space<hbm>> -> memref<128xi32, #tpu.memory_space<hbm>>
      tpu.enqueue_dma source(%dma_start3A_68 : memref<128xi32, #tpu.memory_space<hbm>>) target(%dma_start3A_67 : memref<128xi32, #tpu.memory_space<vmem>>) target_semaphore(%run_scoped3A_60 : memref<!tpu.dma_semaphore, #tpu.memory_space<semaphore_mem>>)
      %dma_wait3A_69 = arith.constant 0 : i32
      %dma_wait3A_70 = tpu.memref_slice %arg5[%run_scoped3A_7, %dma_wait3A_69] : memref<2x128xi32, #tpu.memory_space<vmem>> -> memref<1x128xi32, #tpu.memory_space<vmem>>
      %dma_wait3A_71 = tpu.memref_squeeze %dma_wait3A_70 : memref<1x128xi32, #tpu.memory_space<vmem>> -> memref<128xi32, #tpu.memory_space<vmem>>
      %dma_wait3A_72 = tpu.memref_slice %arg3[%add3A_6] : memref<8192xi32, #tpu.memory_space<hbm>> -> memref<128xi32, #tpu.memory_space<hbm>>
      %dma_wait3A_73 = arith.constant 0 : i32
      %dma_wait3A_74 = tpu.memref_slice %arg5[%run_scoped3A_7, %dma_wait3A_73] : memref<2x128xi32, #tpu.memory_space<vmem>> -> memref<1x128xi32, #tpu.memory_space<vmem>>
      %dma_wait3A_75 = tpu.memref_squeeze %dma_wait3A_74 : memref<1x128xi32, #tpu.memory_space<vmem>> -> memref<128xi32, #tpu.memory_space<vmem>>
      %dma_wait3A_76 = tpu.memref_slice %arg3[%add3A_6] : memref<8192xi32, #tpu.memory_space<hbm>> -> memref<128xi32, #tpu.memory_space<hbm>>
      tpu.wait_dma2 semaphore(%run_scoped3A_60 : memref<!tpu.dma_semaphore, #tpu.memory_space<semaphore_mem>>) src(%dma_wait3A_76 : memref<128xi32, #tpu.memory_space<hbm>>) dst(%dma_wait3A_75 : memref<128xi32, #tpu.memory_space<vmem>>)
      tpu.yield
    }) : () -> ()
    %add3A_8 = arith.constant 0 : i32
    %add3A_9 = arith.addi %mul3A_2, %add3A_8 : i32
    %run_scoped3A_10 = arith.constant 0 : i32
    "tpu.region"() ({
      %run_scoped3A_60 = tpu.sem_alloc : memref<!tpu.dma_semaphore, #tpu.memory_space<semaphore_mem>>
      %dma_start3A_61 = arith.constant 0 : i32
      %dma_start3A_62 = arith.constant 0 : i32
      %dma_start3A_63 = tpu.memref_slice %arg6[%run_scoped3A_10, %dma_start3A_61, %dma_start3A_62] : memref<2x128x256xf32, #tpu.memory_space<vmem>> -> memref<1x128x256xf32, #tpu.memory_space<vmem>>
      %dma_start3A_64 = tpu.memref_squeeze %dma_start3A_63 : memref<1x128x256xf32, #tpu.memory_space<vmem>> -> memref<128x256xf32, #tpu.memory_space<vmem>>
      %dma_start3A_65 = arith.constant 0 : i32
      %dma_start3A_66 = tpu.memref_slice %arg2[%add3A_9, %dma_start3A_65] : memref<8192x256xf32, #tpu.memory_space<hbm>> -> memref<128x256xf32, #tpu.memory_space<hbm>>
      %dma_start3A_67 = arith.constant 0 : i32
      %dma_start3A_68 = arith.constant 0 : i32
      %dma_start3A_69 = tpu.memref_slice %arg6[%run_scoped3A_10, %dma_start3A_67, %dma_start3A_68] : memref<2x128x256xf32, #tpu.memory_space<vmem>> -> memref<1x128x256xf32, #tpu.memory_space<vmem>>
      %dma_start3A_70 = tpu.memref_squeeze %dma_start3A_69 : memref<1x128x256xf32, #tpu.memory_space<vmem>> -> memref<128x256xf32, #tpu.memory_space<vmem>>
      %dma_start3A_71 = arith.constant 0 : i32
      %dma_start3A_72 = tpu.memref_slice %arg2[%add3A_9, %dma_start3A_71] : memref<8192x256xf32, #tpu.memory_space<hbm>> -> memref<128x256xf32, #tpu.memory_space<hbm>>
      tpu.enqueue_dma source(%dma_start3A_72 : memref<128x256xf32, #tpu.memory_space<hbm>>) target(%dma_start3A_70 : memref<128x256xf32, #tpu.memory_space<vmem>>) target_semaphore(%run_scoped3A_60 : memref<!tpu.dma_semaphore, #tpu.memory_space<semaphore_mem>>)
      %dma_wait3A_73 = arith.constant 0 : i32
      %dma_wait3A_74 = arith.constant 0 : i32
      %dma_wait3A_75 = tpu.memref_slice %arg6[%run_scoped3A_10, %dma_wait3A_73, %dma_wait3A_74] : memref<2x128x256xf32, #tpu.memory_space<vmem>> -> memref<1x128x256xf32, #tpu.memory_space<vmem>>
      %dma_wait3A_76 = tpu.memref_squeeze %dma_wait3A_75 : memref<1x128x256xf32, #tpu.memory_space<vmem>> -> memref<128x256xf32, #tpu.memory_space<vmem>>
      %dma_wait3A_77 = arith.constant 0 : i32
      %dma_wait3A_78 = tpu.memref_slice %arg2[%add3A_9, %dma_wait3A_77] : memref<8192x256xf32, #tpu.memory_space<hbm>> -> memref<128x256xf32, #tpu.memory_space<hbm>>
      %dma_wait3A_79 = arith.constant 0 : i32
      %dma_wait3A_80 = arith.constant 0 : i32
      %dma_wait3A_81 = tpu.memref_slice %arg6[%run_scoped3A_10, %dma_wait3A_79, %dma_wait3A_80] : memref<2x128x256xf32, #tpu.memory_space<vmem>> -> memref<1x128x256xf32, #tpu.memory_space<vmem>>
      %dma_wait3A_82 = tpu.memref_squeeze %dma_wait3A_81 : memref<1x128x256xf32, #tpu.memory_space<vmem>> -> memref<128x256xf32, #tpu.memory_space<vmem>>
      %dma_wait3A_83 = arith.constant 0 : i32
      %dma_wait3A_84 = tpu.memref_slice %arg2[%add3A_9, %dma_wait3A_83] : memref<8192x256xf32, #tpu.memory_space<hbm>> -> memref<128x256xf32, #tpu.memory_space<hbm>>
      tpu.wait_dma2 semaphore(%run_scoped3A_60 : memref<!tpu.dma_semaphore, #tpu.memory_space<semaphore_mem>>) src(%dma_wait3A_84 : memref<128x256xf32, #tpu.memory_space<hbm>>) dst(%dma_wait3A_82 : memref<128x256xf32, #tpu.memory_space<vmem>>)
      tpu.yield
    }) : () -> ()
    %dma_start3A = arith.constant 0 : i32
    %dma_start3A_11 = arith.constant 0 : i32
    %dma_start3A_12 = arith.constant 0 : i32
    %dma_start3A_13 = arith.constant 0 : i32
    %dma_start3A_14 = tpu.memref_slice %arg6[%dma_start3A, %dma_start3A_12, %dma_start3A_13] : memref<2x128x256xf32, #tpu.memory_space<vmem>> -> memref<1x128x256xf32, #tpu.memory_space<vmem>>
    %dma_start3A_15 = tpu.memref_squeeze %dma_start3A_14 : memref<1x128x256xf32, #tpu.memory_space<vmem>> -> memref<128x256xf32, #tpu.memory_space<vmem>>
    %dma_start3A_16 = arith.constant 0 : i32
    %dma_start3A_17 = tpu.memref_slice %arg5[%dma_start3A_11, %dma_start3A_16] : memref<2x128xi32, #tpu.memory_space<vmem>> -> memref<1x128xi32, #tpu.memory_space<vmem>>
    %dma_start3A_18 = tpu.memref_squeeze %dma_start3A_17 : memref<1x128xi32, #tpu.memory_space<vmem>> -> memref<128xi32, #tpu.memory_space<vmem>>
    %dma_start3A_19 = arith.constant 0 : i32
    %dma_start3A_20 = arith.constant 0 : i32
    %dma_start3A_21 = tpu.memref_slice %arg4[%dma_start3A_19, %dma_start3A_20] : memref<12288x256xf32, #tpu.memory_space<hbm>> -> memref<12288x256xf32, #tpu.memory_space<hbm>>
    tpu.enqueue_indirect_dma source(%dma_start3A_15 : memref<128x256xf32, #tpu.memory_space<vmem>>) target(%dma_start3A_21 : memref<12288x256xf32, #tpu.memory_space<hbm>>) offsets(%dma_start3A_18 : memref<128xi32, #tpu.memory_space<vmem>>) semaphore(%arg7 : memref<!tpu.dma_semaphore, #tpu.memory_space<semaphore_mem>>)
    %add3A_22 = arith.constant 128 : i32
    %add3A_23 = arith.addi %mul3A_2, %add3A_22 : i32
    %run_scoped3A_24 = arith.constant 1 : i32
    "tpu.region"() ({
      %run_scoped3A_60 = tpu.sem_alloc : memref<!tpu.dma_semaphore, #tpu.memory_space<semaphore_mem>>
      %dma_start3A_61 = arith.constant 0 : i32
      %dma_start3A_62 = arith.constant 0 : i32
      %dma_start3A_63 = tpu.memref_slice %arg6[%run_scoped3A_24, %dma_start3A_61, %dma_start3A_62] : memref<2x128x256xf32, #tpu.memory_space<vmem>> -> memref<1x128x256xf32, #tpu.memory_space<vmem>>
      %dma_start3A_64 = tpu.memref_squeeze %dma_start3A_63 : memref<1x128x256xf32, #tpu.memory_space<vmem>> -> memref<128x256xf32, #tpu.memory_space<vmem>>
      %dma_start3A_65 = arith.constant 0 : i32
      %dma_start3A_66 = tpu.memref_slice %arg2[%add3A_23, %dma_start3A_65] : memref<8192x256xf32, #tpu.memory_space<hbm>> -> memref<128x256xf32, #tpu.memory_space<hbm>>
      %dma_start3A_67 = arith.constant 0 : i32
      %dma_start3A_68 = arith.constant 0 : i32
      %dma_start3A_69 = tpu.memref_slice %arg6[%run_scoped3A_24, %dma_start3A_67, %dma_start3A_68] : memref<2x128x256xf32, #tpu.memory_space<vmem>> -> memref<1x128x256xf32, #tpu.memory_space<vmem>>
      %dma_start3A_70 = tpu.memref_squeeze %dma_start3A_69 : memref<1x128x256xf32, #tpu.memory_space<vmem>> -> memref<128x256xf32, #tpu.memory_space<vmem>>
      %dma_start3A_71 = arith.constant 0 : i32
      %dma_start3A_72 = tpu.memref_slice %arg2[%add3A_23, %dma_start3A_71] : memref<8192x256xf32, #tpu.memory_space<hbm>> -> memref<128x256xf32, #tpu.memory_space<hbm>>
      tpu.enqueue_dma source(%dma_start3A_72 : memref<128x256xf32, #tpu.memory_space<hbm>>) target(%dma_start3A_70 : memref<128x256xf32, #tpu.memory_space<vmem>>) target_semaphore(%run_scoped3A_60 : memref<!tpu.dma_semaphore, #tpu.memory_space<semaphore_mem>>)
      %dma_wait3A_73 = arith.constant 0 : i32
      %dma_wait3A_74 = arith.constant 0 : i32
      %dma_wait3A_75 = tpu.memref_slice %arg6[%run_scoped3A_24, %dma_wait3A_73, %dma_wait3A_74] : memref<2x128x256xf32, #tpu.memory_space<vmem>> -> memref<1x128x256xf32, #tpu.memory_space<vmem>>
      %dma_wait3A_76 = tpu.memref_squeeze %dma_wait3A_75 : memref<1x128x256xf32, #tpu.memory_space<vmem>> -> memref<128x256xf32, #tpu.memory_space<vmem>>
      %dma_wait3A_77 = arith.constant 0 : i32
      %dma_wait3A_78 = tpu.memref_slice %arg2[%add3A_23, %dma_wait3A_77] : memref<8192x256xf32, #tpu.memory_space<hbm>> -> memref<128x256xf32, #tpu.memory_space<hbm>>
      %dma_wait3A_79 = arith.constant 0 : i32
      %dma_wait3A_80 = arith.constant 0 : i32
      %dma_wait3A_81 = tpu.memref_slice %arg6[%run_scoped3A_24, %dma_wait3A_79, %dma_wait3A_80] : memref<2x128x256xf32, #tpu.memory_space<vmem>> -> memref<1x128x256xf32, #tpu.memory_space<vmem>>
      %dma_wait3A_82 = tpu.memref_squeeze %dma_wait3A_81 : memref<1x128x256xf32, #tpu.memory_space<vmem>> -> memref<128x256xf32, #tpu.memory_space<vmem>>
      %dma_wait3A_83 = arith.constant 0 : i32
      %dma_wait3A_84 = tpu.memref_slice %arg2[%add3A_23, %dma_wait3A_83] : memref<8192x256xf32, #tpu.memory_space<hbm>> -> memref<128x256xf32, #tpu.memory_space<hbm>>
      tpu.wait_dma2 semaphore(%run_scoped3A_60 : memref<!tpu.dma_semaphore, #tpu.memory_space<semaphore_mem>>) src(%dma_wait3A_84 : memref<128x256xf32, #tpu.memory_space<hbm>>) dst(%dma_wait3A_82 : memref<128x256xf32, #tpu.memory_space<vmem>>)
      tpu.yield
    }) : () -> ()
    %dma_start3A_25 = arith.constant 1 : i32
    %dma_start3A_26 = arith.constant 1 : i32
    %dma_start3A_27 = arith.constant 0 : i32
    %dma_start3A_28 = arith.constant 0 : i32
    %dma_start3A_29 = tpu.memref_slice %arg6[%dma_start3A_25, %dma_start3A_27, %dma_start3A_28] : memref<2x128x256xf32, #tpu.memory_space<vmem>> -> memref<1x128x256xf32, #tpu.memory_space<vmem>>
    %dma_start3A_30 = tpu.memref_squeeze %dma_start3A_29 : memref<1x128x256xf32, #tpu.memory_space<vmem>> -> memref<128x256xf32, #tpu.memory_space<vmem>>
    %dma_start3A_31 = arith.constant 0 : i32
    %dma_start3A_32 = tpu.memref_slice %arg5[%dma_start3A_26, %dma_start3A_31] : memref<2x128xi32, #tpu.memory_space<vmem>> -> memref<1x128xi32, #tpu.memory_space<vmem>>
    %dma_start3A_33 = tpu.memref_squeeze %dma_start3A_32 : memref<1x128xi32, #tpu.memory_space<vmem>> -> memref<128xi32, #tpu.memory_space<vmem>>
    %dma_start3A_34 = arith.constant 0 : i32
    %dma_start3A_35 = arith.constant 0 : i32
    %dma_start3A_36 = tpu.memref_slice %arg4[%dma_start3A_34, %dma_start3A_35] : memref<12288x256xf32, #tpu.memory_space<hbm>> -> memref<12288x256xf32, #tpu.memory_space<hbm>>
    tpu.enqueue_indirect_dma source(%dma_start3A_30 : memref<128x256xf32, #tpu.memory_space<vmem>>) target(%dma_start3A_36 : memref<12288x256xf32, #tpu.memory_space<hbm>>) offsets(%dma_start3A_33 : memref<128xi32, #tpu.memory_space<vmem>>) semaphore(%arg8 : memref<!tpu.dma_semaphore, #tpu.memory_space<semaphore_mem>>)
    %dma_wait3A = arith.constant 0 : i32
    %dma_wait3A_37 = arith.constant 0 : i32
    %dma_wait3A_38 = arith.constant 0 : i32
    %dma_wait3A_39 = arith.constant 0 : i32
    %dma_wait3A_40 = tpu.memref_slice %arg6[%dma_wait3A, %dma_wait3A_38, %dma_wait3A_39] : memref<2x128x256xf32, #tpu.memory_space<vmem>> -> memref<1x128x256xf32, #tpu.memory_space<vmem>>
    %dma_wait3A_41 = tpu.memref_squeeze %dma_wait3A_40 : memref<1x128x256xf32, #tpu.memory_space<vmem>> -> memref<128x256xf32, #tpu.memory_space<vmem>>
    %dma_wait3A_42 = arith.constant 0 : i32
    %dma_wait3A_43 = tpu.memref_slice %arg5[%dma_wait3A_37, %dma_wait3A_42] : memref<2x128xi32, #tpu.memory_space<vmem>> -> memref<1x128xi32, #tpu.memory_space<vmem>>
    %dma_wait3A_44 = tpu.memref_squeeze %dma_wait3A_43 : memref<1x128xi32, #tpu.memory_space<vmem>> -> memref<128xi32, #tpu.memory_space<vmem>>
    %dma_wait3A_45 = arith.constant 0 : i32
    %dma_wait3A_46 = arith.constant 0 : i32
    %dma_wait3A_47 = tpu.memref_slice %arg4[%dma_wait3A_45, %dma_wait3A_46] : memref<12288x256xf32, #tpu.memory_space<hbm>> -> memref<12288x256xf32, #tpu.memory_space<hbm>>
    tpu.wait_indirect_dma semaphore(%arg7 : memref<!tpu.dma_semaphore, #tpu.memory_space<semaphore_mem>>) src(%dma_wait3A_41 : memref<128x256xf32, #tpu.memory_space<vmem>>) dst(%dma_wait3A_47 : memref<12288x256xf32, #tpu.memory_space<hbm>>)
    %dma_wait3A_48 = arith.constant 1 : i32
    %dma_wait3A_49 = arith.constant 1 : i32
    %dma_wait3A_50 = arith.constant 0 : i32
    %dma_wait3A_51 = arith.constant 0 : i32
    %dma_wait3A_52 = tpu.memref_slice %arg6[%dma_wait3A_48, %dma_wait3A_50, %dma_wait3A_51] : memref<2x128x256xf32, #tpu.memory_space<vmem>> -> memref<1x128x256xf32, #tpu.memory_space<vmem>>
    %dma_wait3A_53 = tpu.memref_squeeze %dma_wait3A_52 : memref<1x128x256xf32, #tpu.memory_space<vmem>> -> memref<128x256xf32, #tpu.memory_space<vmem>>
    %dma_wait3A_54 = arith.constant 0 : i32
    %dma_wait3A_55 = tpu.memref_slice %arg5[%dma_wait3A_49, %dma_wait3A_54] : memref<2x128xi32, #tpu.memory_space<vmem>> -> memref<1x128xi32, #tpu.memory_space<vmem>>
    %dma_wait3A_56 = tpu.memref_squeeze %dma_wait3A_55 : memref<1x128xi32, #tpu.memory_space<vmem>> -> memref<128xi32, #tpu.memory_space<vmem>>
    %dma_wait3A_57 = arith.constant 0 : i32
    %dma_wait3A_58 = arith.constant 0 : i32
    %dma_wait3A_59 = tpu.memref_slice %arg4[%dma_wait3A_57, %dma_wait3A_58] : memref<12288x256xf32, #tpu.memory_space<hbm>> -> memref<12288x256xf32, #tpu.memory_space<hbm>>
    tpu.wait_indirect_dma semaphore(%arg8 : memref<!tpu.dma_semaphore, #tpu.memory_space<semaphore_mem>>) src(%dma_wait3A_53 : memref<128x256xf32, #tpu.memory_space<vmem>>) dst(%dma_wait3A_59 : memref<12288x256xf32, #tpu.memory_space<hbm>>)
    return
  }
}

#map = affine_map<(d0, d1) -> (0, 0)>
#map1 = affine_map<(d0, d1) -> (0)>
module attributes {stable_mosaic.version = 14 : i64} {
  func.func @k(%arg0: i32, %arg1: i32, %arg2: memref<8192x256xf32, #tpu.memory_space<hbm>>, %arg3: memref<8192xi32, #tpu.memory_space<hbm>>, %arg4: memref<12288x256xf32, #tpu.memory_space<hbm>>, %arg5: memref<2x128xi32, #tpu.memory_space<vmem>>, %arg6: memref<2x128x256xf32, #tpu.memory_space<vmem>>, %arg7: memref<!tpu.dma_semaphore, #tpu.memory_space<semaphore_mem>>, %arg8: memref<!tpu.dma_semaphore, #tpu.memory_space<semaphore_mem>>) attributes {dimension_semantics = [#tpu.dimension_semantics<core_parallel>, #tpu.dimension_semantics<subcore_parallel>], iteration_bounds = array<i64: 2, 16>, scalar_prefetch = 0 : i64, scratch_operands = 4 : i64, tpu.core_type = #tpu.core_type<sc_vector_subcore>, window_params = [{transform_indices = #map}, {transform_indices = #map1}, {transform_indices = #map}]} {
    %mul3A = arith.constant 2 : i32
    %mul3A_0 = arith.muli %arg1, %mul3A : i32
    %add3A = arith.addi %mul3A_0, %arg0 : i32
    %mul3A_1 = arith.constant 256 : i32
    %mul3A_2 = arith.muli %add3A, %mul3A_1 : i32
    %add3A_3 = arith.constant 0 : i32
    %add3A_4 = arith.addi %mul3A_2, %add3A_3 : i32
    %run_scoped3A = arith.constant 0 : i32
    "tpu.region"() ({
      %run_scoped3A_60 = tpu.sem_alloc : memref<!tpu.dma_semaphore, #tpu.memory_space<semaphore_mem>>
      %dma_start3A_61 = arith.constant 0 : i32
      %dma_start3A_62 = tpu.memref_slice %arg5[%run_scoped3A, %dma_start3A_61] : memref<2x128xi32, #tpu.memory_space<vmem>> -> memref<1x128xi32, #tpu.memory_space<vmem>>
      %dma_start3A_63 = tpu.memref_squeeze %dma_start3A_62 : memref<1x128xi32, #tpu.memory_space<vmem>> -> memref<128xi32, #tpu.memory_space<vmem>>
      %dma_start3A_64 = tpu.memref_slice %arg3[%add3A_4] : memref<8192xi32, #tpu.memory_space<hbm>> -> memref<128xi32, #tpu.memory_space<hbm>>
      %dma_start3A_65 = arith.constant 0 : i32
      %dma_start3A_66 = tpu.memref_slice %arg5[%run_scoped3A, %dma_start3A_65] : memref<2x128xi32, #tpu.memory_space<vmem>> -> memref<1x128xi32, #tpu.memory_space<vmem>>
      %dma_start3A_67 = tpu.memref_squeeze %dma_start3A_66 : memref<1x128xi32, #tpu.memory_space<vmem>> -> memref<128xi32, #tpu.memory_space<vmem>>
      %dma_start3A_68 = tpu.memref_slice %arg3[%add3A_4] : memref<8192xi32, #tpu.memory_space<hbm>> -> memref<128xi32, #tpu.memory_space<hbm>>
      tpu.enqueue_dma source(%dma_start3A_68 : memref<128xi32, #tpu.memory_space<hbm>>) target(%dma_start3A_67 : memref<128xi32, #tpu.memory_space<vmem>>) target_semaphore(%run_scoped3A_60 : memref<!tpu.dma_semaphore, #tpu.memory_space<semaphore_mem>>)
      %dma_wait3A_69 = arith.constant 0 : i32
      %dma_wait3A_70 = tpu.memref_slice %arg5[%run_scoped3A, %dma_wait3A_69] : memref<2x128xi32, #tpu.memory_space<vmem>> -> memref<1x128xi32, #tpu.memory_space<vmem>>
      %dma_wait3A_71 = tpu.memref_squeeze %dma_wait3A_70 : memref<1x128xi32, #tpu.memory_space<vmem>> -> memref<128xi32, #tpu.memory_space<vmem>>
      %dma_wait3A_72 = tpu.memref_slice %arg3[%add3A_4] : memref<8192xi32, #tpu.memory_space<hbm>> -> memref<128xi32, #tpu.memory_space<hbm>>
      %dma_wait3A_73 = arith.constant 0 : i32
      %dma_wait3A_74 = tpu.memref_slice %arg5[%run_scoped3A, %dma_wait3A_73] : memref<2x128xi32, #tpu.memory_space<vmem>> -> memref<1x128xi32, #tpu.memory_space<vmem>>
      %dma_wait3A_75 = tpu.memref_squeeze %dma_wait3A_74 : memref<1x128xi32, #tpu.memory_space<vmem>> -> memref<128xi32, #tpu.memory_space<vmem>>
      %dma_wait3A_76 = tpu.memref_slice %arg3[%add3A_4] : memref<8192xi32, #tpu.memory_space<hbm>> -> memref<128xi32, #tpu.memory_space<hbm>>
      tpu.wait_dma2 semaphore(%run_scoped3A_60 : memref<!tpu.dma_semaphore, #tpu.memory_space<semaphore_mem>>) src(%dma_wait3A_76 : memref<128xi32, #tpu.memory_space<hbm>>) dst(%dma_wait3A_75 : memref<128xi32, #tpu.memory_space<vmem>>)
      tpu.yield
    }) : () -> ()
    %add3A_5 = arith.constant 128 : i32
    %add3A_6 = arith.addi %mul3A_2, %add3A_5 : i32
    %run_scoped3A_7 = arith.constant 1 : i32
    "tpu.region"() ({
      %run_scoped3A_60 = tpu.sem_alloc : memref<!tpu.dma_semaphore, #tpu.memory_space<semaphore_mem>>
      %dma_start3A_61 = arith.constant 0 : i32
      %dma_start3A_62 = tpu.memref_slice %arg5[%run_scoped3A_7, %dma_start3A_61] : memref<2x128xi32, #tpu.memory_space<vmem>> -> memref<1x128xi32, #tpu.memory_space<vmem>>
      %dma_start3A_63 = tpu.memref_squeeze %dma_start3A_62 : memref<1x128xi32, #tpu.memory_space<vmem>> -> memref<128xi32, #tpu.memory_space<vmem>>
      %dma_start3A_64 = tpu.memref_slice %arg3[%add3A_6] : memref<8192xi32, #tpu.memory_space<hbm>> -> memref<128xi32, #tpu.memory_space<hbm>>
      %dma_start3A_65 = arith.constant 0 : i32
      %dma_start3A_66 = tpu.memref_slice %arg5[%run_scoped3A_7, %dma_start3A_65] : memref<2x128xi32, #tpu.memory_space<vmem>> -> memref<1x128xi32, #tpu.memory_space<vmem>>
      %dma_start3A_67 = tpu.memref_squeeze %dma_start3A_66 : memref<1x128xi32, #tpu.memory_space<vmem>> -> memref<128xi32, #tpu.memory_space<vmem>>
      %dma_start3A_68 = tpu.memref_slice %arg3[%add3A_6] : memref<8192xi32, #tpu.memory_space<hbm>> -> memref<128xi32, #tpu.memory_space<hbm>>
      tpu.enqueue_dma source(%dma_start3A_68 : memref<128xi32, #tpu.memory_space<hbm>>) target(%dma_start3A_67 : memref<128xi32, #tpu.memory_space<vmem>>) target_semaphore(%run_scoped3A_60 : memref<!tpu.dma_semaphore, #tpu.memory_space<semaphore_mem>>)
      %dma_wait3A_69 = arith.constant 0 : i32
      %dma_wait3A_70 = tpu.memref_slice %arg5[%run_scoped3A_7, %dma_wait3A_69] : memref<2x128xi32, #tpu.memory_space<vmem>> -> memref<1x128xi32, #tpu.memory_space<vmem>>
      %dma_wait3A_71 = tpu.memref_squeeze %dma_wait3A_70 : memref<1x128xi32, #tpu.memory_space<vmem>> -> memref<128xi32, #tpu.memory_space<vmem>>
      %dma_wait3A_72 = tpu.memref_slice %arg3[%add3A_6] : memref<8192xi32, #tpu.memory_space<hbm>> -> memref<128xi32, #tpu.memory_space<hbm>>
      %dma_wait3A_73 = arith.constant 0 : i32
      %dma_wait3A_74 = tpu.memref_slice %arg5[%run_scoped3A_7, %dma_wait3A_73] : memref<2x128xi32, #tpu.memory_space<vmem>> -> memref<1x128xi32, #tpu.memory_space<vmem>>
      %dma_wait3A_75 = tpu.memref_squeeze %dma_wait3A_74 : memref<1x128xi32, #tpu.memory_space<vmem>> -> memref<128xi32, #tpu.memory_space<vmem>>
      %dma_wait3A_76 = tpu.memref_slice %arg3[%add3A_6] : memref<8192xi32, #tpu.memory_space<hbm>> -> memref<128xi32, #tpu.memory_space<hbm>>
      tpu.wait_dma2 semaphore(%run_scoped3A_60 : memref<!tpu.dma_semaphore, #tpu.memory_space<semaphore_mem>>) src(%dma_wait3A_76 : memref<128xi32, #tpu.memory_space<hbm>>) dst(%dma_wait3A_75 : memref<128xi32, #tpu.memory_space<vmem>>)
      tpu.yield
    }) : () -> ()
    %add3A_8 = arith.constant 0 : i32
    %add3A_9 = arith.addi %mul3A_2, %add3A_8 : i32
    %run_scoped3A_10 = arith.constant 0 : i32
    "tpu.region"() ({
      %run_scoped3A_60 = tpu.sem_alloc : memref<!tpu.dma_semaphore, #tpu.memory_space<semaphore_mem>>
      %dma_start3A_61 = arith.constant 0 : i32
      %dma_start3A_62 = arith.constant 0 : i32
      %dma_start3A_63 = tpu.memref_slice %arg6[%run_scoped3A_10, %dma_start3A_61, %dma_start3A_62] : memref<2x128x256xf32, #tpu.memory_space<vmem>> -> memref<1x128x256xf32, #tpu.memory_space<vmem>>
      %dma_start3A_64 = tpu.memref_squeeze %dma_start3A_63 : memref<1x128x256xf32, #tpu.memory_space<vmem>> -> memref<128x256xf32, #tpu.memory_space<vmem>>
      %dma_start3A_65 = arith.constant 0 : i32
      %dma_start3A_66 = tpu.memref_slice %arg2[%add3A_9, %dma_start3A_65] : memref<8192x256xf32, #tpu.memory_space<hbm>> -> memref<128x256xf32, #tpu.memory_space<hbm>>
      %dma_start3A_67 = arith.constant 0 : i32
      %dma_start3A_68 = arith.constant 0 : i32
      %dma_start3A_69 = tpu.memref_slice %arg6[%run_scoped3A_10, %dma_start3A_67, %dma_start3A_68] : memref<2x128x256xf32, #tpu.memory_space<vmem>> -> memref<1x128x256xf32, #tpu.memory_space<vmem>>
      %dma_start3A_70 = tpu.memref_squeeze %dma_start3A_69 : memref<1x128x256xf32, #tpu.memory_space<vmem>> -> memref<128x256xf32, #tpu.memory_space<vmem>>
      %dma_start3A_71 = arith.constant 0 : i32
      %dma_start3A_72 = tpu.memref_slice %arg2[%add3A_9, %dma_start3A_71] : memref<8192x256xf32, #tpu.memory_space<hbm>> -> memref<128x256xf32, #tpu.memory_space<hbm>>
      tpu.enqueue_dma source(%dma_start3A_72 : memref<128x256xf32, #tpu.memory_space<hbm>>) target(%dma_start3A_70 : memref<128x256xf32, #tpu.memory_space<vmem>>) target_semaphore(%run_scoped3A_60 : memref<!tpu.dma_semaphore, #tpu.memory_space<semaphore_mem>>)
      %dma_wait3A_73 = arith.constant 0 : i32
      %dma_wait3A_74 = arith.constant 0 : i32
      %dma_wait3A_75 = tpu.memref_slice %arg6[%run_scoped3A_10, %dma_wait3A_73, %dma_wait3A_74] : memref<2x128x256xf32, #tpu.memory_space<vmem>> -> memref<1x128x256xf32, #tpu.memory_space<vmem>>
      %dma_wait3A_76 = tpu.memref_squeeze %dma_wait3A_75 : memref<1x128x256xf32, #tpu.memory_space<vmem>> -> memref<128x256xf32, #tpu.memory_space<vmem>>
      %dma_wait3A_77 = arith.constant 0 : i32
      %dma_wait3A_78 = tpu.memref_slice %arg2[%add3A_9, %dma_wait3A_77] : memref<8192x256xf32, #tpu.memory_space<hbm>> -> memref<128x256xf32, #tpu.memory_space<hbm>>
      %dma_wait3A_79 = arith.constant 0 : i32
      %dma_wait3A_80 = arith.constant 0 : i32
      %dma_wait3A_81 = tpu.memref_slice %arg6[%run_scoped3A_10, %dma_wait3A_79, %dma_wait3A_80] : memref<2x128x256xf32, #tpu.memory_space<vmem>> -> memref<1x128x256xf32, #tpu.memory_space<vmem>>
      %dma_wait3A_82 = tpu.memref_squeeze %dma_wait3A_81 : memref<1x128x256xf32, #tpu.memory_space<vmem>> -> memref<128x256xf32, #tpu.memory_space<vmem>>
      %dma_wait3A_83 = arith.constant 0 : i32
      %dma_wait3A_84 = tpu.memref_slice %arg2[%add3A_9, %dma_wait3A_83] : memref<8192x256xf32, #tpu.memory_space<hbm>> -> memref<128x256xf32, #tpu.memory_space<hbm>>
      tpu.wait_dma2 semaphore(%run_scoped3A_60 : memref<!tpu.dma_semaphore, #tpu.memory_space<semaphore_mem>>) src(%dma_wait3A_84 : memref<128x256xf32, #tpu.memory_space<hbm>>) dst(%dma_wait3A_82 : memref<128x256xf32, #tpu.memory_space<vmem>>)
      tpu.yield
    }) : () -> ()
    %dma_start3A = arith.constant 0 : i32
    %dma_start3A_11 = arith.constant 0 : i32
    %dma_start3A_12 = arith.constant 0 : i32
    %dma_start3A_13 = arith.constant 0 : i32
    %dma_start3A_14 = tpu.memref_slice %arg6[%dma_start3A, %dma_start3A_12, %dma_start3A_13] : memref<2x128x256xf32, #tpu.memory_space<vmem>> -> memref<1x128x256xf32, #tpu.memory_space<vmem>>
    %dma_start3A_15 = tpu.memref_squeeze %dma_start3A_14 : memref<1x128x256xf32, #tpu.memory_space<vmem>> -> memref<128x256xf32, #tpu.memory_space<vmem>>
    %dma_start3A_16 = arith.constant 0 : i32
    %dma_start3A_17 = tpu.memref_slice %arg5[%dma_start3A_11, %dma_start3A_16] : memref<2x128xi32, #tpu.memory_space<vmem>> -> memref<1x128xi32, #tpu.memory_space<vmem>>
    %dma_start3A_18 = tpu.memref_squeeze %dma_start3A_17 : memref<1x128xi32, #tpu.memory_space<vmem>> -> memref<128xi32, #tpu.memory_space<vmem>>
    %dma_start3A_19 = arith.constant 0 : i32
    %dma_start3A_20 = arith.constant 0 : i32
    %dma_start3A_21 = tpu.memref_slice %arg4[%dma_start3A_19, %dma_start3A_20] : memref<12288x256xf32, #tpu.memory_space<hbm>> -> memref<12288x256xf32, #tpu.memory_space<hbm>>
    tpu.enqueue_indirect_dma source(%dma_start3A_15 : memref<128x256xf32, #tpu.memory_space<vmem>>) target(%dma_start3A_21 : memref<12288x256xf32, #tpu.memory_space<hbm>>) offsets(%dma_start3A_18 : memref<128xi32, #tpu.memory_space<vmem>>) semaphore(%arg7 : memref<!tpu.dma_semaphore, #tpu.memory_space<semaphore_mem>>)
    %add3A_22 = arith.constant 128 : i32
    %add3A_23 = arith.addi %mul3A_2, %add3A_22 : i32
    %run_scoped3A_24 = arith.constant 1 : i32
    "tpu.region"() ({
      %run_scoped3A_60 = tpu.sem_alloc : memref<!tpu.dma_semaphore, #tpu.memory_space<semaphore_mem>>
      %dma_start3A_61 = arith.constant 0 : i32
      %dma_start3A_62 = arith.constant 0 : i32
      %dma_start3A_63 = tpu.memref_slice %arg6[%run_scoped3A_24, %dma_start3A_61, %dma_start3A_62] : memref<2x128x256xf32, #tpu.memory_space<vmem>> -> memref<1x128x256xf32, #tpu.memory_space<vmem>>
      %dma_start3A_64 = tpu.memref_squeeze %dma_start3A_63 : memref<1x128x256xf32, #tpu.memory_space<vmem>> -> memref<128x256xf32, #tpu.memory_space<vmem>>
      %dma_start3A_65 = arith.constant 0 : i32
      %dma_start3A_66 = tpu.memref_slice %arg2[%add3A_23, %dma_start3A_65] : memref<8192x256xf32, #tpu.memory_space<hbm>> -> memref<128x256xf32, #tpu.memory_space<hbm>>
      %dma_start3A_67 = arith.constant 0 : i32
      %dma_start3A_68 = arith.constant 0 : i32
      %dma_start3A_69 = tpu.memref_slice %arg6[%run_scoped3A_24, %dma_start3A_67, %dma_start3A_68] : memref<2x128x256xf32, #tpu.memory_space<vmem>> -> memref<1x128x256xf32, #tpu.memory_space<vmem>>
      %dma_start3A_70 = tpu.memref_squeeze %dma_start3A_69 : memref<1x128x256xf32, #tpu.memory_space<vmem>> -> memref<128x256xf32, #tpu.memory_space<vmem>>
      %dma_start3A_71 = arith.constant 0 : i32
      %dma_start3A_72 = tpu.memref_slice %arg2[%add3A_23, %dma_start3A_71] : memref<8192x256xf32, #tpu.memory_space<hbm>> -> memref<128x256xf32, #tpu.memory_space<hbm>>
      tpu.enqueue_dma source(%dma_start3A_72 : memref<128x256xf32, #tpu.memory_space<hbm>>) target(%dma_start3A_70 : memref<128x256xf32, #tpu.memory_space<vmem>>) target_semaphore(%run_scoped3A_60 : memref<!tpu.dma_semaphore, #tpu.memory_space<semaphore_mem>>)
      %dma_wait3A_73 = arith.constant 0 : i32
      %dma_wait3A_74 = arith.constant 0 : i32
      %dma_wait3A_75 = tpu.memref_slice %arg6[%run_scoped3A_24, %dma_wait3A_73, %dma_wait3A_74] : memref<2x128x256xf32, #tpu.memory_space<vmem>> -> memref<1x128x256xf32, #tpu.memory_space<vmem>>
      %dma_wait3A_76 = tpu.memref_squeeze %dma_wait3A_75 : memref<1x128x256xf32, #tpu.memory_space<vmem>> -> memref<128x256xf32, #tpu.memory_space<vmem>>
      %dma_wait3A_77 = arith.constant 0 : i32
      %dma_wait3A_78 = tpu.memref_slice %arg2[%add3A_23, %dma_wait3A_77] : memref<8192x256xf32, #tpu.memory_space<hbm>> -> memref<128x256xf32, #tpu.memory_space<hbm>>
      %dma_wait3A_79 = arith.constant 0 : i32
      %dma_wait3A_80 = arith.constant 0 : i32
      %dma_wait3A_81 = tpu.memref_slice %arg6[%run_scoped3A_24, %dma_wait3A_79, %dma_wait3A_80] : memref<2x128x256xf32, #tpu.memory_space<vmem>> -> memref<1x128x256xf32, #tpu.memory_space<vmem>>
      %dma_wait3A_82 = tpu.memref_squeeze %dma_wait3A_81 : memref<1x128x256xf32, #tpu.memory_space<vmem>> -> memref<128x256xf32, #tpu.memory_space<vmem>>
      %dma_wait3A_83 = arith.constant 0 : i32
      %dma_wait3A_84 = tpu.memref_slice %arg2[%add3A_23, %dma_wait3A_83] : memref<8192x256xf32, #tpu.memory_space<hbm>> -> memref<128x256xf32, #tpu.memory_space<hbm>>
      tpu.wait_dma2 semaphore(%run_scoped3A_60 : memref<!tpu.dma_semaphore, #tpu.memory_space<semaphore_mem>>) src(%dma_wait3A_84 : memref<128x256xf32, #tpu.memory_space<hbm>>) dst(%dma_wait3A_82 : memref<128x256xf32, #tpu.memory_space<vmem>>)
      tpu.yield
    }) : () -> ()
    %dma_start3A_25 = arith.constant 1 : i32
    %dma_start3A_26 = arith.constant 1 : i32
    %dma_start3A_27 = arith.constant 0 : i32
    %dma_start3A_28 = arith.constant 0 : i32
    %dma_start3A_29 = tpu.memref_slice %arg6[%dma_start3A_25, %dma_start3A_27, %dma_start3A_28] : memref<2x128x256xf32, #tpu.memory_space<vmem>> -> memref<1x128x256xf32, #tpu.memory_space<vmem>>
    %dma_start3A_30 = tpu.memref_squeeze %dma_start3A_29 : memref<1x128x256xf32, #tpu.memory_space<vmem>> -> memref<128x256xf32, #tpu.memory_space<vmem>>
    %dma_start3A_31 = arith.constant 0 : i32
    %dma_start3A_32 = tpu.memref_slice %arg5[%dma_start3A_26, %dma_start3A_31] : memref<2x128xi32, #tpu.memory_space<vmem>> -> memref<1x128xi32, #tpu.memory_space<vmem>>
    %dma_start3A_33 = tpu.memref_squeeze %dma_start3A_32 : memref<1x128xi32, #tpu.memory_space<vmem>> -> memref<128xi32, #tpu.memory_space<vmem>>
    %dma_start3A_34 = arith.constant 0 : i32
    %dma_start3A_35 = arith.constant 0 : i32
    %dma_start3A_36 = tpu.memref_slice %arg4[%dma_start3A_34, %dma_start3A_35] : memref<12288x256xf32, #tpu.memory_space<hbm>> -> memref<12288x256xf32, #tpu.memory_space<hbm>>
    tpu.enqueue_indirect_dma source(%dma_start3A_30 : memref<128x256xf32, #tpu.memory_space<vmem>>) target(%dma_start3A_36 : memref<12288x256xf32, #tpu.memory_space<hbm>>) offsets(%dma_start3A_33 : memref<128xi32, #tpu.memory_space<vmem>>) semaphore(%arg8 : memref<!tpu.dma_semaphore, #tpu.memory_space<semaphore_mem>>)
    %dma_wait3A = arith.constant 0 : i32
    %dma_wait3A_37 = arith.constant 0 : i32
    %dma_wait3A_38 = arith.constant 0 : i32
    %dma_wait3A_39 = arith.constant 0 : i32
    %dma_wait3A_40 = tpu.memref_slice %arg6[%dma_wait3A, %dma_wait3A_38, %dma_wait3A_39] : memref<2x128x256xf32, #tpu.memory_space<vmem>> -> memref<1x128x256xf32, #tpu.memory_space<vmem>>
    %dma_wait3A_41 = tpu.memref_squeeze %dma_wait3A_40 : memref<1x128x256xf32, #tpu.memory_space<vmem>> -> memref<128x256xf32, #tpu.memory_space<vmem>>
    %dma_wait3A_42 = arith.constant 0 : i32
    %dma_wait3A_43 = tpu.memref_slice %arg5[%dma_wait3A_37, %dma_wait3A_42] : memref<2x128xi32, #tpu.memory_space<vmem>> -> memref<1x128xi32, #tpu.memory_space<vmem>>
    %dma_wait3A_44 = tpu.memref_squeeze %dma_wait3A_43 : memref<1x128xi32, #tpu.memory_space<vmem>> -> memref<128xi32, #tpu.memory_space<vmem>>
    %dma_wait3A_45 = arith.constant 0 : i32
    %dma_wait3A_46 = arith.constant 0 : i32
    %dma_wait3A_47 = tpu.memref_slice %arg4[%dma_wait3A_45, %dma_wait3A_46] : memref<12288x256xf32, #tpu.memory_space<hbm>> -> memref<12288x256xf32, #tpu.memory_space<hbm>>
    tpu.wait_indirect_dma semaphore(%arg7 : memref<!tpu.dma_semaphore, #tpu.memory_space<semaphore_mem>>) src(%dma_wait3A_41 : memref<128x256xf32, #tpu.memory_space<vmem>>) dst(%dma_wait3A_47 : memref<12288x256xf32, #tpu.memory_space<hbm>>)
    %dma_wait3A_48 = arith.constant 1 : i32
    %dma_wait3A_49 = arith.constant 1 : i32
    %dma_wait3A_50 = arith.constant 0 : i32
    %dma_wait3A_51 = arith.constant 0 : i32
    %dma_wait3A_52 = tpu.memref_slice %arg6[%dma_wait3A_48, %dma_wait3A_50, %dma_wait3A_51] : memref<2x128x256xf32, #tpu.memory_space<vmem>> -> memref<1x128x256xf32, #tpu.memory_space<vmem>>
    %dma_wait3A_53 = tpu.memref_squeeze %dma_wait3A_52 : memref<1x128x256xf32, #tpu.memory_space<vmem>> -> memref<128x256xf32, #tpu.memory_space<vmem>>
    %dma_wait3A_54 = arith.constant 0 : i32
    %dma_wait3A_55 = tpu.memref_slice %arg5[%dma_wait3A_49, %dma_wait3A_54] : memref<2x128xi32, #tpu.memory_space<vmem>> -> memref<1x128xi32, #tpu.memory_space<vmem>>
    %dma_wait3A_56 = tpu.memref_squeeze %dma_wait3A_55 : memref<1x128xi32, #tpu.memory_space<vmem>> -> memref<128xi32, #tpu.memory_space<vmem>>
    %dma_wait3A_57 = arith.constant 0 : i32
    %dma_wait3A_58 = arith.constant 0 : i32
    %dma_wait3A_59 = tpu.memref_slice %arg4[%dma_wait3A_57, %dma_wait3A_58] : memref<12288x256xf32, #tpu.memory_space<hbm>> -> memref<12288x256xf32, #tpu.memory_space<hbm>>
    tpu.wait_indirect_dma semaphore(%arg8 : memref<!tpu.dma_semaphore, #tpu.memory_space<semaphore_mem>>) src(%dma_wait3A_53 : memref<128x256xf32, #tpu.memory_space<vmem>>) dst(%dma_wait3A_59 : memref<12288x256xf32, #tpu.memory_space<hbm>>)
    return
  }
}

module attributes {stable_mosaic.version = 14 : i64} {
  func.func @_grouped_body(%arg0: i32, %arg1: memref<128xi32, #tpu.memory_space<smem>>, %arg2: memref<512x256xf32, #tpu.memory_space<vmem>>, %arg3: memref<1x256x768xf32, #tpu.memory_space<vmem>>, %arg4: memref<1x1x768xf32, #tpu.memory_space<vmem>>, %arg5: memref<512x768xf32, #tpu.memory_space<vmem>>) attributes {dimension_semantics = [#tpu.dimension_semantics<arbitrary>], iteration_bounds = array<i64: 24>, scalar_prefetch = 1 : i64, scratch_operands = 0 : i64, tpu.core_type = #tpu.core_type<tc>, window_params = [{transform_indices = @transform_0, window_bounds = array<i64: 512, 256>}, {transform_indices = @transform_1, window_bounds = array<i64: 1, 256, 768>}, {transform_indices = @transform_2, window_bounds = array<i64: 1, 1, 768>}, {transform_indices = @transform_3, window_bounds = array<i64: 512, 768>}]} {
    %get3A = arith.constant 0 : index
    %get3A_0 = arith.constant 0 : index
    %get3A_1 = vector.load %arg2[%get3A, %get3A_0] : memref<512x256xf32, #tpu.memory_space<vmem>>, vector<512x256xf32>
    %get3A_2 = arith.constant 0 : index
    %get3A_3 = arith.constant 0 : index
    %get3A_4 = arith.constant 0 : index
    %get3A_5 = vector.load %arg3[%get3A_2, %get3A_3, %get3A_4] : memref<1x256x768xf32, #tpu.memory_space<vmem>>, vector<1x256x768xf32>
    %get3A_6 = vector.shape_cast %get3A_5 : vector<1x256x768xf32> to vector<256x768xf32>
    %dot_general3A = arith.constant dense<0.000000e+00> : vector<512x768xf32>
    %dot_general3A_7 = tpu.matmul %get3A_1, %get3A_6, %dot_general3A {dimension_numbers = #tpu.dot_dimension_numbers<[1], [0], [0], [1], [0, 0, 1, 1], [], []>, transpose_lhs_hint = false} : vector<512x256xf32>, vector<256x768xf32>, vector<512x768xf32> -> vector<512x768xf32>
    %get3A_8 = arith.constant 0 : index
    %get3A_9 = arith.constant 0 : index
    %get3A_10 = arith.constant 0 : index
    %get3A_11 = vector.load %arg4[%get3A_8, %get3A_9, %get3A_10] : memref<1x1x768xf32, #tpu.memory_space<vmem>>, vector<1x1x768xf32>
    %get3A_12 = vector.shape_cast %get3A_11 : vector<1x1x768xf32> to vector<1x768xf32>
    %add3A = vector.broadcast %get3A_12 : vector<1x768xf32> to vector<512x768xf32>
    %add3A_13 = arith.addf %dot_general3A_7, %add3A : vector<512x768xf32>
    %swap3A = arith.constant 0 : index
    %swap3A_14 = arith.constant 0 : index
    %swap3A_15 = vector.load %arg5[%swap3A, %swap3A_14] : memref<512x768xf32, #tpu.memory_space<vmem>>, vector<512x768xf32>
    tpu.vector_store %arg5[%swap3A, %swap3A_14], %add3A_13 {strides = array<i32>} : memref<512x768xf32, #tpu.memory_space<vmem>>, vector<512x768xf32>,
    return
  }
  func.func @transform_0(%arg0: i32, %arg1: memref<128xi32, #tpu.memory_space<smem>>) -> (i32, i32) {
    %c0_i32 = arith.constant 0 : i32
    %c0_i32_0 = arith.constant 0 : i32
    return %arg0, %c0_i32 : i32, i32
  }
  func.func @transform_1(%arg0: i32, %arg1: memref<128xi32, #tpu.memory_space<smem>>) -> (i32, i32, i32) {
    %get3A = arith.index_cast %arg0 : i32 to index
    %get3A_0 = memref.load %arg1[%get3A] : memref<128xi32, #tpu.memory_space<smem>>
    %c0_i32 = arith.constant 0 : i32
    %c0_i32_1 = arith.constant 0 : i32
    %c0_i32_2 = arith.constant 0 : i32
    return %get3A_0, %c0_i32, %c0_i32_1 : i32, i32, i32
  }
  func.func @transform_2(%arg0: i32, %arg1: memref<128xi32, #tpu.memory_space<smem>>) -> (i32, i32, i32) {
    %get3A = arith.index_cast %arg0 : i32 to index
    %get3A_0 = memref.load %arg1[%get3A] : memref<128xi32, #tpu.memory_space<smem>>
    %c0_i32 = arith.constant 0 : i32
    %c0_i32_1 = arith.constant 0 : i32
    %c0_i32_2 = arith.constant 0 : i32
    return %get3A_0, %c0_i32, %c0_i32_1 : i32, i32, i32
  }
  func.func @transform_3(%arg0: i32, %arg1: memref<128xi32, #tpu.memory_space<smem>>) -> (i32, i32) {
    %c0_i32 = arith.constant 0 : i32
    %c0_i32_0 = arith.constant 0 : i32
    return %arg0, %c0_i32 : i32, i32
  }
}

module attributes {stable_mosaic.version = 14 : i64} {
  func.func @_router_body(%arg0: i32, %arg1: memref<512x256xf32, #tpu.memory_space<vmem>>, %arg2: memref<256x128xf32, #tpu.memory_space<vmem>>, %arg3: memref<128x8xf32, #tpu.memory_space<vmem>>, %arg4: memref<1x1x128xf32, #tpu.memory_space<vmem>>, %arg5: memref<1x1x8xf32, #tpu.memory_space<vmem>>, %arg6: memref<512x1xi32, #tpu.memory_space<vmem>>, %arg7: memref<512x1xf32, #tpu.memory_space<vmem>>) attributes {dimension_semantics = [#tpu.dimension_semantics<arbitrary>], iteration_bounds = array<i64: 16>, scalar_prefetch = 0 : i64, scratch_operands = 0 : i64, tpu.core_type = #tpu.core_type<tc>, window_params = [{transform_indices = @transform_0, window_bounds = array<i64: 512, 256>}, {pipeline_mode = #tpu.pipeline_mode<synchronous>, transform_indices = @transform_1, window_bounds = array<i64: 256, 128>}, {pipeline_mode = #tpu.pipeline_mode<synchronous>, transform_indices = @transform_2, window_bounds = array<i64: 128, 8>}, {pipeline_mode = #tpu.pipeline_mode<synchronous>, transform_indices = @transform_3, window_bounds = array<i64: 1, 1, 128>}, {pipeline_mode = #tpu.pipeline_mode<synchronous>, transform_indices = @transform_4, window_bounds = array<i64: 1, 1, 8>}, {transform_indices = @transform_5, window_bounds = array<i64: 512, 1>}, {transform_indices = @transform_6, window_bounds = array<i64: 512, 1>}]} {
    %get3A = arith.constant 0 : index
    %get3A_0 = arith.constant 0 : index
    %get3A_1 = vector.load %arg1[%get3A, %get3A_0] : memref<512x256xf32, #tpu.memory_space<vmem>>, vector<512x256xf32>
    %get3A_2 = arith.constant 0 : index
    %get3A_3 = arith.constant 0 : index
    %get3A_4 = vector.load %arg2[%get3A_2, %get3A_3] : memref<256x128xf32, #tpu.memory_space<vmem>>, vector<256x128xf32>
    %dot_general3A = arith.constant dense<0.000000e+00> : vector<512x128xf32>
    %dot_general3A_5 = tpu.matmul %get3A_1, %get3A_4, %dot_general3A {dimension_numbers = #tpu.dot_dimension_numbers<[1], [0], [0], [1], [0, 0, 1, 1], [], []>, transpose_lhs_hint = false} : vector<512x256xf32>, vector<256x128xf32>, vector<512x128xf32> -> vector<512x128xf32>
    %get3A_6 = arith.constant 0 : index
    %get3A_7 = arith.constant 0 : index
    %get3A_8 = arith.constant 0 : index
    %get3A_9 = vector.load %arg4[%get3A_6, %get3A_7, %get3A_8] : memref<1x1x128xf32, #tpu.memory_space<vmem>>, vector<1x1x128xf32>
    %get3A_10 = vector.shape_cast %get3A_9 : vector<1x1x128xf32> to vector<128xf32>
    %broadcast_in_dim3A = vector.shape_cast %get3A_10 : vector<128xf32> to vector<1x128xf32>
    %add3A = vector.broadcast %broadcast_in_dim3A : vector<1x128xf32> to vector<512x128xf32>
    %add3A_11 = arith.addf %dot_general3A_5, %add3A : vector<512x128xf32>
    %max3A = arith.constant 0.000000e+00 : f32
    %max3A_12 = vector.broadcast %max3A : f32 to vector<512x128xf32>
    %max3A_13 = arith.maximumf %add3A_11, %max3A_12 : vector<512x128xf32>
    %get3A_14 = arith.constant 0 : index
    %get3A_15 = arith.constant 0 : index
    %get3A_16 = vector.load %arg3[%get3A_14, %get3A_15] : memref<128x8xf32, #tpu.memory_space<vmem>>, vector<128x8xf32>
    %dot_general3A_17 = arith.constant dense<0.000000e+00> : vector<512x8xf32>
    %dot_general3A_18 = tpu.matmul %max3A_13, %get3A_16, %dot_general3A_17 {dimension_numbers = #tpu.dot_dimension_numbers<[1], [0], [0], [1], [0, 0, 1, 1], [], []>, transpose_lhs_hint = false} : vector<512x128xf32>, vector<128x8xf32>, vector<512x8xf32> -> vector<512x8xf32>
    %get3A_19 = arith.constant 0 : index
    %get3A_20 = arith.constant 0 : index
    %get3A_21 = arith.constant 0 : index
    %get3A_22 = vector.load %arg5[%get3A_19, %get3A_20, %get3A_21] : memref<1x1x8xf32, #tpu.memory_space<vmem>>, vector<1x1x8xf32>
    %get3A_23 = vector.shape_cast %get3A_22 : vector<1x1x8xf32> to vector<8xf32>
    %broadcast_in_dim3A_24 = vector.shape_cast %get3A_23 : vector<8xf32> to vector<1x8xf32>
    %add3A_25 = vector.broadcast %broadcast_in_dim3A_24 : vector<1x8xf32> to vector<512x8xf32>
    %add3A_26 = arith.addf %dot_general3A_18, %add3A_25 : vector<512x8xf32>
    %reduce_max3A = arith.constant dense<0xFF800000> : vector<512xf32>
    %reduce_max3A_27 = vector.multi_reduction <maximumf>, %add3A_26, %reduce_max3A [1] : vector<512x8xf32> to vector<512xf32>
    %broadcast_in_dim3A_28 = vector.shape_cast %reduce_max3A_27 : vector<512xf32> to vector<512x1xf32>
    %sub3A = vector.broadcast %broadcast_in_dim3A_28 : vector<512x1xf32> to vector<512x8xf32>
    %sub3A_29 = arith.subf %add3A_26, %sub3A : vector<512x8xf32>
    %exp3A = math.exp %sub3A_29 : vector<512x8xf32>
    %reduce_sum3A = arith.constant dense<0.000000e+00> : vector<512xf32>
    %reduce_sum3A_30 = vector.multi_reduction <add>, %exp3A, %reduce_sum3A [1] : vector<512x8xf32> to vector<512xf32>
    %broadcast_in_dim3A_31 = vector.shape_cast %reduce_sum3A_30 : vector<512xf32> to vector<512x1xf32>
    %div3A = arith.constant 1.000000e+00 : f32
    %div3A_32 = vector.broadcast %div3A : f32 to vector<512x1xf32>
    %div3A_33 = arith.divf %div3A_32, %broadcast_in_dim3A_31 : vector<512x1xf32>
    %iota3A = tpu.iota {dimensions = array<i32: 1>} : vector<512x8xi32>
    %eq3A = vector.broadcast %broadcast_in_dim3A_28 : vector<512x1xf32> to vector<512x8xf32>
    %eq3A_34 = arith.cmpf oeq, %add3A_26, %eq3A : vector<512x8xf32>
    %jit3A = arith.constant 8 : i32
    %broadcast_in_dim3A_35 = vector.broadcast %jit3A : i32 to vector<512x8xi32>
    %select_n3A = arith.select %eq3A_34, %iota3A, %broadcast_in_dim3A_35 : vector<512x8xi1>, vector<512x8xi32>
    %reduce_min3A = arith.constant dense<2147483647> : vector<512xi32>
    %reduce_min3A_36 = vector.multi_reduction <minsi>, %select_n3A, %reduce_min3A [1] : vector<512x8xi32> to vector<512xi32>
    %broadcast_in_dim3A_37 = vector.shape_cast %reduce_min3A_36 : vector<512xi32> to vector<512x1xi32>
    %swap3A = arith.constant 0 : index
    %swap3A_38 = arith.constant 0 : index
    %swap3A_39 = vector.load %arg6[%swap3A, %swap3A_38] : memref<512x1xi32, #tpu.memory_space<vmem>>, vector<512x1xi32>
    tpu.vector_store %arg6[%swap3A, %swap3A_38], %broadcast_in_dim3A_37 {strides = array<i32>} : memref<512x1xi32, #tpu.memory_space<vmem>>, vector<512x1xi32>,
    %swap3A_40 = arith.constant 0 : index
    %swap3A_41 = arith.constant 0 : index
    %swap3A_42 = vector.load %arg7[%swap3A_40, %swap3A_41] : memref<512x1xf32, #tpu.memory_space<vmem>>, vector<512x1xf32>
    tpu.vector_store %arg7[%swap3A_40, %swap3A_41], %div3A_33 {strides = array<i32>} : memref<512x1xf32, #tpu.memory_space<vmem>>, vector<512x1xf32>,
    return
  }
  func.func @transform_0(%arg0: i32) -> (i32, i32) {
    %c0_i32 = arith.constant 0 : i32
    %c0_i32_0 = arith.constant 0 : i32
    return %arg0, %c0_i32 : i32, i32
  }
  func.func @transform_1(%arg0: i32) -> (i32, i32) {
    %c0_i32 = arith.constant 0 : i32
    %c0_i32_0 = arith.constant 0 : i32
    %c0_i32_1 = arith.constant 0 : i32
    return %c0_i32, %c0_i32_0 : i32, i32
  }
  func.func @transform_2(%arg0: i32) -> (i32, i32) {
    %c0_i32 = arith.constant 0 : i32
    %c0_i32_0 = arith.constant 0 : i32
    %c0_i32_1 = arith.constant 0 : i32
    return %c0_i32, %c0_i32_0 : i32, i32
  }
  func.func @transform_3(%arg0: i32) -> (i32, i32, i32) {
    %c0_i32 = arith.constant 0 : i32
    %c0_i32_0 = arith.constant 0 : i32
    %c0_i32_1 = arith.constant 0 : i32
    %c0_i32_2 = arith.constant 0 : i32
    return %c0_i32, %c0_i32_0, %c0_i32_1 : i32, i32, i32
  }
  func.func @transform_4(%arg0: i32) -> (i32, i32, i32) {
    %c0_i32 = arith.constant 0 : i32
    %c0_i32_0 = arith.constant 0 : i32
    %c0_i32_1 = arith.constant 0 : i32
    %c0_i32_2 = arith.constant 0 : i32
    return %c0_i32, %c0_i32_0, %c0_i32_1 : i32, i32, i32
  }
  func.func @transform_5(%arg0: i32) -> (i32, i32) {
    %c0_i32 = arith.constant 0 : i32
    %c0_i32_0 = arith.constant 0 : i32
    return %arg0, %c0_i32 : i32, i32
  }
  func.func @transform_6(%arg0: i32) -> (i32, i32) {
    %c0_i32 = arith.constant 0 : i32
    %c0_i32_0 = arith.constant 0 : i32
    return %arg0, %c0_i32 : i32, i32
  }
}

module attributes {stable_mosaic.version = 14 : i64} {
  func.func @_dispatch_body(%arg0: memref<64x128xi32, #tpu.memory_space<vmem>>, %arg1: memref<128x128xf32, #tpu.memory_space<vmem>>, %arg2: memref<64x64xf32, #tpu.memory_space<vmem>>, %arg3: memref<64x128xi32, #tpu.memory_space<vmem>>, %arg4: memref<1x128xi32, #tpu.memory_space<vmem>>) attributes {dimension_semantics = [], scalar_prefetch = 0 : i64, scratch_operands = 0 : i64, tpu.core_type = #tpu.core_type<tc>} {
    %get3A = arith.constant 0 : index
    %get3A_0 = arith.constant 0 : index
    %get3A_1 = vector.load %arg0[%get3A, %get3A_0] : memref<64x128xi32, #tpu.memory_space<vmem>>, vector<64x128xi32>
    %get3A_2 = arith.constant 0 : index
    %get3A_3 = arith.constant 0 : index
    %get3A_4 = vector.load %arg1[%get3A_2, %get3A_3] : memref<128x128xf32, #tpu.memory_space<vmem>>, vector<128x128xf32>
    %get3A_5 = arith.constant 0 : index
    %get3A_6 = arith.constant 0 : index
    %get3A_7 = vector.load %arg2[%get3A_5, %get3A_6] : memref<64x64xf32, #tpu.memory_space<vmem>>, vector<64x64xf32>
    %broadcast_in_dim3A = arith.constant 0.000000e+00 : f32
    %broadcast_in_dim3A_8 = vector.broadcast %broadcast_in_dim3A : f32 to vector<64x128xf32>
    %broadcast_in_dim3A_9 = arith.constant 0.000000e+00 : f32
    %broadcast_in_dim3A_10 = vector.broadcast %broadcast_in_dim3A_9 : f32 to vector<1x128xf32>
    %iota3A = tpu.iota {dimensions = array<i32: 1>} : vector<1x128xi32>
    %mul3A = arith.constant 512 : i32
    %mul3A_11 = vector.broadcast %mul3A : i32 to vector<1x128xi32>
    %mul3A_12 = arith.muli %iota3A, %mul3A_11 : vector<1x128xi32>
    %convert_element_type3A = arith.sitofp %mul3A_12 : vector<1x128xi32> to vector<1x128xf32>
    %eq3A = arith.constant 0 : i32
    %eq3A_13 = vector.broadcast %eq3A : i32 to vector<64x128xi32>
    %eq3A_14 = arith.cmpi eq, %get3A_1, %eq3A_13 : vector<64x128xi32>
    %convert_element_type3A_15 = arith.extui %eq3A_14 : vector<64x128xi1> to vector<64x128xi32>
    %convert_element_type3A_16 = arith.sitofp %convert_element_type3A_15 : vector<64x128xi32> to vector<64x128xf32>
    %dot_general3A = arith.constant dense<0.000000e+00> : vector<64x128xf32>
    %dot_general3A_17 = tpu.matmul %convert_element_type3A_16, %get3A_4, %dot_general3A {dimension_numbers = #tpu.dot_dimension_numbers<[1], [0], [0], [1], [0, 0, 1, 1], [], []>, transpose_lhs_hint = false} : vector<64x128xf32>, vector<128x128xf32>, vector<64x128xf32> -> vector<64x128xf32>
    %reduce_sum3A = arith.constant dense<0.000000e+00> : vector<64xf32>
    %reduce_sum3A_18 = vector.multi_reduction <add>, %convert_element_type3A_16, %reduce_sum3A [1] : vector<64x128xf32> to vector<64xf32>
    %broadcast_in_dim3A_19 = vector.shape_cast %reduce_sum3A_18 : vector<64xf32> to vector<64x1xf32>
    %dot_general3A_20 = arith.constant dense<0.000000e+00> : vector<64x1xf32>
    %dot_general3A_21 = tpu.matmul %get3A_7, %broadcast_in_dim3A_19, %dot_general3A_20 {dimension_numbers = #tpu.dot_dimension_numbers<[1], [0], [0], [1], [0, 0, 1, 1], [], []>, transpose_lhs_hint = false} : vector<64x64xf32>, vector<64x1xf32>, vector<64x1xf32> -> vector<64x1xf32>
    %reduce_sum3A_22 = vector.shape_cast %broadcast_in_dim3A_19 : vector<64x1xf32> to vector<1x64x1xf32>
    %reduce_sum3A_23 = arith.constant dense<0.000000e+00> : vector<1xf32>
    %reduce_sum3A_24 = vector.multi_reduction <add>, %reduce_sum3A_22, %reduce_sum3A_23 [1, 2] : vector<1x64x1xf32> to vector<1xf32>
    %reduce_sum3A_25 = vector.shape_cast %reduce_sum3A_24 : vector<1xf32> to vector<1x1x1xf32>
    %reduce_sum3A_26 = vector.extract %reduce_sum3A_25[0, 0, 0] : f32 from vector<1x1x1xf32>
    %div3A = arith.constant 5.120000e+02 : f32
    %div3A_27 = arith.divf %reduce_sum3A_26, %div3A : f32
    %ceil3A = math.ceil %div3A_27 : f32
    %mul3A_28 = arith.constant 5.120000e+02 : f32
    %mul3A_29 = arith.mulf %ceil3A, %mul3A_28 : f32
    %add3A = arith.constant 0.000000e+00 : f32
    %add3A_30 = vector.broadcast %add3A : f32 to vector<64x1xf32>
    %add3A_31 = arith.addf %add3A_30, %dot_general3A_21 : vector<64x1xf32>
    %add3A_32 = vector.broadcast %add3A_31 : vector<64x1xf32> to vector<64x128xf32>
    %add3A_33 = arith.addf %add3A_32, %dot_general3A_17 : vector<64x128xf32>
    %mul3A_34 = arith.mulf %convert_element_type3A_16, %add3A_33 : vector<64x128xf32>
    %add3A_35 = arith.addf %broadcast_in_dim3A_8, %mul3A_34 : vector<64x128xf32>
    %add3A_36 = arith.constant 0.000000e+00 : f32
    %add3A_37 = arith.addf %add3A_36, %mul3A_29 : f32
    %ge3A = vector.broadcast %add3A_37 : f32 to vector<1x128xf32>
    %ge3A_38 = arith.cmpf oge, %convert_element_type3A, %ge3A : vector<1x128xf32>
    %convert_element_type3A_39 = arith.extui %ge3A_38 : vector<1x128xi1> to vector<1x128xi32>
    %convert_element_type3A_40 = arith.sitofp %convert_element_type3A_39 : vector<1x128xi32> to vector<1x128xf32>
    %add3A_41 = arith.addf %broadcast_in_dim3A_10, %convert_element_type3A_40 : vector<1x128xf32>
    %eq3A_42 = arith.constant 1 : i32
    %eq3A_43 = vector.broadcast %eq3A_42 : i32 to vector<64x128xi32>
    %eq3A_44 = arith.cmpi eq, %get3A_1, %eq3A_43 : vector<64x128xi32>
    %convert_element_type3A_45 = arith.extui %eq3A_44 : vector<64x128xi1> to vector<64x128xi32>
    %convert_element_type3A_46 = arith.sitofp %convert_element_type3A_45 : vector<64x128xi32> to vector<64x128xf32>
    %dot_general3A_47 = arith.constant dense<0.000000e+00> : vector<64x128xf32>
    %dot_general3A_48 = tpu.matmul %convert_element_type3A_46, %get3A_4, %dot_general3A_47 {dimension_numbers = #tpu.dot_dimension_numbers<[1], [0], [0], [1], [0, 0, 1, 1], [], []>, transpose_lhs_hint = false} : vector<64x128xf32>, vector<128x128xf32>, vector<64x128xf32> -> vector<64x128xf32>
    %reduce_sum3A_49 = arith.constant dense<0.000000e+00> : vector<64xf32>
    %reduce_sum3A_50 = vector.multi_reduction <add>, %convert_element_type3A_46, %reduce_sum3A_49 [1] : vector<64x128xf32> to vector<64xf32>
    %broadcast_in_dim3A_51 = vector.shape_cast %reduce_sum3A_50 : vector<64xf32> to vector<64x1xf32>
    %dot_general3A_52 = arith.constant dense<0.000000e+00> : vector<64x1xf32>
    %dot_general3A_53 = tpu.matmul %get3A_7, %broadcast_in_dim3A_51, %dot_general3A_52 {dimension_numbers = #tpu.dot_dimension_numbers<[1], [0], [0], [1], [0, 0, 1, 1], [], []>, transpose_lhs_hint = false} : vector<64x64xf32>, vector<64x1xf32>, vector<64x1xf32> -> vector<64x1xf32>
    %reduce_sum3A_54 = vector.shape_cast %broadcast_in_dim3A_51 : vector<64x1xf32> to vector<1x64x1xf32>
    %reduce_sum3A_55 = arith.constant dense<0.000000e+00> : vector<1xf32>
    %reduce_sum3A_56 = vector.multi_reduction <add>, %reduce_sum3A_54, %reduce_sum3A_55 [1, 2] : vector<1x64x1xf32> to vector<1xf32>
    %reduce_sum3A_57 = vector.shape_cast %reduce_sum3A_56 : vector<1xf32> to vector<1x1x1xf32>
    %reduce_sum3A_58 = vector.extract %reduce_sum3A_57[0, 0, 0] : f32 from vector<1x1x1xf32>
    %div3A_59 = arith.constant 5.120000e+02 : f32
    %div3A_60 = arith.divf %reduce_sum3A_58, %div3A_59 : f32
    %ceil3A_61 = math.ceil %div3A_60 : f32
    %mul3A_62 = arith.constant 5.120000e+02 : f32
    %mul3A_63 = arith.mulf %ceil3A_61, %mul3A_62 : f32
    %add3A_64 = vector.broadcast %add3A_37 : f32 to vector<64x1xf32>
    %add3A_65 = arith.addf %add3A_64, %dot_general3A_53 : vector<64x1xf32>
    %add3A_66 = vector.broadcast %add3A_65 : vector<64x1xf32> to vector<64x128xf32>
    %add3A_67 = arith.addf %add3A_66, %dot_general3A_48 : vector<64x128xf32>
    %mul3A_68 = arith.mulf %convert_element_type3A_46, %add3A_67 : vector<64x128xf32>
    %add3A_69 = arith.addf %add3A_35, %mul3A_68 : vector<64x128xf32>
    %add3A_70 = arith.addf %add3A_37, %mul3A_63 : f32
    %ge3A_71 = vector.broadcast %add3A_70 : f32 to vector<1x128xf32>
    %ge3A_72 = arith.cmpf oge, %convert_element_type3A, %ge3A_71 : vector<1x128xf32>
    %convert_element_type3A_73 = arith.extui %ge3A_72 : vector<1x128xi1> to vector<1x128xi32>
    %convert_element_type3A_74 = arith.sitofp %convert_element_type3A_73 : vector<1x128xi32> to vector<1x128xf32>
    %add3A_75 = arith.addf %add3A_41, %convert_element_type3A_74 : vector<1x128xf32>
    %eq3A_76 = arith.constant 2 : i32
    %eq3A_77 = vector.broadcast %eq3A_76 : i32 to vector<64x128xi32>
    %eq3A_78 = arith.cmpi eq, %get3A_1, %eq3A_77 : vector<64x128xi32>
    %convert_element_type3A_79 = arith.extui %eq3A_78 : vector<64x128xi1> to vector<64x128xi32>
    %convert_element_type3A_80 = arith.sitofp %convert_element_type3A_79 : vector<64x128xi32> to vector<64x128xf32>
    %dot_general3A_81 = arith.constant dense<0.000000e+00> : vector<64x128xf32>
    %dot_general3A_82 = tpu.matmul %convert_element_type3A_80, %get3A_4, %dot_general3A_81 {dimension_numbers = #tpu.dot_dimension_numbers<[1], [0], [0], [1], [0, 0, 1, 1], [], []>, transpose_lhs_hint = false} : vector<64x128xf32>, vector<128x128xf32>, vector<64x128xf32> -> vector<64x128xf32>
    %reduce_sum3A_83 = arith.constant dense<0.000000e+00> : vector<64xf32>
    %reduce_sum3A_84 = vector.multi_reduction <add>, %convert_element_type3A_80, %reduce_sum3A_83 [1] : vector<64x128xf32> to vector<64xf32>
    %broadcast_in_dim3A_85 = vector.shape_cast %reduce_sum3A_84 : vector<64xf32> to vector<64x1xf32>
    %dot_general3A_86 = arith.constant dense<0.000000e+00> : vector<64x1xf32>
    %dot_general3A_87 = tpu.matmul %get3A_7, %broadcast_in_dim3A_85, %dot_general3A_86 {dimension_numbers = #tpu.dot_dimension_numbers<[1], [0], [0], [1], [0, 0, 1, 1], [], []>, transpose_lhs_hint = false} : vector<64x64xf32>, vector<64x1xf32>, vector<64x1xf32> -> vector<64x1xf32>
    %reduce_sum3A_88 = vector.shape_cast %broadcast_in_dim3A_85 : vector<64x1xf32> to vector<1x64x1xf32>
    %reduce_sum3A_89 = arith.constant dense<0.000000e+00> : vector<1xf32>
    %reduce_sum3A_90 = vector.multi_reduction <add>, %reduce_sum3A_88, %reduce_sum3A_89 [1, 2] : vector<1x64x1xf32> to vector<1xf32>
    %reduce_sum3A_91 = vector.shape_cast %reduce_sum3A_90 : vector<1xf32> to vector<1x1x1xf32>
    %reduce_sum3A_92 = vector.extract %reduce_sum3A_91[0, 0, 0] : f32 from vector<1x1x1xf32>
    %div3A_93 = arith.constant 5.120000e+02 : f32
    %div3A_94 = arith.divf %reduce_sum3A_92, %div3A_93 : f32
    %ceil3A_95 = math.ceil %div3A_94 : f32
    %mul3A_96 = arith.constant 5.120000e+02 : f32
    %mul3A_97 = arith.mulf %ceil3A_95, %mul3A_96 : f32
    %add3A_98 = vector.broadcast %add3A_70 : f32 to vector<64x1xf32>
    %add3A_99 = arith.addf %add3A_98, %dot_general3A_87 : vector<64x1xf32>
    %add3A_100 = vector.broadcast %add3A_99 : vector<64x1xf32> to vector<64x128xf32>
    %add3A_101 = arith.addf %add3A_100, %dot_general3A_82 : vector<64x128xf32>
    %mul3A_102 = arith.mulf %convert_element_type3A_80, %add3A_101 : vector<64x128xf32>
    %add3A_103 = arith.addf %add3A_69, %mul3A_102 : vector<64x128xf32>
    %add3A_104 = arith.addf %add3A_70, %mul3A_97 : f32
    %ge3A_105 = vector.broadcast %add3A_104 : f32 to vector<1x128xf32>
    %ge3A_106 = arith.cmpf oge, %convert_element_type3A, %ge3A_105 : vector<1x128xf32>
    %convert_element_type3A_107 = arith.extui %ge3A_106 : vector<1x128xi1> to vector<1x128xi32>
    %convert_element_type3A_108 = arith.sitofp %convert_element_type3A_107 : vector<1x128xi32> to vector<1x128xf32>
    %add3A_109 = arith.addf %add3A_75, %convert_element_type3A_108 : vector<1x128xf32>
    %eq3A_110 = arith.constant 3 : i32
    %eq3A_111 = vector.broadcast %eq3A_110 : i32 to vector<64x128xi32>
    %eq3A_112 = arith.cmpi eq, %get3A_1, %eq3A_111 : vector<64x128xi32>
    %convert_element_type3A_113 = arith.extui %eq3A_112 : vector<64x128xi1> to vector<64x128xi32>
    %convert_element_type3A_114 = arith.sitofp %convert_element_type3A_113 : vector<64x128xi32> to vector<64x128xf32>
    %dot_general3A_115 = arith.constant dense<0.000000e+00> : vector<64x128xf32>
    %dot_general3A_116 = tpu.matmul %convert_element_type3A_114, %get3A_4, %dot_general3A_115 {dimension_numbers = #tpu.dot_dimension_numbers<[1], [0], [0], [1], [0, 0, 1, 1], [], []>, transpose_lhs_hint = false} : vector<64x128xf32>, vector<128x128xf32>, vector<64x128xf32> -> vector<64x128xf32>
    %reduce_sum3A_117 = arith.constant dense<0.000000e+00> : vector<64xf32>
    %reduce_sum3A_118 = vector.multi_reduction <add>, %convert_element_type3A_114, %reduce_sum3A_117 [1] : vector<64x128xf32> to vector<64xf32>
    %broadcast_in_dim3A_119 = vector.shape_cast %reduce_sum3A_118 : vector<64xf32> to vector<64x1xf32>
    %dot_general3A_120 = arith.constant dense<0.000000e+00> : vector<64x1xf32>
    %dot_general3A_121 = tpu.matmul %get3A_7, %broadcast_in_dim3A_119, %dot_general3A_120 {dimension_numbers = #tpu.dot_dimension_numbers<[1], [0], [0], [1], [0, 0, 1, 1], [], []>, transpose_lhs_hint = false} : vector<64x64xf32>, vector<64x1xf32>, vector<64x1xf32> -> vector<64x1xf32>
    %reduce_sum3A_122 = vector.shape_cast %broadcast_in_dim3A_119 : vector<64x1xf32> to vector<1x64x1xf32>
    %reduce_sum3A_123 = arith.constant dense<0.000000e+00> : vector<1xf32>
    %reduce_sum3A_124 = vector.multi_reduction <add>, %reduce_sum3A_122, %reduce_sum3A_123 [1, 2] : vector<1x64x1xf32> to vector<1xf32>
    %reduce_sum3A_125 = vector.shape_cast %reduce_sum3A_124 : vector<1xf32> to vector<1x1x1xf32>
    %reduce_sum3A_126 = vector.extract %reduce_sum3A_125[0, 0, 0] : f32 from vector<1x1x1xf32>
    %div3A_127 = arith.constant 5.120000e+02 : f32
    %div3A_128 = arith.divf %reduce_sum3A_126, %div3A_127 : f32
    %ceil3A_129 = math.ceil %div3A_128 : f32
    %mul3A_130 = arith.constant 5.120000e+02 : f32
    %mul3A_131 = arith.mulf %ceil3A_129, %mul3A_130 : f32
    %add3A_132 = vector.broadcast %add3A_104 : f32 to vector<64x1xf32>
    %add3A_133 = arith.addf %add3A_132, %dot_general3A_121 : vector<64x1xf32>
    %add3A_134 = vector.broadcast %add3A_133 : vector<64x1xf32> to vector<64x128xf32>
    %add3A_135 = arith.addf %add3A_134, %dot_general3A_116 : vector<64x128xf32>
    %mul3A_136 = arith.mulf %convert_element_type3A_114, %add3A_135 : vector<64x128xf32>
    %add3A_137 = arith.addf %add3A_103, %mul3A_136 : vector<64x128xf32>
    %add3A_138 = arith.addf %add3A_104, %mul3A_131 : f32
    %ge3A_139 = vector.broadcast %add3A_138 : f32 to vector<1x128xf32>
    %ge3A_140 = arith.cmpf oge, %convert_element_type3A, %ge3A_139 : vector<1x128xf32>
    %convert_element_type3A_141 = arith.extui %ge3A_140 : vector<1x128xi1> to vector<1x128xi32>
    %convert_element_type3A_142 = arith.sitofp %convert_element_type3A_141 : vector<1x128xi32> to vector<1x128xf32>
    %add3A_143 = arith.addf %add3A_109, %convert_element_type3A_142 : vector<1x128xf32>
    %eq3A_144 = arith.constant 4 : i32
    %eq3A_145 = vector.broadcast %eq3A_144 : i32 to vector<64x128xi32>
    %eq3A_146 = arith.cmpi eq, %get3A_1, %eq3A_145 : vector<64x128xi32>
    %convert_element_type3A_147 = arith.extui %eq3A_146 : vector<64x128xi1> to vector<64x128xi32>
    %convert_element_type3A_148 = arith.sitofp %convert_element_type3A_147 : vector<64x128xi32> to vector<64x128xf32>
    %dot_general3A_149 = arith.constant dense<0.000000e+00> : vector<64x128xf32>
    %dot_general3A_150 = tpu.matmul %convert_element_type3A_148, %get3A_4, %dot_general3A_149 {dimension_numbers = #tpu.dot_dimension_numbers<[1], [0], [0], [1], [0, 0, 1, 1], [], []>, transpose_lhs_hint = false} : vector<64x128xf32>, vector<128x128xf32>, vector<64x128xf32> -> vector<64x128xf32>
    %reduce_sum3A_151 = arith.constant dense<0.000000e+00> : vector<64xf32>
    %reduce_sum3A_152 = vector.multi_reduction <add>, %convert_element_type3A_148, %reduce_sum3A_151 [1] : vector<64x128xf32> to vector<64xf32>
    %broadcast_in_dim3A_153 = vector.shape_cast %reduce_sum3A_152 : vector<64xf32> to vector<64x1xf32>
    %dot_general3A_154 = arith.constant dense<0.000000e+00> : vector<64x1xf32>
    %dot_general3A_155 = tpu.matmul %get3A_7, %broadcast_in_dim3A_153, %dot_general3A_154 {dimension_numbers = #tpu.dot_dimension_numbers<[1], [0], [0], [1], [0, 0, 1, 1], [], []>, transpose_lhs_hint = false} : vector<64x64xf32>, vector<64x1xf32>, vector<64x1xf32> -> vector<64x1xf32>
    %reduce_sum3A_156 = vector.shape_cast %broadcast_in_dim3A_153 : vector<64x1xf32> to vector<1x64x1xf32>
    %reduce_sum3A_157 = arith.constant dense<0.000000e+00> : vector<1xf32>
    %reduce_sum3A_158 = vector.multi_reduction <add>, %reduce_sum3A_156, %reduce_sum3A_157 [1, 2] : vector<1x64x1xf32> to vector<1xf32>
    %reduce_sum3A_159 = vector.shape_cast %reduce_sum3A_158 : vector<1xf32> to vector<1x1x1xf32>
    %reduce_sum3A_160 = vector.extract %reduce_sum3A_159[0, 0, 0] : f32 from vector<1x1x1xf32>
    %div3A_161 = arith.constant 5.120000e+02 : f32
    %div3A_162 = arith.divf %reduce_sum3A_160, %div3A_161 : f32
    %ceil3A_163 = math.ceil %div3A_162 : f32
    %mul3A_164 = arith.constant 5.120000e+02 : f32
    %mul3A_165 = arith.mulf %ceil3A_163, %mul3A_164 : f32
    %add3A_166 = vector.broadcast %add3A_138 : f32 to vector<64x1xf32>
    %add3A_167 = arith.addf %add3A_166, %dot_general3A_155 : vector<64x1xf32>
    %add3A_168 = vector.broadcast %add3A_167 : vector<64x1xf32> to vector<64x128xf32>
    %add3A_169 = arith.addf %add3A_168, %dot_general3A_150 : vector<64x128xf32>
    %mul3A_170 = arith.mulf %convert_element_type3A_148, %add3A_169 : vector<64x128xf32>
    %add3A_171 = arith.addf %add3A_137, %mul3A_170 : vector<64x128xf32>
    %add3A_172 = arith.addf %add3A_138, %mul3A_165 : f32
    %ge3A_173 = vector.broadcast %add3A_172 : f32 to vector<1x128xf32>
    %ge3A_174 = arith.cmpf oge, %convert_element_type3A, %ge3A_173 : vector<1x128xf32>
    %convert_element_type3A_175 = arith.extui %ge3A_174 : vector<1x128xi1> to vector<1x128xi32>
    %convert_element_type3A_176 = arith.sitofp %convert_element_type3A_175 : vector<1x128xi32> to vector<1x128xf32>
    %add3A_177 = arith.addf %add3A_143, %convert_element_type3A_176 : vector<1x128xf32>
    %eq3A_178 = arith.constant 5 : i32
    %eq3A_179 = vector.broadcast %eq3A_178 : i32 to vector<64x128xi32>
    %eq3A_180 = arith.cmpi eq, %get3A_1, %eq3A_179 : vector<64x128xi32>
    %convert_element_type3A_181 = arith.extui %eq3A_180 : vector<64x128xi1> to vector<64x128xi32>
    %convert_element_type3A_182 = arith.sitofp %convert_element_type3A_181 : vector<64x128xi32> to vector<64x128xf32>
    %dot_general3A_183 = arith.constant dense<0.000000e+00> : vector<64x128xf32>
    %dot_general3A_184 = tpu.matmul %convert_element_type3A_182, %get3A_4, %dot_general3A_183 {dimension_numbers = #tpu.dot_dimension_numbers<[1], [0], [0], [1], [0, 0, 1, 1], [], []>, transpose_lhs_hint = false} : vector<64x128xf32>, vector<128x128xf32>, vector<64x128xf32> -> vector<64x128xf32>
    %reduce_sum3A_185 = arith.constant dense<0.000000e+00> : vector<64xf32>
    %reduce_sum3A_186 = vector.multi_reduction <add>, %convert_element_type3A_182, %reduce_sum3A_185 [1] : vector<64x128xf32> to vector<64xf32>
    %broadcast_in_dim3A_187 = vector.shape_cast %reduce_sum3A_186 : vector<64xf32> to vector<64x1xf32>
    %dot_general3A_188 = arith.constant dense<0.000000e+00> : vector<64x1xf32>
    %dot_general3A_189 = tpu.matmul %get3A_7, %broadcast_in_dim3A_187, %dot_general3A_188 {dimension_numbers = #tpu.dot_dimension_numbers<[1], [0], [0], [1], [0, 0, 1, 1], [], []>, transpose_lhs_hint = false} : vector<64x64xf32>, vector<64x1xf32>, vector<64x1xf32> -> vector<64x1xf32>
    %reduce_sum3A_190 = vector.shape_cast %broadcast_in_dim3A_187 : vector<64x1xf32> to vector<1x64x1xf32>
    %reduce_sum3A_191 = arith.constant dense<0.000000e+00> : vector<1xf32>
    %reduce_sum3A_192 = vector.multi_reduction <add>, %reduce_sum3A_190, %reduce_sum3A_191 [1, 2] : vector<1x64x1xf32> to vector<1xf32>
    %reduce_sum3A_193 = vector.shape_cast %reduce_sum3A_192 : vector<1xf32> to vector<1x1x1xf32>
    %reduce_sum3A_194 = vector.extract %reduce_sum3A_193[0, 0, 0] : f32 from vector<1x1x1xf32>
    %div3A_195 = arith.constant 5.120000e+02 : f32
    %div3A_196 = arith.divf %reduce_sum3A_194, %div3A_195 : f32
    %ceil3A_197 = math.ceil %div3A_196 : f32
    %mul3A_198 = arith.constant 5.120000e+02 : f32
    %mul3A_199 = arith.mulf %ceil3A_197, %mul3A_198 : f32
    %add3A_200 = vector.broadcast %add3A_172 : f32 to vector<64x1xf32>
    %add3A_201 = arith.addf %add3A_200, %dot_general3A_189 : vector<64x1xf32>
    %add3A_202 = vector.broadcast %add3A_201 : vector<64x1xf32> to vector<64x128xf32>
    %add3A_203 = arith.addf %add3A_202, %dot_general3A_184 : vector<64x128xf32>
    %mul3A_204 = arith.mulf %convert_element_type3A_182, %add3A_203 : vector<64x128xf32>
    %add3A_205 = arith.addf %add3A_171, %mul3A_204 : vector<64x128xf32>
    %add3A_206 = arith.addf %add3A_172, %mul3A_199 : f32
    %ge3A_207 = vector.broadcast %add3A_206 : f32 to vector<1x128xf32>
    %ge3A_208 = arith.cmpf oge, %convert_element_type3A, %ge3A_207 : vector<1x128xf32>
    %convert_element_type3A_209 = arith.extui %ge3A_208 : vector<1x128xi1> to vector<1x128xi32>
    %convert_element_type3A_210 = arith.sitofp %convert_element_type3A_209 : vector<1x128xi32> to vector<1x128xf32>
    %add3A_211 = arith.addf %add3A_177, %convert_element_type3A_210 : vector<1x128xf32>
    %eq3A_212 = arith.constant 6 : i32
    %eq3A_213 = vector.broadcast %eq3A_212 : i32 to vector<64x128xi32>
    %eq3A_214 = arith.cmpi eq, %get3A_1, %eq3A_213 : vector<64x128xi32>
    %convert_element_type3A_215 = arith.extui %eq3A_214 : vector<64x128xi1> to vector<64x128xi32>
    %convert_element_type3A_216 = arith.sitofp %convert_element_type3A_215 : vector<64x128xi32> to vector<64x128xf32>
    %dot_general3A_217 = arith.constant dense<0.000000e+00> : vector<64x128xf32>
    %dot_general3A_218 = tpu.matmul %convert_element_type3A_216, %get3A_4, %dot_general3A_217 {dimension_numbers = #tpu.dot_dimension_numbers<[1], [0], [0], [1], [0, 0, 1, 1], [], []>, transpose_lhs_hint = false} : vector<64x128xf32>, vector<128x128xf32>, vector<64x128xf32> -> vector<64x128xf32>
    %reduce_sum3A_219 = arith.constant dense<0.000000e+00> : vector<64xf32>
    %reduce_sum3A_220 = vector.multi_reduction <add>, %convert_element_type3A_216, %reduce_sum3A_219 [1] : vector<64x128xf32> to vector<64xf32>
    %broadcast_in_dim3A_221 = vector.shape_cast %reduce_sum3A_220 : vector<64xf32> to vector<64x1xf32>
    %dot_general3A_222 = arith.constant dense<0.000000e+00> : vector<64x1xf32>
    %dot_general3A_223 = tpu.matmul %get3A_7, %broadcast_in_dim3A_221, %dot_general3A_222 {dimension_numbers = #tpu.dot_dimension_numbers<[1], [0], [0], [1], [0, 0, 1, 1], [], []>, transpose_lhs_hint = false} : vector<64x64xf32>, vector<64x1xf32>, vector<64x1xf32> -> vector<64x1xf32>
    %reduce_sum3A_224 = vector.shape_cast %broadcast_in_dim3A_221 : vector<64x1xf32> to vector<1x64x1xf32>
    %reduce_sum3A_225 = arith.constant dense<0.000000e+00> : vector<1xf32>
    %reduce_sum3A_226 = vector.multi_reduction <add>, %reduce_sum3A_224, %reduce_sum3A_225 [1, 2] : vector<1x64x1xf32> to vector<1xf32>
    %reduce_sum3A_227 = vector.shape_cast %reduce_sum3A_226 : vector<1xf32> to vector<1x1x1xf32>
    %reduce_sum3A_228 = vector.extract %reduce_sum3A_227[0, 0, 0] : f32 from vector<1x1x1xf32>
    %div3A_229 = arith.constant 5.120000e+02 : f32
    %div3A_230 = arith.divf %reduce_sum3A_228, %div3A_229 : f32
    %ceil3A_231 = math.ceil %div3A_230 : f32
    %mul3A_232 = arith.constant 5.120000e+02 : f32
    %mul3A_233 = arith.mulf %ceil3A_231, %mul3A_232 : f32
    %add3A_234 = vector.broadcast %add3A_206 : f32 to vector<64x1xf32>
    %add3A_235 = arith.addf %add3A_234, %dot_general3A_223 : vector<64x1xf32>
    %add3A_236 = vector.broadcast %add3A_235 : vector<64x1xf32> to vector<64x128xf32>
    %add3A_237 = arith.addf %add3A_236, %dot_general3A_218 : vector<64x128xf32>
    %mul3A_238 = arith.mulf %convert_element_type3A_216, %add3A_237 : vector<64x128xf32>
    %add3A_239 = arith.addf %add3A_205, %mul3A_238 : vector<64x128xf32>
    %add3A_240 = arith.addf %add3A_206, %mul3A_233 : f32
    %ge3A_241 = vector.broadcast %add3A_240 : f32 to vector<1x128xf32>
    %ge3A_242 = arith.cmpf oge, %convert_element_type3A, %ge3A_241 : vector<1x128xf32>
    %convert_element_type3A_243 = arith.extui %ge3A_242 : vector<1x128xi1> to vector<1x128xi32>
    %convert_element_type3A_244 = arith.sitofp %convert_element_type3A_243 : vector<1x128xi32> to vector<1x128xf32>
    %add3A_245 = arith.addf %add3A_211, %convert_element_type3A_244 : vector<1x128xf32>
    %eq3A_246 = arith.constant 7 : i32
    %eq3A_247 = vector.broadcast %eq3A_246 : i32 to vector<64x128xi32>
    %eq3A_248 = arith.cmpi eq, %get3A_1, %eq3A_247 : vector<64x128xi32>
    %convert_element_type3A_249 = arith.extui %eq3A_248 : vector<64x128xi1> to vector<64x128xi32>
    %convert_element_type3A_250 = arith.sitofp %convert_element_type3A_249 : vector<64x128xi32> to vector<64x128xf32>
    %dot_general3A_251 = arith.constant dense<0.000000e+00> : vector<64x128xf32>
    %dot_general3A_252 = tpu.matmul %convert_element_type3A_250, %get3A_4, %dot_general3A_251 {dimension_numbers = #tpu.dot_dimension_numbers<[1], [0], [0], [1], [0, 0, 1, 1], [], []>, transpose_lhs_hint = false} : vector<64x128xf32>, vector<128x128xf32>, vector<64x128xf32> -> vector<64x128xf32>
    %reduce_sum3A_253 = arith.constant dense<0.000000e+00> : vector<64xf32>
    %reduce_sum3A_254 = vector.multi_reduction <add>, %convert_element_type3A_250, %reduce_sum3A_253 [1] : vector<64x128xf32> to vector<64xf32>
    %broadcast_in_dim3A_255 = vector.shape_cast %reduce_sum3A_254 : vector<64xf32> to vector<64x1xf32>
    %dot_general3A_256 = arith.constant dense<0.000000e+00> : vector<64x1xf32>
    %dot_general3A_257 = tpu.matmul %get3A_7, %broadcast_in_dim3A_255, %dot_general3A_256 {dimension_numbers = #tpu.dot_dimension_numbers<[1], [0], [0], [1], [0, 0, 1, 1], [], []>, transpose_lhs_hint = false} : vector<64x64xf32>, vector<64x1xf32>, vector<64x1xf32> -> vector<64x1xf32>
    %reduce_sum3A_258 = vector.shape_cast %broadcast_in_dim3A_255 : vector<64x1xf32> to vector<1x64x1xf32>
    %reduce_sum3A_259 = arith.constant dense<0.000000e+00> : vector<1xf32>
    %reduce_sum3A_260 = vector.multi_reduction <add>, %reduce_sum3A_258, %reduce_sum3A_259 [1, 2] : vector<1x64x1xf32> to vector<1xf32>
    %reduce_sum3A_261 = vector.shape_cast %reduce_sum3A_260 : vector<1xf32> to vector<1x1x1xf32>
    %reduce_sum3A_262 = vector.extract %reduce_sum3A_261[0, 0, 0] : f32 from vector<1x1x1xf32>
    %div3A_263 = arith.constant 5.120000e+02 : f32
    %div3A_264 = arith.divf %reduce_sum3A_262, %div3A_263 : f32
    %ceil3A_265 = math.ceil %div3A_264 : f32
    %mul3A_266 = arith.constant 5.120000e+02 : f32
    %mul3A_267 = arith.mulf %ceil3A_265, %mul3A_266 : f32
    %add3A_268 = vector.broadcast %add3A_240 : f32 to vector<64x1xf32>
    %add3A_269 = arith.addf %add3A_268, %dot_general3A_257 : vector<64x1xf32>
    %add3A_270 = vector.broadcast %add3A_269 : vector<64x1xf32> to vector<64x128xf32>
    %add3A_271 = arith.addf %add3A_270, %dot_general3A_252 : vector<64x128xf32>
    %mul3A_272 = arith.mulf %convert_element_type3A_250, %add3A_271 : vector<64x128xf32>
    %add3A_273 = arith.addf %add3A_239, %mul3A_272 : vector<64x128xf32>
    %add3A_274 = arith.addf %add3A_240, %mul3A_267 : f32
    %ge3A_275 = vector.broadcast %add3A_274 : f32 to vector<1x128xf32>
    %ge3A_276 = arith.cmpf oge, %convert_element_type3A, %ge3A_275 : vector<1x128xf32>
    %convert_element_type3A_277 = arith.extui %ge3A_276 : vector<1x128xi1> to vector<1x128xi32>
    %convert_element_type3A_278 = arith.sitofp %convert_element_type3A_277 : vector<1x128xi32> to vector<1x128xf32>
    %add3A_279 = arith.addf %add3A_245, %convert_element_type3A_278 : vector<1x128xf32>
    %convert_element_type3A_280 = arith.fptosi %add3A_273 : vector<64x128xf32> to vector<64x128xi32>
    %swap3A = arith.constant 0 : index
    %swap3A_281 = arith.constant 0 : index
    %swap3A_282 = vector.load %arg3[%swap3A, %swap3A_281] : memref<64x128xi32, #tpu.memory_space<vmem>>, vector<64x128xi32>
    tpu.vector_store %arg3[%swap3A, %swap3A_281], %convert_element_type3A_280 {strides = array<i32>} : memref<64x128xi32, #tpu.memory_space<vmem>>, vector<64x128xi32>,
    %min3A = arith.constant 7.000000e+00 : f32
    %min3A_283 = vector.broadcast %min3A : f32 to vector<1x128xf32>
    %min3A_284 = arith.minimumf %add3A_279, %min3A_283 : vector<1x128xf32>
    %convert_element_type3A_285 = arith.fptosi %min3A_284 : vector<1x128xf32> to vector<1x128xi32>
    %swap3A_286 = arith.constant 0 : index
    %swap3A_287 = arith.constant 0 : index
    %swap3A_288 = vector.load %arg4[%swap3A_286, %swap3A_287] : memref<1x128xi32, #tpu.memory_space<vmem>>, vector<1x128xi32>
    tpu.vector_store %arg4[%swap3A_286, %swap3A_287], %convert_element_type3A_285 {strides = array<i32>} : memref<1x128xi32, #tpu.memory_space<vmem>>, vector<1x128xi32>,
    return
  }
}

module attributes {stable_mosaic.version = 14 : i64} {
  func.func @_attn_body(%arg0: i32, %arg1: i32, %arg2: i32, %arg3: memref<1x8x64x768xf32, #tpu.memory_space<vmem>>, %arg4: memref<8x8x256xf32, #tpu.memory_space<vmem>>, %arg5: memref<8x8x256xf32, #tpu.memory_space<vmem>>, %arg6: memref<1x8x64x1xf32, #tpu.memory_space<vmem>>, %arg7: memref<256x256xf32, #tpu.memory_space<vmem>>, %arg8: memref<512x64xf32, #tpu.memory_space<vmem>>, %arg9: memref<64x512xf32, #tpu.memory_space<vmem>>, %arg10: memref<512x256xf32, #tpu.memory_space<vmem>>, %arg11: memref<1x8x64x256xf32, #tpu.memory_space<vmem>>) attributes {dimension_semantics = [#tpu.dimension_semantics<arbitrary>, #tpu.dimension_semantics<arbitrary>, #tpu.dimension_semantics<arbitrary>], iteration_bounds = array<i64: 2, 8, 1>, scalar_prefetch = 0 : i64, scratch_operands = 0 : i64, tpu.core_type = #tpu.core_type<tc>, window_params = [{transform_indices = @transform_0, window_bounds = array<i64: 1, 8, 64, 768>}, {pipeline_mode = #tpu.pipeline_mode<synchronous>, transform_indices = @transform_1, window_bounds = array<i64: 8, 8, 256>}, {pipeline_mode = #tpu.pipeline_mode<synchronous>, transform_indices = @transform_2, window_bounds = array<i64: 8, 8, 256>}, {transform_indices = @transform_3, window_bounds = array<i64: 1, 8, 64, 1>}, {pipeline_mode = #tpu.pipeline_mode<synchronous>, transform_indices = @transform_4, window_bounds = array<i64: 256, 256>}, {pipeline_mode = #tpu.pipeline_mode<synchronous>, transform_indices = @transform_5, window_bounds = array<i64: 512, 64>}, {pipeline_mode = #tpu.pipeline_mode<synchronous>, transform_indices = @transform_6, window_bounds = array<i64: 64, 512>}, {pipeline_mode = #tpu.pipeline_mode<synchronous>, transform_indices = @transform_7, window_bounds = array<i64: 512, 256>}, {transform_indices = @transform_8, window_bounds = array<i64: 1, 8, 64, 256>}]} {
    %get3A = arith.constant 0 : index
    %get3A_0 = arith.constant 0 : index
    %get3A_1 = arith.constant 0 : index
    %get3A_2 = vector.load %arg4[%get3A, %get3A_0, %get3A_1] : memref<8x8x256xf32, #tpu.memory_space<vmem>>, vector<8x8x256xf32>
    %reshape3A = vector.shape_cast %get3A_2 : vector<8x8x256xf32> to vector<64x256xf32>
    %get3A_3 = arith.constant 0 : index
    %get3A_4 = arith.constant 0 : index
    %get3A_5 = arith.constant 0 : index
    %get3A_6 = vector.load %arg5[%get3A_3, %get3A_4, %get3A_5] : memref<8x8x256xf32, #tpu.memory_space<vmem>>, vector<8x8x256xf32>
    %reshape3A_7 = vector.shape_cast %get3A_6 : vector<8x8x256xf32> to vector<64x256xf32>
    %get3A_8 = arith.constant 0 : index
    %get3A_9 = arith.constant 0 : index
    %get3A_10 = vector.load %arg7[%get3A_8, %get3A_9] : memref<256x256xf32, #tpu.memory_space<vmem>>, vector<256x256xf32>
    %get3A_11 = arith.constant 0 : index
    %get3A_12 = arith.constant 0 : index
    %get3A_13 = vector.load %arg8[%get3A_11, %get3A_12] : memref<512x64xf32, #tpu.memory_space<vmem>>, vector<512x64xf32>
    %get3A_14 = arith.constant 0 : index
    %get3A_15 = arith.constant 0 : index
    %get3A_16 = vector.load %arg9[%get3A_14, %get3A_15] : memref<64x512xf32, #tpu.memory_space<vmem>>, vector<64x512xf32>
    %get3A_17 = arith.constant 0 : index
    %get3A_18 = arith.constant 0 : index
    %get3A_19 = vector.load %arg10[%get3A_17, %get3A_18] : memref<512x256xf32, #tpu.memory_space<vmem>>, vector<512x256xf32>
    %get3A_20 = arith.constant 0 : index
    %get3A_21 = arith.constant 0 : index
    %get3A_22 = arith.constant 0 : index
    %get3A_23 = arith.constant 0 : index
    %get3A_24 = vector.load %arg3[%get3A_20, %get3A_21, %get3A_22, %get3A_23] : memref<1x8x64x768xf32, #tpu.memory_space<vmem>>, vector<1x8x64x768xf32>
    %get3A_25 = vector.shape_cast %get3A_24 : vector<1x8x64x768xf32> to vector<8x64x768xf32>
    %get3A_26 = arith.constant 0 : index
    %get3A_27 = arith.constant 0 : index
    %get3A_28 = arith.constant 0 : index
    %get3A_29 = arith.constant 0 : index
    %get3A_30 = vector.load %arg6[%get3A_26, %get3A_27, %get3A_28, %get3A_29] : memref<1x8x64x1xf32, #tpu.memory_space<vmem>>, vector<1x8x64x1xf32>
    %get3A_31 = vector.shape_cast %get3A_30 : vector<1x8x64x1xf32> to vector<8x64x1xf32>
    %slice3A = vector.extract_strided_slice %get3A_25 {offsets = [0, 0, 0], sizes = [8, 8, 768], strides = [1, 1, 1]} : vector<8x64x768xf32> to vector<8x8x768xf32>
    %reshape3A_32 = vector.shape_cast %slice3A : vector<8x8x768xf32> to vector<64x768xf32>
    %slice3A_33 = vector.extract_strided_slice %get3A_31 {offsets = [0, 0, 0], sizes = [8, 8, 1], strides = [1, 1, 1]} : vector<8x64x1xf32> to vector<8x8x1xf32>
    %reshape3A_34 = vector.shape_cast %slice3A_33 : vector<8x8x1xf32> to vector<64x1xf32>
    %slice3A_35 = vector.extract_strided_slice %reshape3A_32 {offsets = [0, 0], sizes = [64, 256], strides = [1, 1]} : vector<64x768xf32> to vector<64x256xf32>
    %slice3A_36 = vector.extract_strided_slice %reshape3A_32 {offsets = [0, 256], sizes = [64, 256], strides = [1, 1]} : vector<64x768xf32> to vector<64x256xf32>
    %slice3A_37 = vector.extract_strided_slice %reshape3A_32 {offsets = [0, 512], sizes = [64, 256], strides = [1, 1]} : vector<64x768xf32> to vector<64x256xf32>
    %mul3A = arith.mulf %slice3A_35, %reshape3A : vector<64x256xf32>
    %dot_general3A = arith.constant dense<0.000000e+00> : vector<64x256xf32>
    %dot_general3A_38 = tpu.matmul %slice3A_35, %get3A_10, %dot_general3A {dimension_numbers = #tpu.dot_dimension_numbers<[1], [0], [0], [1], [0, 0, 1, 1], [], []>, transpose_lhs_hint = false} : vector<64x256xf32>, vector<256x256xf32>, vector<64x256xf32> -> vector<64x256xf32>
    %mul3A_39 = arith.mulf %dot_general3A_38, %reshape3A_7 : vector<64x256xf32>
    %add3A = arith.addf %mul3A, %mul3A_39 : vector<64x256xf32>
    %mul3A_40 = arith.constant 0.176776692 : f32
    %mul3A_41 = vector.broadcast %mul3A_40 : f32 to vector<64x256xf32>
    %mul3A_42 = arith.mulf %add3A, %mul3A_41 : vector<64x256xf32>
    %mul3A_43 = arith.mulf %slice3A_36, %reshape3A : vector<64x256xf32>
    %dot_general3A_44 = arith.constant dense<0.000000e+00> : vector<64x256xf32>
    %dot_general3A_45 = tpu.matmul %slice3A_36, %get3A_10, %dot_general3A_44 {dimension_numbers = #tpu.dot_dimension_numbers<[1], [0], [0], [1], [0, 0, 1, 1], [], []>, transpose_lhs_hint = false} : vector<64x256xf32>, vector<256x256xf32>, vector<64x256xf32> -> vector<64x256xf32>
    %mul3A_46 = arith.mulf %dot_general3A_45, %reshape3A_7 : vector<64x256xf32>
    %add3A_47 = arith.addf %mul3A_43, %mul3A_46 : vector<64x256xf32>
    %dot_general3A_48 = arith.constant dense<0.000000e+00> : vector<512x256xf32>
    %dot_general3A_49 = tpu.matmul %get3A_13, %mul3A_42, %dot_general3A_48 {dimension_numbers = #tpu.dot_dimension_numbers<[1], [0], [0], [1], [0, 0, 1, 1], [], []>, transpose_lhs_hint = false} : vector<512x64xf32>, vector<64x256xf32>, vector<512x256xf32> -> vector<512x256xf32>
    %mul3A_50 = arith.mulf %dot_general3A_49, %get3A_19 : vector<512x256xf32>
    %dot_general3A_51 = arith.constant dense<0.000000e+00> : vector<512x64xf32>
    %dot_general3A_52 = tpu.matmul %mul3A_50, %add3A_47, %dot_general3A_51 {dimension_numbers = #tpu.dot_dimension_numbers<[1], [1], [0], [0], [0, 0, 1, 0], [], []>, transpose_lhs_hint = false} : vector<512x256xf32>, vector<64x256xf32>, vector<512x64xf32> -> vector<512x64xf32>
    %exp3A = math.exp %dot_general3A_52 : vector<512x64xf32>
    %reduce_sum3A = arith.constant dense<0.000000e+00> : vector<512xf32>
    %reduce_sum3A_53 = vector.multi_reduction <add>, %exp3A, %reduce_sum3A [1] : vector<512x64xf32> to vector<512xf32>
    %broadcast_in_dim3A = vector.shape_cast %reduce_sum3A_53 : vector<512xf32> to vector<512x1xf32>
    %div3A = vector.broadcast %broadcast_in_dim3A : vector<512x1xf32> to vector<512x64xf32>
    %div3A_54 = arith.divf %exp3A, %div3A : vector<512x64xf32>
    %dot_general3A_55 = arith.constant dense<0.000000e+00> : vector<512x256xf32>
    %dot_general3A_56 = tpu.matmul %div3A_54, %slice3A_37, %dot_general3A_55 {dimension_numbers = #tpu.dot_dimension_numbers<[1], [0], [0], [1], [0, 0, 1, 1], [], []>, transpose_lhs_hint = false} : vector<512x64xf32>, vector<64x256xf32>, vector<512x256xf32> -> vector<512x256xf32>
    %mul3A_57 = arith.mulf %dot_general3A_56, %get3A_19 : vector<512x256xf32>
    %dot_general3A_58 = arith.constant dense<0.000000e+00> : vector<64x256xf32>
    %dot_general3A_59 = tpu.matmul %get3A_16, %mul3A_57, %dot_general3A_58 {dimension_numbers = #tpu.dot_dimension_numbers<[1], [0], [0], [1], [0, 0, 1, 1], [], []>, transpose_lhs_hint = false} : vector<64x512xf32>, vector<512x256xf32>, vector<64x256xf32> -> vector<64x256xf32>
    %mul3A_60 = vector.broadcast %reshape3A_34 : vector<64x1xf32> to vector<64x256xf32>
    %mul3A_61 = arith.mulf %dot_general3A_59, %mul3A_60 : vector<64x256xf32>
    %reshape3A_62 = vector.shape_cast %mul3A_61 : vector<64x256xf32> to vector<8x8x256xf32>
    %swap3A = arith.constant 0 : index
    %swap3A_63 = arith.constant 0 : index
    %swap3A_64 = arith.constant 0 : index
    %swap3A_65 = arith.constant 0 : index
    %swap3A_66 = vector.load %arg11[%swap3A, %swap3A_63, %swap3A_64, %swap3A_65] : memref<1x8x64x256xf32, #tpu.memory_space<vmem>>, vector<1x8x8x256xf32>
    %swap3A_67 = vector.shape_cast %swap3A_66 : vector<1x8x8x256xf32> to vector<8x8x256xf32>
    %swap3A_68 = vector.shape_cast %reshape3A_62 : vector<8x8x256xf32> to vector<1x8x8x256xf32>
    tpu.vector_store %arg11[%swap3A, %swap3A_63, %swap3A_64, %swap3A_65], %swap3A_68 {strides = array<i32>} : memref<1x8x64x256xf32, #tpu.memory_space<vmem>>, vector<1x8x8x256xf32>,
    %slice3A_69 = vector.extract_strided_slice %get3A_25 {offsets = [0, 8, 0], sizes = [8, 8, 768], strides = [1, 1, 1]} : vector<8x64x768xf32> to vector<8x8x768xf32>
    %reshape3A_70 = vector.shape_cast %slice3A_69 : vector<8x8x768xf32> to vector<64x768xf32>
    %slice3A_71 = vector.extract_strided_slice %get3A_31 {offsets = [0, 8, 0], sizes = [8, 8, 1], strides = [1, 1, 1]} : vector<8x64x1xf32> to vector<8x8x1xf32>
    %reshape3A_72 = vector.shape_cast %slice3A_71 : vector<8x8x1xf32> to vector<64x1xf32>
    %slice3A_73 = vector.extract_strided_slice %reshape3A_70 {offsets = [0, 0], sizes = [64, 256], strides = [1, 1]} : vector<64x768xf32> to vector<64x256xf32>
    %slice3A_74 = vector.extract_strided_slice %reshape3A_70 {offsets = [0, 256], sizes = [64, 256], strides = [1, 1]} : vector<64x768xf32> to vector<64x256xf32>
    %slice3A_75 = vector.extract_strided_slice %reshape3A_70 {offsets = [0, 512], sizes = [64, 256], strides = [1, 1]} : vector<64x768xf32> to vector<64x256xf32>
    %mul3A_76 = arith.mulf %slice3A_73, %reshape3A : vector<64x256xf32>
    %dot_general3A_77 = arith.constant dense<0.000000e+00> : vector<64x256xf32>
    %dot_general3A_78 = tpu.matmul %slice3A_73, %get3A_10, %dot_general3A_77 {dimension_numbers = #tpu.dot_dimension_numbers<[1], [0], [0], [1], [0, 0, 1, 1], [], []>, transpose_lhs_hint = false} : vector<64x256xf32>, vector<256x256xf32>, vector<64x256xf32> -> vector<64x256xf32>
    %mul3A_79 = arith.mulf %dot_general3A_78, %reshape3A_7 : vector<64x256xf32>
    %add3A_80 = arith.addf %mul3A_76, %mul3A_79 : vector<64x256xf32>
    %mul3A_81 = arith.constant 0.176776692 : f32
    %mul3A_82 = vector.broadcast %mul3A_81 : f32 to vector<64x256xf32>
    %mul3A_83 = arith.mulf %add3A_80, %mul3A_82 : vector<64x256xf32>
    %mul3A_84 = arith.mulf %slice3A_74, %reshape3A : vector<64x256xf32>
    %dot_general3A_85 = arith.constant dense<0.000000e+00> : vector<64x256xf32>
    %dot_general3A_86 = tpu.matmul %slice3A_74, %get3A_10, %dot_general3A_85 {dimension_numbers = #tpu.dot_dimension_numbers<[1], [0], [0], [1], [0, 0, 1, 1], [], []>, transpose_lhs_hint = false} : vector<64x256xf32>, vector<256x256xf32>, vector<64x256xf32> -> vector<64x256xf32>
    %mul3A_87 = arith.mulf %dot_general3A_86, %reshape3A_7 : vector<64x256xf32>
    %add3A_88 = arith.addf %mul3A_84, %mul3A_87 : vector<64x256xf32>
    %dot_general3A_89 = arith.constant dense<0.000000e+00> : vector<512x256xf32>
    %dot_general3A_90 = tpu.matmul %get3A_13, %mul3A_83, %dot_general3A_89 {dimension_numbers = #tpu.dot_dimension_numbers<[1], [0], [0], [1], [0, 0, 1, 1], [], []>, transpose_lhs_hint = false} : vector<512x64xf32>, vector<64x256xf32>, vector<512x256xf32> -> vector<512x256xf32>
    %mul3A_91 = arith.mulf %dot_general3A_90, %get3A_19 : vector<512x256xf32>
    %dot_general3A_92 = arith.constant dense<0.000000e+00> : vector<512x64xf32>
    %dot_general3A_93 = tpu.matmul %mul3A_91, %add3A_88, %dot_general3A_92 {dimension_numbers = #tpu.dot_dimension_numbers<[1], [1], [0], [0], [0, 0, 1, 0], [], []>, transpose_lhs_hint = false} : vector<512x256xf32>, vector<64x256xf32>, vector<512x64xf32> -> vector<512x64xf32>
    %exp3A_94 = math.exp %dot_general3A_93 : vector<512x64xf32>
    %reduce_sum3A_95 = arith.constant dense<0.000000e+00> : vector<512xf32>
    %reduce_sum3A_96 = vector.multi_reduction <add>, %exp3A_94, %reduce_sum3A_95 [1] : vector<512x64xf32> to vector<512xf32>
    %broadcast_in_dim3A_97 = vector.shape_cast %reduce_sum3A_96 : vector<512xf32> to vector<512x1xf32>
    %div3A_98 = vector.broadcast %broadcast_in_dim3A_97 : vector<512x1xf32> to vector<512x64xf32>
    %div3A_99 = arith.divf %exp3A_94, %div3A_98 : vector<512x64xf32>
    %dot_general3A_100 = arith.constant dense<0.000000e+00> : vector<512x256xf32>
    %dot_general3A_101 = tpu.matmul %div3A_99, %slice3A_75, %dot_general3A_100 {dimension_numbers = #tpu.dot_dimension_numbers<[1], [0], [0], [1], [0, 0, 1, 1], [], []>, transpose_lhs_hint = false} : vector<512x64xf32>, vector<64x256xf32>, vector<512x256xf32> -> vector<512x256xf32>
    %mul3A_102 = arith.mulf %dot_general3A_101, %get3A_19 : vector<512x256xf32>
    %dot_general3A_103 = arith.constant dense<0.000000e+00> : vector<64x256xf32>
    %dot_general3A_104 = tpu.matmul %get3A_16, %mul3A_102, %dot_general3A_103 {dimension_numbers = #tpu.dot_dimension_numbers<[1], [0], [0], [1], [0, 0, 1, 1], [], []>, transpose_lhs_hint = false} : vector<64x512xf32>, vector<512x256xf32>, vector<64x256xf32> -> vector<64x256xf32>
    %mul3A_105 = vector.broadcast %reshape3A_72 : vector<64x1xf32> to vector<64x256xf32>
    %mul3A_106 = arith.mulf %dot_general3A_104, %mul3A_105 : vector<64x256xf32>
    %reshape3A_107 = vector.shape_cast %mul3A_106 : vector<64x256xf32> to vector<8x8x256xf32>
    %swap3A_108 = arith.constant 0 : index
    %swap3A_109 = arith.constant 0 : index
    %swap3A_110 = arith.constant 8 : index
    %swap3A_111 = arith.constant 0 : index
    %swap3A_112 = vector.load %arg11[%swap3A_108, %swap3A_109, %swap3A_110, %swap3A_111] : memref<1x8x64x256xf32, #tpu.memory_space<vmem>>, vector<1x8x8x256xf32>
    %swap3A_113 = vector.shape_cast %swap3A_112 : vector<1x8x8x256xf32> to vector<8x8x256xf32>
    %swap3A_114 = vector.shape_cast %reshape3A_107 : vector<8x8x256xf32> to vector<1x8x8x256xf32>
    tpu.vector_store %arg11[%swap3A_108, %swap3A_109, %swap3A_110, %swap3A_111], %swap3A_114 {strides = array<i32>} : memref<1x8x64x256xf32, #tpu.memory_space<vmem>>, vector<1x8x8x256xf32>,
    %slice3A_115 = vector.extract_strided_slice %get3A_25 {offsets = [0, 16, 0], sizes = [8, 8, 768], strides = [1, 1, 1]} : vector<8x64x768xf32> to vector<8x8x768xf32>
    %reshape3A_116 = vector.shape_cast %slice3A_115 : vector<8x8x768xf32> to vector<64x768xf32>
    %slice3A_117 = vector.extract_strided_slice %get3A_31 {offsets = [0, 16, 0], sizes = [8, 8, 1], strides = [1, 1, 1]} : vector<8x64x1xf32> to vector<8x8x1xf32>
    %reshape3A_118 = vector.shape_cast %slice3A_117 : vector<8x8x1xf32> to vector<64x1xf32>
    %slice3A_119 = vector.extract_strided_slice %reshape3A_116 {offsets = [0, 0], sizes = [64, 256], strides = [1, 1]} : vector<64x768xf32> to vector<64x256xf32>
    %slice3A_120 = vector.extract_strided_slice %reshape3A_116 {offsets = [0, 256], sizes = [64, 256], strides = [1, 1]} : vector<64x768xf32> to vector<64x256xf32>
    %slice3A_121 = vector.extract_strided_slice %reshape3A_116 {offsets = [0, 512], sizes = [64, 256], strides = [1, 1]} : vector<64x768xf32> to vector<64x256xf32>
    %mul3A_122 = arith.mulf %slice3A_119, %reshape3A : vector<64x256xf32>
    %dot_general3A_123 = arith.constant dense<0.000000e+00> : vector<64x256xf32>
    %dot_general3A_124 = tpu.matmul %slice3A_119, %get3A_10, %dot_general3A_123 {dimension_numbers = #tpu.dot_dimension_numbers<[1], [0], [0], [1], [0, 0, 1, 1], [], []>, transpose_lhs_hint = false} : vector<64x256xf32>, vector<256x256xf32>, vector<64x256xf32> -> vector<64x256xf32>
    %mul3A_125 = arith.mulf %dot_general3A_124, %reshape3A_7 : vector<64x256xf32>
    %add3A_126 = arith.addf %mul3A_122, %mul3A_125 : vector<64x256xf32>
    %mul3A_127 = arith.constant 0.176776692 : f32
    %mul3A_128 = vector.broadcast %mul3A_127 : f32 to vector<64x256xf32>
    %mul3A_129 = arith.mulf %add3A_126, %mul3A_128 : vector<64x256xf32>
    %mul3A_130 = arith.mulf %slice3A_120, %reshape3A : vector<64x256xf32>
    %dot_general3A_131 = arith.constant dense<0.000000e+00> : vector<64x256xf32>
    %dot_general3A_132 = tpu.matmul %slice3A_120, %get3A_10, %dot_general3A_131 {dimension_numbers = #tpu.dot_dimension_numbers<[1], [0], [0], [1], [0, 0, 1, 1], [], []>, transpose_lhs_hint = false} : vector<64x256xf32>, vector<256x256xf32>, vector<64x256xf32> -> vector<64x256xf32>
    %mul3A_133 = arith.mulf %dot_general3A_132, %reshape3A_7 : vector<64x256xf32>
    %add3A_134 = arith.addf %mul3A_130, %mul3A_133 : vector<64x256xf32>
    %dot_general3A_135 = arith.constant dense<0.000000e+00> : vector<512x256xf32>
    %dot_general3A_136 = tpu.matmul %get3A_13, %mul3A_129, %dot_general3A_135 {dimension_numbers = #tpu.dot_dimension_numbers<[1], [0], [0], [1], [0, 0, 1, 1], [], []>, transpose_lhs_hint = false} : vector<512x64xf32>, vector<64x256xf32>, vector<512x256xf32> -> vector<512x256xf32>
    %mul3A_137 = arith.mulf %dot_general3A_136, %get3A_19 : vector<512x256xf32>
    %dot_general3A_138 = arith.constant dense<0.000000e+00> : vector<512x64xf32>
    %dot_general3A_139 = tpu.matmul %mul3A_137, %add3A_134, %dot_general3A_138 {dimension_numbers = #tpu.dot_dimension_numbers<[1], [1], [0], [0], [0, 0, 1, 0], [], []>, transpose_lhs_hint = false} : vector<512x256xf32>, vector<64x256xf32>, vector<512x64xf32> -> vector<512x64xf32>
    %exp3A_140 = math.exp %dot_general3A_139 : vector<512x64xf32>
    %reduce_sum3A_141 = arith.constant dense<0.000000e+00> : vector<512xf32>
    %reduce_sum3A_142 = vector.multi_reduction <add>, %exp3A_140, %reduce_sum3A_141 [1] : vector<512x64xf32> to vector<512xf32>
    %broadcast_in_dim3A_143 = vector.shape_cast %reduce_sum3A_142 : vector<512xf32> to vector<512x1xf32>
    %div3A_144 = vector.broadcast %broadcast_in_dim3A_143 : vector<512x1xf32> to vector<512x64xf32>
    %div3A_145 = arith.divf %exp3A_140, %div3A_144 : vector<512x64xf32>
    %dot_general3A_146 = arith.constant dense<0.000000e+00> : vector<512x256xf32>
    %dot_general3A_147 = tpu.matmul %div3A_145, %slice3A_121, %dot_general3A_146 {dimension_numbers = #tpu.dot_dimension_numbers<[1], [0], [0], [1], [0, 0, 1, 1], [], []>, transpose_lhs_hint = false} : vector<512x64xf32>, vector<64x256xf32>, vector<512x256xf32> -> vector<512x256xf32>
    %mul3A_148 = arith.mulf %dot_general3A_147, %get3A_19 : vector<512x256xf32>
    %dot_general3A_149 = arith.constant dense<0.000000e+00> : vector<64x256xf32>
    %dot_general3A_150 = tpu.matmul %get3A_16, %mul3A_148, %dot_general3A_149 {dimension_numbers = #tpu.dot_dimension_numbers<[1], [0], [0], [1], [0, 0, 1, 1], [], []>, transpose_lhs_hint = false} : vector<64x512xf32>, vector<512x256xf32>, vector<64x256xf32> -> vector<64x256xf32>
    %mul3A_151 = vector.broadcast %reshape3A_118 : vector<64x1xf32> to vector<64x256xf32>
    %mul3A_152 = arith.mulf %dot_general3A_150, %mul3A_151 : vector<64x256xf32>
    %reshape3A_153 = vector.shape_cast %mul3A_152 : vector<64x256xf32> to vector<8x8x256xf32>
    %swap3A_154 = arith.constant 0 : index
    %swap3A_155 = arith.constant 0 : index
    %swap3A_156 = arith.constant 16 : index
    %swap3A_157 = arith.constant 0 : index
    %swap3A_158 = vector.load %arg11[%swap3A_154, %swap3A_155, %swap3A_156, %swap3A_157] : memref<1x8x64x256xf32, #tpu.memory_space<vmem>>, vector<1x8x8x256xf32>
    %swap3A_159 = vector.shape_cast %swap3A_158 : vector<1x8x8x256xf32> to vector<8x8x256xf32>
    %swap3A_160 = vector.shape_cast %reshape3A_153 : vector<8x8x256xf32> to vector<1x8x8x256xf32>
    tpu.vector_store %arg11[%swap3A_154, %swap3A_155, %swap3A_156, %swap3A_157], %swap3A_160 {strides = array<i32>} : memref<1x8x64x256xf32, #tpu.memory_space<vmem>>, vector<1x8x8x256xf32>,
    %slice3A_161 = vector.extract_strided_slice %get3A_25 {offsets = [0, 24, 0], sizes = [8, 8, 768], strides = [1, 1, 1]} : vector<8x64x768xf32> to vector<8x8x768xf32>
    %reshape3A_162 = vector.shape_cast %slice3A_161 : vector<8x8x768xf32> to vector<64x768xf32>
    %slice3A_163 = vector.extract_strided_slice %get3A_31 {offsets = [0, 24, 0], sizes = [8, 8, 1], strides = [1, 1, 1]} : vector<8x64x1xf32> to vector<8x8x1xf32>
    %reshape3A_164 = vector.shape_cast %slice3A_163 : vector<8x8x1xf32> to vector<64x1xf32>
    %slice3A_165 = vector.extract_strided_slice %reshape3A_162 {offsets = [0, 0], sizes = [64, 256], strides = [1, 1]} : vector<64x768xf32> to vector<64x256xf32>
    %slice3A_166 = vector.extract_strided_slice %reshape3A_162 {offsets = [0, 256], sizes = [64, 256], strides = [1, 1]} : vector<64x768xf32> to vector<64x256xf32>
    %slice3A_167 = vector.extract_strided_slice %reshape3A_162 {offsets = [0, 512], sizes = [64, 256], strides = [1, 1]} : vector<64x768xf32> to vector<64x256xf32>
    %mul3A_168 = arith.mulf %slice3A_165, %reshape3A : vector<64x256xf32>
    %dot_general3A_169 = arith.constant dense<0.000000e+00> : vector<64x256xf32>
    %dot_general3A_170 = tpu.matmul %slice3A_165, %get3A_10, %dot_general3A_169 {dimension_numbers = #tpu.dot_dimension_numbers<[1], [0], [0], [1], [0, 0, 1, 1], [], []>, transpose_lhs_hint = false} : vector<64x256xf32>, vector<256x256xf32>, vector<64x256xf32> -> vector<64x256xf32>
    %mul3A_171 = arith.mulf %dot_general3A_170, %reshape3A_7 : vector<64x256xf32>
    %add3A_172 = arith.addf %mul3A_168, %mul3A_171 : vector<64x256xf32>
    %mul3A_173 = arith.constant 0.176776692 : f32
    %mul3A_174 = vector.broadcast %mul3A_173 : f32 to vector<64x256xf32>
    %mul3A_175 = arith.mulf %add3A_172, %mul3A_174 : vector<64x256xf32>
    %mul3A_176 = arith.mulf %slice3A_166, %reshape3A : vector<64x256xf32>
    %dot_general3A_177 = arith.constant dense<0.000000e+00> : vector<64x256xf32>
    %dot_general3A_178 = tpu.matmul %slice3A_166, %get3A_10, %dot_general3A_177 {dimension_numbers = #tpu.dot_dimension_numbers<[1], [0], [0], [1], [0, 0, 1, 1], [], []>, transpose_lhs_hint = false} : vector<64x256xf32>, vector<256x256xf32>, vector<64x256xf32> -> vector<64x256xf32>
    %mul3A_179 = arith.mulf %dot_general3A_178, %reshape3A_7 : vector<64x256xf32>
    %add3A_180 = arith.addf %mul3A_176, %mul3A_179 : vector<64x256xf32>
    %dot_general3A_181 = arith.constant dense<0.000000e+00> : vector<512x256xf32>
    %dot_general3A_182 = tpu.matmul %get3A_13, %mul3A_175, %dot_general3A_181 {dimension_numbers = #tpu.dot_dimension_numbers<[1], [0], [0], [1], [0, 0, 1, 1], [], []>, transpose_lhs_hint = false} : vector<512x64xf32>, vector<64x256xf32>, vector<512x256xf32> -> vector<512x256xf32>
    %mul3A_183 = arith.mulf %dot_general3A_182, %get3A_19 : vector<512x256xf32>
    %dot_general3A_184 = arith.constant dense<0.000000e+00> : vector<512x64xf32>
    %dot_general3A_185 = tpu.matmul %mul3A_183, %add3A_180, %dot_general3A_184 {dimension_numbers = #tpu.dot_dimension_numbers<[1], [1], [0], [0], [0, 0, 1, 0], [], []>, transpose_lhs_hint = false} : vector<512x256xf32>, vector<64x256xf32>, vector<512x64xf32> -> vector<512x64xf32>
    %exp3A_186 = math.exp %dot_general3A_185 : vector<512x64xf32>
    %reduce_sum3A_187 = arith.constant dense<0.000000e+00> : vector<512xf32>
    %reduce_sum3A_188 = vector.multi_reduction <add>, %exp3A_186, %reduce_sum3A_187 [1] : vector<512x64xf32> to vector<512xf32>
    %broadcast_in_dim3A_189 = vector.shape_cast %reduce_sum3A_188 : vector<512xf32> to vector<512x1xf32>
    %div3A_190 = vector.broadcast %broadcast_in_dim3A_189 : vector<512x1xf32> to vector<512x64xf32>
    %div3A_191 = arith.divf %exp3A_186, %div3A_190 : vector<512x64xf32>
    %dot_general3A_192 = arith.constant dense<0.000000e+00> : vector<512x256xf32>
    %dot_general3A_193 = tpu.matmul %div3A_191, %slice3A_167, %dot_general3A_192 {dimension_numbers = #tpu.dot_dimension_numbers<[1], [0], [0], [1], [0, 0, 1, 1], [], []>, transpose_lhs_hint = false} : vector<512x64xf32>, vector<64x256xf32>, vector<512x256xf32> -> vector<512x256xf32>
    %mul3A_194 = arith.mulf %dot_general3A_193, %get3A_19 : vector<512x256xf32>
    %dot_general3A_195 = arith.constant dense<0.000000e+00> : vector<64x256xf32>
    %dot_general3A_196 = tpu.matmul %get3A_16, %mul3A_194, %dot_general3A_195 {dimension_numbers = #tpu.dot_dimension_numbers<[1], [0], [0], [1], [0, 0, 1, 1], [], []>, transpose_lhs_hint = false} : vector<64x512xf32>, vector<512x256xf32>, vector<64x256xf32> -> vector<64x256xf32>
    %mul3A_197 = vector.broadcast %reshape3A_164 : vector<64x1xf32> to vector<64x256xf32>
    %mul3A_198 = arith.mulf %dot_general3A_196, %mul3A_197 : vector<64x256xf32>
    %reshape3A_199 = vector.shape_cast %mul3A_198 : vector<64x256xf32> to vector<8x8x256xf32>
    %swap3A_200 = arith.constant 0 : index
    %swap3A_201 = arith.constant 0 : index
    %swap3A_202 = arith.constant 24 : index
    %swap3A_203 = arith.constant 0 : index
    %swap3A_204 = vector.load %arg11[%swap3A_200, %swap3A_201, %swap3A_202, %swap3A_203] : memref<1x8x64x256xf32, #tpu.memory_space<vmem>>, vector<1x8x8x256xf32>
    %swap3A_205 = vector.shape_cast %swap3A_204 : vector<1x8x8x256xf32> to vector<8x8x256xf32>
    %swap3A_206 = vector.shape_cast %reshape3A_199 : vector<8x8x256xf32> to vector<1x8x8x256xf32>
    tpu.vector_store %arg11[%swap3A_200, %swap3A_201, %swap3A_202, %swap3A_203], %swap3A_206 {strides = array<i32>} : memref<1x8x64x256xf32, #tpu.memory_space<vmem>>, vector<1x8x8x256xf32>,
    %slice3A_207 = vector.extract_strided_slice %get3A_25 {offsets = [0, 32, 0], sizes = [8, 8, 768], strides = [1, 1, 1]} : vector<8x64x768xf32> to vector<8x8x768xf32>
    %reshape3A_208 = vector.shape_cast %slice3A_207 : vector<8x8x768xf32> to vector<64x768xf32>
    %slice3A_209 = vector.extract_strided_slice %get3A_31 {offsets = [0, 32, 0], sizes = [8, 8, 1], strides = [1, 1, 1]} : vector<8x64x1xf32> to vector<8x8x1xf32>
    %reshape3A_210 = vector.shape_cast %slice3A_209 : vector<8x8x1xf32> to vector<64x1xf32>
    %slice3A_211 = vector.extract_strided_slice %reshape3A_208 {offsets = [0, 0], sizes = [64, 256], strides = [1, 1]} : vector<64x768xf32> to vector<64x256xf32>
    %slice3A_212 = vector.extract_strided_slice %reshape3A_208 {offsets = [0, 256], sizes = [64, 256], strides = [1, 1]} : vector<64x768xf32> to vector<64x256xf32>
    %slice3A_213 = vector.extract_strided_slice %reshape3A_208 {offsets = [0, 512], sizes = [64, 256], strides = [1, 1]} : vector<64x768xf32> to vector<64x256xf32>
    %mul3A_214 = arith.mulf %slice3A_211, %reshape3A : vector<64x256xf32>
    %dot_general3A_215 = arith.constant dense<0.000000e+00> : vector<64x256xf32>
    %dot_general3A_216 = tpu.matmul %slice3A_211, %get3A_10, %dot_general3A_215 {dimension_numbers = #tpu.dot_dimension_numbers<[1], [0], [0], [1], [0, 0, 1, 1], [], []>, transpose_lhs_hint = false} : vector<64x256xf32>, vector<256x256xf32>, vector<64x256xf32> -> vector<64x256xf32>
    %mul3A_217 = arith.mulf %dot_general3A_216, %reshape3A_7 : vector<64x256xf32>
    %add3A_218 = arith.addf %mul3A_214, %mul3A_217 : vector<64x256xf32>
    %mul3A_219 = arith.constant 0.176776692 : f32
    %mul3A_220 = vector.broadcast %mul3A_219 : f32 to vector<64x256xf32>
    %mul3A_221 = arith.mulf %add3A_218, %mul3A_220 : vector<64x256xf32>
    %mul3A_222 = arith.mulf %slice3A_212, %reshape3A : vector<64x256xf32>
    %dot_general3A_223 = arith.constant dense<0.000000e+00> : vector<64x256xf32>
    %dot_general3A_224 = tpu.matmul %slice3A_212, %get3A_10, %dot_general3A_223 {dimension_numbers = #tpu.dot_dimension_numbers<[1], [0], [0], [1], [0, 0, 1, 1], [], []>, transpose_lhs_hint = false} : vector<64x256xf32>, vector<256x256xf32>, vector<64x256xf32> -> vector<64x256xf32>
    %mul3A_225 = arith.mulf %dot_general3A_224, %reshape3A_7 : vector<64x256xf32>
    %add3A_226 = arith.addf %mul3A_222, %mul3A_225 : vector<64x256xf32>
    %dot_general3A_227 = arith.constant dense<0.000000e+00> : vector<512x256xf32>
    %dot_general3A_228 = tpu.matmul %get3A_13, %mul3A_221, %dot_general3A_227 {dimension_numbers = #tpu.dot_dimension_numbers<[1], [0], [0], [1], [0, 0, 1, 1], [], []>, transpose_lhs_hint = false} : vector<512x64xf32>, vector<64x256xf32>, vector<512x256xf32> -> vector<512x256xf32>
    %mul3A_229 = arith.mulf %dot_general3A_228, %get3A_19 : vector<512x256xf32>
    %dot_general3A_230 = arith.constant dense<0.000000e+00> : vector<512x64xf32>
    %dot_general3A_231 = tpu.matmul %mul3A_229, %add3A_226, %dot_general3A_230 {dimension_numbers = #tpu.dot_dimension_numbers<[1], [1], [0], [0], [0, 0, 1, 0], [], []>, transpose_lhs_hint = false} : vector<512x256xf32>, vector<64x256xf32>, vector<512x64xf32> -> vector<512x64xf32>
    %exp3A_232 = math.exp %dot_general3A_231 : vector<512x64xf32>
    %reduce_sum3A_233 = arith.constant dense<0.000000e+00> : vector<512xf32>
    %reduce_sum3A_234 = vector.multi_reduction <add>, %exp3A_232, %reduce_sum3A_233 [1] : vector<512x64xf32> to vector<512xf32>
    %broadcast_in_dim3A_235 = vector.shape_cast %reduce_sum3A_234 : vector<512xf32> to vector<512x1xf32>
    %div3A_236 = vector.broadcast %broadcast_in_dim3A_235 : vector<512x1xf32> to vector<512x64xf32>
    %div3A_237 = arith.divf %exp3A_232, %div3A_236 : vector<512x64xf32>
    %dot_general3A_238 = arith.constant dense<0.000000e+00> : vector<512x256xf32>
    %dot_general3A_239 = tpu.matmul %div3A_237, %slice3A_213, %dot_general3A_238 {dimension_numbers = #tpu.dot_dimension_numbers<[1], [0], [0], [1], [0, 0, 1, 1], [], []>, transpose_lhs_hint = false} : vector<512x64xf32>, vector<64x256xf32>, vector<512x256xf32> -> vector<512x256xf32>
    %mul3A_240 = arith.mulf %dot_general3A_239, %get3A_19 : vector<512x256xf32>
    %dot_general3A_241 = arith.constant dense<0.000000e+00> : vector<64x256xf32>
    %dot_general3A_242 = tpu.matmul %get3A_16, %mul3A_240, %dot_general3A_241 {dimension_numbers = #tpu.dot_dimension_numbers<[1], [0], [0], [1], [0, 0, 1, 1], [], []>, transpose_lhs_hint = false} : vector<64x512xf32>, vector<512x256xf32>, vector<64x256xf32> -> vector<64x256xf32>
    %mul3A_243 = vector.broadcast %reshape3A_210 : vector<64x1xf32> to vector<64x256xf32>
    %mul3A_244 = arith.mulf %dot_general3A_242, %mul3A_243 : vector<64x256xf32>
    %reshape3A_245 = vector.shape_cast %mul3A_244 : vector<64x256xf32> to vector<8x8x256xf32>
    %swap3A_246 = arith.constant 0 : index
    %swap3A_247 = arith.constant 0 : index
    %swap3A_248 = arith.constant 32 : index
    %swap3A_249 = arith.constant 0 : index
    %swap3A_250 = vector.load %arg11[%swap3A_246, %swap3A_247, %swap3A_248, %swap3A_249] : memref<1x8x64x256xf32, #tpu.memory_space<vmem>>, vector<1x8x8x256xf32>
    %swap3A_251 = vector.shape_cast %swap3A_250 : vector<1x8x8x256xf32> to vector<8x8x256xf32>
    %swap3A_252 = vector.shape_cast %reshape3A_245 : vector<8x8x256xf32> to vector<1x8x8x256xf32>
    tpu.vector_store %arg11[%swap3A_246, %swap3A_247, %swap3A_248, %swap3A_249], %swap3A_252 {strides = array<i32>} : memref<1x8x64x256xf32, #tpu.memory_space<vmem>>, vector<1x8x8x256xf32>,
    %slice3A_253 = vector.extract_strided_slice %get3A_25 {offsets = [0, 40, 0], sizes = [8, 8, 768], strides = [1, 1, 1]} : vector<8x64x768xf32> to vector<8x8x768xf32>
    %reshape3A_254 = vector.shape_cast %slice3A_253 : vector<8x8x768xf32> to vector<64x768xf32>
    %slice3A_255 = vector.extract_strided_slice %get3A_31 {offsets = [0, 40, 0], sizes = [8, 8, 1], strides = [1, 1, 1]} : vector<8x64x1xf32> to vector<8x8x1xf32>
    %reshape3A_256 = vector.shape_cast %slice3A_255 : vector<8x8x1xf32> to vector<64x1xf32>
    %slice3A_257 = vector.extract_strided_slice %reshape3A_254 {offsets = [0, 0], sizes = [64, 256], strides = [1, 1]} : vector<64x768xf32> to vector<64x256xf32>
    %slice3A_258 = vector.extract_strided_slice %reshape3A_254 {offsets = [0, 256], sizes = [64, 256], strides = [1, 1]} : vector<64x768xf32> to vector<64x256xf32>
    %slice3A_259 = vector.extract_strided_slice %reshape3A_254 {offsets = [0, 512], sizes = [64, 256], strides = [1, 1]} : vector<64x768xf32> to vector<64x256xf32>
    %mul3A_260 = arith.mulf %slice3A_257, %reshape3A : vector<64x256xf32>
    %dot_general3A_261 = arith.constant dense<0.000000e+00> : vector<64x256xf32>
    %dot_general3A_262 = tpu.matmul %slice3A_257, %get3A_10, %dot_general3A_261 {dimension_numbers = #tpu.dot_dimension_numbers<[1], [0], [0], [1], [0, 0, 1, 1], [], []>, transpose_lhs_hint = false} : vector<64x256xf32>, vector<256x256xf32>, vector<64x256xf32> -> vector<64x256xf32>
    %mul3A_263 = arith.mulf %dot_general3A_262, %reshape3A_7 : vector<64x256xf32>
    %add3A_264 = arith.addf %mul3A_260, %mul3A_263 : vector<64x256xf32>
    %mul3A_265 = arith.constant 0.176776692 : f32
    %mul3A_266 = vector.broadcast %mul3A_265 : f32 to vector<64x256xf32>
    %mul3A_267 = arith.mulf %add3A_264, %mul3A_266 : vector<64x256xf32>
    %mul3A_268 = arith.mulf %slice3A_258, %reshape3A : vector<64x256xf32>
    %dot_general3A_269 = arith.constant dense<0.000000e+00> : vector<64x256xf32>
    %dot_general3A_270 = tpu.matmul %slice3A_258, %get3A_10, %dot_general3A_269 {dimension_numbers = #tpu.dot_dimension_numbers<[1], [0], [0], [1], [0, 0, 1, 1], [], []>, transpose_lhs_hint = false} : vector<64x256xf32>, vector<256x256xf32>, vector<64x256xf32> -> vector<64x256xf32>
    %mul3A_271 = arith.mulf %dot_general3A_270, %reshape3A_7 : vector<64x256xf32>
    %add3A_272 = arith.addf %mul3A_268, %mul3A_271 : vector<64x256xf32>
    %dot_general3A_273 = arith.constant dense<0.000000e+00> : vector<512x256xf32>
    %dot_general3A_274 = tpu.matmul %get3A_13, %mul3A_267, %dot_general3A_273 {dimension_numbers = #tpu.dot_dimension_numbers<[1], [0], [0], [1], [0, 0, 1, 1], [], []>, transpose_lhs_hint = false} : vector<512x64xf32>, vector<64x256xf32>, vector<512x256xf32> -> vector<512x256xf32>
    %mul3A_275 = arith.mulf %dot_general3A_274, %get3A_19 : vector<512x256xf32>
    %dot_general3A_276 = arith.constant dense<0.000000e+00> : vector<512x64xf32>
    %dot_general3A_277 = tpu.matmul %mul3A_275, %add3A_272, %dot_general3A_276 {dimension_numbers = #tpu.dot_dimension_numbers<[1], [1], [0], [0], [0, 0, 1, 0], [], []>, transpose_lhs_hint = false} : vector<512x256xf32>, vector<64x256xf32>, vector<512x64xf32> -> vector<512x64xf32>
    %exp3A_278 = math.exp %dot_general3A_277 : vector<512x64xf32>
    %reduce_sum3A_279 = arith.constant dense<0.000000e+00> : vector<512xf32>
    %reduce_sum3A_280 = vector.multi_reduction <add>, %exp3A_278, %reduce_sum3A_279 [1] : vector<512x64xf32> to vector<512xf32>
    %broadcast_in_dim3A_281 = vector.shape_cast %reduce_sum3A_280 : vector<512xf32> to vector<512x1xf32>
    %div3A_282 = vector.broadcast %broadcast_in_dim3A_281 : vector<512x1xf32> to vector<512x64xf32>
    %div3A_283 = arith.divf %exp3A_278, %div3A_282 : vector<512x64xf32>
    %dot_general3A_284 = arith.constant dense<0.000000e+00> : vector<512x256xf32>
    %dot_general3A_285 = tpu.matmul %div3A_283, %slice3A_259, %dot_general3A_284 {dimension_numbers = #tpu.dot_dimension_numbers<[1], [0], [0], [1], [0, 0, 1, 1], [], []>, transpose_lhs_hint = false} : vector<512x64xf32>, vector<64x256xf32>, vector<512x256xf32> -> vector<512x256xf32>
    %mul3A_286 = arith.mulf %dot_general3A_285, %get3A_19 : vector<512x256xf32>
    %dot_general3A_287 = arith.constant dense<0.000000e+00> : vector<64x256xf32>
    %dot_general3A_288 = tpu.matmul %get3A_16, %mul3A_286, %dot_general3A_287 {dimension_numbers = #tpu.dot_dimension_numbers<[1], [0], [0], [1], [0, 0, 1, 1], [], []>, transpose_lhs_hint = false} : vector<64x512xf32>, vector<512x256xf32>, vector<64x256xf32> -> vector<64x256xf32>
    %mul3A_289 = vector.broadcast %reshape3A_256 : vector<64x1xf32> to vector<64x256xf32>
    %mul3A_290 = arith.mulf %dot_general3A_288, %mul3A_289 : vector<64x256xf32>
    %reshape3A_291 = vector.shape_cast %mul3A_290 : vector<64x256xf32> to vector<8x8x256xf32>
    %swap3A_292 = arith.constant 0 : index
    %swap3A_293 = arith.constant 0 : index
    %swap3A_294 = arith.constant 40 : index
    %swap3A_295 = arith.constant 0 : index
    %swap3A_296 = vector.load %arg11[%swap3A_292, %swap3A_293, %swap3A_294, %swap3A_295] : memref<1x8x64x256xf32, #tpu.memory_space<vmem>>, vector<1x8x8x256xf32>
    %swap3A_297 = vector.shape_cast %swap3A_296 : vector<1x8x8x256xf32> to vector<8x8x256xf32>
    %swap3A_298 = vector.shape_cast %reshape3A_291 : vector<8x8x256xf32> to vector<1x8x8x256xf32>
    tpu.vector_store %arg11[%swap3A_292, %swap3A_293, %swap3A_294, %swap3A_295], %swap3A_298 {strides = array<i32>} : memref<1x8x64x256xf32, #tpu.memory_space<vmem>>, vector<1x8x8x256xf32>,
    %slice3A_299 = vector.extract_strided_slice %get3A_25 {offsets = [0, 48, 0], sizes = [8, 8, 768], strides = [1, 1, 1]} : vector<8x64x768xf32> to vector<8x8x768xf32>
    %reshape3A_300 = vector.shape_cast %slice3A_299 : vector<8x8x768xf32> to vector<64x768xf32>
    %slice3A_301 = vector.extract_strided_slice %get3A_31 {offsets = [0, 48, 0], sizes = [8, 8, 1], strides = [1, 1, 1]} : vector<8x64x1xf32> to vector<8x8x1xf32>
    %reshape3A_302 = vector.shape_cast %slice3A_301 : vector<8x8x1xf32> to vector<64x1xf32>
    %slice3A_303 = vector.extract_strided_slice %reshape3A_300 {offsets = [0, 0], sizes = [64, 256], strides = [1, 1]} : vector<64x768xf32> to vector<64x256xf32>
    %slice3A_304 = vector.extract_strided_slice %reshape3A_300 {offsets = [0, 256], sizes = [64, 256], strides = [1, 1]} : vector<64x768xf32> to vector<64x256xf32>
    %slice3A_305 = vector.extract_strided_slice %reshape3A_300 {offsets = [0, 512], sizes = [64, 256], strides = [1, 1]} : vector<64x768xf32> to vector<64x256xf32>
    %mul3A_306 = arith.mulf %slice3A_303, %reshape3A : vector<64x256xf32>
    %dot_general3A_307 = arith.constant dense<0.000000e+00> : vector<64x256xf32>
    %dot_general3A_308 = tpu.matmul %slice3A_303, %get3A_10, %dot_general3A_307 {dimension_numbers = #tpu.dot_dimension_numbers<[1], [0], [0], [1], [0, 0, 1, 1], [], []>, transpose_lhs_hint = false} : vector<64x256xf32>, vector<256x256xf32>, vector<64x256xf32> -> vector<64x256xf32>
    %mul3A_309 = arith.mulf %dot_general3A_308, %reshape3A_7 : vector<64x256xf32>
    %add3A_310 = arith.addf %mul3A_306, %mul3A_309 : vector<64x256xf32>
    %mul3A_311 = arith.constant 0.176776692 : f32
    %mul3A_312 = vector.broadcast %mul3A_311 : f32 to vector<64x256xf32>
    %mul3A_313 = arith.mulf %add3A_310, %mul3A_312 : vector<64x256xf32>
    %mul3A_314 = arith.mulf %slice3A_304, %reshape3A : vector<64x256xf32>
    %dot_general3A_315 = arith.constant dense<0.000000e+00> : vector<64x256xf32>
    %dot_general3A_316 = tpu.matmul %slice3A_304, %get3A_10, %dot_general3A_315 {dimension_numbers = #tpu.dot_dimension_numbers<[1], [0], [0], [1], [0, 0, 1, 1], [], []>, transpose_lhs_hint = false} : vector<64x256xf32>, vector<256x256xf32>, vector<64x256xf32> -> vector<64x256xf32>
    %mul3A_317 = arith.mulf %dot_general3A_316, %reshape3A_7 : vector<64x256xf32>
    %add3A_318 = arith.addf %mul3A_314, %mul3A_317 : vector<64x256xf32>
    %dot_general3A_319 = arith.constant dense<0.000000e+00> : vector<512x256xf32>
    %dot_general3A_320 = tpu.matmul %get3A_13, %mul3A_313, %dot_general3A_319 {dimension_numbers = #tpu.dot_dimension_numbers<[1], [0], [0], [1], [0, 0, 1, 1], [], []>, transpose_lhs_hint = false} : vector<512x64xf32>, vector<64x256xf32>, vector<512x256xf32> -> vector<512x256xf32>
    %mul3A_321 = arith.mulf %dot_general3A_320, %get3A_19 : vector<512x256xf32>
    %dot_general3A_322 = arith.constant dense<0.000000e+00> : vector<512x64xf32>
    %dot_general3A_323 = tpu.matmul %mul3A_321, %add3A_318, %dot_general3A_322 {dimension_numbers = #tpu.dot_dimension_numbers<[1], [1], [0], [0], [0, 0, 1, 0], [], []>, transpose_lhs_hint = false} : vector<512x256xf32>, vector<64x256xf32>, vector<512x64xf32> -> vector<512x64xf32>
    %exp3A_324 = math.exp %dot_general3A_323 : vector<512x64xf32>
    %reduce_sum3A_325 = arith.constant dense<0.000000e+00> : vector<512xf32>
    %reduce_sum3A_326 = vector.multi_reduction <add>, %exp3A_324, %reduce_sum3A_325 [1] : vector<512x64xf32> to vector<512xf32>
    %broadcast_in_dim3A_327 = vector.shape_cast %reduce_sum3A_326 : vector<512xf32> to vector<512x1xf32>
    %div3A_328 = vector.broadcast %broadcast_in_dim3A_327 : vector<512x1xf32> to vector<512x64xf32>
    %div3A_329 = arith.divf %exp3A_324, %div3A_328 : vector<512x64xf32>
    %dot_general3A_330 = arith.constant dense<0.000000e+00> : vector<512x256xf32>
    %dot_general3A_331 = tpu.matmul %div3A_329, %slice3A_305, %dot_general3A_330 {dimension_numbers = #tpu.dot_dimension_numbers<[1], [0], [0], [1], [0, 0, 1, 1], [], []>, transpose_lhs_hint = false} : vector<512x64xf32>, vector<64x256xf32>, vector<512x256xf32> -> vector<512x256xf32>
    %mul3A_332 = arith.mulf %dot_general3A_331, %get3A_19 : vector<512x256xf32>
    %dot_general3A_333 = arith.constant dense<0.000000e+00> : vector<64x256xf32>
    %dot_general3A_334 = tpu.matmul %get3A_16, %mul3A_332, %dot_general3A_333 {dimension_numbers = #tpu.dot_dimension_numbers<[1], [0], [0], [1], [0, 0, 1, 1], [], []>, transpose_lhs_hint = false} : vector<64x512xf32>, vector<512x256xf32>, vector<64x256xf32> -> vector<64x256xf32>
    %mul3A_335 = vector.broadcast %reshape3A_302 : vector<64x1xf32> to vector<64x256xf32>
    %mul3A_336 = arith.mulf %dot_general3A_334, %mul3A_335 : vector<64x256xf32>
    %reshape3A_337 = vector.shape_cast %mul3A_336 : vector<64x256xf32> to vector<8x8x256xf32>
    %swap3A_338 = arith.constant 0 : index
    %swap3A_339 = arith.constant 0 : index
    %swap3A_340 = arith.constant 48 : index
    %swap3A_341 = arith.constant 0 : index
    %swap3A_342 = vector.load %arg11[%swap3A_338, %swap3A_339, %swap3A_340, %swap3A_341] : memref<1x8x64x256xf32, #tpu.memory_space<vmem>>, vector<1x8x8x256xf32>
    %swap3A_343 = vector.shape_cast %swap3A_342 : vector<1x8x8x256xf32> to vector<8x8x256xf32>
    %swap3A_344 = vector.shape_cast %reshape3A_337 : vector<8x8x256xf32> to vector<1x8x8x256xf32>
    tpu.vector_store %arg11[%swap3A_338, %swap3A_339, %swap3A_340, %swap3A_341], %swap3A_344 {strides = array<i32>} : memref<1x8x64x256xf32, #tpu.memory_space<vmem>>, vector<1x8x8x256xf32>,
    %slice3A_345 = vector.extract_strided_slice %get3A_25 {offsets = [0, 56, 0], sizes = [8, 8, 768], strides = [1, 1, 1]} : vector<8x64x768xf32> to vector<8x8x768xf32>
    %reshape3A_346 = vector.shape_cast %slice3A_345 : vector<8x8x768xf32> to vector<64x768xf32>
    %slice3A_347 = vector.extract_strided_slice %get3A_31 {offsets = [0, 56, 0], sizes = [8, 8, 1], strides = [1, 1, 1]} : vector<8x64x1xf32> to vector<8x8x1xf32>
    %reshape3A_348 = vector.shape_cast %slice3A_347 : vector<8x8x1xf32> to vector<64x1xf32>
    %slice3A_349 = vector.extract_strided_slice %reshape3A_346 {offsets = [0, 0], sizes = [64, 256], strides = [1, 1]} : vector<64x768xf32> to vector<64x256xf32>
    %slice3A_350 = vector.extract_strided_slice %reshape3A_346 {offsets = [0, 256], sizes = [64, 256], strides = [1, 1]} : vector<64x768xf32> to vector<64x256xf32>
    %slice3A_351 = vector.extract_strided_slice %reshape3A_346 {offsets = [0, 512], sizes = [64, 256], strides = [1, 1]} : vector<64x768xf32> to vector<64x256xf32>
    %mul3A_352 = arith.mulf %slice3A_349, %reshape3A : vector<64x256xf32>
    %dot_general3A_353 = arith.constant dense<0.000000e+00> : vector<64x256xf32>
    %dot_general3A_354 = tpu.matmul %slice3A_349, %get3A_10, %dot_general3A_353 {dimension_numbers = #tpu.dot_dimension_numbers<[1], [0], [0], [1], [0, 0, 1, 1], [], []>, transpose_lhs_hint = false} : vector<64x256xf32>, vector<256x256xf32>, vector<64x256xf32> -> vector<64x256xf32>
    %mul3A_355 = arith.mulf %dot_general3A_354, %reshape3A_7 : vector<64x256xf32>
    %add3A_356 = arith.addf %mul3A_352, %mul3A_355 : vector<64x256xf32>
    %mul3A_357 = arith.constant 0.176776692 : f32
    %mul3A_358 = vector.broadcast %mul3A_357 : f32 to vector<64x256xf32>
    %mul3A_359 = arith.mulf %add3A_356, %mul3A_358 : vector<64x256xf32>
    %mul3A_360 = arith.mulf %slice3A_350, %reshape3A : vector<64x256xf32>
    %dot_general3A_361 = arith.constant dense<0.000000e+00> : vector<64x256xf32>
    %dot_general3A_362 = tpu.matmul %slice3A_350, %get3A_10, %dot_general3A_361 {dimension_numbers = #tpu.dot_dimension_numbers<[1], [0], [0], [1], [0, 0, 1, 1], [], []>, transpose_lhs_hint = false} : vector<64x256xf32>, vector<256x256xf32>, vector<64x256xf32> -> vector<64x256xf32>
    %mul3A_363 = arith.mulf %dot_general3A_362, %reshape3A_7 : vector<64x256xf32>
    %add3A_364 = arith.addf %mul3A_360, %mul3A_363 : vector<64x256xf32>
    %dot_general3A_365 = arith.constant dense<0.000000e+00> : vector<512x256xf32>
    %dot_general3A_366 = tpu.matmul %get3A_13, %mul3A_359, %dot_general3A_365 {dimension_numbers = #tpu.dot_dimension_numbers<[1], [0], [0], [1], [0, 0, 1, 1], [], []>, transpose_lhs_hint = false} : vector<512x64xf32>, vector<64x256xf32>, vector<512x256xf32> -> vector<512x256xf32>
    %mul3A_367 = arith.mulf %dot_general3A_366, %get3A_19 : vector<512x256xf32>
    %dot_general3A_368 = arith.constant dense<0.000000e+00> : vector<512x64xf32>
    %dot_general3A_369 = tpu.matmul %mul3A_367, %add3A_364, %dot_general3A_368 {dimension_numbers = #tpu.dot_dimension_numbers<[1], [1], [0], [0], [0, 0, 1, 0], [], []>, transpose_lhs_hint = false} : vector<512x256xf32>, vector<64x256xf32>, vector<512x64xf32> -> vector<512x64xf32>
    %exp3A_370 = math.exp %dot_general3A_369 : vector<512x64xf32>
    %reduce_sum3A_371 = arith.constant dense<0.000000e+00> : vector<512xf32>
    %reduce_sum3A_372 = vector.multi_reduction <add>, %exp3A_370, %reduce_sum3A_371 [1] : vector<512x64xf32> to vector<512xf32>
    %broadcast_in_dim3A_373 = vector.shape_cast %reduce_sum3A_372 : vector<512xf32> to vector<512x1xf32>
    %div3A_374 = vector.broadcast %broadcast_in_dim3A_373 : vector<512x1xf32> to vector<512x64xf32>
    %div3A_375 = arith.divf %exp3A_370, %div3A_374 : vector<512x64xf32>
    %dot_general3A_376 = arith.constant dense<0.000000e+00> : vector<512x256xf32>
    %dot_general3A_377 = tpu.matmul %div3A_375, %slice3A_351, %dot_general3A_376 {dimension_numbers = #tpu.dot_dimension_numbers<[1], [0], [0], [1], [0, 0, 1, 1], [], []>, transpose_lhs_hint = false} : vector<512x64xf32>, vector<64x256xf32>, vector<512x256xf32> -> vector<512x256xf32>
    %mul3A_378 = arith.mulf %dot_general3A_377, %get3A_19 : vector<512x256xf32>
    %dot_general3A_379 = arith.constant dense<0.000000e+00> : vector<64x256xf32>
    %dot_general3A_380 = tpu.matmul %get3A_16, %mul3A_378, %dot_general3A_379 {dimension_numbers = #tpu.dot_dimension_numbers<[1], [0], [0], [1], [0, 0, 1, 1], [], []>, transpose_lhs_hint = false} : vector<64x512xf32>, vector<512x256xf32>, vector<64x256xf32> -> vector<64x256xf32>
    %mul3A_381 = vector.broadcast %reshape3A_348 : vector<64x1xf32> to vector<64x256xf32>
    %mul3A_382 = arith.mulf %dot_general3A_380, %mul3A_381 : vector<64x256xf32>
    %reshape3A_383 = vector.shape_cast %mul3A_382 : vector<64x256xf32> to vector<8x8x256xf32>
    %swap3A_384 = arith.constant 0 : index
    %swap3A_385 = arith.constant 0 : index
    %swap3A_386 = arith.constant 56 : index
    %swap3A_387 = arith.constant 0 : index
    %swap3A_388 = vector.load %arg11[%swap3A_384, %swap3A_385, %swap3A_386, %swap3A_387] : memref<1x8x64x256xf32, #tpu.memory_space<vmem>>, vector<1x8x8x256xf32>
    %swap3A_389 = vector.shape_cast %swap3A_388 : vector<1x8x8x256xf32> to vector<8x8x256xf32>
    %swap3A_390 = vector.shape_cast %reshape3A_383 : vector<8x8x256xf32> to vector<1x8x8x256xf32>
    tpu.vector_store %arg11[%swap3A_384, %swap3A_385, %swap3A_386, %swap3A_387], %swap3A_390 {strides = array<i32>} : memref<1x8x64x256xf32, #tpu.memory_space<vmem>>, vector<1x8x8x256xf32>,
    return
  }
  func.func @transform_0(%arg0: i32, %arg1: i32, %arg2: i32) -> (i32, i32, i32, i32) {
    %c0_i32 = arith.constant 0 : i32
    %c0_i32_0 = arith.constant 0 : i32
    return %arg0, %arg1, %arg2, %c0_i32 : i32, i32, i32, i32
  }
  func.func @transform_1(%arg0: i32, %arg1: i32, %arg2: i32) -> (i32, i32, i32) {
    %c0_i32 = arith.constant 0 : i32
    %c0_i32_0 = arith.constant 0 : i32
    %c0_i32_1 = arith.constant 0 : i32
    %c0_i32_2 = arith.constant 0 : i32
    return %c0_i32, %c0_i32_0, %c0_i32_1 : i32, i32, i32
  }
  func.func @transform_2(%arg0: i32, %arg1: i32, %arg2: i32) -> (i32, i32, i32) {
    %c0_i32 = arith.constant 0 : i32
    %c0_i32_0 = arith.constant 0 : i32
    %c0_i32_1 = arith.constant 0 : i32
    %c0_i32_2 = arith.constant 0 : i32
    return %c0_i32, %c0_i32_0, %c0_i32_1 : i32, i32, i32
  }
  func.func @transform_3(%arg0: i32, %arg1: i32, %arg2: i32) -> (i32, i32, i32, i32) {
    %c0_i32 = arith.constant 0 : i32
    %c0_i32_0 = arith.constant 0 : i32
    return %arg0, %arg1, %arg2, %c0_i32 : i32, i32, i32, i32
  }
  func.func @transform_4(%arg0: i32, %arg1: i32, %arg2: i32) -> (i32, i32) {
    %c0_i32 = arith.constant 0 : i32
    %c0_i32_0 = arith.constant 0 : i32
    %c0_i32_1 = arith.constant 0 : i32
    return %c0_i32, %c0_i32_0 : i32, i32
  }
  func.func @transform_5(%arg0: i32, %arg1: i32, %arg2: i32) -> (i32, i32) {
    %c0_i32 = arith.constant 0 : i32
    %c0_i32_0 = arith.constant 0 : i32
    %c0_i32_1 = arith.constant 0 : i32
    return %c0_i32, %c0_i32_0 : i32, i32
  }
  func.func @transform_6(%arg0: i32, %arg1: i32, %arg2: i32) -> (i32, i32) {
    %c0_i32 = arith.constant 0 : i32
    %c0_i32_0 = arith.constant 0 : i32
    %c0_i32_1 = arith.constant 0 : i32
    return %c0_i32, %c0_i32_0 : i32, i32
  }
  func.func @transform_7(%arg0: i32, %arg1: i32, %arg2: i32) -> (i32, i32) {
    %c0_i32 = arith.constant 0 : i32
    %c0_i32_0 = arith.constant 0 : i32
    %c0_i32_1 = arith.constant 0 : i32
    return %c0_i32, %c0_i32_0 : i32, i32
  }
  func.func @transform_8(%arg0: i32, %arg1: i32, %arg2: i32) -> (i32, i32, i32, i32) {
    %c0_i32 = arith.constant 0 : i32
    %c0_i32_0 = arith.constant 0 : i32
    return %arg0, %arg1, %arg2, %c0_i32 : i32, i32, i32, i32
  }
}

module attributes {stable_mosaic.version = 14 : i64} {
  func.func @_grouped_body(%arg0: i32, %arg1: memref<128xi32, #tpu.memory_space<smem>>, %arg2: memref<512x256xf32, #tpu.memory_space<vmem>>, %arg3: memref<1x256x256xf32, #tpu.memory_space<vmem>>, %arg4: memref<1x1x256xf32, #tpu.memory_space<vmem>>, %arg5: memref<512x256xf32, #tpu.memory_space<vmem>>) attributes {dimension_semantics = [#tpu.dimension_semantics<arbitrary>], iteration_bounds = array<i64: 24>, scalar_prefetch = 1 : i64, scratch_operands = 0 : i64, tpu.core_type = #tpu.core_type<tc>, window_params = [{transform_indices = @transform_0, window_bounds = array<i64: 512, 256>}, {transform_indices = @transform_1, window_bounds = array<i64: 1, 256, 256>}, {transform_indices = @transform_2, window_bounds = array<i64: 1, 1, 256>}, {transform_indices = @transform_3, window_bounds = array<i64: 512, 256>}]} {
    %get3A = arith.constant 0 : index
    %get3A_0 = arith.constant 0 : index
    %get3A_1 = vector.load %arg2[%get3A, %get3A_0] : memref<512x256xf32, #tpu.memory_space<vmem>>, vector<512x256xf32>
    %get3A_2 = arith.constant 0 : index
    %get3A_3 = arith.constant 0 : index
    %get3A_4 = arith.constant 0 : index
    %get3A_5 = vector.load %arg3[%get3A_2, %get3A_3, %get3A_4] : memref<1x256x256xf32, #tpu.memory_space<vmem>>, vector<1x256x256xf32>
    %get3A_6 = vector.shape_cast %get3A_5 : vector<1x256x256xf32> to vector<256x256xf32>
    %dot_general3A = arith.constant dense<0.000000e+00> : vector<512x256xf32>
    %dot_general3A_7 = tpu.matmul %get3A_1, %get3A_6, %dot_general3A {dimension_numbers = #tpu.dot_dimension_numbers<[1], [0], [0], [1], [0, 0, 1, 1], [], []>, transpose_lhs_hint = false} : vector<512x256xf32>, vector<256x256xf32>, vector<512x256xf32> -> vector<512x256xf32>
    %get3A_8 = arith.constant 0 : index
    %get3A_9 = arith.constant 0 : index
    %get3A_10 = arith.constant 0 : index
    %get3A_11 = vector.load %arg4[%get3A_8, %get3A_9, %get3A_10] : memref<1x1x256xf32, #tpu.memory_space<vmem>>, vector<1x1x256xf32>
    %get3A_12 = vector.shape_cast %get3A_11 : vector<1x1x256xf32> to vector<1x256xf32>
    %add3A = vector.broadcast %get3A_12 : vector<1x256xf32> to vector<512x256xf32>
    %add3A_13 = arith.addf %dot_general3A_7, %add3A : vector<512x256xf32>
    %swap3A = arith.constant 0 : index
    %swap3A_14 = arith.constant 0 : index
    %swap3A_15 = vector.load %arg5[%swap3A, %swap3A_14] : memref<512x256xf32, #tpu.memory_space<vmem>>, vector<512x256xf32>
    tpu.vector_store %arg5[%swap3A, %swap3A_14], %add3A_13 {strides = array<i32>} : memref<512x256xf32, #tpu.memory_space<vmem>>, vector<512x256xf32>,
    return
  }
  func.func @transform_0(%arg0: i32, %arg1: memref<128xi32, #tpu.memory_space<smem>>) -> (i32, i32) {
    %c0_i32 = arith.constant 0 : i32
    %c0_i32_0 = arith.constant 0 : i32
    return %arg0, %c0_i32 : i32, i32
  }
  func.func @transform_1(%arg0: i32, %arg1: memref<128xi32, #tpu.memory_space<smem>>) -> (i32, i32, i32) {
    %get3A = arith.index_cast %arg0 : i32 to index
    %get3A_0 = memref.load %arg1[%get3A] : memref<128xi32, #tpu.memory_space<smem>>
    %c0_i32 = arith.constant 0 : i32
    %c0_i32_1 = arith.constant 0 : i32
    %c0_i32_2 = arith.constant 0 : i32
    return %get3A_0, %c0_i32, %c0_i32_1 : i32, i32, i32
  }
  func.func @transform_2(%arg0: i32, %arg1: memref<128xi32, #tpu.memory_space<smem>>) -> (i32, i32, i32) {
    %get3A = arith.index_cast %arg0 : i32 to index
    %get3A_0 = memref.load %arg1[%get3A] : memref<128xi32, #tpu.memory_space<smem>>
    %c0_i32 = arith.constant 0 : i32
    %c0_i32_1 = arith.constant 0 : i32
    %c0_i32_2 = arith.constant 0 : i32
    return %get3A_0, %c0_i32, %c0_i32_1 : i32, i32, i32
  }
  func.func @transform_3(%arg0: i32, %arg1: memref<128xi32, #tpu.memory_space<smem>>) -> (i32, i32) {
    %c0_i32 = arith.constant 0 : i32
    %c0_i32_0 = arith.constant 0 : i32
    return %arg0, %c0_i32 : i32, i32
  }
}

</mosaic_0001>

<sc_bundles>
// kernel: kernel.11.cloned.1.call-start
scs
__scs_entry_jumppad:
0x0: {  	(pc) =	sbr.rel $0x88, $3  }
0x1: {  	(tag) =	ssettag $0x0;
	lr =	simm.s32 $0x1  }
0x2: {  	[smem:$0x3F98] =	sst lr;
	_ =	strace $0xD0000000  }
0x3: {  	_ = 	snop  }
0x4: {  	_ = 	snop  }
0x5: {  	_ = 	snop  }
0x6: {  	_ = 	snop  }
0x7: {  	_ = 	snop  }
__scs_overlays_trampoline_lowered:
0x8: {  	[smem:$0x3FA7] =	sst s0  }
0x9: {  	[smem:$0x3FA8] =	sst s1  }
0xa: {  	[smem:$0x3FA9] =	sst s2  }
0xb: {  	[smem:$0x3FAA] =	sst s3  }
0xc: {  	[smem:$0x3FAB] =	sst s4  }
0xd: {  	[smem:$0x3FAC] =	sst s5  }
0xe: {  	[smem:$0x3FAD] =	sst s6  }
0xf: {  	[smem:$0x3FAE] =	sst s7  }
0x10: {  	[smem:$0x3FAF] =	sst s8  }
0x11: {  	[smem:$0x3FB0] =	sst s9;
	s0 =	simm.s32 @!p0 $0x0  }
0x12: {  	s1 =	sld [smem:$0x3F96];
	s0 =	simm.s32 @p0 $0x1  }
0x13: {  	[smem:$0x3FB1] =	sst s0;
	s0 =	simm.s32 @!p1 $0x0  }
0x14: {  	s2 =	sld [smem:$0x3F95];
	s0 =	simm.s32 @p1 $0x1  }
0x15: {  	[smem:$0x3FB2] =	sst s0;
	s0 =	simm.s32 @!p2 $0x0  }
0x16: {  	s3 =	sld [smem:$0x3FDB];
	s0 =	simm.s32 @p2 $0x1  }
0x17: {  	s4 =	simm.s32 $0x1BF5;
	[smem:$0x3FB4] =	sst s0  }
0x18: {  	s0 =	sld [smem:$0x3F97];
	_ =	swait.ge [sflag:s4], $0x0  }
0x19: {  	s7 =	sld [smem:$0x3F98]  }
0x1a: {  	s8 =	sadd.s32 $0xFFFFE003, lr  }
0x1b: {  	s9 =	sadd.s32 $0xFFFFFEF7, lr;
	s5 =	simm.s32 $0xFFFFFFFF;
	p2 =	slt.u32 s8, $0xFFFFF086  }
0x1c: {  	p1 =	slt.u32 s9, $0xF7A;
	s5 =	simm.s32 @!p2 $0x0  }
0x1d: {  	s5 =	simm.s32 @p1 $0x1;
	p0 =	seq.s32 s7, s2  }
0x1e: {  	s7 =	smul.u32 @!p0 $0xF7A, s2;
	p2 =	seq.s32 @!p0 s5, $0x0  }
0x1f: {  	s9 =	smul.u32 $0xF7A, s1;
	s8 =	simm.s32 @!p0 $0x1BF5;
	p2 =	por !p2, p0  }
0x20: {  	[sflag:s8] =	ssyncset.s32 @!p0 $0xFFFFF086;
	s6 =	sadd.s32 @!p0 s3, s7;
	s7 =	simm.s32 @!p0 $0x108  }
0x21: {  	s3 =	sadd.s32 s3, s9;
	s6 =	sadd.s32 @!p0 $0x88, s6;
	s7 =	simm.s32 @p2 $0x1082  }
0x22: {  	[simem:s7], [sflag:s8] =	dma.local @!p0 [hbm:s6], $0xF7A  }
0x23: {  	s9 =	sor.u32 $0xD0000000, s2;
	s6 =	simm.s32 $0x108;
	_ =	swait.ge @!p0 [sflag:s8], $0x0  }
0x24: {  	s3 =	sadd.s32 $0x88, s3;
	s6 =	simm.s32 @!p1 $0x1082;
	[sflag:s4] =	ssyncset.s32 $0xFFFFF086  }
0x25: {  	[simem:s6], [sflag:s4] =	dma.local [hbm:s3], $0xF7A  }
0x26: {  	[smem:$0x3F98] =	sst s1;
	(tag) =	ssettag s2;
	_ =	strace s9  }
0x27: {  	s1 =	sld [smem:$0x3FA8]  }
0x28: {  	s2 =	sld [smem:$0x3FA9]  }
0x29: {  	s4 =	sld [smem:$0x3FAB]  }
0x2a: {  	p0 =	seq.s32 s5, $0x0;
	s5 =	sld [smem:$0x3FAC]  }
0x2b: {  	s6 =	sld [smem:$0x3FAD]  }
0x2c: {  	s7 =	sld [smem:$0x3FAE]  }
0x2d: {  	s3 =	simm.s32 $0x108;
	s8 =	sld [smem:$0x3FAF]  }
0x2e: {  	s3 =	simm.s32 @!p0 $0x1082;
	s9 =	sld [smem:$0x3FB0]  }
0x2f: {  	lr =	sadd.s32 s0, s3;
	s0 =	sld [smem:$0x3FA7]  }
0x30: {  	s3 =	sld [smem:$0x3FAA]  }
0x31: {  	[smem:$0x3FB3] =	sst s10  }
0x32: {  	s10 =	sld [smem:$0x3FB1];
	_ =	sdelay $0x3  }
0x33: {  	p0 =	seq.s32 s10, $0x1;
	s10 =	sld [smem:$0x3FB3];
	_ =	sdelay $0x3  }
0x34: {  	[smem:$0x3FB3] =	sst s10  }
0x35: {  	s10 =	sld [smem:$0x3FB2];
	_ =	sdelay $0x3  }
0x36: {  	p1 =	seq.s32 s10, $0x1;
	s10 =	sld [smem:$0x3FB3];
	_ =	sdelay $0x3  }
0x37: {  	[smem:$0x3FB3] =	sst s10  }
0x38: {  	s10 =	sld [smem:$0x3FB4]  }
0x39: {  	_ = 	snop;
	(pc) =	sbr.ind lr, $3  }
0x3a: {  	_ = 	snop  }
0x3b: {  	_ = 	snop  }
0x3c: {  	p2 =	seq.s32 s10, $0x1;
	s10 =	sld [smem:$0x3FB3]  }
0x3d: {  	_ =	shalt  }
0x3e: {  	_ =	shalt  }
0x3f: {  	_ =	shalt  }
0x40: {  	_ =	shalt  }
0x41: {  	_ =	shalt  }
0x42: {  	_ =	shalt  }
0x43: {  	_ =	shalt  }
0x44: {  	_ =	shalt  }
0x45: {  	_ =	shalt  }
0x46: {  	_ =	shalt  }
0x47: {  	_ =	shalt  }
0x48: {  	_ =	shalt  }
0x49: {  	_ =	shalt  }
0x4a: {  	_ =	shalt  }
0x4b: {  	_ =	shalt  }
0x4c: {  	_ =	shalt  }
0x4d: {  	_ =	shalt  }
0x4e: {  	_ =	shalt  }
0x4f: {  	_ =	shalt  }
0x50: {  	_ =	shalt  }
0x51: {  	_ =	shalt  }
0x52: {  	_ =	shalt  }
0x53: {  	_ =	shalt  }
0x54: {  	_ =	shalt  }
0x55: {  	_ =	shalt  }
0x56: {  	_ =	shalt  }
0x57: {  	_ =	shalt  }
0x58: {  	_ =	shalt  }
0x59: {  	_ =	shalt  }
0x5a: {  	_ =	shalt  }
0x5b: {  	_ =	shalt  }
0x5c: {  	_ =	shalt  }
0x5d: {  	_ =	shalt  }
0x5e: {  	_ =	shalt  }
0x5f: {  	_ =	shalt  }
0x60: {  	_ =	shalt  }
0x61: {  	_ =	shalt  }
0x62: {  	_ =	shalt  }
0x63: {  	_ =	shalt  }
0x64: {  	_ =	shalt  }
0x65: {  	_ =	shalt  }
0x66: {  	_ =	shalt  }
0x67: {  	_ =	shalt  }
0x68: {  	_ =	shalt  }
0x69: {  	_ =	shalt  }
0x6a: {  	_ =	shalt  }
0x6b: {  	_ =	shalt  }
0x6c: {  	_ =	shalt  }
0x6d: {  	_ =	shalt  }
0x6e: {  	_ =	shalt  }
0x6f: {  	_ =	shalt  }
0x70: {  	_ =	shalt  }
0x71: {  	_ =	shalt  }
0x72: {  	_ =	shalt  }
0x73: {  	_ =	shalt  }
0x74: {  	_ =	shalt  }
0x75: {  	_ =	shalt  }
0x76: {  	_ =	shalt  }
0x77: {  	_ =	shalt  }
0x78: {  	_ =	shalt  }
0x79: {  	_ =	shalt  }
0x7a: {  	_ =	shalt  }
0x7b: {  	_ =	shalt  }
0x7c: {  	_ =	shalt  }
0x7d: {  	_ =	shalt  }
0x7e: {  	_ =	shalt  }
0x7f: {  	_ =	shalt  }
0x80: {  	_ =	shalt  }
0x81: {  	_ =	shalt  }
0x82: {  	_ =	shalt  }
0x83: {  	_ =	shalt  }
0x84: {  	_ =	shalt  }
0x85: {  	_ =	shalt  }
0x86: {  	_ =	shalt  }
0x87: {  	_ =	shalt  }
.Lfunc_end0:
.L_simem_size_0:
called_computation_lowered:
.L_overlay_start_0:
0x88: {  	s2 =	sld [smem:$0x3FD9]  }
0x89: {  	s3 =	sld [smem:$0x3FFE];
	_ =	sdelay $0x1  }
0x8a: {  	s1 =	srdreg.scid  }
0x8b: {  	s0 =	sand.u32 $0x1, s1  }
0x8c: {  	s17 =	sshll.u32 s0, $0xA;
	s2 =	sadd.s32 s3, s2  }
0x8d: {  	s2 =	sadd.s32 s2, s17  }
0x8e: {  	[smem:$0x3FBF] =	sst s2  }
0x8f: {  	_ = 	snop  }
0x90: {  	s2 =	sld [smem:$0x3FC9];
	(tm) =	ssettm $0x1  }
0x91: {  	s18 =	sld [smem:$0x3FFB];
	_ =	sdelay $0x3  }
0x92: {  	_ =	strace s18  }
0x93: {  	s3 =	sld [smem:$0x3FFC];
	_ =	sdelay $0x3  }
0x94: {  	_ =	strace s3  }
0x95: {  	s3 =	sld [smem:$0x3FFD];
	_ =	sdelay $0x3  }
0x96: {  	_ =	strace s3  }
0x97: {  	_ =	strace $0x8FFFFFFF  }
0x98: {  	s19 =	sld [smem:$0x3FDB];
	_ =	sdelay $0x1  }
0x99: {  	s4 =	simm.s32 $_scs_section_size  }
0x9a: {  	s5 =	simm.s32 $_size__tile_overlayer_lowered;
	s6 =	simm.s32 $_tile_overlayer_lowered  }
0x9b: {  	s22 =	simm.s32 $0x1BFF;
	s21 =	sshll.u32 s6, $0x1;
	s3 =	sadd.s32 s4, s19  }
0x9c: {  	s7 =	simm.s32 $0x0;
	s20 =	sshll.u32 s5, $0x1;
	s5 =	sadd.s32 s21, s3  }
0x9d: {  	[timem:s7], [sflag:s22] =	dma.local [hbm:s5], s20  }
0x9e: {  	_ =	swait.ge [sflag:s22], s20  }
0x9f: {  	s4 =	ssub.s32 $0x0, s20;
	[sflag:s22] =	ssyncset.done $0x0  }
0xa0: {  	[sflag:s22] =	ssyncadd.s32 s4;
	_ =	sdelay $0x1  }
0xa1: {  	s23 =	simm.s32 $0x1B8B  }
0xa2: {  	_ =	swait.ge [sflag:s23], $0x1  }
0xa3: {  	[sflag:s23] =	ssyncset.done $0x0  }
0xa4: {  	s25 =	simm.s32 $0x1B8E;
	s24 =	sld [smem:$0x3FFE];
	[sflag:s23] =	ssyncadd.s32 $0xFFFFFFFF  }
0xa5: {  	s26 =	simm.s32 $execute0_lowered;
	[smem:$0x3FD2] =	sst s25  }
0xa6: {  	s5 =	sshll.u32 s26, $0x1;
	_ =	strace $0x80000046;
	[dreg:$0x1] =	wrdreg $0xFFFFFFFF  }
0xa7: {  	s28 =	simm.s32 $_size_execute0_lowered;
	s3 =	sadd.s32 s3, s5;
	[dreg:$0x0] =	wrdreg $0x0  }
0xa8: {  	s5 =	sshll.u32 s28, $0x1;
	[dreg:$0x2] =	wrdreg s3  }
0xa9: {  	[dreg:$0x3] =	wrdreg s5  }
0xaa: {  	[dreg:$0x4] =	wrdreg $0xC0  }
0xab: {  	_ =	task [dreg:s7], $0x5FFFF  }
0xac: {  	[dreg:$0x1] =	wrdreg $0xFFFFFFFF  }
0xad: {  	[dreg:$0x0] =	wrdreg $0x60  }
0xae: {  	[dreg:$0x2] =	wrdreg s2  }
0xaf: {  	[dreg:$0x3] =	wrdreg s24  }
0xb0: {  	[dreg:$0x4] =	wrdreg $0x9  }
0xb1: {  	_ =	task.clear_ibuf [dreg:s7], $0x5FFFF;
	_ =	strace $0x90000046  }
0xb2: {  	s29 =	simm.s32 $0x9;
	_ =	strace $0x80000048  }
0xb3: {  	_ =	swait.ge [sflag:s29], $0x1  }
0xb4: {  	[sflag:s29] =	ssyncadd.s32 $0xFFFFFFFF  }
0xb5: {  	_ =	strace $0x90000048  }
0xb6: {  	_ =	sfence  }
0xb7: {  	s30 =	sld [smem:$0x0];
	_ =	sdelay $0x2  }
0xb8: {  	s31 =	sshll.u32 s1, $0xD;
	s1 =	sshrl.u32 s1, $0x2  }
0xb9: {  	s3 =	sand.u32 $0x4000, s31;
	s1 =	sadd.s32 s1, s30  }
0xba: {  	s0 =	sor.u32 s3, s0;
	s1 =	sshll.u32 s1, $0x11  }
0xbb: {  	s0 =	sor.u32 s1, s0  }
0xbc: {  	s0 =	sadd.s32 $0x8F2B, s0  }
0xbd: {  	[sflag:s0] =	ssyncadd.remote.s32 $0x1  }
0xbe: {  	_ =	sfence.sel $0xFFFF  }
0xbf: {  	[dreg:$0x0] =	wrdreg $0xFFFFFFFF;
	(pc) =	sbr.abs _section_cstart, $3  }
0xc0: {  	[dreg:$0x1] =	wrdreg $0xFFFFFFFF  }
0xc1: {  	_ =	task.clear_ibuf [dreg:s7], $0x2FFFF;
	_ =	strace $0x9FFFFFFF  }
0xc2: {  	(tm) =	ssettm $0x7FFFFFFF  }
0xc3: {  	_ =	shalt  }
tec
execute0_lowered:
.L_overlay_start_1:
0x0: {  	(tag) =	ssettag $0x1  }
0x1: {  	s0 =	rddreg [dreg:$0x0]  }
0x2: {  	s3 =	rddreg [dreg:$0x1]  }
0x3: {  	s2 =	srdreg.scid;
	s1 =	stileid.u32;
	s17 =	simm.s32 $0x80  }
0x4: {  	s18 =	simm.s32 $0x900;
	s19 =	simm.s32 $0x1100;
	s20 =	simm.s32 $0x1900  }
0x5: {  	s21 =	simm.s32 $0x2100;
	s23 =	simm.s32 $0x2900;
	s24 =	simm.s32 $0x3100  }
0x6: {  	s25 =	simm.s32 $0x3900;
	s4 =	sand.u32 $0x1, s2;
	s2 =	simm.s32 $0x0  }
0x7: {  	s26 =	simm.s32 $0x4100;
	s10 =	simm.s32 $0x6100;
	[smem:$0x7FF] =	sst s2  }
0x8: {  	s11 =	simm.s32 $0x6900;
	_ =	strace $0x80000047;
	[dreg:$0x7] =	wrdreg s17  }
0x9: {  	s12 =	simm.s32 $0x7100;
	s13 =	simm.s32 $0x7900;
	[dreg:$0x8] =	wrdreg s18  }
0xa: {  	s14 =	simm.s32 $0x8100;
	s28 =	simm.s32 $0xE900;
	[dreg:$0x9] =	wrdreg s19  }
0xb: {  	s29 =	simm.s32 $0xF100;
	s30 =	simm.s32 $0xF900;
	[dreg:$0xa] =	wrdreg s20  }
0xc: {  	s31 =	simm.s32 $0x1;
	s5 =	sshll.u32 s1, $0x9;
	[dreg:$0xb] =	wrdreg s21  }
0xd: {  	s15 =	sadd.s32 $0x3E00, s3;
	s3 =	sadd.s32 $0x4200, s3;
	[dreg:$0xc] =	wrdreg s23  }
0xe: {  	s6 =	sshll.u32 s4, $0x8;
	s4 =	ssub.s32 $0x2, s4;
	[dreg:$0xd] =	wrdreg s24  }
0xf: {  	s5 =	sor.u32 s6, s5;
	s22 =	sshrl.u32 s4, $0x1;
	[dreg:$0xe] =	wrdreg s25  }
0x10: {  	[dreg:$0xf] =	wrdreg s26;
	s17 =	simm.s32 $0x9900;
	s18 =	simm.s32 $0xA100  }
0x11: {  	s19 =	simm.s32 $0xA900;
	s20 =	simm.s32 $0xB100;
	s21 =	simm.s32 $0xB900  }
0x12: {  	s23 =	simm.s32 $0xC900;
	s24 =	simm.s32 $0xD100;
	s25 =	simm.s32 $0xD900  }
0x13: {  	s26 =	simm.s32 $0xE100;
	s7 =	sshrl.u32 s5, $0x3;
	s8 =	sor.u32 $0x80, s5  }
0x14: {  	s5 =	sshll.u32 s5, $0x5;
	s4 =	ssub.s32 s4, s22;
	s22 =	simm.s32 $0xC100  }
0x15: {  	s7 =	sadd.s32 s15, s7;
	s9 =	sshrl.u32 s8, $0x3;
	s5 =	sadd.s32 s0, s5  }
0x16: {  	s16 =	sshll.u32 s8, $0x5;
	s4 =	smax.u32 s4, $0x1;
	[dreg:$0x3] =	wrdreg s7  }
0x17: {  	s8 =	simm.s32 $0x5100;
	s6 =	sadd.s32 s15, s9;
	[dreg:$0x5] =	wrdreg s5  }
0x18: {  	v2 =	vlaneseq.u32;
	s0 =	sadd.s32 s0, s16;
	s5 =	simm.s32 $0x3;
	s9 =	simm.s32 $0x5900  }
0x19: {  	vm0 =	vmmov $0xffff;
	v1 =	vshrl.u32 v2, $0x3;
	s15 =	simm.s32 $0x8900;
	s16 =	simm.s32 $0x9100;
	[dreg:$0x4] =	wrdreg s6  }
0x1a: {  	v0 =	vand.u32 $0x7, v2;
	v2 =	vor.u32 $0x8, v2;
	v1 =	vmul.u32 $0x8, v1;
	[dreg:$0x6] =	wrdreg s0;
	s6 =	simm.s32 $0x100;
	s0 =	simm.s32 $0x2  }
.LBB2_1:
0x1b: {  	s1 =	rddreg [dreg:$0x3]  }
0x1c: {  	[tilespmem:s2], [sflag:$0x3] =	stream.linear.gather [hbm4b:s1+s2], $0x80, $0x38;
	[tilespmem:$0x10100] =	vst v63  }
0x1d: {  	_ =	swait.ge [sflag:s5], $0x80  }
0x1e: {  	s1 =	rddreg [dreg:$0x4];
	[sflag:s5] =	ssyncset.done $0x0  }
0x1f: {  	s7 =	rddreg [dreg:$0x7];
	[sflag:s5] =	ssyncadd.s32 $0xFFFFFF80  }
0x20: {  	[tilespmem:s7], [sflag:$0x3] =	stream.linear.gather [hbm4b:s1+s2], $0x80, $0x38;
	[tilespmem:$0x10100] =	vst v63  }
0x21: {  	_ =	swait.ge [sflag:s5], $0x80  }
0x22: {  	[sflag:s5] =	ssyncset.done $0x0  }
0x23: {  	s7 =	rddreg [dreg:$0x5];
	[sflag:s5] =	ssyncadd.s32 $0xFFFFFF80  }
0x24: {  	[tilespmem:s6], [sflag:$0x3] =	stream.linear.gather [hbm4b:s7+s2], $0x8000, $0x38;
	[tilespmem:$0x10100] =	vst v63  }
0x25: {  	_ =	swait.ge [sflag:s5], $0x8000  }
0x26: {  	[sflag:s5] =	ssyncset.done $0x0  }
0x27: {  	[sflag:s5] =	ssyncadd.s32 $0xFFFF8000  }
0x28: {  	v3 =	vld [tilespmem:$0x0];
	_ =	sdelay $0x4  }
0x29: {  	v4 =	vshll.u32 v3, $0x1  }
0x2a: {  	v3 =	vand.u32 $0x7, v3;
	v4 =	vand.u32 $0xFFFFFFF0, v4  }
0x2b: {  	v3 =	vor.u32 v3, v4  }
0x2c: {  	v4 =	vperm.xlane v3, v0;
	_ =	sdelay $0x1  }
0x2d: {  	v3 =	vperm.xlane v3, v2;
	v4 =	vadd.s32 v1, v4;
	_ =	sdelay $0x1  }
0x2e: {  	v3 =	vadd.s32 v1, v3;
	_ =	sdelay $0x2  }
0x2f: {  	[hbm4b:s3+s2] =	stream.indirect_vreg.scatter [tilespmem:s6], [sflag:$0x1], $0x80, v4, vm0, $0xb8;
	[tilespmem:$0x10100] =	vst v63  }
0x30: {  	s7 =	rddreg [dreg:$0x8]  }
0x31: {  	[hbm4b:s3+s2] =	stream.indirect_vreg.scatter [tilespmem:s7], [sflag:$0x1], $0x80, v3, vm0, $0xb8;
	[tilespmem:$0x10100] =	vst v63  }
0x32: {  	v3 =	vld [tilespmem:$0x10];
	_ =	sdelay $0x4  }
0x33: {  	v49 =	vshll.u32 v3, $0x1  }
0x34: {  	v3 =	vand.u32 $0x7, v3;
	v4 =	vand.u32 $0xFFFFFFF0, v49  }
0x35: {  	v3 =	vor.u32 v3, v4  }
0x36: {  	v4 =	vperm.xlane v3, v0;
	_ =	sdelay $0x1  }
0x37: {  	v3 =	vperm.xlane v3, v2;
	v4 =	vadd.s32 v1, v4;
	_ =	sdelay $0x1  }
0x38: {  	v3 =	vadd.s32 v1, v3;
	_ =	sdelay $0x1  }
0x39: {  	s1 =	rddreg [dreg:$0x9]  }
0x3a: {  	[hbm4b:s3+s2] =	stream.indirect_vreg.scatter [tilespmem:s1], [sflag:$0x1], $0x80, v4, vm0, $0xb8;
	[tilespmem:$0x10100] =	vst v63  }
0x3b: {  	s7 =	rddreg [dreg:$0xa]  }
0x3c: {  	[hbm4b:s3+s2] =	stream.indirect_vreg.scatter [tilespmem:s7], [sflag:$0x1], $0x80, v3, vm0, $0xb8;
	[tilespmem:$0x10100] =	vst v63  }
0x3d: {  	v3 =	vld [tilespmem:$0x20];
	_ =	sdelay $0x4  }
0x3e: {  	v50 =	vshll.u32 v3, $0x1  }
0x3f: {  	v3 =	vand.u32 $0x7, v3;
	v4 =	vand.u32 $0xFFFFFFF0, v50  }
0x40: {  	v3 =	vor.u32 v3, v4  }
0x41: {  	v4 =	vperm.xlane v3, v0;
	_ =	sdelay $0x1  }
0x42: {  	v3 =	vperm.xlane v3, v2;
	v4 =	vadd.s32 v1, v4;
	_ =	sdelay $0x1  }
0x43: {  	v3 =	vadd.s32 v1, v3;
	_ =	sdelay $0x1  }
0x44: {  	s1 =	rddreg [dreg:$0xb]  }
0x45: {  	[hbm4b:s3+s2] =	stream.indirect_vreg.scatter [tilespmem:s1], [sflag:$0x1], $0x80, v4, vm0, $0xb8;
	[tilespmem:$0x10100] =	vst v63  }
0x46: {  	s7 =	rddreg [dreg:$0xc]  }
0x47: {  	[hbm4b:s3+s2] =	stream.indirect_vreg.scatter [tilespmem:s7], [sflag:$0x1], $0x80, v3, vm0, $0xb8;
	[tilespmem:$0x10100] =	vst v63  }
0x48: {  	v3 =	vld [tilespmem:$0x30];
	_ =	sdelay $0x4  }
0x49: {  	v51 =	vshll.u32 v3, $0x1  }
0x4a: {  	v3 =	vand.u32 $0x7, v3;
	v4 =	vand.u32 $0xFFFFFFF0, v51  }
0x4b: {  	v3 =	vor.u32 v3, v4  }
0x4c: {  	v4 =	vperm.xlane v3, v0;
	_ =	sdelay $0x1  }
0x4d: {  	v3 =	vperm.xlane v3, v2;
	v4 =	vadd.s32 v1, v4;
	_ =	sdelay $0x1  }
0x4e: {  	v3 =	vadd.s32 v1, v3;
	_ =	sdelay $0x1  }
0x4f: {  	s1 =	rddreg [dreg:$0xd]  }
0x50: {  	[hbm4b:s3+s2] =	stream.indirect_vreg.scatter [tilespmem:s1], [sflag:$0x1], $0x80, v4, vm0, $0xb8;
	[tilespmem:$0x10100] =	vst v63  }
0x51: {  	s7 =	rddreg [dreg:$0xe]  }
0x52: {  	[hbm4b:s3+s2] =	stream.indirect_vreg.scatter [tilespmem:s7], [sflag:$0x1], $0x80, v3, vm0, $0xb8;
	[tilespmem:$0x10100] =	vst v63  }
0x53: {  	v3 =	vld [tilespmem:$0x40];
	_ =	sdelay $0x4  }
0x54: {  	v52 =	vshll.u32 v3, $0x1  }
0x55: {  	v3 =	vand.u32 $0x7, v3;
	v4 =	vand.u32 $0xFFFFFFF0, v52  }
0x56: {  	v3 =	vor.u32 v3, v4  }
0x57: {  	v4 =	vperm.xlane v3, v0;
	_ =	sdelay $0x1  }
0x58: {  	v3 =	vperm.xlane v3, v2;
	v4 =	vadd.s32 v1, v4;
	_ =	sdelay $0x1  }
0x59: {  	v3 =	vadd.s32 v1, v3;
	_ =	sdelay $0x1  }
0x5a: {  	s7 =	rddreg [dreg:$0xf]  }
0x5b: {  	[hbm4b:s3+s2] =	stream.indirect_vreg.scatter [tilespmem:s7], [sflag:$0x1], $0x80, v4, vm0, $0xb8;
	[tilespmem:$0x10100] =	vst v63  }
0x5c: {  	s7 =	simm.s32 $0x4900  }
0x5d: {  	[hbm4b:s3+s2] =	stream.indirect_vreg.scatter [tilespmem:s7], [sflag:$0x1], $0x80, v3, vm0, $0xb8;
	[tilespmem:$0x10100] =	vst v63  }
0x5e: {  	v3 =	vld [tilespmem:$0x50];
	_ =	sdelay $0x4  }
0x5f: {  	v53 =	vshll.u32 v3, $0x1  }
0x60: {  	v3 =	vand.u32 $0x7, v3;
	v4 =	vand.u32 $0xFFFFFFF0, v53  }
0x61: {  	v3 =	vor.u32 v3, v4  }
0x62: {  	v4 =	vperm.xlane v3, v0;
	_ =	sdelay $0x1  }
0x63: {  	v3 =	vperm.xlane v3, v2;
	v4 =	vadd.s32 v1, v4;
	_ =	sdelay $0x1  }
0x64: {  	v3 =	vadd.s32 v1, v3;
	_ =	sdelay $0x2  }
0x65: {  	[hbm4b:s3+s2] =	stream.indirect_vreg.scatter [tilespmem:s8], [sflag:$0x1], $0x80, v4, vm0, $0xb8;
	[tilespmem:$0x10100] =	vst v63  }
0x66: {  	_ = 	snop  }
0x67: {  	[hbm4b:s3+s2] =	stream.indirect_vreg.scatter [tilespmem:s9], [sflag:$0x1], $0x80, v3, vm0, $0xb8;
	[tilespmem:$0x10100] =	vst v63  }
0x68: {  	v3 =	vld [tilespmem:$0x60];
	_ =	sdelay $0x4  }
0x69: {  	v54 =	vshll.u32 v3, $0x1  }
0x6a: {  	v3 =	vand.u32 $0x7, v3;
	v4 =	vand.u32 $0xFFFFFFF0, v54  }
0x6b: {  	v3 =	vor.u32 v3, v4  }
0x6c: {  	v4 =	vperm.xlane v3, v0;
	_ =	sdelay $0x1  }
0x6d: {  	v3 =	vperm.xlane v3, v2;
	v4 =	vadd.s32 v1, v4;
	_ =	sdelay $0x1  }
0x6e: {  	v3 =	vadd.s32 v1, v3;
	_ =	sdelay $0x2  }
0x6f: {  	[hbm4b:s3+s2] =	stream.indirect_vreg.scatter [tilespmem:s10], [sflag:$0x1], $0x80, v4, vm0, $0xb8;
	[tilespmem:$0x10100] =	vst v63  }
0x70: {  	_ = 	snop  }
0x71: {  	[hbm4b:s3+s2] =	stream.indirect_vreg.scatter [tilespmem:s11], [sflag:$0x1], $0x80, v3, vm0, $0xb8;
	[tilespmem:$0x10100] =	vst v63  }
0x72: {  	v3 =	vld [tilespmem:$0x70];
	_ =	sdelay $0x4  }
0x73: {  	v55 =	vshll.u32 v3, $0x1  }
0x74: {  	v3 =	vand.u32 $0x7, v3;
	v4 =	vand.u32 $0xFFFFFFF0, v55  }
0x75: {  	v3 =	vor.u32 v3, v4  }
0x76: {  	v4 =	vperm.xlane v3, v0;
	_ =	sdelay $0x1  }
0x77: {  	v3 =	vperm.xlane v3, v2;
	v4 =	vadd.s32 v1, v4;
	_ =	sdelay $0x1  }
0x78: {  	v3 =	vadd.s32 v1, v3;
	_ =	sdelay $0x2  }
0x79: {  	[hbm4b:s3+s2] =	stream.indirect_vreg.scatter [tilespmem:s12], [sflag:$0x1], $0x80, v4, vm0, $0xb8;
	[tilespmem:$0x10100] =	vst v63  }
0x7a: {  	_ = 	snop  }
0x7b: {  	[hbm4b:s3+s2] =	stream.indirect_vreg.scatter [tilespmem:s13], [sflag:$0x1], $0x80, v3, vm0, $0xb8;
	[tilespmem:$0x10100] =	vst v63  }
0x7c: {  	s7 =	rddreg [dreg:$0x6]  }
0x7d: {  	[tilespmem:s14], [sflag:$0x3] =	stream.linear.gather [hbm4b:s7+s2], $0x8000, $0x38;
	[tilespmem:$0x10100] =	vst v63  }
0x7e: {  	_ =	swait.ge [sflag:s5], $0x8000  }
0x7f: {  	[sflag:s5] =	ssyncset.done $0x0  }
0x80: {  	[sflag:s5] =	ssyncadd.s32 $0xFFFF8000  }
0x81: {  	v3 =	vld [tilespmem:$0x80];
	_ =	sdelay $0x4  }
0x82: {  	v56 =	vshll.u32 v3, $0x1  }
0x83: {  	v3 =	vand.u32 $0x7, v3;
	v4 =	vand.u32 $0xFFFFFFF0, v56  }
0x84: {  	v3 =	vor.u32 v3, v4  }
0x85: {  	v4 =	vperm.xlane v3, v0;
	_ =	sdelay $0x1  }
0x86: {  	v3 =	vperm.xlane v3, v2;
	v4 =	vadd.s32 v1, v4;
	_ =	sdelay $0x1  }
0x87: {  	v3 =	vadd.s32 v1, v3;
	_ =	sdelay $0x2  }
0x88: {  	[hbm4b:s3+s2] =	stream.indirect_vreg.scatter [tilespmem:s14], [sflag:$0x2], $0x80, v4, vm0, $0xb8;
	[tilespmem:$0x10100] =	vst v63  }
0x89: {  	_ = 	snop  }
0x8a: {  	[hbm4b:s3+s2] =	stream.indirect_vreg.scatter [tilespmem:s15], [sflag:$0x2], $0x80, v3, vm0, $0xb8;
	[tilespmem:$0x10100] =	vst v63  }
0x8b: {  	v3 =	vld [tilespmem:$0x90];
	_ =	sdelay $0x4  }
0x8c: {  	v57 =	vshll.u32 v3, $0x1  }
0x8d: {  	v3 =	vand.u32 $0x7, v3;
	v4 =	vand.u32 $0xFFFFFFF0, v57  }
0x8e: {  	v3 =	vor.u32 v3, v4  }
0x8f: {  	v4 =	vperm.xlane v3, v0;
	_ =	sdelay $0x1  }
0x90: {  	v3 =	vperm.xlane v3, v2;
	v4 =	vadd.s32 v1, v4;
	_ =	sdelay $0x1  }
0x91: {  	v3 =	vadd.s32 v1, v3;
	_ =	sdelay $0x2  }
0x92: {  	[hbm4b:s3+s2] =	stream.indirect_vreg.scatter [tilespmem:s16], [sflag:$0x2], $0x80, v4, vm0, $0xb8;
	[tilespmem:$0x10100] =	vst v63  }
0x93: {  	_ = 	snop  }
0x94: {  	[hbm4b:s3+s2] =	stream.indirect_vreg.scatter [tilespmem:s17], [sflag:$0x2], $0x80, v3, vm0, $0xb8;
	[tilespmem:$0x10100] =	vst v63  }
0x95: {  	v3 =	vld [tilespmem:$0xA0];
	_ =	sdelay $0x4  }
0x96: {  	v58 =	vshll.u32 v3, $0x1  }
0x97: {  	v3 =	vand.u32 $0x7, v3;
	v4 =	vand.u32 $0xFFFFFFF0, v58  }
0x98: {  	v3 =	vor.u32 v3, v4  }
0x99: {  	v4 =	vperm.xlane v3, v0;
	_ =	sdelay $0x1  }
0x9a: {  	v3 =	vperm.xlane v3, v2;
	v4 =	vadd.s32 v1, v4;
	_ =	sdelay $0x1  }
0x9b: {  	v3 =	vadd.s32 v1, v3;
	_ =	sdelay $0x2  }
0x9c: {  	[hbm4b:s3+s2] =	stream.indirect_vreg.scatter [tilespmem:s18], [sflag:$0x2], $0x80, v4, vm0, $0xb8;
	[tilespmem:$0x10100] =	vst v63  }
0x9d: {  	_ = 	snop  }
0x9e: {  	[hbm4b:s3+s2] =	stream.indirect_vreg.scatter [tilespmem:s19], [sflag:$0x2], $0x80, v3, vm0, $0xb8;
	[tilespmem:$0x10100] =	vst v63  }
0x9f: {  	v3 =	vld [tilespmem:$0xB0];
	_ =	sdelay $0x4  }
0xa0: {  	v59 =	vshll.u32 v3, $0x1  }
0xa1: {  	v3 =	vand.u32 $0x7, v3;
	v4 =	vand.u32 $0xFFFFFFF0, v59  }
0xa2: {  	v3 =	vor.u32 v3, v4  }
0xa3: {  	v4 =	vperm.xlane v3, v0;
	_ =	sdelay $0x1  }
0xa4: {  	v3 =	vperm.xlane v3, v2;
	v4 =	vadd.s32 v1, v4;
	_ =	sdelay $0x1  }
0xa5: {  	v3 =	vadd.s32 v1, v3;
	_ =	sdelay $0x2  }
0xa6: {  	[hbm4b:s3+s2] =	stream.indirect_vreg.scatter [tilespmem:s20], [sflag:$0x2], $0x80, v4, vm0, $0xb8;
	[tilespmem:$0x10100] =	vst v63  }
0xa7: {  	_ = 	snop  }
0xa8: {  	[hbm4b:s3+s2] =	stream.indirect_vreg.scatter [tilespmem:s21], [sflag:$0x2], $0x80, v3, vm0, $0xb8;
	[tilespmem:$0x10100] =	vst v63  }
0xa9: {  	v3 =	vld [tilespmem:$0xC0];
	_ =	sdelay $0x4  }
0xaa: {  	v60 =	vshll.u32 v3, $0x1  }
0xab: {  	v3 =	vand.u32 $0x7, v3;
	v4 =	vand.u32 $0xFFFFFFF0, v60  }
0xac: {  	v3 =	vor.u32 v3, v4  }
0xad: {  	v4 =	vperm.xlane v3, v0;
	_ =	sdelay $0x1  }
0xae: {  	v3 =	vperm.xlane v3, v2;
	v4 =	vadd.s32 v1, v4;
	_ =	sdelay $0x1  }
0xaf: {  	v3 =	vadd.s32 v1, v3;
	_ =	sdelay $0x2  }
0xb0: {  	[hbm4b:s3+s2] =	stream.indirect_vreg.scatter [tilespmem:s22], [sflag:$0x2], $0x80, v4, vm0, $0xb8;
	[tilespmem:$0x10100] =	vst v63  }
0xb1: {  	_ = 	snop  }
0xb2: {  	[hbm4b:s3+s2] =	stream.indirect_vreg.scatter [tilespmem:s23], [sflag:$0x2], $0x80, v3, vm0, $0xb8;
	[tilespmem:$0x10100] =	vst v63  }
0xb3: {  	v3 =	vld [tilespmem:$0xD0];
	_ =	sdelay $0x4  }
0xb4: {  	v61 =	vshll.u32 v3, $0x1  }
0xb5: {  	v3 =	vand.u32 $0x7, v3;
	v4 =	vand.u32 $0xFFFFFFF0, v61  }
0xb6: {  	v3 =	vor.u32 v3, v4  }
0xb7: {  	v4 =	vperm.xlane v3, v0;
	_ =	sdelay $0x1  }
0xb8: {  	v3 =	vperm.xlane v3, v2;
	v4 =	vadd.s32 v1, v4;
	_ =	sdelay $0x1  }
0xb9: {  	v3 =	vadd.s32 v1, v3;
	_ =	sdelay $0x2  }
0xba: {  	[hbm4b:s3+s2] =	stream.indirect_vreg.scatter [tilespmem:s24], [sflag:$0x2], $0x80, v4, vm0, $0xb8;
	[tilespmem:$0x10100] =	vst v63  }
0xbb: {  	_ = 	snop  }
0xbc: {  	[hbm4b:s3+s2] =	stream.indirect_vreg.scatter [tilespmem:s25], [sflag:$0x2], $0x80, v3, vm0, $0xb8;
	[tilespmem:$0x10100] =	vst v63  }
0xbd: {  	v3 =	vld [tilespmem:$0xE0];
	_ =	sdelay $0x4  }
0xbe: {  	v62 =	vshll.u32 v3, $0x1  }
0xbf: {  	v3 =	vand.u32 $0x7, v3;
	v4 =	vand.u32 $0xFFFFFFF0, v62  }
0xc0: {  	v3 =	vor.u32 v3, v4  }
0xc1: {  	v4 =	vperm.xlane v3, v0;
	_ =	sdelay $0x1  }
0xc2: {  	v3 =	vperm.xlane v3, v2;
	v4 =	vadd.s32 v1, v4;
	_ =	sdelay $0x1  }
0xc3: {  	v3 =	vadd.s32 v1, v3;
	_ =	sdelay $0x2  }
0xc4: {  	[hbm4b:s3+s2] =	stream.indirect_vreg.scatter [tilespmem:s26], [sflag:$0x2], $0x80, v4, vm0, $0xb8;
	[tilespmem:$0x10100] =	vst v63  }
0xc5: {  	_ = 	snop  }
0xc6: {  	[hbm4b:s3+s2] =	stream.indirect_vreg.scatter [tilespmem:s28], [sflag:$0x2], $0x80, v3, vm0, $0xb8;
	[tilespmem:$0x10100] =	vst v63  }
0xc7: {  	v3 =	vld [tilespmem:$0xF0];
	_ =	sdelay $0x4  }
0xc8: {  	v63 =	vshll.u32 v3, $0x1  }
0xc9: {  	v3 =	vand.u32 $0x7, v3;
	v4 =	vand.u32 $0xFFFFFFF0, v63  }
0xca: {  	v3 =	vor.u32 v3, v4  }
0xcb: {  	v4 =	vperm.xlane v3, v0;
	_ =	sdelay $0x1  }
0xcc: {  	v3 =	vperm.xlane v3, v2;
	v4 =	vadd.s32 v1, v4;
	_ =	sdelay $0x1  }
0xcd: {  	v3 =	vadd.s32 v1, v3;
	_ =	sdelay $0x2  }
0xce: {  	[hbm4b:s3+s2] =	stream.indirect_vreg.scatter [tilespmem:s29], [sflag:$0x2], $0x80, v4, vm0, $0xb8;
	[tilespmem:$0x10100] =	vst v63  }
0xcf: {  	_ = 	snop  }
0xd0: {  	[hbm4b:s3+s2] =	stream.indirect_vreg.scatter [tilespmem:s30], [sflag:$0x2], $0x80, v3, vm0, $0xb8;
	[tilespmem:$0x10100] =	vst v63  }
0xd1: {  	p0 =	sne.s32 s4, $0x1;
	_ =	swait.ge [sflag:s31], $0x8000  }
.Ltmp0:
0xd2: {  	[sflag:s31] =	ssyncset.done $0x0;
	(pc) =	sbr.rel @p0 .LBB2_1-.Ltmp0, $4  }
0xd3: {  	[sflag:s31] =	ssyncadd.s32 $0xFFFF8000  }
0xd4: {  	_ =	swait.ge [sflag:s0], $0x8000  }
0xd5: {  	[sflag:s0] =	ssyncset.done $0x0  }
0xd6: {  	s4 =	sadd.s32 $0xFFFFFFFF, s4;
	[sflag:s0] =	ssyncadd.s32 $0xFFFF8000  }
0xd7: {  	_ =	sfence.sel $0x180000  }
0xd8: {  	[bflag:$0x0] =	sbarrier.arrive $0xFFFF  }
0xd9: {  	_ =	strace $0x90000047  }
0xda: {  	s0 =	stileid.u32;
	[bflag:$0x2] =	sbarrier.arrive $0xFFFF  }
0xdb: {  	p0 =	sne.s32 s0, $0x0;
	s0 =	rddreg [dreg:$0x2]  }
0xdc: {  	s0 =	sadd.s32 @!p0 $0x100000, s0  }
0xdd: {  	[sflag:s0] =	ssyncadd.tile.s32 @!p0 $0x1;
	_ =	shalt  }
.Lfunc_end2:
_tile_overlayer_lowered:
.L_overlay_start_2:
0xde: {  	(tag) =	ssettag $0x2  }
0xdf: {  	s0 =	rddreg [dreg:$0x0];
	s2 =	stileid.u32  }
0xe0: {  	s1 =	rddreg [dreg:$0x1];
	p0 =	sne.s32 s2, $0x0  }
0xe1: {  	s3 =	rddreg [dreg:$0x2];
	[bflag:$0x3] =	sbarrier.arrive $0xFFFF;
	s2 =	simm.s32 @!p0 $0x1C03  }
0xe2: {  	[timem:s3], [sflag:s2] =	dma.local @!p0 [hbm:s0], s1  }
0xe3: {  	s0 =	simm.s32 @!p0 $0x3  }
0xe4: {  	_ =	swait.ge @!p0 [sflag:s0], s1  }
0xe5: {  	s1 =	ssub.s32 @!p0 $0x0, s1;
	[sflag:s0] =	ssyncset.done @!p0 $0x0  }
0xe6: {  	[sflag:s0] =	ssyncadd.s32 @!p0 s1  }
0xe7: {  	[bflag:$0x3] =	sbarrier.arrive $0xFFFF  }
0xe8: {  	_ =	shalt  }

// kernel: kernel.14.cloned.1.call-start
scs
__scs_entry_jumppad:
0x0: {  	(pc) =	sbr.rel $0x88, $3  }
0x1: {  	(tag) =	ssettag $0x0;
	lr =	simm.s32 $0x1  }
0x2: {  	[smem:$0x3F98] =	sst lr;
	_ =	strace $0xD0000000  }
0x3: {  	_ = 	snop  }
0x4: {  	_ = 	snop  }
0x5: {  	_ = 	snop  }
0x6: {  	_ = 	snop  }
0x7: {  	_ = 	snop  }
__scs_overlays_trampoline_lowered:
0x8: {  	[smem:$0x3FA7] =	sst s0  }
0x9: {  	[smem:$0x3FA8] =	sst s1  }
0xa: {  	[smem:$0x3FA9] =	sst s2  }
0xb: {  	[smem:$0x3FAA] =	sst s3  }
0xc: {  	[smem:$0x3FAB] =	sst s4  }
0xd: {  	[smem:$0x3FAC] =	sst s5  }
0xe: {  	[smem:$0x3FAD] =	sst s6  }
0xf: {  	[smem:$0x3FAE] =	sst s7  }
0x10: {  	[smem:$0x3FAF] =	sst s8  }
0x11: {  	[smem:$0x3FB0] =	sst s9;
	s0 =	simm.s32 @!p0 $0x0  }
0x12: {  	s1 =	sld [smem:$0x3F96];
	s0 =	simm.s32 @p0 $0x1  }
0x13: {  	[smem:$0x3FB1] =	sst s0;
	s0 =	simm.s32 @!p1 $0x0  }
0x14: {  	s2 =	sld [smem:$0x3F95];
	s0 =	simm.s32 @p1 $0x1  }
0x15: {  	[smem:$0x3FB2] =	sst s0;
	s0 =	simm.s32 @!p2 $0x0  }
0x16: {  	s3 =	sld [smem:$0x3FDB];
	s0 =	simm.s32 @p2 $0x1  }
0x17: {  	s4 =	simm.s32 $0x1BF5;
	[smem:$0x3FB4] =	sst s0  }
0x18: {  	s0 =	sld [smem:$0x3F97];
	_ =	swait.ge [sflag:s4], $0x0  }
0x19: {  	s7 =	sld [smem:$0x3F98]  }
0x1a: {  	s8 =	sadd.s32 $0xFFFFE003, lr  }
0x1b: {  	s9 =	sadd.s32 $0xFFFFFEF7, lr;
	s5 =	simm.s32 $0xFFFFFFFF;
	p2 =	slt.u32 s8, $0xFFFFF086  }
0x1c: {  	p1 =	slt.u32 s9, $0xF7A;
	s5 =	simm.s32 @!p2 $0x0  }
0x1d: {  	s5 =	simm.s32 @p1 $0x1;
	p0 =	seq.s32 s7, s2  }
0x1e: {  	s7 =	smul.u32 @!p0 $0xF7A, s2;
	p2 =	seq.s32 @!p0 s5, $0x0  }
0x1f: {  	s9 =	smul.u32 $0xF7A, s1;
	s8 =	simm.s32 @!p0 $0x1BF5;
	p2 =	por !p2, p0  }
0x20: {  	[sflag:s8] =	ssyncset.s32 @!p0 $0xFFFFF086;
	s6 =	sadd.s32 @!p0 s3, s7;
	s7 =	simm.s32 @!p0 $0x108  }
0x21: {  	s3 =	sadd.s32 s3, s9;
	s6 =	sadd.s32 @!p0 $0x88, s6;
	s7 =	simm.s32 @p2 $0x1082  }
0x22: {  	[simem:s7], [sflag:s8] =	dma.local @!p0 [hbm:s6], $0xF7A  }
0x23: {  	s9 =	sor.u32 $0xD0000000, s2;
	s6 =	simm.s32 $0x108;
	_ =	swait.ge @!p0 [sflag:s8], $0x0  }
0x24: {  	s3 =	sadd.s32 $0x88, s3;
	s6 =	simm.s32 @!p1 $0x1082;
	[sflag:s4] =	ssyncset.s32 $0xFFFFF086  }
0x25: {  	[simem:s6], [sflag:s4] =	dma.local [hbm:s3], $0xF7A  }
0x26: {  	[smem:$0x3F98] =	sst s1;
	(tag) =	ssettag s2;
	_ =	strace s9  }
0x27: {  	s1 =	sld [smem:$0x3FA8]  }
0x28: {  	s2 =	sld [smem:$0x3FA9]  }
0x29: {  	s4 =	sld [smem:$0x3FAB]  }
0x2a: {  	p0 =	seq.s32 s5, $0x0;
	s5 =	sld [smem:$0x3FAC]  }
0x2b: {  	s6 =	sld [smem:$0x3FAD]  }
0x2c: {  	s7 =	sld [smem:$0x3FAE]  }
0x2d: {  	s3 =	simm.s32 $0x108;
	s8 =	sld [smem:$0x3FAF]  }
0x2e: {  	s3 =	simm.s32 @!p0 $0x1082;
	s9 =	sld [smem:$0x3FB0]  }
0x2f: {  	lr =	sadd.s32 s0, s3;
	s0 =	sld [smem:$0x3FA7]  }
0x30: {  	s3 =	sld [smem:$0x3FAA]  }
0x31: {  	[smem:$0x3FB3] =	sst s10  }
0x32: {  	s10 =	sld [smem:$0x3FB1];
	_ =	sdelay $0x3  }
0x33: {  	p0 =	seq.s32 s10, $0x1;
	s10 =	sld [smem:$0x3FB3];
	_ =	sdelay $0x3  }
0x34: {  	[smem:$0x3FB3] =	sst s10  }
0x35: {  	s10 =	sld [smem:$0x3FB2];
	_ =	sdelay $0x3  }
0x36: {  	p1 =	seq.s32 s10, $0x1;
	s10 =	sld [smem:$0x3FB3];
	_ =	sdelay $0x3  }
0x37: {  	[smem:$0x3FB3] =	sst s10  }
0x38: {  	s10 =	sld [smem:$0x3FB4]  }
0x39: {  	_ = 	snop;
	(pc) =	sbr.ind lr, $3  }
0x3a: {  	_ = 	snop  }
0x3b: {  	_ = 	snop  }
0x3c: {  	p2 =	seq.s32 s10, $0x1;
	s10 =	sld [smem:$0x3FB3]  }
0x3d: {  	_ =	shalt  }
0x3e: {  	_ =	shalt  }
0x3f: {  	_ =	shalt  }
0x40: {  	_ =	shalt  }
0x41: {  	_ =	shalt  }
0x42: {  	_ =	shalt  }
0x43: {  	_ =	shalt  }
0x44: {  	_ =	shalt  }
0x45: {  	_ =	shalt  }
0x46: {  	_ =	shalt  }
0x47: {  	_ =	shalt  }
0x48: {  	_ =	shalt  }
0x49: {  	_ =	shalt  }
0x4a: {  	_ =	shalt  }
0x4b: {  	_ =	shalt  }
0x4c: {  	_ =	shalt  }
0x4d: {  	_ =	shalt  }
0x4e: {  	_ =	shalt  }
0x4f: {  	_ =	shalt  }
0x50: {  	_ =	shalt  }
0x51: {  	_ =	shalt  }
0x52: {  	_ =	shalt  }
0x53: {  	_ =	shalt  }
0x54: {  	_ =	shalt  }
0x55: {  	_ =	shalt  }
0x56: {  	_ =	shalt  }
0x57: {  	_ =	shalt  }
0x58: {  	_ =	shalt  }
0x59: {  	_ =	shalt  }
0x5a: {  	_ =	shalt  }
0x5b: {  	_ =	shalt  }
0x5c: {  	_ =	shalt  }
0x5d: {  	_ =	shalt  }
0x5e: {  	_ =	shalt  }
0x5f: {  	_ =	shalt  }
0x60: {  	_ =	shalt  }
0x61: {  	_ =	shalt  }
0x62: {  	_ =	shalt  }
0x63: {  	_ =	shalt  }
0x64: {  	_ =	shalt  }
0x65: {  	_ =	shalt  }
0x66: {  	_ =	shalt  }
0x67: {  	_ =	shalt  }
0x68: {  	_ =	shalt  }
0x69: {  	_ =	shalt  }
0x6a: {  	_ =	shalt  }
0x6b: {  	_ =	shalt  }
0x6c: {  	_ =	shalt  }
0x6d: {  	_ =	shalt  }
0x6e: {  	_ =	shalt  }
0x6f: {  	_ =	shalt  }
0x70: {  	_ =	shalt  }
0x71: {  	_ =	shalt  }
0x72: {  	_ =	shalt  }
0x73: {  	_ =	shalt  }
0x74: {  	_ =	shalt  }
0x75: {  	_ =	shalt  }
0x76: {  	_ =	shalt  }
0x77: {  	_ =	shalt  }
0x78: {  	_ =	shalt  }
0x79: {  	_ =	shalt  }
0x7a: {  	_ =	shalt  }
0x7b: {  	_ =	shalt  }
0x7c: {  	_ =	shalt  }
0x7d: {  	_ =	shalt  }
0x7e: {  	_ =	shalt  }
0x7f: {  	_ =	shalt  }
0x80: {  	_ =	shalt  }
0x81: {  	_ =	shalt  }
0x82: {  	_ =	shalt  }
0x83: {  	_ =	shalt  }
0x84: {  	_ =	shalt  }
0x85: {  	_ =	shalt  }
0x86: {  	_ =	shalt  }
0x87: {  	_ =	shalt  }
.Lfunc_end0:
.L_simem_size_0:
called_computation.1_lowered:
.L_overlay_start_0:
0x88: {  	s2 =	sld [smem:$0x3FD9]  }
0x89: {  	s3 =	sld [smem:$0x3FFE];
	_ =	sdelay $0x1  }
0x8a: {  	s1 =	srdreg.scid  }
0x8b: {  	s0 =	sand.u32 $0x1, s1  }
0x8c: {  	s16 =	sshll.u32 s0, $0xA;
	s2 =	sadd.s32 s3, s2  }
0x8d: {  	s2 =	sadd.s32 s2, s16  }
0x8e: {  	[smem:$0x3FBF] =	sst s2  }
0x8f: {  	_ = 	snop  }
0x90: {  	(tm) =	ssettm $0x1  }
0x91: {  	s17 =	sld [smem:$0x3FFB];
	_ =	sdelay $0x3  }
0x92: {  	_ =	strace s17  }
0x93: {  	s2 =	sld [smem:$0x3FFC];
	_ =	sdelay $0x3  }
0x94: {  	_ =	strace s2  }
0x95: {  	s2 =	sld [smem:$0x3FFD];
	_ =	sdelay $0x3  }
0x96: {  	_ =	strace s2  }
0x97: {  	_ =	strace $0x8FFFFFFF  }
0x98: {  	s18 =	sld [smem:$0x3FDB];
	_ =	sdelay $0x1  }
0x99: {  	s19 =	simm.s32 $_scs_section_size  }
0x9a: {  	s4 =	simm.s32 $_size__tile_overlayer_lowered;
	s5 =	simm.s32 $_tile_overlayer_lowered  }
0x9b: {  	s22 =	simm.s32 $0x1BFF;
	s21 =	sshll.u32 s5, $0x1;
	s2 =	sadd.s32 s19, s18  }
0x9c: {  	s6 =	simm.s32 $0x0;
	s20 =	sshll.u32 s4, $0x1;
	s4 =	sadd.s32 s21, s2  }
0x9d: {  	[timem:s6], [sflag:s22] =	dma.local [hbm:s4], s20  }
0x9e: {  	_ =	swait.ge [sflag:s22], s20  }
0x9f: {  	s3 =	ssub.s32 $0x0, s20;
	[sflag:s22] =	ssyncset.done $0x0  }
0xa0: {  	[sflag:s22] =	ssyncadd.s32 s3;
	_ =	sdelay $0x1  }
0xa1: {  	s23 =	simm.s32 $0x1B8B  }
0xa2: {  	_ =	swait.ge [sflag:s23], $0x1  }
0xa3: {  	[sflag:s23] =	ssyncset.done $0x0  }
0xa4: {  	s25 =	simm.s32 $0x1B8E;
	s24 =	sld [smem:$0x3FFE];
	[sflag:s23] =	ssyncadd.s32 $0xFFFFFFFF  }
0xa5: {  	s26 =	simm.s32 $execute0_lowered;
	[smem:$0x3FD2] =	sst s25  }
0xa6: {  	s4 =	sshll.u32 s26, $0x1;
	_ =	strace $0x80000049;
	[dreg:$0x1] =	wrdreg $0xFFFFFFFF  }
0xa7: {  	s28 =	simm.s32 $_size_execute0_lowered;
	s2 =	sadd.s32 s2, s4;
	[dreg:$0x0] =	wrdreg $0x0  }
0xa8: {  	s4 =	sshll.u32 s28, $0x1;
	[dreg:$0x2] =	wrdreg s2  }
0xa9: {  	[dreg:$0x3] =	wrdreg s4  }
0xaa: {  	[dreg:$0x4] =	wrdreg $0xC0  }
0xab: {  	_ =	task [dreg:s6], $0x5FFFF  }
0xac: {  	[dreg:$0x1] =	wrdreg $0xFFFFFFFF  }
0xad: {  	[dreg:$0x0] =	wrdreg $0x60  }
0xae: {  	[dreg:$0x2] =	wrdreg s24  }
0xaf: {  	[dreg:$0x3] =	wrdreg $0x9  }
0xb0: {  	_ =	task.clear_ibuf [dreg:s6], $0x4FFFF;
	_ =	strace $0x90000049  }
0xb1: {  	s29 =	simm.s32 $0x9;
	_ =	strace $0x8000004B  }
0xb2: {  	_ =	swait.ge [sflag:s29], $0x1  }
0xb3: {  	[sflag:s29] =	ssyncadd.s32 $0xFFFFFFFF  }
0xb4: {  	_ =	strace $0x9000004B  }
0xb5: {  	_ =	sfence  }
0xb6: {  	s30 =	sld [smem:$0x0];
	_ =	sdelay $0x2  }
0xb7: {  	s31 =	sshll.u32 s1, $0xD;
	s1 =	sshrl.u32 s1, $0x2  }
0xb8: {  	s3 =	sand.u32 $0x4000, s31;
	s1 =	sadd.s32 s1, s30  }
0xb9: {  	s0 =	sor.u32 s3, s0;
	s1 =	sshll.u32 s1, $0x11  }
0xba: {  	s0 =	sor.u32 s1, s0  }
0xbb: {  	s0 =	sadd.s32 $0x8F2B, s0  }
0xbc: {  	[sflag:s0] =	ssyncadd.remote.s32 $0x1  }
0xbd: {  	_ =	sfence.sel $0xFFFF  }
0xbe: {  	[dreg:$0x0] =	wrdreg $0xFFFFFFFF;
	(pc) =	sbr.abs _section_cstart, $3  }
0xbf: {  	[dreg:$0x1] =	wrdreg $0xFFFFFFFF  }
0xc0: {  	_ =	task.clear_ibuf [dreg:s6], $0x2FFFF;
	_ =	strace $0x9FFFFFFF  }
0xc1: {  	(tm) =	ssettm $0x7FFFFFFF  }
tec
execute0_lowered:
.L_overlay_start_1:
0x0: {  	(tag) =	ssettag $0x1  }
0x1: {  	s0 =	rddreg [dreg:$0x0];
	s2 =	simm.s32 $0x0;
	s1 =	srdreg.scid  }
0x2: {  	s3 =	stileid.u32;
	s24 =	simm.s32 $0x80;
	s25 =	simm.s32 $0x100  }
0x3: {  	s26 =	simm.s32 $0x180;
	s13 =	simm.s32 $0x1200;
	s14 =	simm.s32 $0x1A00  }
0x4: {  	s15 =	simm.s32 $0x2200;
	s16 =	simm.s32 $0x2A00;
	s28 =	simm.s32 $0x8200  }
0x5: {  	s29 =	simm.s32 $0x8A00;
	s30 =	simm.s32 $0x9200;
	s31 =	simm.s32 $0x9A00  }
0x6: {  	[smem:$0x7FF] =	sst s2;
	s1 =	sand.u32 $0x1, s1;
	s4 =	sshll.u32 s3, $0x6  }
0x7: {  	s3 =	sadd.s32 $0x4200, s0;
	_ =	strace $0x8000004A;
	[dreg:$0xa] =	wrdreg s24  }
0x8: {  	s6 =	sadd.s32 $0x3E00, s0;
	s17 =	sadd.s32 $0x124200, s0;
	[dreg:$0xb] =	wrdreg s25  }
0x9: {  	s5 =	sshll.u32 s1, $0x5;
	s1 =	ssub.s32 $0x2, s1;
	[dreg:$0xc] =	wrdreg s26  }
0xa: {  	s24 =	simm.s32 $0x6A00;
	s25 =	simm.s32 $0x7200;
	s26 =	simm.s32 $0x7A00  }
0xb: {  	s4 =	sor.u32 s5, s4;
	s9 =	sshrl.u32 s1, $0x1;
	s5 =	sadd.s32 $0x4400, s0  }
0xc: {  	s7 =	sadd.s32 s6, s4;
	s8 =	sor.u32 $0x8, s4;
	s19 =	sor.u32 $0x10, s4  }
0xd: {  	s11 =	sor.u32 $0x18, s4;
	s4 =	smul.u32 $0x300, s4;
	s1 =	ssub.s32 s1, s9  }
0xe: {  	s9 =	simm.s32 $0xBA00;
	s18 =	sadd.s32 s6, s8;
	s8 =	smul.u32 $0x300, s8  }
0xf: {  	[dreg:$0x2] =	wrdreg s7;
	s10 =	sadd.s32 s6, s19;
	s20 =	smul.u32 $0x300, s19  }
0x10: {  	s6 =	sadd.s32 s6, s11;
	s22 =	smul.u32 $0x300, s11;
	[dreg:$0x3] =	wrdreg s18  }
0x11: {  	s7 =	simm.s32 $0x3;
	s19 =	simm.s32 $0x4200;
	[dreg:$0x4] =	wrdreg s10  }
0x12: {  	[dreg:$0x5] =	wrdreg s6;
	s4 =	sadd.s32 s17, s4;
	s18 =	simm.s32 $0x3A00  }
0x13: {  	s10 =	simm.s32 $0xC200;
	[dreg:$0x6] =	wrdreg s4;
	s21 =	sadd.s32 s17, s8  }
0x14: {  	s6 =	sadd.s32 s17, s20;
	s4 =	sadd.s32 $0x4300, s0;
	s23 =	sadd.s32 s17, s22  }
0x15: {  	v2 =	vlaneseq.u32;
	s8 =	smax.u32 s1, $0x1;
	s17 =	simm.s32 $0x3200;
	[dreg:$0x7] =	wrdreg s21  }
0x16: {  	vm0 =	vmmov $0xffff;
	v1 =	vshrl.u32 v2, $0x3;
	s20 =	simm.s32 $0x4A00;
	s22 =	simm.s32 $0x5A00;
	[dreg:$0x8] =	wrdreg s6  }
0x17: {  	v0 =	vand.u32 $0x7, v2;
	v2 =	vor.u32 $0x8, v2;
	v1 =	vmul.u32 $0x8, v1;
	[dreg:$0x9] =	wrdreg s23;
	s21 =	simm.s32 $0x5200;
	s23 =	simm.s32 $0x6200  }
.LBB2_1:
0x18: {  	s11 =	rddreg [dreg:$0x2]  }
0x19: {  	[tilespmem:s2], [sflag:$0x3] =	stream.linear.gather [hbm4b:s11+s2], $0x40, $0x38;
	[tilespmem:$0x18200] =	vst v63  }
0x1a: {  	_ =	swait.ge [sflag:s7], $0x40  }
0x1b: {  	s6 =	rddreg [dreg:$0x3];
	[sflag:s7] =	ssyncset.done $0x0  }
0x1c: {  	s12 =	rddreg [dreg:$0xa];
	[sflag:s7] =	ssyncadd.s32 $0xFFFFFFC0  }
0x1d: {  	[tilespmem:s12], [sflag:$0x3] =	stream.linear.gather [hbm4b:s6+s2], $0x40, $0x38;
	[tilespmem:$0x18200] =	vst v63  }
0x1e: {  	_ =	swait.ge [sflag:s7], $0x40  }
0x1f: {  	s12 =	rddreg [dreg:$0x4];
	[sflag:s7] =	ssyncset.done $0x0  }
0x20: {  	s0 =	rddreg [dreg:$0xb];
	[sflag:s7] =	ssyncadd.s32 $0xFFFFFFC0  }
0x21: {  	[tilespmem:s0], [sflag:$0x3] =	stream.linear.gather [hbm4b:s12+s2], $0x40, $0x38;
	[tilespmem:$0x18200] =	vst v63  }
0x22: {  	_ =	swait.ge [sflag:s7], $0x40  }
0x23: {  	s1 =	rddreg [dreg:$0x5];
	[sflag:s7] =	ssyncset.done $0x0  }
0x24: {  	s6 =	rddreg [dreg:$0xc];
	[sflag:s7] =	ssyncadd.s32 $0xFFFFFFC0  }
0x25: {  	[tilespmem:s6], [sflag:$0x3] =	stream.linear.gather [hbm4b:s1+s2], $0x40, $0x38;
	[tilespmem:$0x18200] =	vst v63  }
0x26: {  	_ =	swait.ge [sflag:s7], $0x40  }
0x27: {  	[sflag:s7] =	ssyncset.done $0x0  }
0x28: {  	[sflag:s7] =	ssyncadd.s32 $0xFFFFFFC0  }
0x29: {  	v3 =	vld [tilespmem:$0x0];
	_ =	sdelay $0x4  }
0x2a: {  	v4 =	vshrl.u32 v3, $0x3  }
0x2b: {  	v4 =	vmul.u32 $0x30, v4  }
0x2c: {  	v3 =	vand.u32 $0x7, v3  }
0x2d: {  	v3 =	vor.u32 v3, v4  }
0x2e: {  	v4 =	vperm.xlane v3, v0;
	_ =	sdelay $0x1  }
0x2f: {  	v4 =	vadd.s32 v1, v4;
	_ =	sdelay $0x3  }
0x30: {  	s0 =	simm.s32 $0x200;
	v3 =	vperm.xlane v3, v2  }
0x31: {  	[tilespmem:s0], [sflag:$0x1] =	stream.indirect_vreg.gather [hbm4b:s3+s2], $0x80, v4, vm0, $0xb8;
	[tilespmem:$0x18200] =	vst v63  }
0x32: {  	s12 =	simm.s32 $0xA00;
	v3 =	vadd.s32 v1, v3  }
0x33: {  	[tilespmem:s12], [sflag:$0x1] =	stream.indirect_vreg.gather [hbm4b:s4+s2], $0x80, v4, vm0, $0xb8;
	[tilespmem:$0x18200] =	vst v63  }
0x34: {  	_ = 	snop  }
0x35: {  	[tilespmem:s13], [sflag:$0x1] =	stream.indirect_vreg.gather [hbm4b:s5+s2], $0x80, v4, vm0, $0xb8;
	[tilespmem:$0x18200] =	vst v63  }
0x36: {  	_ = 	snop  }
0x37: {  	[tilespmem:s14], [sflag:$0x1] =	stream.indirect_vreg.gather [hbm4b:s3+s2], $0x80, v3, vm0, $0xb8;
	[tilespmem:$0x18200] =	vst v63  }
0x38: {  	_ = 	snop  }
0x39: {  	[tilespmem:s15], [sflag:$0x1] =	stream.indirect_vreg.gather [hbm4b:s4+s2], $0x80, v3, vm0, $0xb8;
	[tilespmem:$0x18200] =	vst v63  }
0x3a: {  	_ = 	snop  }
0x3b: {  	[tilespmem:s16], [sflag:$0x1] =	stream.indirect_vreg.gather [hbm4b:s5+s2], $0x80, v3, vm0, $0xb8;
	[tilespmem:$0x18200] =	vst v63  }
0x3c: {  	v3 =	vld [tilespmem:$0x10];
	_ =	sdelay $0x4  }
0x3d: {  	v49 =	vshrl.u32 v3, $0x3  }
0x3e: {  	v4 =	vmul.u32 $0x30, v49  }
0x3f: {  	v3 =	vand.u32 $0x7, v3  }
0x40: {  	v3 =	vor.u32 v3, v4  }
0x41: {  	v4 =	vperm.xlane v3, v0;
	_ =	sdelay $0x1  }
0x42: {  	v4 =	vadd.s32 v1, v4;
	_ =	sdelay $0x3  }
0x43: {  	v3 =	vperm.xlane v3, v2  }
0x44: {  	[tilespmem:s17], [sflag:$0x1] =	stream.indirect_vreg.gather [hbm4b:s3+s2], $0x80, v4, vm0, $0xb8;
	[tilespmem:$0x18200] =	vst v63  }
0x45: {  	v3 =	vadd.s32 v1, v3  }
0x46: {  	[tilespmem:s18], [sflag:$0x1] =	stream.indirect_vreg.gather [hbm4b:s4+s2], $0x80, v4, vm0, $0xb8;
	[tilespmem:$0x18200] =	vst v63  }
0x47: {  	_ = 	snop  }
0x48: {  	[tilespmem:s19], [sflag:$0x1] =	stream.indirect_vreg.gather [hbm4b:s5+s2], $0x80, v4, vm0, $0xb8;
	[tilespmem:$0x18200] =	vst v63  }
0x49: {  	_ = 	snop  }
0x4a: {  	[tilespmem:s20], [sflag:$0x1] =	stream.indirect_vreg.gather [hbm4b:s3+s2], $0x80, v3, vm0, $0xb8;
	[tilespmem:$0x18200] =	vst v63  }
0x4b: {  	_ = 	snop  }
0x4c: {  	[tilespmem:s21], [sflag:$0x1] =	stream.indirect_vreg.gather [hbm4b:s4+s2], $0x80, v3, vm0, $0xb8;
	[tilespmem:$0x18200] =	vst v63  }
0x4d: {  	_ = 	snop  }
0x4e: {  	[tilespmem:s22], [sflag:$0x1] =	stream.indirect_vreg.gather [hbm4b:s5+s2], $0x80, v3, vm0, $0xb8;
	[tilespmem:$0x18200] =	vst v63  }
0x4f: {  	v3 =	vld [tilespmem:$0x20];
	_ =	sdelay $0x4  }
0x50: {  	v50 =	vshrl.u32 v3, $0x3  }
0x51: {  	v4 =	vmul.u32 $0x30, v50  }
0x52: {  	v3 =	vand.u32 $0x7, v3  }
0x53: {  	v3 =	vor.u32 v3, v4  }
0x54: {  	v4 =	vperm.xlane v3, v0;
	_ =	sdelay $0x1  }
0x55: {  	v4 =	vadd.s32 v1, v4;
	_ =	sdelay $0x3  }
0x56: {  	v3 =	vperm.xlane v3, v2  }
0x57: {  	[tilespmem:s23], [sflag:$0x1] =	stream.indirect_vreg.gather [hbm4b:s3+s2], $0x80, v4, vm0, $0xb8;
	[tilespmem:$0x18200] =	vst v63  }
0x58: {  	v3 =	vadd.s32 v1, v3  }
0x59: {  	[tilespmem:s24], [sflag:$0x1] =	stream.indirect_vreg.gather [hbm4b:s4+s2], $0x80, v4, vm0, $0xb8;
	[tilespmem:$0x18200] =	vst v63  }
0x5a: {  	_ = 	snop  }
0x5b: {  	[tilespmem:s25], [sflag:$0x1] =	stream.indirect_vreg.gather [hbm4b:s5+s2], $0x80, v4, vm0, $0xb8;
	[tilespmem:$0x18200] =	vst v63  }
0x5c: {  	_ = 	snop  }
0x5d: {  	[tilespmem:s26], [sflag:$0x1] =	stream.indirect_vreg.gather [hbm4b:s3+s2], $0x80, v3, vm0, $0xb8;
	[tilespmem:$0x18200] =	vst v63  }
0x5e: {  	_ = 	snop  }
0x5f: {  	[tilespmem:s28], [sflag:$0x1] =	stream.indirect_vreg.gather [hbm4b:s4+s2], $0x80, v3, vm0, $0xb8;
	[tilespmem:$0x18200] =	vst v63  }
0x60: {  	_ = 	snop  }
0x61: {  	[tilespmem:s29], [sflag:$0x1] =	stream.indirect_vreg.gather [hbm4b:s5+s2], $0x80, v3, vm0, $0xb8;
	[tilespmem:$0x18200] =	vst v63  }
0x62: {  	v3 =	vld [tilespmem:$0x30];
	_ =	sdelay $0x4  }
0x63: {  	v51 =	vshrl.u32 v3, $0x3  }
0x64: {  	v4 =	vmul.u32 $0x30, v51  }
0x65: {  	v3 =	vand.u32 $0x7, v3  }
0x66: {  	v3 =	vor.u32 v3, v4  }
0x67: {  	v4 =	vperm.xlane v3, v0;
	_ =	sdelay $0x1  }
0x68: {  	v4 =	vadd.s32 v1, v4;
	_ =	sdelay $0x3  }
0x69: {  	v3 =	vperm.xlane v3, v2  }
0x6a: {  	[tilespmem:s30], [sflag:$0x1] =	stream.indirect_vreg.gather [hbm4b:s3+s2], $0x80, v4, vm0, $0xb8;
	[tilespmem:$0x18200] =	vst v63  }
0x6b: {  	v3 =	vadd.s32 v1, v3  }
0x6c: {  	[tilespmem:s31], [sflag:$0x1] =	stream.indirect_vreg.gather [hbm4b:s4+s2], $0x80, v4, vm0, $0xb8;
	[tilespmem:$0x18200] =	vst v63  }
0x6d: {  	s11 =	simm.s32 $0xA200  }
0x6e: {  	[tilespmem:s11], [sflag:$0x1] =	stream.indirect_vreg.gather [hbm4b:s5+s2], $0x80, v4, vm0, $0xb8;
	[tilespmem:$0x18200] =	vst v63  }
0x6f: {  	s1 =	simm.s32 $0xAA00  }
0x70: {  	[tilespmem:s1], [sflag:$0x1] =	stream.indirect_vreg.gather [hbm4b:s3+s2], $0x80, v3, vm0, $0xb8;
	[tilespmem:$0x18200] =	vst v63  }
0x71: {  	s1 =	simm.s32 $0xB200  }
0x72: {  	[tilespmem:s1], [sflag:$0x1] =	stream.indirect_vreg.gather [hbm4b:s4+s2], $0x80, v3, vm0, $0xb8;
	[tilespmem:$0x18200] =	vst v63  }
0x73: {  	_ = 	snop  }
0x74: {  	[tilespmem:s9], [sflag:$0x1] =	stream.indirect_vreg.gather [hbm4b:s5+s2], $0x80, v3, vm0, $0xb8;
	[tilespmem:$0x18200] =	vst v63  }
0x75: {  	v3 =	vld [tilespmem:$0x80];
	_ =	sdelay $0x4  }
0x76: {  	v52 =	vshrl.u32 v3, $0x3  }
0x77: {  	v4 =	vmul.u32 $0x30, v52  }
0x78: {  	v3 =	vand.u32 $0x7, v3  }
0x79: {  	v3 =	vor.u32 v3, v4  }
0x7a: {  	v4 =	vperm.xlane v3, v0;
	_ =	sdelay $0x1  }
0x7b: {  	v4 =	vadd.s32 v1, v4;
	_ =	sdelay $0x3  }
0x7c: {  	v3 =	vperm.xlane v3, v2  }
0x7d: {  	[tilespmem:s10], [sflag:$0x2] =	stream.indirect_vreg.gather [hbm4b:s3+s2], $0x80, v4, vm0, $0xb8;
	[tilespmem:$0x18200] =	vst v63  }
0x7e: {  	s6 =	simm.s32 $0xCA00;
	v3 =	vadd.s32 v1, v3  }
0x7f: {  	[tilespmem:s6], [sflag:$0x2] =	stream.indirect_vreg.gather [hbm4b:s4+s2], $0x80, v4, vm0, $0xb8;
	[tilespmem:$0x18200] =	vst v63  }
0x80: {  	s11 =	simm.s32 $0xD200  }
0x81: {  	[tilespmem:s11], [sflag:$0x2] =	stream.indirect_vreg.gather [hbm4b:s5+s2], $0x80, v4, vm0, $0xb8;
	[tilespmem:$0x18200] =	vst v63  }
0x82: {  	s6 =	simm.s32 $0xDA00  }
0x83: {  	[tilespmem:s6], [sflag:$0x2] =	stream.indirect_vreg.gather [hbm4b:s3+s2], $0x80, v3, vm0, $0xb8;
	[tilespmem:$0x18200] =	vst v63  }
0x84: {  	s11 =	simm.s32 $0xE200  }
0x85: {  	[tilespmem:s11], [sflag:$0x2] =	stream.indirect_vreg.gather [hbm4b:s4+s2], $0x80, v3, vm0, $0xb8;
	[tilespmem:$0x18200] =	vst v63  }
0x86: {  	s6 =	simm.s32 $0xEA00  }
0x87: {  	[tilespmem:s6], [sflag:$0x2] =	stream.indirect_vreg.gather [hbm4b:s5+s2], $0x80, v3, vm0, $0xb8;
	[tilespmem:$0x18200] =	vst v63  }
0x88: {  	v3 =	vld [tilespmem:$0x90];
	_ =	sdelay $0x4  }
0x89: {  	v53 =	vshrl.u32 v3, $0x3  }
0x8a: {  	v4 =	vmul.u32 $0x30, v53  }
0x8b: {  	v3 =	vand.u32 $0x7, v3  }
0x8c: {  	v3 =	vor.u32 v3, v4  }
0x8d: {  	v4 =	vperm.xlane v3, v0;
	_ =	sdelay $0x1  }
0x8e: {  	v4 =	vadd.s32 v1, v4;
	_ =	sdelay $0x3  }
0x8f: {  	s11 =	simm.s32 $0xF200;
	v3 =	vperm.xlane v3, v2  }
0x90: {  	[tilespmem:s11], [sflag:$0x2] =	stream.indirect_vreg.gather [hbm4b:s3+s2], $0x80, v4, vm0, $0xb8;
	[tilespmem:$0x18200] =	vst v63  }
0x91: {  	s6 =	simm.s32 $0xFA00;
	v3 =	vadd.s32 v1, v3  }
0x92: {  	[tilespmem:s6], [sflag:$0x2] =	stream.indirect_vreg.gather [hbm4b:s4+s2], $0x80, v4, vm0, $0xb8;
	[tilespmem:$0x18200] =	vst v63  }
0x93: {  	s11 =	simm.s32 $0x10200  }
0x94: {  	[tilespmem:s11], [sflag:$0x2] =	stream.indirect_vreg.gather [hbm4b:s5+s2], $0x80, v4, vm0, $0xb8;
	[tilespmem:$0x18200] =	vst v63  }
0x95: {  	s6 =	simm.s32 $0x10A00  }
0x96: {  	[tilespmem:s6], [sflag:$0x2] =	stream.indirect_vreg.gather [hbm4b:s3+s2], $0x80, v3, vm0, $0xb8;
	[tilespmem:$0x18200] =	vst v63  }
0x97: {  	s11 =	simm.s32 $0x11200  }
0x98: {  	[tilespmem:s11], [sflag:$0x2] =	stream.indirect_vreg.gather [hbm4b:s4+s2], $0x80, v3, vm0, $0xb8;
	[tilespmem:$0x18200] =	vst v63  }
0x99: {  	s6 =	simm.s32 $0x11A00  }
0x9a: {  	[tilespmem:s6], [sflag:$0x2] =	stream.indirect_vreg.gather [hbm4b:s5+s2], $0x80, v3, vm0, $0xb8;
	[tilespmem:$0x18200] =	vst v63  }
0x9b: {  	v3 =	vld [tilespmem:$0xA0];
	_ =	sdelay $0x4  }
0x9c: {  	v54 =	vshrl.u32 v3, $0x3  }
0x9d: {  	v4 =	vmul.u32 $0x30, v54  }
0x9e: {  	v3 =	vand.u32 $0x7, v3  }
0x9f: {  	v3 =	vor.u32 v3, v4  }
0xa0: {  	v4 =	vperm.xlane v3, v0;
	_ =	sdelay $0x1  }
0xa1: {  	v4 =	vadd.s32 v1, v4;
	_ =	sdelay $0x3  }
0xa2: {  	s11 =	simm.s32 $0x12200;
	v3 =	vperm.xlane v3, v2  }
0xa3: {  	[tilespmem:s11], [sflag:$0x2] =	stream.indirect_vreg.gather [hbm4b:s3+s2], $0x80, v4, vm0, $0xb8;
	[tilespmem:$0x18200] =	vst v63  }
0xa4: {  	s6 =	simm.s32 $0x12A00;
	v3 =	vadd.s32 v1, v3  }
0xa5: {  	[tilespmem:s6], [sflag:$0x2] =	stream.indirect_vreg.gather [hbm4b:s4+s2], $0x80, v4, vm0, $0xb8;
	[tilespmem:$0x18200] =	vst v63  }
0xa6: {  	s11 =	simm.s32 $0x13200  }
0xa7: {  	[tilespmem:s11], [sflag:$0x2] =	stream.indirect_vreg.gather [hbm4b:s5+s2], $0x80, v4, vm0, $0xb8;
	[tilespmem:$0x18200] =	vst v63  }
0xa8: {  	s6 =	simm.s32 $0x13A00  }
0xa9: {  	[tilespmem:s6], [sflag:$0x2] =	stream.indirect_vreg.gather [hbm4b:s3+s2], $0x80, v3, vm0, $0xb8;
	[tilespmem:$0x18200] =	vst v63  }
0xaa: {  	s11 =	simm.s32 $0x14200  }
0xab: {  	[tilespmem:s11], [sflag:$0x2] =	stream.indirect_vreg.gather [hbm4b:s4+s2], $0x80, v3, vm0, $0xb8;
	[tilespmem:$0x18200] =	vst v63  }
0xac: {  	s6 =	simm.s32 $0x14A00  }
0xad: {  	[tilespmem:s6], [sflag:$0x2] =	stream.indirect_vreg.gather [hbm4b:s5+s2], $0x80, v3, vm0, $0xb8;
	[tilespmem:$0x18200] =	vst v63  }
0xae: {  	v3 =	vld [tilespmem:$0xB0];
	_ =	sdelay $0x4  }
0xaf: {  	v55 =	vshrl.u32 v3, $0x3  }
0xb0: {  	v4 =	vmul.u32 $0x30, v55  }
0xb1: {  	v3 =	vand.u32 $0x7, v3  }
0xb2: {  	v3 =	vor.u32 v3, v4  }
0xb3: {  	v4 =	vperm.xlane v3, v0;
	_ =	sdelay $0x1  }
0xb4: {  	v4 =	vadd.s32 v1, v4;
	_ =	sdelay $0x3  }
0xb5: {  	s11 =	simm.s32 $0x15200;
	v3 =	vperm.xlane v3, v2  }
0xb6: {  	[tilespmem:s11], [sflag:$0x2] =	stream.indirect_vreg.gather [hbm4b:s3+s2], $0x80, v4, vm0, $0xb8;
	[tilespmem:$0x18200] =	vst v63  }
0xb7: {  	s6 =	simm.s32 $0x15A00;
	v3 =	vadd.s32 v1, v3  }
0xb8: {  	[tilespmem:s6], [sflag:$0x2] =	stream.indirect_vreg.gather [hbm4b:s4+s2], $0x80, v4, vm0, $0xb8;
	[tilespmem:$0x18200] =	vst v63  }
0xb9: {  	s11 =	simm.s32 $0x16200  }
0xba: {  	[tilespmem:s11], [sflag:$0x2] =	stream.indirect_vreg.gather [hbm4b:s5+s2], $0x80, v4, vm0, $0xb8;
	[tilespmem:$0x18200] =	vst v63  }
0xbb: {  	s6 =	simm.s32 $0x16A00  }
0xbc: {  	[tilespmem:s6], [sflag:$0x2] =	stream.indirect_vreg.gather [hbm4b:s3+s2], $0x80, v3, vm0, $0xb8;
	[tilespmem:$0x18200] =	vst v63  }
0xbd: {  	s11 =	simm.s32 $0x17200  }
0xbe: {  	[tilespmem:s11], [sflag:$0x2] =	stream.indirect_vreg.gather [hbm4b:s4+s2], $0x80, v3, vm0, $0xb8;
	[tilespmem:$0x18200] =	vst v63  }
0xbf: {  	s0 =	simm.s32 $0x1;
	s6 =	simm.s32 $0x17A00  }
0xc0: {  	[tilespmem:s6], [sflag:$0x2] =	stream.indirect_vreg.gather [hbm4b:s5+s2], $0x80, v3, vm0, $0xb8;
	[tilespmem:$0x18200] =	vst v63  }
0xc1: {  	_ =	swait.ge [sflag:s0], $0xC000  }
0xc2: {  	[sflag:s0] =	ssyncset.done $0x0  }
0xc3: {  	s6 =	simm.s32 $0x200;
	s11 =	rddreg [dreg:$0x6];
	[sflag:s0] =	ssyncadd.s32 $0xFFFF4000  }
0xc4: {  	[hbm4b:s11+s2] =	stream.linear.scatter [tilespmem:s6], [sflag:$0x3], $0xC000, $0x38;
	[tilespmem:$0x18200] =	vst v63  }
0xc5: {  	_ =	swait.ge [sflag:s7], $0xC000  }
0xc6: {  	[sflag:s7] =	ssyncset.done $0x0  }
0xc7: {  	[sflag:s7] =	ssyncadd.s32 $0xFFFF4000  }
0xc8: {  	v3 =	vld [tilespmem:$0x100];
	_ =	sdelay $0x4  }
0xc9: {  	v56 =	vshrl.u32 v3, $0x3  }
0xca: {  	v4 =	vmul.u32 $0x30, v56  }
0xcb: {  	v3 =	vand.u32 $0x7, v3  }
0xcc: {  	v3 =	vor.u32 v3, v4  }
0xcd: {  	v4 =	vperm.xlane v3, v0;
	_ =	sdelay $0x1  }
0xce: {  	v4 =	vadd.s32 v1, v4;
	_ =	sdelay $0x3  }
0xcf: {  	v3 =	vperm.xlane v3, v2  }
0xd0: {  	[tilespmem:s6], [sflag:$0x1] =	stream.indirect_vreg.gather [hbm4b:s3+s2], $0x80, v4, vm0, $0xb8;
	[tilespmem:$0x18200] =	vst v63  }
0xd1: {  	v3 =	vadd.s32 v1, v3  }
0xd2: {  	[tilespmem:s12], [sflag:$0x1] =	stream.indirect_vreg.gather [hbm4b:s4+s2], $0x80, v4, vm0, $0xb8;
	[tilespmem:$0x18200] =	vst v63  }
0xd3: {  	_ = 	snop  }
0xd4: {  	[tilespmem:s13], [sflag:$0x1] =	stream.indirect_vreg.gather [hbm4b:s5+s2], $0x80, v4, vm0, $0xb8;
	[tilespmem:$0x18200] =	vst v63  }
0xd5: {  	_ = 	snop  }
0xd6: {  	[tilespmem:s14], [sflag:$0x1] =	stream.indirect_vreg.gather [hbm4b:s3+s2], $0x80, v3, vm0, $0xb8;
	[tilespmem:$0x18200] =	vst v63  }
0xd7: {  	_ = 	snop  }
0xd8: {  	[tilespmem:s15], [sflag:$0x1] =	stream.indirect_vreg.gather [hbm4b:s4+s2], $0x80, v3, vm0, $0xb8;
	[tilespmem:$0x18200] =	vst v63  }
0xd9: {  	_ = 	snop  }
0xda: {  	[tilespmem:s16], [sflag:$0x1] =	stream.indirect_vreg.gather [hbm4b:s5+s2], $0x80, v3, vm0, $0xb8;
	[tilespmem:$0x18200] =	vst v63  }
0xdb: {  	v3 =	vld [tilespmem:$0x110];
	_ =	sdelay $0x4  }
0xdc: {  	v57 =	vshrl.u32 v3, $0x3  }
0xdd: {  	v4 =	vmul.u32 $0x30, v57  }
0xde: {  	v3 =	vand.u32 $0x7, v3  }
0xdf: {  	v3 =	vor.u32 v3, v4  }
0xe0: {  	v4 =	vperm.xlane v3, v0;
	_ =	sdelay $0x1  }
0xe1: {  	v4 =	vadd.s32 v1, v4;
	_ =	sdelay $0x3  }
0xe2: {  	v3 =	vperm.xlane v3, v2  }
0xe3: {  	[tilespmem:s17], [sflag:$0x1] =	stream.indirect_vreg.gather [hbm4b:s3+s2], $0x80, v4, vm0, $0xb8;
	[tilespmem:$0x18200] =	vst v63  }
0xe4: {  	v3 =	vadd.s32 v1, v3  }
0xe5: {  	[tilespmem:s18], [sflag:$0x1] =	stream.indirect_vreg.gather [hbm4b:s4+s2], $0x80, v4, vm0, $0xb8;
	[tilespmem:$0x18200] =	vst v63  }
0xe6: {  	_ = 	snop  }
0xe7: {  	[tilespmem:s19], [sflag:$0x1] =	stream.indirect_vreg.gather [hbm4b:s5+s2], $0x80, v4, vm0, $0xb8;
	[tilespmem:$0x18200] =	vst v63  }
0xe8: {  	_ = 	snop  }
0xe9: {  	[tilespmem:s20], [sflag:$0x1] =	stream.indirect_vreg.gather [hbm4b:s3+s2], $0x80, v3, vm0, $0xb8;
	[tilespmem:$0x18200] =	vst v63  }
0xea: {  	_ = 	snop  }
0xeb: {  	[tilespmem:s21], [sflag:$0x1] =	stream.indirect_vreg.gather [hbm4b:s4+s2], $0x80, v3, vm0, $0xb8;
	[tilespmem:$0x18200] =	vst v63  }
0xec: {  	_ = 	snop  }
0xed: {  	[tilespmem:s22], [sflag:$0x1] =	stream.indirect_vreg.gather [hbm4b:s5+s2], $0x80, v3, vm0, $0xb8;
	[tilespmem:$0x18200] =	vst v63  }
0xee: {  	v3 =	vld [tilespmem:$0x120];
	_ =	sdelay $0x4  }
0xef: {  	v58 =	vshrl.u32 v3, $0x3  }
0xf0: {  	v4 =	vmul.u32 $0x30, v58  }
0xf1: {  	v3 =	vand.u32 $0x7, v3  }
0xf2: {  	v3 =	vor.u32 v3, v4  }
0xf3: {  	v4 =	vperm.xlane v3, v0;
	_ =	sdelay $0x1  }
0xf4: {  	v4 =	vadd.s32 v1, v4;
	_ =	sdelay $0x3  }
0xf5: {  	v3 =	vperm.xlane v3, v2  }
0xf6: {  	[tilespmem:s23], [sflag:$0x1] =	stream.indirect_vreg.gather [hbm4b:s3+s2], $0x80, v4, vm0, $0xb8;
	[tilespmem:$0x18200] =	vst v63  }
0xf7: {  	v3 =	vadd.s32 v1, v3  }
0xf8: {  	[tilespmem:s24], [sflag:$0x1] =	stream.indirect_vreg.gather [hbm4b:s4+s2], $0x80, v4, vm0, $0xb8;
	[tilespmem:$0x18200] =	vst v63  }
0xf9: {  	_ = 	snop  }
0xfa: {  	[tilespmem:s25], [sflag:$0x1] =	stream.indirect_vreg.gather [hbm4b:s5+s2], $0x80, v4, vm0, $0xb8;
	[tilespmem:$0x18200] =	vst v63  }
0xfb: {  	_ = 	snop  }
0xfc: {  	[tilespmem:s26], [sflag:$0x1] =	stream.indirect_vreg.gather [hbm4b:s3+s2], $0x80, v3, vm0, $0xb8;
	[tilespmem:$0x18200] =	vst v63  }
0xfd: {  	_ = 	snop  }
0xfe: {  	[tilespmem:s28], [sflag:$0x1] =	stream.indirect_vreg.gather [hbm4b:s4+s2], $0x80, v3, vm0, $0xb8;
	[tilespmem:$0x18200] =	vst v63  }
0xff: {  	_ = 	snop  }
0x100: {  	[tilespmem:s29], [sflag:$0x1] =	stream.indirect_vreg.gather [hbm4b:s5+s2], $0x80, v3, vm0, $0xb8;
	[tilespmem:$0x18200] =	vst v63  }
0x101: {  	v3 =	vld [tilespmem:$0x130];
	_ =	sdelay $0x4  }
0x102: {  	v59 =	vshrl.u32 v3, $0x3  }
0x103: {  	v4 =	vmul.u32 $0x30, v59  }
0x104: {  	v3 =	vand.u32 $0x7, v3  }
0x105: {  	v3 =	vor.u32 v3, v4  }
0x106: {  	v4 =	vperm.xlane v3, v0;
	_ =	sdelay $0x1  }
0x107: {  	v4 =	vadd.s32 v1, v4;
	_ =	sdelay $0x3  }
0x108: {  	v3 =	vperm.xlane v3, v2  }
0x109: {  	[tilespmem:s30], [sflag:$0x1] =	stream.indirect_vreg.gather [hbm4b:s3+s2], $0x80, v4, vm0, $0xb8;
	[tilespmem:$0x18200] =	vst v63  }
0x10a: {  	v3 =	vadd.s32 v1, v3  }
0x10b: {  	[tilespmem:s31], [sflag:$0x1] =	stream.indirect_vreg.gather [hbm4b:s4+s2], $0x80, v4, vm0, $0xb8;
	[tilespmem:$0x18200] =	vst v63  }
0x10c: {  	s11 =	simm.s32 $0xA200  }
0x10d: {  	[tilespmem:s11], [sflag:$0x1] =	stream.indirect_vreg.gather [hbm4b:s5+s2], $0x80, v4, vm0, $0xb8;
	[tilespmem:$0x18200] =	vst v63  }
0x10e: {  	s12 =	simm.s32 $0xAA00  }
0x10f: {  	[tilespmem:s12], [sflag:$0x1] =	stream.indirect_vreg.gather [hbm4b:s3+s2], $0x80, v3, vm0, $0xb8;
	[tilespmem:$0x18200] =	vst v63  }
0x110: {  	_ = 	snop  }
0x111: {  	[tilespmem:s1], [sflag:$0x1] =	stream.indirect_vreg.gather [hbm4b:s4+s2], $0x80, v3, vm0, $0xb8;
	[tilespmem:$0x18200] =	vst v63  }
0x112: {  	s1 =	simm.s32 $0x2  }
0x113: {  	[tilespmem:s9], [sflag:$0x1] =	stream.indirect_vreg.gather [hbm4b:s5+s2], $0x80, v3, vm0, $0xb8;
	[tilespmem:$0x18200] =	vst v63  }
0x114: {  	_ =	swait.ge [sflag:s1], $0xC000  }
0x115: {  	[sflag:s1] =	ssyncset.done $0x0  }
0x116: {  	s6 =	rddreg [dreg:$0x7];
	[sflag:s1] =	ssyncadd.s32 $0xFFFF4000  }
0x117: {  	[hbm4b:s6+s2] =	stream.linear.scatter [tilespmem:s10], [sflag:$0x3], $0xC000, $0x38;
	[tilespmem:$0x18200] =	vst v63  }
0x118: {  	_ =	swait.ge [sflag:s7], $0xC000  }
0x119: {  	[sflag:s7] =	ssyncset.done $0x0  }
0x11a: {  	[sflag:s7] =	ssyncadd.s32 $0xFFFF4000  }
0x11b: {  	v3 =	vld [tilespmem:$0x180];
	_ =	sdelay $0x4  }
0x11c: {  	v60 =	vshrl.u32 v3, $0x3  }
0x11d: {  	v4 =	vmul.u32 $0x30, v60  }
0x11e: {  	v3 =	vand.u32 $0x7, v3  }
0x11f: {  	v3 =	vor.u32 v3, v4  }
0x120: {  	v4 =	vperm.xlane v3, v0;
	_ =	sdelay $0x1  }
0x121: {  	v4 =	vadd.s32 v1, v4;
	_ =	sdelay $0x3  }
0x122: {  	v3 =	vperm.xlane v3, v2  }
0x123: {  	[tilespmem:s10], [sflag:$0x2] =	stream.indirect_vreg.gather [hbm4b:s3+s2], $0x80, v4, vm0, $0xb8;
	[tilespmem:$0x18200] =	vst v63  }
0x124: {  	s11 =	simm.s32 $0xCA00;
	v3 =	vadd.s32 v1, v3  }
0x125: {  	[tilespmem:s11], [sflag:$0x2] =	stream.indirect_vreg.gather [hbm4b:s4+s2], $0x80, v4, vm0, $0xb8;
	[tilespmem:$0x18200] =	vst v63  }
0x126: {  	s12 =	simm.s32 $0xD200  }
0x127: {  	[tilespmem:s12], [sflag:$0x2] =	stream.indirect_vreg.gather [hbm4b:s5+s2], $0x80, v4, vm0, $0xb8;
	[tilespmem:$0x18200] =	vst v63  }
0x128: {  	s11 =	simm.s32 $0xDA00  }
0x129: {  	[tilespmem:s11], [sflag:$0x2] =	stream.indirect_vreg.gather [hbm4b:s3+s2], $0x80, v3, vm0, $0xb8;
	[tilespmem:$0x18200] =	vst v63  }
0x12a: {  	s12 =	simm.s32 $0xE200  }
0x12b: {  	[tilespmem:s12], [sflag:$0x2] =	stream.indirect_vreg.gather [hbm4b:s4+s2], $0x80, v3, vm0, $0xb8;
	[tilespmem:$0x18200] =	vst v63  }
0x12c: {  	s11 =	simm.s32 $0xEA00  }
0x12d: {  	[tilespmem:s11], [sflag:$0x2] =	stream.indirect_vreg.gather [hbm4b:s5+s2], $0x80, v3, vm0, $0xb8;
	[tilespmem:$0x18200] =	vst v63  }
0x12e: {  	v3 =	vld [tilespmem:$0x190];
	_ =	sdelay $0x4  }
0x12f: {  	v61 =	vshrl.u32 v3, $0x3  }
0x130: {  	v4 =	vmul.u32 $0x30, v61  }
0x131: {  	v3 =	vand.u32 $0x7, v3  }
0x132: {  	v3 =	vor.u32 v3, v4  }
0x133: {  	v4 =	vperm.xlane v3, v0;
	_ =	sdelay $0x1  }
0x134: {  	v4 =	vadd.s32 v1, v4;
	_ =	sdelay $0x3  }
0x135: {  	s12 =	simm.s32 $0xF200;
	v3 =	vperm.xlane v3, v2  }
0x136: {  	[tilespmem:s12], [sflag:$0x2] =	stream.indirect_vreg.gather [hbm4b:s3+s2], $0x80, v4, vm0, $0xb8;
	[tilespmem:$0x18200] =	vst v63  }
0x137: {  	s11 =	simm.s32 $0xFA00;
	v3 =	vadd.s32 v1, v3  }
0x138: {  	[tilespmem:s11], [sflag:$0x2] =	stream.indirect_vreg.gather [hbm4b:s4+s2], $0x80, v4, vm0, $0xb8;
	[tilespmem:$0x18200] =	vst v63  }
0x139: {  	s12 =	simm.s32 $0x10200  }
0x13a: {  	[tilespmem:s12], [sflag:$0x2] =	stream.indirect_vreg.gather [hbm4b:s5+s2], $0x80, v4, vm0, $0xb8;
	[tilespmem:$0x18200] =	vst v63  }
0x13b: {  	s11 =	simm.s32 $0x10A00  }
0x13c: {  	[tilespmem:s11], [sflag:$0x2] =	stream.indirect_vreg.gather [hbm4b:s3+s2], $0x80, v3, vm0, $0xb8;
	[tilespmem:$0x18200] =	vst v63  }
0x13d: {  	s12 =	simm.s32 $0x11200  }
0x13e: {  	[tilespmem:s12], [sflag:$0x2] =	stream.indirect_vreg.gather [hbm4b:s4+s2], $0x80, v3, vm0, $0xb8;
	[tilespmem:$0x18200] =	vst v63  }
0x13f: {  	s11 =	simm.s32 $0x11A00  }
0x140: {  	[tilespmem:s11], [sflag:$0x2] =	stream.indirect_vreg.gather [hbm4b:s5+s2], $0x80, v3, vm0, $0xb8;
	[tilespmem:$0x18200] =	vst v63  }
0x141: {  	v3 =	vld [tilespmem:$0x1A0];
	_ =	sdelay $0x4  }
0x142: {  	v62 =	vshrl.u32 v3, $0x3  }
0x143: {  	v4 =	vmul.u32 $0x30, v62  }
0x144: {  	v3 =	vand.u32 $0x7, v3  }
0x145: {  	v3 =	vor.u32 v3, v4  }
0x146: {  	v4 =	vperm.xlane v3, v0;
	_ =	sdelay $0x1  }
0x147: {  	v4 =	vadd.s32 v1, v4;
	_ =	sdelay $0x3  }
0x148: {  	s12 =	simm.s32 $0x12200;
	v3 =	vperm.xlane v3, v2  }
0x149: {  	[tilespmem:s12], [sflag:$0x2] =	stream.indirect_vreg.gather [hbm4b:s3+s2], $0x80, v4, vm0, $0xb8;
	[tilespmem:$0x18200] =	vst v63  }
0x14a: {  	s11 =	simm.s32 $0x12A00;
	v3 =	vadd.s32 v1, v3  }
0x14b: {  	[tilespmem:s11], [sflag:$0x2] =	stream.indirect_vreg.gather [hbm4b:s4+s2], $0x80, v4, vm0, $0xb8;
	[tilespmem:$0x18200] =	vst v63  }
0x14c: {  	s12 =	simm.s32 $0x13200  }
0x14d: {  	[tilespmem:s12], [sflag:$0x2] =	stream.indirect_vreg.gather [hbm4b:s5+s2], $0x80, v4, vm0, $0xb8;
	[tilespmem:$0x18200] =	vst v63  }
0x14e: {  	s11 =	simm.s32 $0x13A00  }
0x14f: {  	[tilespmem:s11], [sflag:$0x2] =	stream.indirect_vreg.gather [hbm4b:s3+s2], $0x80, v3, vm0, $0xb8;
	[tilespmem:$0x18200] =	vst v63  }
0x150: {  	s12 =	simm.s32 $0x14200  }
0x151: {  	[tilespmem:s12], [sflag:$0x2] =	stream.indirect_vreg.gather [hbm4b:s4+s2], $0x80, v3, vm0, $0xb8;
	[tilespmem:$0x18200] =	vst v63  }
0x152: {  	s11 =	simm.s32 $0x14A00  }
0x153: {  	[tilespmem:s11], [sflag:$0x2] =	stream.indirect_vreg.gather [hbm4b:s5+s2], $0x80, v3, vm0, $0xb8;
	[tilespmem:$0x18200] =	vst v63  }
0x154: {  	v3 =	vld [tilespmem:$0x1B0];
	_ =	sdelay $0x4  }
0x155: {  	v63 =	vshrl.u32 v3, $0x3  }
0x156: {  	v4 =	vmul.u32 $0x30, v63  }
0x157: {  	v3 =	vand.u32 $0x7, v3  }
0x158: {  	v3 =	vor.u32 v3, v4  }
0x159: {  	v4 =	vperm.xlane v3, v0;
	_ =	sdelay $0x1  }
0x15a: {  	v4 =	vadd.s32 v1, v4;
	_ =	sdelay $0x3  }
0x15b: {  	s12 =	simm.s32 $0x15200;
	v3 =	vperm.xlane v3, v2  }
0x15c: {  	[tilespmem:s12], [sflag:$0x2] =	stream.indirect_vreg.gather [hbm4b:s3+s2], $0x80, v4, vm0, $0xb8;
	[tilespmem:$0x18200] =	vst v63  }
0x15d: {  	s11 =	simm.s32 $0x15A00;
	v3 =	vadd.s32 v1, v3  }
0x15e: {  	[tilespmem:s11], [sflag:$0x2] =	stream.indirect_vreg.gather [hbm4b:s4+s2], $0x80, v4, vm0, $0xb8;
	[tilespmem:$0x18200] =	vst v63  }
0x15f: {  	s12 =	simm.s32 $0x16200  }
0x160: {  	[tilespmem:s12], [sflag:$0x2] =	stream.indirect_vreg.gather [hbm4b:s5+s2], $0x80, v4, vm0, $0xb8;
	[tilespmem:$0x18200] =	vst v63  }
0x161: {  	s11 =	simm.s32 $0x16A00  }
0x162: {  	[tilespmem:s11], [sflag:$0x2] =	stream.indirect_vreg.gather [hbm4b:s3+s2], $0x80, v3, vm0, $0xb8;
	[tilespmem:$0x18200] =	vst v63  }
0x163: {  	s12 =	simm.s32 $0x17200  }
0x164: {  	[tilespmem:s12], [sflag:$0x2] =	stream.indirect_vreg.gather [hbm4b:s4+s2], $0x80, v3, vm0, $0xb8;
	[tilespmem:$0x18200] =	vst v63  }
0x165: {  	s11 =	simm.s32 $0x17A00  }
0x166: {  	[tilespmem:s11], [sflag:$0x2] =	stream.indirect_vreg.gather [hbm4b:s5+s2], $0x80, v3, vm0, $0xb8;
	[tilespmem:$0x18200] =	vst v63  }
0x167: {  	_ =	swait.ge [sflag:s0], $0xC000  }
0x168: {  	[sflag:s0] =	ssyncset.done $0x0  }
0x169: {  	s6 =	simm.s32 $0x200;
	s12 =	rddreg [dreg:$0x8];
	[sflag:s0] =	ssyncadd.s32 $0xFFFF4000  }
0x16a: {  	[hbm4b:s12+s2] =	stream.linear.scatter [tilespmem:s6], [sflag:$0x3], $0xC000, $0x38;
	[tilespmem:$0x18200] =	vst v63  }
0x16b: {  	_ =	swait.ge [sflag:s7], $0xC000  }
0x16c: {  	[sflag:s7] =	ssyncset.done $0x0  }
0x16d: {  	[sflag:s7] =	ssyncadd.s32 $0xFFFF4000  }
0x16e: {  	_ =	swait.ge [sflag:s1], $0xC000  }
0x16f: {  	p0 =	sne.s32 s8, $0x1;
	[sflag:s1] =	ssyncset.done $0x0  }
.Ltmp0:
0x170: {  	s12 =	rddreg [dreg:$0x9];
	[sflag:s1] =	ssyncadd.s32 $0xFFFF4000;
	(pc) =	sbr.rel @p0 .LBB2_1-.Ltmp0, $4  }
0x171: {  	[hbm4b:s12+s2] =	stream.linear.scatter [tilespmem:s10], [sflag:$0x3], $0xC000, $0x38;
	[tilespmem:$0x18200] =	vst v63  }
0x172: {  	_ =	swait.ge [sflag:s7], $0xC000  }
0x173: {  	[sflag:s7] =	ssyncset.done $0x0  }
0x174: {  	s8 =	sadd.s32 $0xFFFFFFFF, s8;
	[sflag:s7] =	ssyncadd.s32 $0xFFFF4000  }
0x175: {  	_ =	sfence.sel $0x180000  }
0x176: {  	[bflag:$0x0] =	sbarrier.arrive $0xFFFF  }
0x177: {  	_ =	strace $0x9000004A  }
0x178: {  	s0 =	stileid.u32;
	[bflag:$0x2] =	sbarrier.arrive $0xFFFF  }
0x179: {  	p0 =	sne.s32 s0, $0x0;
	s0 =	rddreg [dreg:$0x1]  }
0x17a: {  	s0 =	sadd.s32 @!p0 $0x100000, s0  }
0x17b: {  	[sflag:s0] =	ssyncadd.tile.s32 @!p0 $0x1;
	_ =	shalt  }
.Lfunc_end2:
_tile_overlayer_lowered:
.L_overlay_start_2:
0x17c: {  	(tag) =	ssettag $0x2  }
0x17d: {  	s0 =	rddreg [dreg:$0x0];
	s2 =	stileid.u32  }
0x17e: {  	s1 =	rddreg [dreg:$0x1];
	p0 =	sne.s32 s2, $0x0  }
0x17f: {  	s3 =	rddreg [dreg:$0x2];
	[bflag:$0x3] =	sbarrier.arrive $0xFFFF;
	s2 =	simm.s32 @!p0 $0x1C03  }
0x180: {  	[timem:s3], [sflag:s2] =	dma.local @!p0 [hbm:s0], s1  }
0x181: {  	s0 =	simm.s32 @!p0 $0x3  }
0x182: {  	_ =	swait.ge @!p0 [sflag:s0], s1  }
0x183: {  	s1 =	ssub.s32 @!p0 $0x0, s1;
	[sflag:s0] =	ssyncset.done @!p0 $0x0  }
0x184: {  	[sflag:s0] =	ssyncadd.s32 @!p0 s1  }
0x185: {  	[bflag:$0x3] =	sbarrier.arrive $0xFFFF  }
0x186: {  	_ =	shalt  }

// kernel: kernel.17.cloned.1.call-start
scs
__scs_entry_jumppad:
0x0: {  	(pc) =	sbr.rel $0x88, $3  }
0x1: {  	(tag) =	ssettag $0x0;
	lr =	simm.s32 $0x1  }
0x2: {  	[smem:$0x3F98] =	sst lr;
	_ =	strace $0xD0000000  }
0x3: {  	_ = 	snop  }
0x4: {  	_ = 	snop  }
0x5: {  	_ = 	snop  }
0x6: {  	_ = 	snop  }
0x7: {  	_ = 	snop  }
__scs_overlays_trampoline_lowered:
0x8: {  	[smem:$0x3FA7] =	sst s0  }
0x9: {  	[smem:$0x3FA8] =	sst s1  }
0xa: {  	[smem:$0x3FA9] =	sst s2  }
0xb: {  	[smem:$0x3FAA] =	sst s3  }
0xc: {  	[smem:$0x3FAB] =	sst s4  }
0xd: {  	[smem:$0x3FAC] =	sst s5  }
0xe: {  	[smem:$0x3FAD] =	sst s6  }
0xf: {  	[smem:$0x3FAE] =	sst s7  }
0x10: {  	[smem:$0x3FAF] =	sst s8  }
0x11: {  	[smem:$0x3FB0] =	sst s9;
	s0 =	simm.s32 @!p0 $0x0  }
0x12: {  	s1 =	sld [smem:$0x3F96];
	s0 =	simm.s32 @p0 $0x1  }
0x13: {  	[smem:$0x3FB1] =	sst s0;
	s0 =	simm.s32 @!p1 $0x0  }
0x14: {  	s2 =	sld [smem:$0x3F95];
	s0 =	simm.s32 @p1 $0x1  }
0x15: {  	[smem:$0x3FB2] =	sst s0;
	s0 =	simm.s32 @!p2 $0x0  }
0x16: {  	s3 =	sld [smem:$0x3FDB];
	s0 =	simm.s32 @p2 $0x1  }
0x17: {  	s4 =	simm.s32 $0x1BF5;
	[smem:$0x3FB4] =	sst s0  }
0x18: {  	s0 =	sld [smem:$0x3F97];
	_ =	swait.ge [sflag:s4], $0x0  }
0x19: {  	s7 =	sld [smem:$0x3F98]  }
0x1a: {  	s8 =	sadd.s32 $0xFFFFE003, lr  }
0x1b: {  	s9 =	sadd.s32 $0xFFFFFEF7, lr;
	s5 =	simm.s32 $0xFFFFFFFF;
	p2 =	slt.u32 s8, $0xFFFFF086  }
0x1c: {  	p1 =	slt.u32 s9, $0xF7A;
	s5 =	simm.s32 @!p2 $0x0  }
0x1d: {  	s5 =	simm.s32 @p1 $0x1;
	p0 =	seq.s32 s7, s2  }
0x1e: {  	s7 =	smul.u32 @!p0 $0xF7A, s2;
	p2 =	seq.s32 @!p0 s5, $0x0  }
0x1f: {  	s9 =	smul.u32 $0xF7A, s1;
	s8 =	simm.s32 @!p0 $0x1BF5;
	p2 =	por !p2, p0  }
0x20: {  	[sflag:s8] =	ssyncset.s32 @!p0 $0xFFFFF086;
	s6 =	sadd.s32 @!p0 s3, s7;
	s7 =	simm.s32 @!p0 $0x108  }
0x21: {  	s3 =	sadd.s32 s3, s9;
	s6 =	sadd.s32 @!p0 $0x88, s6;
	s7 =	simm.s32 @p2 $0x1082  }
0x22: {  	[simem:s7], [sflag:s8] =	dma.local @!p0 [hbm:s6], $0xF7A  }
0x23: {  	s9 =	sor.u32 $0xD0000000, s2;
	s6 =	simm.s32 $0x108;
	_ =	swait.ge @!p0 [sflag:s8], $0x0  }
0x24: {  	s3 =	sadd.s32 $0x88, s3;
	s6 =	simm.s32 @!p1 $0x1082;
	[sflag:s4] =	ssyncset.s32 $0xFFFFF086  }
0x25: {  	[simem:s6], [sflag:s4] =	dma.local [hbm:s3], $0xF7A  }
0x26: {  	[smem:$0x3F98] =	sst s1;
	(tag) =	ssettag s2;
	_ =	strace s9  }
0x27: {  	s1 =	sld [smem:$0x3FA8]  }
0x28: {  	s2 =	sld [smem:$0x3FA9]  }
0x29: {  	s4 =	sld [smem:$0x3FAB]  }
0x2a: {  	p0 =	seq.s32 s5, $0x0;
	s5 =	sld [smem:$0x3FAC]  }
0x2b: {  	s6 =	sld [smem:$0x3FAD]  }
0x2c: {  	s7 =	sld [smem:$0x3FAE]  }
0x2d: {  	s3 =	simm.s32 $0x108;
	s8 =	sld [smem:$0x3FAF]  }
0x2e: {  	s3 =	simm.s32 @!p0 $0x1082;
	s9 =	sld [smem:$0x3FB0]  }
0x2f: {  	lr =	sadd.s32 s0, s3;
	s0 =	sld [smem:$0x3FA7]  }
0x30: {  	s3 =	sld [smem:$0x3FAA]  }
0x31: {  	[smem:$0x3FB3] =	sst s10  }
0x32: {  	s10 =	sld [smem:$0x3FB1];
	_ =	sdelay $0x3  }
0x33: {  	p0 =	seq.s32 s10, $0x1;
	s10 =	sld [smem:$0x3FB3];
	_ =	sdelay $0x3  }
0x34: {  	[smem:$0x3FB3] =	sst s10  }
0x35: {  	s10 =	sld [smem:$0x3FB2];
	_ =	sdelay $0x3  }
0x36: {  	p1 =	seq.s32 s10, $0x1;
	s10 =	sld [smem:$0x3FB3];
	_ =	sdelay $0x3  }
0x37: {  	[smem:$0x3FB3] =	sst s10  }
0x38: {  	s10 =	sld [smem:$0x3FB4]  }
0x39: {  	_ = 	snop;
	(pc) =	sbr.ind lr, $3  }
0x3a: {  	_ = 	snop  }
0x3b: {  	_ = 	snop  }
0x3c: {  	p2 =	seq.s32 s10, $0x1;
	s10 =	sld [smem:$0x3FB3]  }
0x3d: {  	_ =	shalt  }
0x3e: {  	_ =	shalt  }
0x3f: {  	_ =	shalt  }
0x40: {  	_ =	shalt  }
0x41: {  	_ =	shalt  }
0x42: {  	_ =	shalt  }
0x43: {  	_ =	shalt  }
0x44: {  	_ =	shalt  }
0x45: {  	_ =	shalt  }
0x46: {  	_ =	shalt  }
0x47: {  	_ =	shalt  }
0x48: {  	_ =	shalt  }
0x49: {  	_ =	shalt  }
0x4a: {  	_ =	shalt  }
0x4b: {  	_ =	shalt  }
0x4c: {  	_ =	shalt  }
0x4d: {  	_ =	shalt  }
0x4e: {  	_ =	shalt  }
0x4f: {  	_ =	shalt  }
0x50: {  	_ =	shalt  }
0x51: {  	_ =	shalt  }
0x52: {  	_ =	shalt  }
0x53: {  	_ =	shalt  }
0x54: {  	_ =	shalt  }
0x55: {  	_ =	shalt  }
0x56: {  	_ =	shalt  }
0x57: {  	_ =	shalt  }
0x58: {  	_ =	shalt  }
0x59: {  	_ =	shalt  }
0x5a: {  	_ =	shalt  }
0x5b: {  	_ =	shalt  }
0x5c: {  	_ =	shalt  }
0x5d: {  	_ =	shalt  }
0x5e: {  	_ =	shalt  }
0x5f: {  	_ =	shalt  }
0x60: {  	_ =	shalt  }
0x61: {  	_ =	shalt  }
0x62: {  	_ =	shalt  }
0x63: {  	_ =	shalt  }
0x64: {  	_ =	shalt  }
0x65: {  	_ =	shalt  }
0x66: {  	_ =	shalt  }
0x67: {  	_ =	shalt  }
0x68: {  	_ =	shalt  }
0x69: {  	_ =	shalt  }
0x6a: {  	_ =	shalt  }
0x6b: {  	_ =	shalt  }
0x6c: {  	_ =	shalt  }
0x6d: {  	_ =	shalt  }
0x6e: {  	_ =	shalt  }
0x6f: {  	_ =	shalt  }
0x70: {  	_ =	shalt  }
0x71: {  	_ =	shalt  }
0x72: {  	_ =	shalt  }
0x73: {  	_ =	shalt  }
0x74: {  	_ =	shalt  }
0x75: {  	_ =	shalt  }
0x76: {  	_ =	shalt  }
0x77: {  	_ =	shalt  }
0x78: {  	_ =	shalt  }
0x79: {  	_ =	shalt  }
0x7a: {  	_ =	shalt  }
0x7b: {  	_ =	shalt  }
0x7c: {  	_ =	shalt  }
0x7d: {  	_ =	shalt  }
0x7e: {  	_ =	shalt  }
0x7f: {  	_ =	shalt  }
0x80: {  	_ =	shalt  }
0x81: {  	_ =	shalt  }
0x82: {  	_ =	shalt  }
0x83: {  	_ =	shalt  }
0x84: {  	_ =	shalt  }
0x85: {  	_ =	shalt  }
0x86: {  	_ =	shalt  }
0x87: {  	_ =	shalt  }
.Lfunc_end0:
.L_simem_size_0:
called_computation.2_lowered:
.L_overlay_start_0:
0x88: {  	s2 =	sld [smem:$0x3FD9]  }
0x89: {  	s3 =	sld [smem:$0x3FFE];
	_ =	sdelay $0x1  }
0x8a: {  	s1 =	srdreg.scid  }
0x8b: {  	s0 =	sand.u32 $0x1, s1  }
0x8c: {  	s17 =	sshll.u32 s0, $0xA;
	s2 =	sadd.s32 s3, s2  }
0x8d: {  	s2 =	sadd.s32 s2, s17  }
0x8e: {  	[smem:$0x3FBF] =	sst s2  }
0x8f: {  	_ = 	snop  }
0x90: {  	s2 =	sld [smem:$0x3FD0];
	(tm) =	ssettm $0x1  }
0x91: {  	s18 =	sld [smem:$0x3FFB];
	_ =	sdelay $0x3  }
0x92: {  	_ =	strace s18  }
0x93: {  	s3 =	sld [smem:$0x3FFC];
	_ =	sdelay $0x3  }
0x94: {  	_ =	strace s3  }
0x95: {  	s3 =	sld [smem:$0x3FFD];
	_ =	sdelay $0x3  }
0x96: {  	_ =	strace s3  }
0x97: {  	_ =	strace $0x8FFFFFFF  }
0x98: {  	s19 =	sld [smem:$0x3FDB];
	_ =	sdelay $0x1  }
0x99: {  	s4 =	simm.s32 $_scs_section_size  }
0x9a: {  	s5 =	simm.s32 $_size__tile_overlayer_lowered;
	s6 =	simm.s32 $_tile_overlayer_lowered  }
0x9b: {  	s22 =	simm.s32 $0x1BFF;
	s21 =	sshll.u32 s6, $0x1;
	s3 =	sadd.s32 s4, s19  }
0x9c: {  	s7 =	simm.s32 $0x0;
	s20 =	sshll.u32 s5, $0x1;
	s5 =	sadd.s32 s21, s3  }
0x9d: {  	[timem:s7], [sflag:s22] =	dma.local [hbm:s5], s20  }
0x9e: {  	_ =	swait.ge [sflag:s22], s20  }
0x9f: {  	s4 =	ssub.s32 $0x0, s20;
	[sflag:s22] =	ssyncset.done $0x0  }
0xa0: {  	[sflag:s22] =	ssyncadd.s32 s4;
	_ =	sdelay $0x1  }
0xa1: {  	s23 =	simm.s32 $0x1B8B  }
0xa2: {  	_ =	swait.ge [sflag:s23], $0x1  }
0xa3: {  	[sflag:s23] =	ssyncset.done $0x0  }
0xa4: {  	s25 =	simm.s32 $0x1B8E;
	s24 =	sld [smem:$0x3FFE];
	[sflag:s23] =	ssyncadd.s32 $0xFFFFFFFF  }
0xa5: {  	s26 =	simm.s32 $execute0_lowered;
	[smem:$0x3FD2] =	sst s25  }
0xa6: {  	s5 =	sshll.u32 s26, $0x1;
	_ =	strace $0x8000004C;
	[dreg:$0x1] =	wrdreg $0xFFFFFFFF  }
0xa7: {  	s28 =	simm.s32 $_size_execute0_lowered;
	s3 =	sadd.s32 s3, s5;
	[dreg:$0x0] =	wrdreg $0x0  }
0xa8: {  	s5 =	sshll.u32 s28, $0x1;
	[dreg:$0x2] =	wrdreg s3  }
0xa9: {  	[dreg:$0x3] =	wrdreg s5  }
0xaa: {  	[dreg:$0x4] =	wrdreg $0xC0  }
0xab: {  	_ =	task [dreg:s7], $0x5FFFF  }
0xac: {  	[dreg:$0x1] =	wrdreg $0xFFFFFFFF  }
0xad: {  	[dreg:$0x0] =	wrdreg $0x60  }
0xae: {  	[dreg:$0x2] =	wrdreg s2  }
0xaf: {  	[dreg:$0x3] =	wrdreg s24  }
0xb0: {  	[dreg:$0x4] =	wrdreg $0x9  }
0xb1: {  	_ =	task.clear_ibuf [dreg:s7], $0x5FFFF;
	_ =	strace $0x9000004C  }
0xb2: {  	s29 =	simm.s32 $0x9;
	_ =	strace $0x8000004E  }
0xb3: {  	_ =	swait.ge [sflag:s29], $0x1  }
0xb4: {  	[sflag:s29] =	ssyncadd.s32 $0xFFFFFFFF  }
0xb5: {  	_ =	strace $0x9000004E  }
0xb6: {  	_ =	sfence  }
0xb7: {  	s30 =	sld [smem:$0x0];
	_ =	sdelay $0x2  }
0xb8: {  	s31 =	sshll.u32 s1, $0xD;
	s1 =	sshrl.u32 s1, $0x2  }
0xb9: {  	s3 =	sand.u32 $0x4000, s31;
	s1 =	sadd.s32 s1, s30  }
0xba: {  	s0 =	sor.u32 s3, s0;
	s1 =	sshll.u32 s1, $0x11  }
0xbb: {  	s0 =	sor.u32 s1, s0  }
0xbc: {  	s0 =	sadd.s32 $0x8F2B, s0  }
0xbd: {  	[sflag:s0] =	ssyncadd.remote.s32 $0x1  }
0xbe: {  	_ =	sfence.sel $0xFFFF  }
0xbf: {  	[dreg:$0x0] =	wrdreg $0xFFFFFFFF;
	(pc) =	sbr.abs _section_cstart, $3  }
0xc0: {  	[dreg:$0x1] =	wrdreg $0xFFFFFFFF  }
0xc1: {  	_ =	task.clear_ibuf [dreg:s7], $0x2FFFF;
	_ =	strace $0x9FFFFFFF  }
0xc2: {  	(tm) =	ssettm $0x7FFFFFFF  }
0xc3: {  	_ =	shalt  }
tec
execute0_lowered:
.L_overlay_start_1:
0x0: {  	(tag) =	ssettag $0x1  }
0x1: {  	s0 =	rddreg [dreg:$0x0]  }
0x2: {  	s3 =	rddreg [dreg:$0x1]  }
0x3: {  	s2 =	srdreg.scid;
	s1 =	stileid.u32;
	s17 =	simm.s32 $0x80  }
0x4: {  	s18 =	simm.s32 $0x900;
	s19 =	simm.s32 $0x1100;
	s20 =	simm.s32 $0x1900  }
0x5: {  	s21 =	simm.s32 $0x2100;
	s23 =	simm.s32 $0x2900;
	s24 =	simm.s32 $0x3100  }
0x6: {  	s25 =	simm.s32 $0x3900;
	s4 =	sand.u32 $0x1, s2;
	s2 =	simm.s32 $0x0  }
0x7: {  	s26 =	simm.s32 $0x4100;
	s10 =	simm.s32 $0x6100;
	[smem:$0x7FF] =	sst s2  }
0x8: {  	s11 =	simm.s32 $0x6900;
	_ =	strace $0x8000004D;
	[dreg:$0x7] =	wrdreg s17  }
0x9: {  	s12 =	simm.s32 $0x7100;
	s13 =	simm.s32 $0x7900;
	[dreg:$0x8] =	wrdreg s18  }
0xa: {  	s14 =	simm.s32 $0x8100;
	s28 =	simm.s32 $0xE900;
	[dreg:$0x9] =	wrdreg s19  }
0xb: {  	s29 =	simm.s32 $0xF100;
	s30 =	simm.s32 $0xF900;
	[dreg:$0xa] =	wrdreg s20  }
0xc: {  	s31 =	simm.s32 $0x1;
	s5 =	sshll.u32 s1, $0x9;
	[dreg:$0xb] =	wrdreg s21  }
0xd: {  	s15 =	sadd.s32 $0x3E00, s3;
	s3 =	sadd.s32 $0x4200, s3;
	[dreg:$0xc] =	wrdreg s23  }
0xe: {  	s6 =	sshll.u32 s4, $0x8;
	s4 =	ssub.s32 $0x2, s4;
	[dreg:$0xd] =	wrdreg s24  }
0xf: {  	s5 =	sor.u32 s6, s5;
	s22 =	sshrl.u32 s4, $0x1;
	[dreg:$0xe] =	wrdreg s25  }
0x10: {  	[dreg:$0xf] =	wrdreg s26;
	s17 =	simm.s32 $0x9900;
	s18 =	simm.s32 $0xA100  }
0x11: {  	s19 =	simm.s32 $0xA900;
	s20 =	simm.s32 $0xB100;
	s21 =	simm.s32 $0xB900  }
0x12: {  	s23 =	simm.s32 $0xC900;
	s24 =	simm.s32 $0xD100;
	s25 =	simm.s32 $0xD900  }
0x13: {  	s26 =	simm.s32 $0xE100;
	s7 =	sshrl.u32 s5, $0x3;
	s8 =	sor.u32 $0x80, s5  }
0x14: {  	s5 =	sshll.u32 s5, $0x5;
	s4 =	ssub.s32 s4, s22;
	s22 =	simm.s32 $0xC100  }
0x15: {  	s7 =	sadd.s32 s15, s7;
	s9 =	sshrl.u32 s8, $0x3;
	s5 =	sadd.s32 s0, s5  }
0x16: {  	s16 =	sshll.u32 s8, $0x5;
	s4 =	smax.u32 s4, $0x1;
	[dreg:$0x3] =	wrdreg s7  }
0x17: {  	s8 =	simm.s32 $0x5100;
	s6 =	sadd.s32 s15, s9;
	[dreg:$0x5] =	wrdreg s5  }
0x18: {  	v2 =	vlaneseq.u32;
	s0 =	sadd.s32 s0, s16;
	s5 =	simm.s32 $0x3;
	s9 =	simm.s32 $0x5900  }
0x19: {  	vm0 =	vmmov $0xffff;
	v1 =	vshrl.u32 v2, $0x3;
	s15 =	simm.s32 $0x8900;
	s16 =	simm.s32 $0x9100;
	[dreg:$0x4] =	wrdreg s6  }
0x1a: {  	v0 =	vand.u32 $0x7, v2;
	v2 =	vor.u32 $0x8, v2;
	v1 =	vmul.u32 $0x8, v1;
	[dreg:$0x6] =	wrdreg s0;
	s6 =	simm.s32 $0x100;
	s0 =	simm.s32 $0x2  }
.LBB2_1:
0x1b: {  	s1 =	rddreg [dreg:$0x3]  }
0x1c: {  	[tilespmem:s2], [sflag:$0x3] =	stream.linear.gather [hbm4b:s1+s2], $0x80, $0x38;
	[tilespmem:$0x10100] =	vst v63  }
0x1d: {  	_ =	swait.ge [sflag:s5], $0x80  }
0x1e: {  	s1 =	rddreg [dreg:$0x4];
	[sflag:s5] =	ssyncset.done $0x0  }
0x1f: {  	s7 =	rddreg [dreg:$0x7];
	[sflag:s5] =	ssyncadd.s32 $0xFFFFFF80  }
0x20: {  	[tilespmem:s7], [sflag:$0x3] =	stream.linear.gather [hbm4b:s1+s2], $0x80, $0x38;
	[tilespmem:$0x10100] =	vst v63  }
0x21: {  	_ =	swait.ge [sflag:s5], $0x80  }
0x22: {  	[sflag:s5] =	ssyncset.done $0x0  }
0x23: {  	s7 =	rddreg [dreg:$0x5];
	[sflag:s5] =	ssyncadd.s32 $0xFFFFFF80  }
0x24: {  	[tilespmem:s6], [sflag:$0x3] =	stream.linear.gather [hbm4b:s7+s2], $0x8000, $0x38;
	[tilespmem:$0x10100] =	vst v63  }
0x25: {  	_ =	swait.ge [sflag:s5], $0x8000  }
0x26: {  	[sflag:s5] =	ssyncset.done $0x0  }
0x27: {  	[sflag:s5] =	ssyncadd.s32 $0xFFFF8000  }
0x28: {  	v3 =	vld [tilespmem:$0x0];
	_ =	sdelay $0x4  }
0x29: {  	v4 =	vshll.u32 v3, $0x1  }
0x2a: {  	v3 =	vand.u32 $0x7, v3;
	v4 =	vand.u32 $0xFFFFFFF0, v4  }
0x2b: {  	v3 =	vor.u32 v3, v4  }
0x2c: {  	v4 =	vperm.xlane v3, v0;
	_ =	sdelay $0x1  }
0x2d: {  	v3 =	vperm.xlane v3, v2;
	v4 =	vadd.s32 v1, v4;
	_ =	sdelay $0x1  }
0x2e: {  	v3 =	vadd.s32 v1, v3;
	_ =	sdelay $0x2  }
0x2f: {  	[hbm4b:s3+s2] =	stream.indirect_vreg.scatter [tilespmem:s6], [sflag:$0x1], $0x80, v4, vm0, $0xb8;
	[tilespmem:$0x10100] =	vst v63  }
0x30: {  	s7 =	rddreg [dreg:$0x8]  }
0x31: {  	[hbm4b:s3+s2] =	stream.indirect_vreg.scatter [tilespmem:s7], [sflag:$0x1], $0x80, v3, vm0, $0xb8;
	[tilespmem:$0x10100] =	vst v63  }
0x32: {  	v3 =	vld [tilespmem:$0x10];
	_ =	sdelay $0x4  }
0x33: {  	v49 =	vshll.u32 v3, $0x1  }
0x34: {  	v3 =	vand.u32 $0x7, v3;
	v4 =	vand.u32 $0xFFFFFFF0, v49  }
0x35: {  	v3 =	vor.u32 v3, v4  }
0x36: {  	v4 =	vperm.xlane v3, v0;
	_ =	sdelay $0x1  }
0x37: {  	v3 =	vperm.xlane v3, v2;
	v4 =	vadd.s32 v1, v4;
	_ =	sdelay $0x1  }
0x38: {  	v3 =	vadd.s32 v1, v3;
	_ =	sdelay $0x1  }
0x39: {  	s1 =	rddreg [dreg:$0x9]  }
0x3a: {  	[hbm4b:s3+s2] =	stream.indirect_vreg.scatter [tilespmem:s1], [sflag:$0x1], $0x80, v4, vm0, $0xb8;
	[tilespmem:$0x10100] =	vst v63  }
0x3b: {  	s7 =	rddreg [dreg:$0xa]  }
0x3c: {  	[hbm4b:s3+s2] =	stream.indirect_vreg.scatter [tilespmem:s7], [sflag:$0x1], $0x80, v3, vm0, $0xb8;
	[tilespmem:$0x10100] =	vst v63  }
0x3d: {  	v3 =	vld [tilespmem:$0x20];
	_ =	sdelay $0x4  }
0x3e: {  	v50 =	vshll.u32 v3, $0x1  }
0x3f: {  	v3 =	vand.u32 $0x7, v3;
	v4 =	vand.u32 $0xFFFFFFF0, v50  }
0x40: {  	v3 =	vor.u32 v3, v4  }
0x41: {  	v4 =	vperm.xlane v3, v0;
	_ =	sdelay $0x1  }
0x42: {  	v3 =	vperm.xlane v3, v2;
	v4 =	vadd.s32 v1, v4;
	_ =	sdelay $0x1  }
0x43: {  	v3 =	vadd.s32 v1, v3;
	_ =	sdelay $0x1  }
0x44: {  	s1 =	rddreg [dreg:$0xb]  }
0x45: {  	[hbm4b:s3+s2] =	stream.indirect_vreg.scatter [tilespmem:s1], [sflag:$0x1], $0x80, v4, vm0, $0xb8;
	[tilespmem:$0x10100] =	vst v63  }
0x46: {  	s7 =	rddreg [dreg:$0xc]  }
0x47: {  	[hbm4b:s3+s2] =	stream.indirect_vreg.scatter [tilespmem:s7], [sflag:$0x1], $0x80, v3, vm0, $0xb8;
	[tilespmem:$0x10100] =	vst v63  }
0x48: {  	v3 =	vld [tilespmem:$0x30];
	_ =	sdelay $0x4  }
0x49: {  	v51 =	vshll.u32 v3, $0x1  }
0x4a: {  	v3 =	vand.u32 $0x7, v3;
	v4 =	vand.u32 $0xFFFFFFF0, v51  }
0x4b: {  	v3 =	vor.u32 v3, v4  }
0x4c: {  	v4 =	vperm.xlane v3, v0;
	_ =	sdelay $0x1  }
0x4d: {  	v3 =	vperm.xlane v3, v2;
	v4 =	vadd.s32 v1, v4;
	_ =	sdelay $0x1  }
0x4e: {  	v3 =	vadd.s32 v1, v3;
	_ =	sdelay $0x1  }
0x4f: {  	s1 =	rddreg [dreg:$0xd]  }
0x50: {  	[hbm4b:s3+s2] =	stream.indirect_vreg.scatter [tilespmem:s1], [sflag:$0x1], $0x80, v4, vm0, $0xb8;
	[tilespmem:$0x10100] =	vst v63  }
0x51: {  	s7 =	rddreg [dreg:$0xe]  }
0x52: {  	[hbm4b:s3+s2] =	stream.indirect_vreg.scatter [tilespmem:s7], [sflag:$0x1], $0x80, v3, vm0, $0xb8;
	[tilespmem:$0x10100] =	vst v63  }
0x53: {  	v3 =	vld [tilespmem:$0x40];
	_ =	sdelay $0x4  }
0x54: {  	v52 =	vshll.u32 v3, $0x1  }
0x55: {  	v3 =	vand.u32 $0x7, v3;
	v4 =	vand.u32 $0xFFFFFFF0, v52  }
0x56: {  	v3 =	vor.u32 v3, v4  }
0x57: {  	v4 =	vperm.xlane v3, v0;
	_ =	sdelay $0x1  }
0x58: {  	v3 =	vperm.xlane v3, v2;
	v4 =	vadd.s32 v1, v4;
	_ =	sdelay $0x1  }
0x59: {  	v3 =	vadd.s32 v1, v3;
	_ =	sdelay $0x1  }
0x5a: {  	s7 =	rddreg [dreg:$0xf]  }
0x5b: {  	[hbm4b:s3+s2] =	stream.indirect_vreg.scatter [tilespmem:s7], [sflag:$0x1], $0x80, v4, vm0, $0xb8;
	[tilespmem:$0x10100] =	vst v63  }
0x5c: {  	s7 =	simm.s32 $0x4900  }
0x5d: {  	[hbm4b:s3+s2] =	stream.indirect_vreg.scatter [tilespmem:s7], [sflag:$0x1], $0x80, v3, vm0, $0xb8;
	[tilespmem:$0x10100] =	vst v63  }
0x5e: {  	v3 =	vld [tilespmem:$0x50];
	_ =	sdelay $0x4  }
0x5f: {  	v53 =	vshll.u32 v3, $0x1  }
0x60: {  	v3 =	vand.u32 $0x7, v3;
	v4 =	vand.u32 $0xFFFFFFF0, v53  }
0x61: {  	v3 =	vor.u32 v3, v4  }
0x62: {  	v4 =	vperm.xlane v3, v0;
	_ =	sdelay $0x1  }
0x63: {  	v3 =	vperm.xlane v3, v2;
	v4 =	vadd.s32 v1, v4;
	_ =	sdelay $0x1  }
0x64: {  	v3 =	vadd.s32 v1, v3;
	_ =	sdelay $0x2  }
0x65: {  	[hbm4b:s3+s2] =	stream.indirect_vreg.scatter [tilespmem:s8], [sflag:$0x1], $0x80, v4, vm0, $0xb8;
	[tilespmem:$0x10100] =	vst v63  }
0x66: {  	_ = 	snop  }
0x67: {  	[hbm4b:s3+s2] =	stream.indirect_vreg.scatter [tilespmem:s9], [sflag:$0x1], $0x80, v3, vm0, $0xb8;
	[tilespmem:$0x10100] =	vst v63  }
0x68: {  	v3 =	vld [tilespmem:$0x60];
	_ =	sdelay $0x4  }
0x69: {  	v54 =	vshll.u32 v3, $0x1  }
0x6a: {  	v3 =	vand.u32 $0x7, v3;
	v4 =	vand.u32 $0xFFFFFFF0, v54  }
0x6b: {  	v3 =	vor.u32 v3, v4  }
0x6c: {  	v4 =	vperm.xlane v3, v0;
	_ =	sdelay $0x1  }
0x6d: {  	v3 =	vperm.xlane v3, v2;
	v4 =	vadd.s32 v1, v4;
	_ =	sdelay $0x1  }
0x6e: {  	v3 =	vadd.s32 v1, v3;
	_ =	sdelay $0x2  }
0x6f: {  	[hbm4b:s3+s2] =	stream.indirect_vreg.scatter [tilespmem:s10], [sflag:$0x1], $0x80, v4, vm0, $0xb8;
	[tilespmem:$0x10100] =	vst v63  }
0x70: {  	_ = 	snop  }
0x71: {  	[hbm4b:s3+s2] =	stream.indirect_vreg.scatter [tilespmem:s11], [sflag:$0x1], $0x80, v3, vm0, $0xb8;
	[tilespmem:$0x10100] =	vst v63  }
0x72: {  	v3 =	vld [tilespmem:$0x70];
	_ =	sdelay $0x4  }
0x73: {  	v55 =	vshll.u32 v3, $0x1  }
0x74: {  	v3 =	vand.u32 $0x7, v3;
	v4 =	vand.u32 $0xFFFFFFF0, v55  }
0x75: {  	v3 =	vor.u32 v3, v4  }
0x76: {  	v4 =	vperm.xlane v3, v0;
	_ =	sdelay $0x1  }
0x77: {  	v3 =	vperm.xlane v3, v2;
	v4 =	vadd.s32 v1, v4;
	_ =	sdelay $0x1  }
0x78: {  	v3 =	vadd.s32 v1, v3;
	_ =	sdelay $0x2  }
0x79: {  	[hbm4b:s3+s2] =	stream.indirect_vreg.scatter [tilespmem:s12], [sflag:$0x1], $0x80, v4, vm0, $0xb8;
	[tilespmem:$0x10100] =	vst v63  }
0x7a: {  	_ = 	snop  }
0x7b: {  	[hbm4b:s3+s2] =	stream.indirect_vreg.scatter [tilespmem:s13], [sflag:$0x1], $0x80, v3, vm0, $0xb8;
	[tilespmem:$0x10100] =	vst v63  }
0x7c: {  	s7 =	rddreg [dreg:$0x6]  }
0x7d: {  	[tilespmem:s14], [sflag:$0x3] =	stream.linear.gather [hbm4b:s7+s2], $0x8000, $0x38;
	[tilespmem:$0x10100] =	vst v63  }
0x7e: {  	_ =	swait.ge [sflag:s5], $0x8000  }
0x7f: {  	[sflag:s5] =	ssyncset.done $0x0  }
0x80: {  	[sflag:s5] =	ssyncadd.s32 $0xFFFF8000  }
0x81: {  	v3 =	vld [tilespmem:$0x80];
	_ =	sdelay $0x4  }
0x82: {  	v56 =	vshll.u32 v3, $0x1  }
0x83: {  	v3 =	vand.u32 $0x7, v3;
	v4 =	vand.u32 $0xFFFFFFF0, v56  }
0x84: {  	v3 =	vor.u32 v3, v4  }
0x85: {  	v4 =	vperm.xlane v3, v0;
	_ =	sdelay $0x1  }
0x86: {  	v3 =	vperm.xlane v3, v2;
	v4 =	vadd.s32 v1, v4;
	_ =	sdelay $0x1  }
0x87: {  	v3 =	vadd.s32 v1, v3;
	_ =	sdelay $0x2  }
0x88: {  	[hbm4b:s3+s2] =	stream.indirect_vreg.scatter [tilespmem:s14], [sflag:$0x2], $0x80, v4, vm0, $0xb8;
	[tilespmem:$0x10100] =	vst v63  }
0x89: {  	_ = 	snop  }
0x8a: {  	[hbm4b:s3+s2] =	stream.indirect_vreg.scatter [tilespmem:s15], [sflag:$0x2], $0x80, v3, vm0, $0xb8;
	[tilespmem:$0x10100] =	vst v63  }
0x8b: {  	v3 =	vld [tilespmem:$0x90];
	_ =	sdelay $0x4  }
0x8c: {  	v57 =	vshll.u32 v3, $0x1  }
0x8d: {  	v3 =	vand.u32 $0x7, v3;
	v4 =	vand.u32 $0xFFFFFFF0, v57  }
0x8e: {  	v3 =	vor.u32 v3, v4  }
0x8f: {  	v4 =	vperm.xlane v3, v0;
	_ =	sdelay $0x1  }
0x90: {  	v3 =	vperm.xlane v3, v2;
	v4 =	vadd.s32 v1, v4;
	_ =	sdelay $0x1  }
0x91: {  	v3 =	vadd.s32 v1, v3;
	_ =	sdelay $0x2  }
0x92: {  	[hbm4b:s3+s2] =	stream.indirect_vreg.scatter [tilespmem:s16], [sflag:$0x2], $0x80, v4, vm0, $0xb8;
	[tilespmem:$0x10100] =	vst v63  }
0x93: {  	_ = 	snop  }
0x94: {  	[hbm4b:s3+s2] =	stream.indirect_vreg.scatter [tilespmem:s17], [sflag:$0x2], $0x80, v3, vm0, $0xb8;
	[tilespmem:$0x10100] =	vst v63  }
0x95: {  	v3 =	vld [tilespmem:$0xA0];
	_ =	sdelay $0x4  }
0x96: {  	v58 =	vshll.u32 v3, $0x1  }
0x97: {  	v3 =	vand.u32 $0x7, v3;
	v4 =	vand.u32 $0xFFFFFFF0, v58  }
0x98: {  	v3 =	vor.u32 v3, v4  }
0x99: {  	v4 =	vperm.xlane v3, v0;
	_ =	sdelay $0x1  }
0x9a: {  	v3 =	vperm.xlane v3, v2;
	v4 =	vadd.s32 v1, v4;
	_ =	sdelay $0x1  }
0x9b: {  	v3 =	vadd.s32 v1, v3;
	_ =	sdelay $0x2  }
0x9c: {  	[hbm4b:s3+s2] =	stream.indirect_vreg.scatter [tilespmem:s18], [sflag:$0x2], $0x80, v4, vm0, $0xb8;
	[tilespmem:$0x10100] =	vst v63  }
0x9d: {  	_ = 	snop  }
0x9e: {  	[hbm4b:s3+s2] =	stream.indirect_vreg.scatter [tilespmem:s19], [sflag:$0x2], $0x80, v3, vm0, $0xb8;
	[tilespmem:$0x10100] =	vst v63  }
0x9f: {  	v3 =	vld [tilespmem:$0xB0];
	_ =	sdelay $0x4  }
0xa0: {  	v59 =	vshll.u32 v3, $0x1  }
0xa1: {  	v3 =	vand.u32 $0x7, v3;
	v4 =	vand.u32 $0xFFFFFFF0, v59  }
0xa2: {  	v3 =	vor.u32 v3, v4  }
0xa3: {  	v4 =	vperm.xlane v3, v0;
	_ =	sdelay $0x1  }
0xa4: {  	v3 =	vperm.xlane v3, v2;
	v4 =	vadd.s32 v1, v4;
	_ =	sdelay $0x1  }
0xa5: {  	v3 =	vadd.s32 v1, v3;
	_ =	sdelay $0x2  }
0xa6: {  	[hbm4b:s3+s2] =	stream.indirect_vreg.scatter [tilespmem:s20], [sflag:$0x2], $0x80, v4, vm0, $0xb8;
	[tilespmem:$0x10100] =	vst v63  }
0xa7: {  	_ = 	snop  }
0xa8: {  	[hbm4b:s3+s2] =	stream.indirect_vreg.scatter [tilespmem:s21], [sflag:$0x2], $0x80, v3, vm0, $0xb8;
	[tilespmem:$0x10100] =	vst v63  }
0xa9: {  	v3 =	vld [tilespmem:$0xC0];
	_ =	sdelay $0x4  }
0xaa: {  	v60 =	vshll.u32 v3, $0x1  }
0xab: {  	v3 =	vand.u32 $0x7, v3;
	v4 =	vand.u32 $0xFFFFFFF0, v60  }
0xac: {  	v3 =	vor.u32 v3, v4  }
0xad: {  	v4 =	vperm.xlane v3, v0;
	_ =	sdelay $0x1  }
0xae: {  	v3 =	vperm.xlane v3, v2;
	v4 =	vadd.s32 v1, v4;
	_ =	sdelay $0x1  }
0xaf: {  	v3 =	vadd.s32 v1, v3;
	_ =	sdelay $0x2  }
0xb0: {  	[hbm4b:s3+s2] =	stream.indirect_vreg.scatter [tilespmem:s22], [sflag:$0x2], $0x80, v4, vm0, $0xb8;
	[tilespmem:$0x10100] =	vst v63  }
0xb1: {  	_ = 	snop  }
0xb2: {  	[hbm4b:s3+s2] =	stream.indirect_vreg.scatter [tilespmem:s23], [sflag:$0x2], $0x80, v3, vm0, $0xb8;
	[tilespmem:$0x10100] =	vst v63  }
0xb3: {  	v3 =	vld [tilespmem:$0xD0];
	_ =	sdelay $0x4  }
0xb4: {  	v61 =	vshll.u32 v3, $0x1  }
0xb5: {  	v3 =	vand.u32 $0x7, v3;
	v4 =	vand.u32 $0xFFFFFFF0, v61  }
0xb6: {  	v3 =	vor.u32 v3, v4  }
0xb7: {  	v4 =	vperm.xlane v3, v0;
	_ =	sdelay $0x1  }
0xb8: {  	v3 =	vperm.xlane v3, v2;
	v4 =	vadd.s32 v1, v4;
	_ =	sdelay $0x1  }
0xb9: {  	v3 =	vadd.s32 v1, v3;
	_ =	sdelay $0x2  }
0xba: {  	[hbm4b:s3+s2] =	stream.indirect_vreg.scatter [tilespmem:s24], [sflag:$0x2], $0x80, v4, vm0, $0xb8;
	[tilespmem:$0x10100] =	vst v63  }
0xbb: {  	_ = 	snop  }
0xbc: {  	[hbm4b:s3+s2] =	stream.indirect_vreg.scatter [tilespmem:s25], [sflag:$0x2], $0x80, v3, vm0, $0xb8;
	[tilespmem:$0x10100] =	vst v63  }
0xbd: {  	v3 =	vld [tilespmem:$0xE0];
	_ =	sdelay $0x4  }
0xbe: {  	v62 =	vshll.u32 v3, $0x1  }
0xbf: {  	v3 =	vand.u32 $0x7, v3;
	v4 =	vand.u32 $0xFFFFFFF0, v62  }
0xc0: {  	v3 =	vor.u32 v3, v4  }
0xc1: {  	v4 =	vperm.xlane v3, v0;
	_ =	sdelay $0x1  }
0xc2: {  	v3 =	vperm.xlane v3, v2;
	v4 =	vadd.s32 v1, v4;
	_ =	sdelay $0x1  }
0xc3: {  	v3 =	vadd.s32 v1, v3;
	_ =	sdelay $0x2  }
0xc4: {  	[hbm4b:s3+s2] =	stream.indirect_vreg.scatter [tilespmem:s26], [sflag:$0x2], $0x80, v4, vm0, $0xb8;
	[tilespmem:$0x10100] =	vst v63  }
0xc5: {  	_ = 	snop  }
0xc6: {  	[hbm4b:s3+s2] =	stream.indirect_vreg.scatter [tilespmem:s28], [sflag:$0x2], $0x80, v3, vm0, $0xb8;
	[tilespmem:$0x10100] =	vst v63  }
0xc7: {  	v3 =	vld [tilespmem:$0xF0];
	_ =	sdelay $0x4  }
0xc8: {  	v63 =	vshll.u32 v3, $0x1  }
0xc9: {  	v3 =	vand.u32 $0x7, v3;
	v4 =	vand.u32 $0xFFFFFFF0, v63  }
0xca: {  	v3 =	vor.u32 v3, v4  }
0xcb: {  	v4 =	vperm.xlane v3, v0;
	_ =	sdelay $0x1  }
0xcc: {  	v3 =	vperm.xlane v3, v2;
	v4 =	vadd.s32 v1, v4;
	_ =	sdelay $0x1  }
0xcd: {  	v3 =	vadd.s32 v1, v3;
	_ =	sdelay $0x2  }
0xce: {  	[hbm4b:s3+s2] =	stream.indirect_vreg.scatter [tilespmem:s29], [sflag:$0x2], $0x80, v4, vm0, $0xb8;
	[tilespmem:$0x10100] =	vst v63  }
0xcf: {  	_ = 	snop  }
0xd0: {  	[hbm4b:s3+s2] =	stream.indirect_vreg.scatter [tilespmem:s30], [sflag:$0x2], $0x80, v3, vm0, $0xb8;
	[tilespmem:$0x10100] =	vst v63  }
0xd1: {  	p0 =	sne.s32 s4, $0x1;
	_ =	swait.ge [sflag:s31], $0x8000  }
.Ltmp0:
0xd2: {  	[sflag:s31] =	ssyncset.done $0x0;
	(pc) =	sbr.rel @p0 .LBB2_1-.Ltmp0, $4  }
0xd3: {  	[sflag:s31] =	ssyncadd.s32 $0xFFFF8000  }
0xd4: {  	_ =	swait.ge [sflag:s0], $0x8000  }
0xd5: {  	[sflag:s0] =	ssyncset.done $0x0  }
0xd6: {  	s4 =	sadd.s32 $0xFFFFFFFF, s4;
	[sflag:s0] =	ssyncadd.s32 $0xFFFF8000  }
0xd7: {  	_ =	sfence.sel $0x180000  }
0xd8: {  	[bflag:$0x0] =	sbarrier.arrive $0xFFFF  }
0xd9: {  	_ =	strace $0x9000004D  }
0xda: {  	s0 =	stileid.u32;
	[bflag:$0x2] =	sbarrier.arrive $0xFFFF  }
0xdb: {  	p0 =	sne.s32 s0, $0x0;
	s0 =	rddreg [dreg:$0x2]  }
0xdc: {  	s0 =	sadd.s32 @!p0 $0x100000, s0  }
0xdd: {  	[sflag:s0] =	ssyncadd.tile.s32 @!p0 $0x1;
	_ =	shalt  }
.Lfunc_end2:
_tile_overlayer_lowered:
.L_overlay_start_2:
0xde: {  	(tag) =	ssettag $0x2  }
0xdf: {  	s0 =	rddreg [dreg:$0x0];
	s2 =	stileid.u32  }
0xe0: {  	s1 =	rddreg [dreg:$0x1];
	p0 =	sne.s32 s2, $0x0  }
0xe1: {  	s3 =	rddreg [dreg:$0x2];
	[bflag:$0x3] =	sbarrier.arrive $0xFFFF;
	s2 =	simm.s32 @!p0 $0x1C03  }
0xe2: {  	[timem:s3], [sflag:s2] =	dma.local @!p0 [hbm:s0], s1  }
0xe3: {  	s0 =	simm.s32 @!p0 $0x3  }
0xe4: {  	_ =	swait.ge @!p0 [sflag:s0], s1  }
0xe5: {  	s1 =	ssub.s32 @!p0 $0x0, s1;
	[sflag:s0] =	ssyncset.done @!p0 $0x0  }
0xe6: {  	[sflag:s0] =	ssyncadd.s32 @!p0 s1  }
0xe7: {  	[bflag:$0x3] =	sbarrier.arrive $0xFFFF  }
0xe8: {  	_ =	shalt  }

// kernel: kernel.20.cloned.1.call-start
scs
__scs_entry_jumppad:
0x0: {  	(pc) =	sbr.rel $0x88, $3  }
0x1: {  	(tag) =	ssettag $0x0;
	lr =	simm.s32 $0x1  }
0x2: {  	[smem:$0x3F98] =	sst lr;
	_ =	strace $0xD0000000  }
0x3: {  	_ = 	snop  }
0x4: {  	_ = 	snop  }
0x5: {  	_ = 	snop  }
0x6: {  	_ = 	snop  }
0x7: {  	_ = 	snop  }
__scs_overlays_trampoline_lowered:
0x8: {  	[smem:$0x3FA7] =	sst s0  }
0x9: {  	[smem:$0x3FA8] =	sst s1  }
0xa: {  	[smem:$0x3FA9] =	sst s2  }
0xb: {  	[smem:$0x3FAA] =	sst s3  }
0xc: {  	[smem:$0x3FAB] =	sst s4  }
0xd: {  	[smem:$0x3FAC] =	sst s5  }
0xe: {  	[smem:$0x3FAD] =	sst s6  }
0xf: {  	[smem:$0x3FAE] =	sst s7  }
0x10: {  	[smem:$0x3FAF] =	sst s8  }
0x11: {  	[smem:$0x3FB0] =	sst s9;
	s0 =	simm.s32 @!p0 $0x0  }
0x12: {  	s1 =	sld [smem:$0x3F96];
	s0 =	simm.s32 @p0 $0x1  }
0x13: {  	[smem:$0x3FB1] =	sst s0;
	s0 =	simm.s32 @!p1 $0x0  }
0x14: {  	s2 =	sld [smem:$0x3F95];
	s0 =	simm.s32 @p1 $0x1  }
0x15: {  	[smem:$0x3FB2] =	sst s0;
	s0 =	simm.s32 @!p2 $0x0  }
0x16: {  	s3 =	sld [smem:$0x3FDB];
	s0 =	simm.s32 @p2 $0x1  }
0x17: {  	s4 =	simm.s32 $0x1BF5;
	[smem:$0x3FB4] =	sst s0  }
0x18: {  	s0 =	sld [smem:$0x3F97];
	_ =	swait.ge [sflag:s4], $0x0  }
0x19: {  	s7 =	sld [smem:$0x3F98]  }
0x1a: {  	s8 =	sadd.s32 $0xFFFFE003, lr  }
0x1b: {  	s9 =	sadd.s32 $0xFFFFFEF7, lr;
	s5 =	simm.s32 $0xFFFFFFFF;
	p2 =	slt.u32 s8, $0xFFFFF086  }
0x1c: {  	p1 =	slt.u32 s9, $0xF7A;
	s5 =	simm.s32 @!p2 $0x0  }
0x1d: {  	s5 =	simm.s32 @p1 $0x1;
	p0 =	seq.s32 s7, s2  }
0x1e: {  	s7 =	smul.u32 @!p0 $0xF7A, s2;
	p2 =	seq.s32 @!p0 s5, $0x0  }
0x1f: {  	s9 =	smul.u32 $0xF7A, s1;
	s8 =	simm.s32 @!p0 $0x1BF5;
	p2 =	por !p2, p0  }
0x20: {  	[sflag:s8] =	ssyncset.s32 @!p0 $0xFFFFF086;
	s6 =	sadd.s32 @!p0 s3, s7;
	s7 =	simm.s32 @!p0 $0x108  }
0x21: {  	s3 =	sadd.s32 s3, s9;
	s6 =	sadd.s32 @!p0 $0x88, s6;
	s7 =	simm.s32 @p2 $0x1082  }
0x22: {  	[simem:s7], [sflag:s8] =	dma.local @!p0 [hbm:s6], $0xF7A  }
0x23: {  	s9 =	sor.u32 $0xD0000000, s2;
	s6 =	simm.s32 $0x108;
	_ =	swait.ge @!p0 [sflag:s8], $0x0  }
0x24: {  	s3 =	sadd.s32 $0x88, s3;
	s6 =	simm.s32 @!p1 $0x1082;
	[sflag:s4] =	ssyncset.s32 $0xFFFFF086  }
0x25: {  	[simem:s6], [sflag:s4] =	dma.local [hbm:s3], $0xF7A  }
0x26: {  	[smem:$0x3F98] =	sst s1;
	(tag) =	ssettag s2;
	_ =	strace s9  }
0x27: {  	s1 =	sld [smem:$0x3FA8]  }
0x28: {  	s2 =	sld [smem:$0x3FA9]  }
0x29: {  	s4 =	sld [smem:$0x3FAB]  }
0x2a: {  	p0 =	seq.s32 s5, $0x0;
	s5 =	sld [smem:$0x3FAC]  }
0x2b: {  	s6 =	sld [smem:$0x3FAD]  }
0x2c: {  	s7 =	sld [smem:$0x3FAE]  }
0x2d: {  	s3 =	simm.s32 $0x108;
	s8 =	sld [smem:$0x3FAF]  }
0x2e: {  	s3 =	simm.s32 @!p0 $0x1082;
	s9 =	sld [smem:$0x3FB0]  }
0x2f: {  	lr =	sadd.s32 s0, s3;
	s0 =	sld [smem:$0x3FA7]  }
0x30: {  	s3 =	sld [smem:$0x3FAA]  }
0x31: {  	[smem:$0x3FB3] =	sst s10  }
0x32: {  	s10 =	sld [smem:$0x3FB1];
	_ =	sdelay $0x3  }
0x33: {  	p0 =	seq.s32 s10, $0x1;
	s10 =	sld [smem:$0x3FB3];
	_ =	sdelay $0x3  }
0x34: {  	[smem:$0x3FB3] =	sst s10  }
0x35: {  	s10 =	sld [smem:$0x3FB2];
	_ =	sdelay $0x3  }
0x36: {  	p1 =	seq.s32 s10, $0x1;
	s10 =	sld [smem:$0x3FB3];
	_ =	sdelay $0x3  }
0x37: {  	[smem:$0x3FB3] =	sst s10  }
0x38: {  	s10 =	sld [smem:$0x3FB4]  }
0x39: {  	_ = 	snop;
	(pc) =	sbr.ind lr, $3  }
0x3a: {  	_ = 	snop  }
0x3b: {  	_ = 	snop  }
0x3c: {  	p2 =	seq.s32 s10, $0x1;
	s10 =	sld [smem:$0x3FB3]  }
0x3d: {  	_ =	shalt  }
0x3e: {  	_ =	shalt  }
0x3f: {  	_ =	shalt  }
0x40: {  	_ =	shalt  }
0x41: {  	_ =	shalt  }
0x42: {  	_ =	shalt  }
0x43: {  	_ =	shalt  }
0x44: {  	_ =	shalt  }
0x45: {  	_ =	shalt  }
0x46: {  	_ =	shalt  }
0x47: {  	_ =	shalt  }
0x48: {  	_ =	shalt  }
0x49: {  	_ =	shalt  }
0x4a: {  	_ =	shalt  }
0x4b: {  	_ =	shalt  }
0x4c: {  	_ =	shalt  }
0x4d: {  	_ =	shalt  }
0x4e: {  	_ =	shalt  }
0x4f: {  	_ =	shalt  }
0x50: {  	_ =	shalt  }
0x51: {  	_ =	shalt  }
0x52: {  	_ =	shalt  }
0x53: {  	_ =	shalt  }
0x54: {  	_ =	shalt  }
0x55: {  	_ =	shalt  }
0x56: {  	_ =	shalt  }
0x57: {  	_ =	shalt  }
0x58: {  	_ =	shalt  }
0x59: {  	_ =	shalt  }
0x5a: {  	_ =	shalt  }
0x5b: {  	_ =	shalt  }
0x5c: {  	_ =	shalt  }
0x5d: {  	_ =	shalt  }
0x5e: {  	_ =	shalt  }
0x5f: {  	_ =	shalt  }
0x60: {  	_ =	shalt  }
0x61: {  	_ =	shalt  }
0x62: {  	_ =	shalt  }
0x63: {  	_ =	shalt  }
0x64: {  	_ =	shalt  }
0x65: {  	_ =	shalt  }
0x66: {  	_ =	shalt  }
0x67: {  	_ =	shalt  }
0x68: {  	_ =	shalt  }
0x69: {  	_ =	shalt  }
0x6a: {  	_ =	shalt  }
0x6b: {  	_ =	shalt  }
0x6c: {  	_ =	shalt  }
0x6d: {  	_ =	shalt  }
0x6e: {  	_ =	shalt  }
0x6f: {  	_ =	shalt  }
0x70: {  	_ =	shalt  }
0x71: {  	_ =	shalt  }
0x72: {  	_ =	shalt  }
0x73: {  	_ =	shalt  }
0x74: {  	_ =	shalt  }
0x75: {  	_ =	shalt  }
0x76: {  	_ =	shalt  }
0x77: {  	_ =	shalt  }
0x78: {  	_ =	shalt  }
0x79: {  	_ =	shalt  }
0x7a: {  	_ =	shalt  }
0x7b: {  	_ =	shalt  }
0x7c: {  	_ =	shalt  }
0x7d: {  	_ =	shalt  }
0x7e: {  	_ =	shalt  }
0x7f: {  	_ =	shalt  }
0x80: {  	_ =	shalt  }
0x81: {  	_ =	shalt  }
0x82: {  	_ =	shalt  }
0x83: {  	_ =	shalt  }
0x84: {  	_ =	shalt  }
0x85: {  	_ =	shalt  }
0x86: {  	_ =	shalt  }
0x87: {  	_ =	shalt  }
.Lfunc_end0:
.L_simem_size_0:
called_computation.3_lowered:
.L_overlay_start_0:
0x88: {  	s2 =	sld [smem:$0x3FD9]  }
0x89: {  	s3 =	sld [smem:$0x3FFE];
	_ =	sdelay $0x1  }
0x8a: {  	s1 =	srdreg.scid  }
0x8b: {  	s0 =	sand.u32 $0x1, s1  }
0x8c: {  	s17 =	sshll.u32 s0, $0xA;
	s2 =	sadd.s32 s3, s2  }
0x8d: {  	s2 =	sadd.s32 s2, s17  }
0x8e: {  	[smem:$0x3FBF] =	sst s2  }
0x8f: {  	_ = 	snop  }
0x90: {  	s2 =	sld [smem:$0x3FD0];
	(tm) =	ssettm $0x1  }
0x91: {  	s18 =	sld [smem:$0x3FFB];
	_ =	sdelay $0x3  }
0x92: {  	_ =	strace s18  }
0x93: {  	s3 =	sld [smem:$0x3FFC];
	_ =	sdelay $0x3  }
0x94: {  	_ =	strace s3  }
0x95: {  	s3 =	sld [smem:$0x3FFD];
	_ =	sdelay $0x3  }
0x96: {  	_ =	strace s3  }
0x97: {  	_ =	strace $0x8FFFFFFF  }
0x98: {  	s19 =	sld [smem:$0x3FDB];
	_ =	sdelay $0x1  }
0x99: {  	s4 =	simm.s32 $_scs_section_size  }
0x9a: {  	s5 =	simm.s32 $_size__tile_overlayer_lowered;
	s6 =	simm.s32 $_tile_overlayer_lowered  }
0x9b: {  	s22 =	simm.s32 $0x1BFF;
	s21 =	sshll.u32 s6, $0x1;
	s3 =	sadd.s32 s4, s19  }
0x9c: {  	s7 =	simm.s32 $0x0;
	s20 =	sshll.u32 s5, $0x1;
	s5 =	sadd.s32 s21, s3  }
0x9d: {  	[timem:s7], [sflag:s22] =	dma.local [hbm:s5], s20  }
0x9e: {  	_ =	swait.ge [sflag:s22], s20  }
0x9f: {  	s4 =	ssub.s32 $0x0, s20;
	[sflag:s22] =	ssyncset.done $0x0  }
0xa0: {  	[sflag:s22] =	ssyncadd.s32 s4;
	_ =	sdelay $0x1  }
0xa1: {  	s23 =	simm.s32 $0x1B8B  }
0xa2: {  	_ =	swait.ge [sflag:s23], $0x1  }
0xa3: {  	[sflag:s23] =	ssyncset.done $0x0  }
0xa4: {  	s25 =	simm.s32 $0x1B8E;
	s24 =	sld [smem:$0x3FFE];
	[sflag:s23] =	ssyncadd.s32 $0xFFFFFFFF  }
0xa5: {  	s26 =	simm.s32 $execute0_lowered;
	[smem:$0x3FD2] =	sst s25  }
0xa6: {  	s5 =	sshll.u32 s26, $0x1;
	_ =	strace $0x8000004F;
	[dreg:$0x1] =	wrdreg $0xFFFFFFFF  }
0xa7: {  	s28 =	simm.s32 $_size_execute0_lowered;
	s3 =	sadd.s32 s3, s5;
	[dreg:$0x0] =	wrdreg $0x0  }
0xa8: {  	s5 =	sshll.u32 s28, $0x1;
	[dreg:$0x2] =	wrdreg s3  }
0xa9: {  	[dreg:$0x3] =	wrdreg s5  }
0xaa: {  	[dreg:$0x4] =	wrdreg $0xC0  }
0xab: {  	_ =	task [dreg:s7], $0x5FFFF  }
0xac: {  	[dreg:$0x1] =	wrdreg $0xFFFFFFFF  }
0xad: {  	[dreg:$0x0] =	wrdreg $0x60  }
0xae: {  	[dreg:$0x2] =	wrdreg s24  }
0xaf: {  	[dreg:$0x3] =	wrdreg s2  }
0xb0: {  	[dreg:$0x4] =	wrdreg $0x9  }
0xb1: {  	_ =	task.clear_ibuf [dreg:s7], $0x5FFFF;
	_ =	strace $0x9000004F  }
0xb2: {  	s29 =	simm.s32 $0x9;
	_ =	strace $0x80000051  }
0xb3: {  	_ =	swait.ge [sflag:s29], $0x1  }
0xb4: {  	[sflag:s29] =	ssyncadd.s32 $0xFFFFFFFF  }
0xb5: {  	_ =	strace $0x90000051  }
0xb6: {  	_ =	sfence  }
0xb7: {  	s30 =	sld [smem:$0x0];
	_ =	sdelay $0x2  }
0xb8: {  	s31 =	sshll.u32 s1, $0xD;
	s1 =	sshrl.u32 s1, $0x2  }
0xb9: {  	s3 =	sand.u32 $0x4000, s31;
	s1 =	sadd.s32 s1, s30  }
0xba: {  	s0 =	sor.u32 s3, s0;
	s1 =	sshll.u32 s1, $0x11  }
0xbb: {  	s0 =	sor.u32 s1, s0  }
0xbc: {  	s0 =	sadd.s32 $0x8F2B, s0  }
0xbd: {  	[sflag:s0] =	ssyncadd.remote.s32 $0x1  }
0xbe: {  	_ =	sfence.sel $0xFFFF  }
0xbf: {  	[dreg:$0x0] =	wrdreg $0xFFFFFFFF;
	(pc) =	sbr.abs _section_cstart, $3  }
0xc0: {  	[dreg:$0x1] =	wrdreg $0xFFFFFFFF  }
0xc1: {  	_ =	task.clear_ibuf [dreg:s7], $0x2FFFF;
	_ =	strace $0x9FFFFFFF  }
0xc2: {  	(tm) =	ssettm $0x7FFFFFFF  }
0xc3: {  	_ =	shalt  }
tec
execute0_lowered:
.L_overlay_start_1:
0x0: {  	(tag) =	ssettag $0x1  }
0x1: {  	s0 =	rddreg [dreg:$0x0]  }
0x2: {  	s3 =	rddreg [dreg:$0x1]  }
0x3: {  	s2 =	srdreg.scid;
	s1 =	stileid.u32;
	s17 =	simm.s32 $0x80  }
0x4: {  	s18 =	simm.s32 $0x900;
	s19 =	simm.s32 $0x1100;
	s20 =	simm.s32 $0x1900  }
0x5: {  	s21 =	simm.s32 $0x2100;
	s4 =	sand.u32 $0x1, s2;
	s2 =	simm.s32 $0x0  }
0x6: {  	s23 =	simm.s32 $0x2900;
	s24 =	simm.s32 $0x3100;
	[smem:$0x7FF] =	sst s2  }
0x7: {  	s25 =	simm.s32 $0x3900;
	_ =	strace $0x80000050;
	[dreg:$0x7] =	wrdreg s17  }
0x8: {  	s26 =	simm.s32 $0x4100;
	s10 =	simm.s32 $0x6100;
	[dreg:$0x8] =	wrdreg s18  }
0x9: {  	s11 =	simm.s32 $0x6900;
	s12 =	simm.s32 $0x7100;
	[dreg:$0x9] =	wrdreg s19  }
0xa: {  	s13 =	simm.s32 $0x7900;
	s14 =	simm.s32 $0x8100;
	[dreg:$0xa] =	wrdreg s20  }
0xb: {  	s28 =	simm.s32 $0xE900;
	s29 =	simm.s32 $0xF100;
	[dreg:$0xb] =	wrdreg s21  }
0xc: {  	s30 =	simm.s32 $0xF900;
	s31 =	simm.s32 $0x1;
	[dreg:$0xc] =	wrdreg s23  }
0xd: {  	s5 =	sshll.u32 s1, $0x9;
	s15 =	sadd.s32 $0x3E00, s0;
	[dreg:$0xd] =	wrdreg s24  }
0xe: {  	s6 =	sshll.u32 s4, $0x8;
	s4 =	ssub.s32 $0x2, s4;
	[dreg:$0xe] =	wrdreg s25  }
0xf: {  	s5 =	sor.u32 s6, s5;
	s22 =	sshrl.u32 s4, $0x1;
	[dreg:$0xf] =	wrdreg s26  }
0x10: {  	s17 =	simm.s32 $0x9900;
	s18 =	simm.s32 $0xA100;
	s19 =	simm.s32 $0xA900  }
0x11: {  	s20 =	simm.s32 $0xB100;
	s21 =	simm.s32 $0xB900;
	s23 =	simm.s32 $0xC900  }
0x12: {  	s24 =	simm.s32 $0xD100;
	s25 =	simm.s32 $0xD900;
	s26 =	simm.s32 $0xE100  }
0x13: {  	s7 =	sshrl.u32 s5, $0x3;
	s8 =	sor.u32 $0x80, s5;
	s5 =	sshll.u32 s5, $0x5  }
0x14: {  	s4 =	ssub.s32 s4, s22;
	s22 =	simm.s32 $0xC100;
	s7 =	sadd.s32 s15, s7  }
0x15: {  	s9 =	sshrl.u32 s8, $0x3;
	s5 =	sadd.s32 s3, s5;
	s16 =	sshll.u32 s8, $0x5  }
0x16: {  	s4 =	smax.u32 s4, $0x1;
	s8 =	simm.s32 $0x5100;
	[dreg:$0x3] =	wrdreg s7  }
0x17: {  	s6 =	sadd.s32 s15, s9;
	[dreg:$0x5] =	wrdreg s5;
	s3 =	sadd.s32 s3, s16  }
0x18: {  	v2 =	vlaneseq.u32;
	s5 =	simm.s32 $0x3;
	s9 =	simm.s32 $0x5900;
	[dreg:$0x4] =	wrdreg s6  }
0x19: {  	vm0 =	vmmov $0xffff;
	v1 =	vshrl.u32 v2, $0x3;
	s15 =	simm.s32 $0x8900;
	s16 =	simm.s32 $0x9100;
	[dreg:$0x6] =	wrdreg s3  }
0x1a: {  	v0 =	vand.u32 $0x7, v2;
	v2 =	vor.u32 $0x8, v2;
	v1 =	vmul.u32 $0x8, v1;
	s3 =	sadd.s32 $0x4200, s0;
	s6 =	simm.s32 $0x100;
	s0 =	simm.s32 $0x2  }
.LBB2_1:
0x1b: {  	s1 =	rddreg [dreg:$0x3]  }
0x1c: {  	[tilespmem:s2], [sflag:$0x3] =	stream.linear.gather [hbm4b:s1+s2], $0x80, $0x38;
	[tilespmem:$0x10100] =	vst v63  }
0x1d: {  	_ =	swait.ge [sflag:s5], $0x80  }
0x1e: {  	s1 =	rddreg [dreg:$0x4];
	[sflag:s5] =	ssyncset.done $0x0  }
0x1f: {  	s7 =	rddreg [dreg:$0x7];
	[sflag:s5] =	ssyncadd.s32 $0xFFFFFF80  }
0x20: {  	[tilespmem:s7], [sflag:$0x3] =	stream.linear.gather [hbm4b:s1+s2], $0x80, $0x38;
	[tilespmem:$0x10100] =	vst v63  }
0x21: {  	_ =	swait.ge [sflag:s5], $0x80  }
0x22: {  	[sflag:s5] =	ssyncset.done $0x0  }
0x23: {  	[sflag:s5] =	ssyncadd.s32 $0xFFFFFF80  }
0x24: {  	v3 =	vld [tilespmem:$0x0];
	_ =	sdelay $0x4  }
0x25: {  	v4 =	vshll.u32 v3, $0x1  }
0x26: {  	v3 =	vand.u32 $0x7, v3;
	v4 =	vand.u32 $0xFFFFFFF0, v4  }
0x27: {  	v3 =	vor.u32 v3, v4  }
0x28: {  	v4 =	vperm.xlane v3, v0;
	_ =	sdelay $0x1  }
0x29: {  	v3 =	vperm.xlane v3, v2;
	v4 =	vadd.s32 v1, v4;
	_ =	sdelay $0x1  }
0x2a: {  	v3 =	vadd.s32 v1, v3;
	_ =	sdelay $0x2  }
0x2b: {  	[tilespmem:s6], [sflag:$0x1] =	stream.indirect_vreg.gather [hbm4b:s3+s2], $0x80, v4, vm0, $0xb8;
	[tilespmem:$0x10100] =	vst v63  }
0x2c: {  	s7 =	rddreg [dreg:$0x8]  }
0x2d: {  	[tilespmem:s7], [sflag:$0x1] =	stream.indirect_vreg.gather [hbm4b:s3+s2], $0x80, v3, vm0, $0xb8;
	[tilespmem:$0x10100] =	vst v63  }
0x2e: {  	v3 =	vld [tilespmem:$0x10];
	_ =	sdelay $0x4  }
0x2f: {  	v49 =	vshll.u32 v3, $0x1  }
0x30: {  	v3 =	vand.u32 $0x7, v3;
	v4 =	vand.u32 $0xFFFFFFF0, v49  }
0x31: {  	v3 =	vor.u32 v3, v4  }
0x32: {  	v4 =	vperm.xlane v3, v0;
	_ =	sdelay $0x1  }
0x33: {  	v3 =	vperm.xlane v3, v2;
	v4 =	vadd.s32 v1, v4;
	_ =	sdelay $0x1  }
0x34: {  	v3 =	vadd.s32 v1, v3;
	_ =	sdelay $0x1  }
0x35: {  	s1 =	rddreg [dreg:$0x9]  }
0x36: {  	[tilespmem:s1], [sflag:$0x1] =	stream.indirect_vreg.gather [hbm4b:s3+s2], $0x80, v4, vm0, $0xb8;
	[tilespmem:$0x10100] =	vst v63  }
0x37: {  	s7 =	rddreg [dreg:$0xa]  }
0x38: {  	[tilespmem:s7], [sflag:$0x1] =	stream.indirect_vreg.gather [hbm4b:s3+s2], $0x80, v3, vm0, $0xb8;
	[tilespmem:$0x10100] =	vst v63  }
0x39: {  	v3 =	vld [tilespmem:$0x20];
	_ =	sdelay $0x4  }
0x3a: {  	v50 =	vshll.u32 v3, $0x1  }
0x3b: {  	v3 =	vand.u32 $0x7, v3;
	v4 =	vand.u32 $0xFFFFFFF0, v50  }
0x3c: {  	v3 =	vor.u32 v3, v4  }
0x3d: {  	v4 =	vperm.xlane v3, v0;
	_ =	sdelay $0x1  }
0x3e: {  	v3 =	vperm.xlane v3, v2;
	v4 =	vadd.s32 v1, v4;
	_ =	sdelay $0x1  }
0x3f: {  	v3 =	vadd.s32 v1, v3;
	_ =	sdelay $0x1  }
0x40: {  	s1 =	rddreg [dreg:$0xb]  }
0x41: {  	[tilespmem:s1], [sflag:$0x1] =	stream.indirect_vreg.gather [hbm4b:s3+s2], $0x80, v4, vm0, $0xb8;
	[tilespmem:$0x10100] =	vst v63  }
0x42: {  	s7 =	rddreg [dreg:$0xc]  }
0x43: {  	[tilespmem:s7], [sflag:$0x1] =	stream.indirect_vreg.gather [hbm4b:s3+s2], $0x80, v3, vm0, $0xb8;
	[tilespmem:$0x10100] =	vst v63  }
0x44: {  	v3 =	vld [tilespmem:$0x30];
	_ =	sdelay $0x4  }
0x45: {  	v51 =	vshll.u32 v3, $0x1  }
0x46: {  	v3 =	vand.u32 $0x7, v3;
	v4 =	vand.u32 $0xFFFFFFF0, v51  }
0x47: {  	v3 =	vor.u32 v3, v4  }
0x48: {  	v4 =	vperm.xlane v3, v0;
	_ =	sdelay $0x1  }
0x49: {  	v3 =	vperm.xlane v3, v2;
	v4 =	vadd.s32 v1, v4;
	_ =	sdelay $0x1  }
0x4a: {  	v3 =	vadd.s32 v1, v3;
	_ =	sdelay $0x1  }
0x4b: {  	s1 =	rddreg [dreg:$0xd]  }
0x4c: {  	[tilespmem:s1], [sflag:$0x1] =	stream.indirect_vreg.gather [hbm4b:s3+s2], $0x80, v4, vm0, $0xb8;
	[tilespmem:$0x10100] =	vst v63  }
0x4d: {  	s7 =	rddreg [dreg:$0xe]  }
0x4e: {  	[tilespmem:s7], [sflag:$0x1] =	stream.indirect_vreg.gather [hbm4b:s3+s2], $0x80, v3, vm0, $0xb8;
	[tilespmem:$0x10100] =	vst v63  }
0x4f: {  	v3 =	vld [tilespmem:$0x40];
	_ =	sdelay $0x4  }
0x50: {  	v52 =	vshll.u32 v3, $0x1  }
0x51: {  	v3 =	vand.u32 $0x7, v3;
	v4 =	vand.u32 $0xFFFFFFF0, v52  }
0x52: {  	v3 =	vor.u32 v3, v4  }
0x53: {  	v4 =	vperm.xlane v3, v0;
	_ =	sdelay $0x1  }
0x54: {  	v3 =	vperm.xlane v3, v2;
	v4 =	vadd.s32 v1, v4;
	_ =	sdelay $0x1  }
0x55: {  	v3 =	vadd.s32 v1, v3;
	_ =	sdelay $0x1  }
0x56: {  	s7 =	rddreg [dreg:$0xf]  }
0x57: {  	[tilespmem:s7], [sflag:$0x1] =	stream.indirect_vreg.gather [hbm4b:s3+s2], $0x80, v4, vm0, $0xb8;
	[tilespmem:$0x10100] =	vst v63  }
0x58: {  	s7 =	simm.s32 $0x4900  }
0x59: {  	[tilespmem:s7], [sflag:$0x1] =	stream.indirect_vreg.gather [hbm4b:s3+s2], $0x80, v3, vm0, $0xb8;
	[tilespmem:$0x10100] =	vst v63  }
0x5a: {  	v3 =	vld [tilespmem:$0x50];
	_ =	sdelay $0x4  }
0x5b: {  	v53 =	vshll.u32 v3, $0x1  }
0x5c: {  	v3 =	vand.u32 $0x7, v3;
	v4 =	vand.u32 $0xFFFFFFF0, v53  }
0x5d: {  	v3 =	vor.u32 v3, v4  }
0x5e: {  	v4 =	vperm.xlane v3, v0;
	_ =	sdelay $0x1  }
0x5f: {  	v3 =	vperm.xlane v3, v2;
	v4 =	vadd.s32 v1, v4;
	_ =	sdelay $0x1  }
0x60: {  	v3 =	vadd.s32 v1, v3;
	_ =	sdelay $0x2  }
0x61: {  	[tilespmem:s8], [sflag:$0x1] =	stream.indirect_vreg.gather [hbm4b:s3+s2], $0x80, v4, vm0, $0xb8;
	[tilespmem:$0x10100] =	vst v63  }
0x62: {  	_ = 	snop  }
0x63: {  	[tilespmem:s9], [sflag:$0x1] =	stream.indirect_vreg.gather [hbm4b:s3+s2], $0x80, v3, vm0, $0xb8;
	[tilespmem:$0x10100] =	vst v63  }
0x64: {  	v3 =	vld [tilespmem:$0x60];
	_ =	sdelay $0x4  }
0x65: {  	v54 =	vshll.u32 v3, $0x1  }
0x66: {  	v3 =	vand.u32 $0x7, v3;
	v4 =	vand.u32 $0xFFFFFFF0, v54  }
0x67: {  	v3 =	vor.u32 v3, v4  }
0x68: {  	v4 =	vperm.xlane v3, v0;
	_ =	sdelay $0x1  }
0x69: {  	v3 =	vperm.xlane v3, v2;
	v4 =	vadd.s32 v1, v4;
	_ =	sdelay $0x1  }
0x6a: {  	v3 =	vadd.s32 v1, v3;
	_ =	sdelay $0x2  }
0x6b: {  	[tilespmem:s10], [sflag:$0x1] =	stream.indirect_vreg.gather [hbm4b:s3+s2], $0x80, v4, vm0, $0xb8;
	[tilespmem:$0x10100] =	vst v63  }
0x6c: {  	_ = 	snop  }
0x6d: {  	[tilespmem:s11], [sflag:$0x1] =	stream.indirect_vreg.gather [hbm4b:s3+s2], $0x80, v3, vm0, $0xb8;
	[tilespmem:$0x10100] =	vst v63  }
0x6e: {  	v3 =	vld [tilespmem:$0x70];
	_ =	sdelay $0x4  }
0x6f: {  	v55 =	vshll.u32 v3, $0x1  }
0x70: {  	v3 =	vand.u32 $0x7, v3;
	v4 =	vand.u32 $0xFFFFFFF0, v55  }
0x71: {  	v3 =	vor.u32 v3, v4  }
0x72: {  	v4 =	vperm.xlane v3, v0;
	_ =	sdelay $0x1  }
0x73: {  	v3 =	vperm.xlane v3, v2;
	v4 =	vadd.s32 v1, v4;
	_ =	sdelay $0x1  }
0x74: {  	v3 =	vadd.s32 v1, v3;
	_ =	sdelay $0x2  }
0x75: {  	[tilespmem:s12], [sflag:$0x1] =	stream.indirect_vreg.gather [hbm4b:s3+s2], $0x80, v4, vm0, $0xb8;
	[tilespmem:$0x10100] =	vst v63  }
0x76: {  	_ = 	snop  }
0x77: {  	[tilespmem:s13], [sflag:$0x1] =	stream.indirect_vreg.gather [hbm4b:s3+s2], $0x80, v3, vm0, $0xb8;
	[tilespmem:$0x10100] =	vst v63  }
0x78: {  	v3 =	vld [tilespmem:$0x80];
	_ =	sdelay $0x4  }
0x79: {  	v56 =	vshll.u32 v3, $0x1  }
0x7a: {  	v3 =	vand.u32 $0x7, v3;
	v4 =	vand.u32 $0xFFFFFFF0, v56  }
0x7b: {  	v3 =	vor.u32 v3, v4  }
0x7c: {  	v4 =	vperm.xlane v3, v0;
	_ =	sdelay $0x1  }
0x7d: {  	v3 =	vperm.xlane v3, v2;
	v4 =	vadd.s32 v1, v4;
	_ =	sdelay $0x1  }
0x7e: {  	v3 =	vadd.s32 v1, v3;
	_ =	sdelay $0x2  }
0x7f: {  	[tilespmem:s14], [sflag:$0x2] =	stream.indirect_vreg.gather [hbm4b:s3+s2], $0x80, v4, vm0, $0xb8;
	[tilespmem:$0x10100] =	vst v63  }
0x80: {  	_ = 	snop  }
0x81: {  	[tilespmem:s15], [sflag:$0x2] =	stream.indirect_vreg.gather [hbm4b:s3+s2], $0x80, v3, vm0, $0xb8;
	[tilespmem:$0x10100] =	vst v63  }
0x82: {  	v3 =	vld [tilespmem:$0x90];
	_ =	sdelay $0x4  }
0x83: {  	v57 =	vshll.u32 v3, $0x1  }
0x84: {  	v3 =	vand.u32 $0x7, v3;
	v4 =	vand.u32 $0xFFFFFFF0, v57  }
0x85: {  	v3 =	vor.u32 v3, v4  }
0x86: {  	v4 =	vperm.xlane v3, v0;
	_ =	sdelay $0x1  }
0x87: {  	v3 =	vperm.xlane v3, v2;
	v4 =	vadd.s32 v1, v4;
	_ =	sdelay $0x1  }
0x88: {  	v3 =	vadd.s32 v1, v3;
	_ =	sdelay $0x2  }
0x89: {  	[tilespmem:s16], [sflag:$0x2] =	stream.indirect_vreg.gather [hbm4b:s3+s2], $0x80, v4, vm0, $0xb8;
	[tilespmem:$0x10100] =	vst v63  }
0x8a: {  	_ = 	snop  }
0x8b: {  	[tilespmem:s17], [sflag:$0x2] =	stream.indirect_vreg.gather [hbm4b:s3+s2], $0x80, v3, vm0, $0xb8;
	[tilespmem:$0x10100] =	vst v63  }
0x8c: {  	v3 =	vld [tilespmem:$0xA0];
	_ =	sdelay $0x4  }
0x8d: {  	v58 =	vshll.u32 v3, $0x1  }
0x8e: {  	v3 =	vand.u32 $0x7, v3;
	v4 =	vand.u32 $0xFFFFFFF0, v58  }
0x8f: {  	v3 =	vor.u32 v3, v4  }
0x90: {  	v4 =	vperm.xlane v3, v0;
	_ =	sdelay $0x1  }
0x91: {  	v3 =	vperm.xlane v3, v2;
	v4 =	vadd.s32 v1, v4;
	_ =	sdelay $0x1  }
0x92: {  	v3 =	vadd.s32 v1, v3;
	_ =	sdelay $0x2  }
0x93: {  	[tilespmem:s18], [sflag:$0x2] =	stream.indirect_vreg.gather [hbm4b:s3+s2], $0x80, v4, vm0, $0xb8;
	[tilespmem:$0x10100] =	vst v63  }
0x94: {  	_ = 	snop  }
0x95: {  	[tilespmem:s19], [sflag:$0x2] =	stream.indirect_vreg.gather [hbm4b:s3+s2], $0x80, v3, vm0, $0xb8;
	[tilespmem:$0x10100] =	vst v63  }
0x96: {  	v3 =	vld [tilespmem:$0xB0];
	_ =	sdelay $0x4  }
0x97: {  	v59 =	vshll.u32 v3, $0x1  }
0x98: {  	v3 =	vand.u32 $0x7, v3;
	v4 =	vand.u32 $0xFFFFFFF0, v59  }
0x99: {  	v3 =	vor.u32 v3, v4  }
0x9a: {  	v4 =	vperm.xlane v3, v0;
	_ =	sdelay $0x1  }
0x9b: {  	v3 =	vperm.xlane v3, v2;
	v4 =	vadd.s32 v1, v4;
	_ =	sdelay $0x1  }
0x9c: {  	v3 =	vadd.s32 v1, v3;
	_ =	sdelay $0x2  }
0x9d: {  	[tilespmem:s20], [sflag:$0x2] =	stream.indirect_vreg.gather [hbm4b:s3+s2], $0x80, v4, vm0, $0xb8;
	[tilespmem:$0x10100] =	vst v63  }
0x9e: {  	_ = 	snop  }
0x9f: {  	[tilespmem:s21], [sflag:$0x2] =	stream.indirect_vreg.gather [hbm4b:s3+s2], $0x80, v3, vm0, $0xb8;
	[tilespmem:$0x10100] =	vst v63  }
0xa0: {  	v3 =	vld [tilespmem:$0xC0];
	_ =	sdelay $0x4  }
0xa1: {  	v60 =	vshll.u32 v3, $0x1  }
0xa2: {  	v3 =	vand.u32 $0x7, v3;
	v4 =	vand.u32 $0xFFFFFFF0, v60  }
0xa3: {  	v3 =	vor.u32 v3, v4  }
0xa4: {  	v4 =	vperm.xlane v3, v0;
	_ =	sdelay $0x1  }
0xa5: {  	v3 =	vperm.xlane v3, v2;
	v4 =	vadd.s32 v1, v4;
	_ =	sdelay $0x1  }
0xa6: {  	v3 =	vadd.s32 v1, v3;
	_ =	sdelay $0x2  }
0xa7: {  	[tilespmem:s22], [sflag:$0x2] =	stream.indirect_vreg.gather [hbm4b:s3+s2], $0x80, v4, vm0, $0xb8;
	[tilespmem:$0x10100] =	vst v63  }
0xa8: {  	_ = 	snop  }
0xa9: {  	[tilespmem:s23], [sflag:$0x2] =	stream.indirect_vreg.gather [hbm4b:s3+s2], $0x80, v3, vm0, $0xb8;
	[tilespmem:$0x10100] =	vst v63  }
0xaa: {  	v3 =	vld [tilespmem:$0xD0];
	_ =	sdelay $0x4  }
0xab: {  	v61 =	vshll.u32 v3, $0x1  }
0xac: {  	v3 =	vand.u32 $0x7, v3;
	v4 =	vand.u32 $0xFFFFFFF0, v61  }
0xad: {  	v3 =	vor.u32 v3, v4  }
0xae: {  	v4 =	vperm.xlane v3, v0;
	_ =	sdelay $0x1  }
0xaf: {  	v3 =	vperm.xlane v3, v2;
	v4 =	vadd.s32 v1, v4;
	_ =	sdelay $0x1  }
0xb0: {  	v3 =	vadd.s32 v1, v3;
	_ =	sdelay $0x2  }
0xb1: {  	[tilespmem:s24], [sflag:$0x2] =	stream.indirect_vreg.gather [hbm4b:s3+s2], $0x80, v4, vm0, $0xb8;
	[tilespmem:$0x10100] =	vst v63  }
0xb2: {  	_ = 	snop  }
0xb3: {  	[tilespmem:s25], [sflag:$0x2] =	stream.indirect_vreg.gather [hbm4b:s3+s2], $0x80, v3, vm0, $0xb8;
	[tilespmem:$0x10100] =	vst v63  }
0xb4: {  	v3 =	vld [tilespmem:$0xE0];
	_ =	sdelay $0x4  }
0xb5: {  	v62 =	vshll.u32 v3, $0x1  }
0xb6: {  	v3 =	vand.u32 $0x7, v3;
	v4 =	vand.u32 $0xFFFFFFF0, v62  }
0xb7: {  	v3 =	vor.u32 v3, v4  }
0xb8: {  	v4 =	vperm.xlane v3, v0;
	_ =	sdelay $0x1  }
0xb9: {  	v3 =	vperm.xlane v3, v2;
	v4 =	vadd.s32 v1, v4;
	_ =	sdelay $0x1  }
0xba: {  	v3 =	vadd.s32 v1, v3;
	_ =	sdelay $0x2  }
0xbb: {  	[tilespmem:s26], [sflag:$0x2] =	stream.indirect_vreg.gather [hbm4b:s3+s2], $0x80, v4, vm0, $0xb8;
	[tilespmem:$0x10100] =	vst v63  }
0xbc: {  	_ = 	snop  }
0xbd: {  	[tilespmem:s28], [sflag:$0x2] =	stream.indirect_vreg.gather [hbm4b:s3+s2], $0x80, v3, vm0, $0xb8;
	[tilespmem:$0x10100] =	vst v63  }
0xbe: {  	v3 =	vld [tilespmem:$0xF0];
	_ =	sdelay $0x4  }
0xbf: {  	v63 =	vshll.u32 v3, $0x1  }
0xc0: {  	v3 =	vand.u32 $0x7, v3;
	v4 =	vand.u32 $0xFFFFFFF0, v63  }
0xc1: {  	v3 =	vor.u32 v3, v4  }
0xc2: {  	v4 =	vperm.xlane v3, v0;
	_ =	sdelay $0x1  }
0xc3: {  	v3 =	vperm.xlane v3, v2;
	v4 =	vadd.s32 v1, v4;
	_ =	sdelay $0x1  }
0xc4: {  	v3 =	vadd.s32 v1, v3;
	_ =	sdelay $0x2  }
0xc5: {  	[tilespmem:s29], [sflag:$0x2] =	stream.indirect_vreg.gather [hbm4b:s3+s2], $0x80, v4, vm0, $0xb8;
	[tilespmem:$0x10100] =	vst v63  }
0xc6: {  	_ = 	snop  }
0xc7: {  	[tilespmem:s30], [sflag:$0x2] =	stream.indirect_vreg.gather [hbm4b:s3+s2], $0x80, v3, vm0, $0xb8;
	[tilespmem:$0x10100] =	vst v63  }
0xc8: {  	_ =	swait.ge [sflag:s31], $0x8000  }
0xc9: {  	[sflag:s31] =	ssyncset.done $0x0  }
0xca: {  	s7 =	rddreg [dreg:$0x5];
	[sflag:s31] =	ssyncadd.s32 $0xFFFF8000  }
0xcb: {  	[hbm4b:s7+s2] =	stream.linear.scatter [tilespmem:s6], [sflag:$0x3], $0x8000, $0x38;
	[tilespmem:$0x10100] =	vst v63  }
0xcc: {  	_ =	swait.ge [sflag:s5], $0x8000  }
0xcd: {  	[sflag:s5] =	ssyncset.done $0x0  }
0xce: {  	[sflag:s5] =	ssyncadd.s32 $0xFFFF8000  }
0xcf: {  	_ =	swait.ge [sflag:s0], $0x8000  }
0xd0: {  	p0 =	sne.s32 s4, $0x1;
	[sflag:s0] =	ssyncset.done $0x0  }
.Ltmp0:
0xd1: {  	s7 =	rddreg [dreg:$0x6];
	[sflag:s0] =	ssyncadd.s32 $0xFFFF8000;
	(pc) =	sbr.rel @p0 .LBB2_1-.Ltmp0, $4  }
0xd2: {  	[hbm4b:s7+s2] =	stream.linear.scatter [tilespmem:s14], [sflag:$0x3], $0x8000, $0x38;
	[tilespmem:$0x10100] =	vst v63  }
0xd3: {  	_ =	swait.ge [sflag:s5], $0x8000  }
0xd4: {  	[sflag:s5] =	ssyncset.done $0x0  }
0xd5: {  	s4 =	sadd.s32 $0xFFFFFFFF, s4;
	[sflag:s5] =	ssyncadd.s32 $0xFFFF8000  }
0xd6: {  	_ =	sfence.sel $0x180000  }
0xd7: {  	[bflag:$0x0] =	sbarrier.arrive $0xFFFF  }
0xd8: {  	_ =	strace $0x90000050  }
0xd9: {  	s0 =	stileid.u32;
	[bflag:$0x2] =	sbarrier.arrive $0xFFFF  }
0xda: {  	p0 =	sne.s32 s0, $0x0;
	s0 =	rddreg [dreg:$0x2]  }
0xdb: {  	s0 =	sadd.s32 @!p0 $0x100000, s0  }
0xdc: {  	[sflag:s0] =	ssyncadd.tile.s32 @!p0 $0x1;
	_ =	shalt  }
.Lfunc_end2:
_tile_overlayer_lowered:
.L_overlay_start_2:
0xdd: {  	(tag) =	ssettag $0x2  }
0xde: {  	s0 =	rddreg [dreg:$0x0];
	s2 =	stileid.u32  }
0xdf: {  	s1 =	rddreg [dreg:$0x1];
	p0 =	sne.s32 s2, $0x0  }
0xe0: {  	s3 =	rddreg [dreg:$0x2];
	[bflag:$0x3] =	sbarrier.arrive $0xFFFF;
	s2 =	simm.s32 @!p0 $0x1C03  }
0xe1: {  	[timem:s3], [sflag:s2] =	dma.local @!p0 [hbm:s0], s1  }
0xe2: {  	s0 =	simm.s32 @!p0 $0x3  }
0xe3: {  	_ =	swait.ge @!p0 [sflag:s0], s1  }
0xe4: {  	s1 =	ssub.s32 @!p0 $0x0, s1;
	[sflag:s0] =	ssyncset.done @!p0 $0x0  }
0xe5: {  	[sflag:s0] =	ssyncadd.s32 @!p0 s1  }
0xe6: {  	[bflag:$0x3] =	sbarrier.arrive $0xFFFF  }
0xe7: {  	_ =	shalt  }

</sc_bundles>
